<compile_context>
chip_gen: v7x
topology: tpu7x:2x2x1
jax: 0.10.2.dev20260603
libtpu: 0.0.44.dev20260713+nightly
codegen_flags: <defaults>
</compile_context>

<pallas_src>
import functools

import jax
import jax.numpy as jnp
from jax import lax
from jax.experimental import pallas as pl
from jax.experimental.pallas import tpu as pltpu
from jax.experimental.pallas import tpu_sc as plsc

_L = 16
_P = 1024
_NB = 2
_BPC = _NB // 2
_WPB = 16 // _BPC
_QW = _P // _WPB
_QCW = _QW // _L
_KC = _P // _L

_GATHER_DN = lax.GatherDimensionNumbers(
    offset_dims=(), collapsed_slice_dims=(0,), start_index_map=(0,)
)


def _take(vec, idx):
    return lax.gather(
        vec,
        idx[:, None],
        _GATHER_DN,
        slice_sizes=(1,),
        mode=lax.GatherScatterMode.PROMISE_IN_BOUNDS,
    )




def _sc_body(v_hbm, vp_hbm, m_hbm, pdw_hbm, out_hbm,
             q_raw, k_raw, m_raw, pdw_raw,
             qx, qy, qz, kx, ky, kz,
             kmin_ref, partner_ref, out_v, shared, *, inv_bp, inv_bpd):
    c = lax.axis_index("c")
    s = lax.axis_index("s")
    bl = s // _WPB
    b = _BPC * c + bl
    part = s % _WPB
    w = c * 16 + s
    lane = jnp.arange(_L, dtype=jnp.int32)

    q_off = b * 3 * _P + part * 3 * _QW
    pltpu.sync_copy(v_hbm.at[pl.ds(b * 3 * _P, 3 * _P)], k_raw)
    pltpu.sync_copy(vp_hbm.at[pl.ds(q_off, 3 * _QW)], q_raw)
    pltpu.sync_copy(m_hbm.at[pl.ds(b * _P, _P)], m_raw)
    pltpu.sync_copy(pdw_hbm.at[pl.ds(q_off, 3 * _QW)], pdw_raw)

    lane3 = lane * 3

    def plan_q(i, _):
        base = i * (_L * 3) + lane3
        qx[pl.ds(i * _L, _L)] = plsc.load_gather(q_raw, [base])
        qy[pl.ds(i * _L, _L)] = plsc.load_gather(q_raw, [base + 1])
        qz[pl.ds(i * _L, _L)] = plsc.load_gather(q_raw, [base + 2])
        return 0

    lax.fori_loop(0, _QCW, plan_q, 0)

    def plan_k(i, _):
        base = i * (_L * 3) + lane3
        kx[pl.ds(i * _L, _L)] = plsc.load_gather(k_raw, [base])
        ky[pl.ds(i * _L, _L)] = plsc.load_gather(k_raw, [base + 1])
        kz[pl.ds(i * _L, _L)] = plsc.load_gather(k_raw, [base + 2])
        return 0

    lax.fori_loop(0, _KC, plan_k, 0)

    def pdw_loop(i, acc):
        x = pdw_raw[pl.ds(i * _L, _L)]
        return acc + x * x

    pdw_acc = lax.fori_loop(
        0, 3 * _QW // _L, pdw_loop, jnp.zeros((_L,), jnp.float32)
    )

    big = jnp.full((_L,), 3.0e38, jnp.float32)
    idxf = [(lane + r) & (_L - 1) for r in range(_L)]
    idxb = [(lane - r) & (_L - 1) for r in range(_L)]

    def kc_loop(kc, qmins):
        kxc = kx[pl.ds(kc * _L, _L)]
        kyc = ky[pl.ds(kc * _L, _L)]
        kzc = kz[pl.ds(kc * _L, _L)]
        qm = list(qmins)
        kminv = big
        for r in range(_L):
            kxr = _take(kxc, idxf[r])
            kyr = _take(kyc, idxf[r])
            kzr = _take(kzc, idxf[r])
            for qc in range(_QCW):
                qxv = qx[pl.ds(qc * _L, _L)]
                qyv = qy[pl.ds(qc * _L, _L)]
                qzv = qz[pl.ds(qc * _L, _L)]
                dx = qxv - kxr
                dy = qyv - kyr
                dz = qzv - kzr
                d = dx * dx + dy * dy + dz * dz
                qm[qc] = jnp.minimum(qm[qc], d)
                kminv = jnp.minimum(kminv, _take(d, idxb[r]))
        kmin_ref[pl.ds(kc * _L, _L)] = kminv
        return tuple(qm)

    qmins = lax.fori_loop(0, _KC, kc_loop, (big,) * _QCW)

    qsum = jnp.zeros((_L,), jnp.float32)
    for qc in range(_QCW):
        qsum = qsum + qmins[qc]

    pltpu.sync_copy(kmin_ref, shared.at[s])
    plsc.subcore_barrier()
    partial = qsum * inv_bp + pdw_acc * inv_bpd

    for t in range(1, _WPB):
        pltpu.sync_copy(shared.at[bl * _WPB + t], partner_ref)

        def merge_loop(j, _):
            kmin_ref[pl.ds(j * _L, _L)] = jnp.minimum(
                kmin_ref[pl.ds(j * _L, _L)], partner_ref[pl.ds(j * _L, _L)]
            )
            return 0

        lax.fori_loop(0, _KC, merge_loop, 0)

    def mask_loop(j, acc):
        mrow = m_raw[pl.ds(j * _L, _L)]
        return acc + kmin_ref[pl.ds(j * _L, _L)] * mrow

    masked = lax.fori_loop(0, _KC, mask_loop, jnp.zeros((_L,), jnp.float32))
    partial = jnp.where(part == 0, partial + masked * inv_bp, partial)

    out_v[...] = partial
    pltpu.sync_copy(out_v, out_hbm.at[pl.ds(w * _L, _L)])


def _make_sc_fn(inv_bp, inv_bpd):
    mesh = plsc.VectorSubcoreMesh(core_axis_name="c", subcore_axis_name="s")
    body = functools.partial(_sc_body, inv_bp=inv_bp, inv_bpd=inv_bpd)
    return pl.kernel(
        body,
        mesh=mesh,
        compiler_params=pltpu.CompilerParams(needs_layout_passes=False),
        out_type=jax.ShapeDtypeStruct((32 * _L,), jnp.float32),
        scratch_types=[
            pltpu.VMEM((3 * _QW,), jnp.float32),
            pltpu.VMEM((3 * _P,), jnp.float32),
            pltpu.VMEM((_P,), jnp.float32),
            pltpu.VMEM((3 * _QW,), jnp.float32),
            pltpu.VMEM((_QW,), jnp.float32),
            pltpu.VMEM((_QW,), jnp.float32),
            pltpu.VMEM((_QW,), jnp.float32),
            pltpu.VMEM((_P,), jnp.float32),
            pltpu.VMEM((_P,), jnp.float32),
            pltpu.VMEM((_P,), jnp.float32),
            pltpu.VMEM((_P,), jnp.float32),
            pltpu.VMEM((_P,), jnp.float32),
            pltpu.VMEM((_L,), jnp.float32),
            pltpu.VMEM_SHARED((16, _P), jnp.float32),
        ],
    )




def _tc_kernel(q_ref, k_ref, m_ref, pdw_ref, out_ref, *, inv_bp, inv_bpd):
    b = pl.program_id(0)
    q = q_ref[0]
    k = k_ref[0]
    ones31 = jnp.ones((3, 1), jnp.float32)
    qq = jnp.dot(q * q, ones31, preferred_element_type=jnp.float32)
    k3 = k.T
    kk_row = jnp.sum(k3 * k3, axis=0, keepdims=True)
    a_aug = jnp.concatenate(
        [q * -2.0, qq, jnp.ones((1024, 1), jnp.float32)], axis=1
    )
    b_aug = jnp.concatenate(
        [k3, jnp.ones((1, 1024), jnp.float32), kk_row], axis=0
    )
    d = jnp.dot(a_aug, b_aug, preferred_element_type=jnp.float32)
    cham_x = jnp.min(d, axis=1)
    cham_y = jnp.min(d, axis=0)
    m = m_ref[0, 0, 0].reshape(1, 1024)
    pdw = pdw_ref[0]
    cham_y_masked = jnp.sum(cham_y.reshape(1, 1024) * m)
    part = (jnp.sum(cham_x) + cham_y_masked) * inv_bp
    part = part + jnp.sum(pdw * pdw) * inv_bpd

    @pl.when(b == 0)
    def _():
        out_ref[...] = jnp.zeros_like(out_ref)

    out_ref[...] += part[None, None]


def kernel(v, v_pred, mask, pred_dw):
    B, P, D = v.shape
    mb, mn, mc, mh, mw = mask.shape
    inv_bp = 1.0 / (B * P)
    inv_bpd = 1.0 / (B * P * D)

    sc_fn = _make_sc_fn(inv_bp, inv_bpd)
    sc_out = sc_fn(
        v.reshape(-1), v_pred.reshape(-1), mask.reshape(-1), pred_dw.reshape(-1)
    )

    kern = functools.partial(_tc_kernel, inv_bp=inv_bp, inv_bpd=inv_bpd)
    tc_out = pl.pallas_call(
        kern,
        grid=(B - _NB,),
        in_specs=[
            pl.BlockSpec((1, P, D), lambda b: (b + _NB, 0, 0)),
            pl.BlockSpec((1, P, D), lambda b: (b + _NB, 0, 0)),
            pl.BlockSpec(
                (1, 1, mc, mh, mw),
                lambda b: ((b + _NB) // mn, (b + _NB) % mn, 0, 0, 0),
            ),
            pl.BlockSpec((1, P, D), lambda b: (b + _NB, 0, 0)),
        ],
        out_specs=pl.BlockSpec((1, 1), lambda b: (0, 0)),
        out_shape=jax.ShapeDtypeStruct((1, 1), jnp.float32),
    )(v_pred, v, mask, pred_dw)

    return tc_out[0, 0] + jnp.sum(sc_out)

# --- scband reference (transcript-rebuilt; emitter-appended) ---
"""Pipeline reference for scband-cchloss-39951785787527 (READ-ONLY COPY).

The authoritative reference and input builder live on the scoring server;
editing this copy changes nothing except your own understanding.
"""

import jax, jax.numpy as jnp
import numpy as np


def setup_inputs(seed: int = 0) -> dict:
    key = jax.random.key(seed)
    k1, k2, k3, k4 = jax.random.split(key, 4)
    v = jax.random.normal(k1, (16, 1024, 3), dtype=jnp.float32)
    v_pred = jax.random.normal(k2, (16, 1024, 3), dtype=jnp.float32)
    mask = jax.random.uniform(k3, (4, 4, 1, 32, 32), dtype=jnp.float32)
    pred_dw = jax.random.normal(k4, (16, 1024, 3), dtype=jnp.float32)
    return {"v": v, "v_pred": v_pred, "mask": mask, "pred_dw": pred_dw}


def _pairwise_sqdist(x, y):
    # x: [B, P1, 3], y: [B, P2, 3] -> [B, P1, P2] squared euclidean distances
    xx = jnp.sum(x * x, axis=-1)[:, :, None]
    yy = jnp.sum(y * y, axis=-1)[:, None, :]
    xy = jnp.einsum('bid,bjd->bij', x, y)
    return xx + yy - 2.0 * xy


def reference(v, v_pred, mask, pred_dw):
    # chamfer_distance(v_pred, v, batch_reduction=None, point_reduction=None)
    d = _pairwise_sqdist(v_pred, v)            # [B, P_pred, P_v]
    cham_x = jnp.min(d, axis=2)                # per v_pred point: nearest v (loss[0])
    cham_y = jnp.min(d, axis=1)                # per v point: nearest v_pred (loss[1])
    loss_v_to_v_pred = cham_x
    loss_v_pred_to_v = cham_y
    # rearrange(mask, 'b n c h w -> (b n) (c h w)')
    b, n, c, h, w = mask.shape
    mask_flat = mask.reshape(b * n, c * h * w)
    masked_loss_v_pred_to_v = (loss_v_pred_to_v * mask_flat).mean()
    loss_w = jnp.mean(pred_dw ** 2)
    loss = masked_loss_v_pred_to_v + loss_v_to_v_pred.mean() + loss_w
    # original returns (loss, loss_normals) with loss_normals=None (no normals given);
    # we return the scalar loss.
    return loss

if __name__ == "__main__":
    import jax
    _d = setup_inputs()
    print(jax.jit(kernel)(*tuple(_d.values())))

</pallas_src>

<mosaic_0001>
#map = affine_map<(d0, d1) -> (0)>
module attributes {stable_mosaic.version = 14 : i64} {
  func.func @_sc_body(%arg0: i32, %arg1: i32, %arg2: memref<49152xf32, #tpu.memory_space<hbm>>, %arg3: memref<49152xf32, #tpu.memory_space<hbm>>, %arg4: memref<16384xf32, #tpu.memory_space<hbm>>, %arg5: memref<49152xf32, #tpu.memory_space<hbm>>, %arg6: memref<512xf32, #tpu.memory_space<hbm>>, %arg7: memref<192xf32, #tpu.memory_space<vmem>>, %arg8: memref<3072xf32, #tpu.memory_space<vmem>>, %arg9: memref<1024xf32, #tpu.memory_space<vmem>>, %arg10: memref<192xf32, #tpu.memory_space<vmem>>, %arg11: memref<64xf32, #tpu.memory_space<vmem>>, %arg12: memref<64xf32, #tpu.memory_space<vmem>>, %arg13: memref<64xf32, #tpu.memory_space<vmem>>, %arg14: memref<1024xf32, #tpu.memory_space<vmem>>, %arg15: memref<1024xf32, #tpu.memory_space<vmem>>, %arg16: memref<1024xf32, #tpu.memory_space<vmem>>, %arg17: memref<1024xf32, #tpu.memory_space<vmem>>, %arg18: memref<1024xf32, #tpu.memory_space<vmem>>, %arg19: memref<16xf32, #tpu.memory_space<vmem>>, %arg20: memref<16x1024xf32, #tpu.memory_space<vmem_shared>>) attributes {dimension_semantics = [#tpu.dimension_semantics<core_parallel>, #tpu.dimension_semantics<subcore_parallel>], iteration_bounds = array<i64: 2, 16>, scalar_prefetch = 0 : i64, scratch_operands = 14 : i64, tpu.core_type = #tpu.core_type<sc_vector_subcore>, window_params = [{transform_indices = #map}, {transform_indices = #map}, {transform_indices = #map}, {transform_indices = #map}, {transform_indices = #map}]} {
    %jit3A = arith.constant 16 : i32
    %div3A = arith.divsi %arg1, %jit3A : i32
    %sign3A = arith.constant 0 : i32
    %sign3A_0 = arith.cmpi sgt, %arg1, %sign3A : i32
    %sign3A_1 = arith.extui %sign3A_0 : i1 to i32
    %sign3A_2 = arith.constant 0 : i32
    %sign3A_3 = arith.cmpi slt, %arg1, %sign3A_2 : i32
    %sign3A_4 = arith.extui %sign3A_3 : i1 to i32
    %sign3A_5 = arith.subi %sign3A_1, %sign3A_4 : i32
    %sign3A_6 = arith.constant 0 : i32
    %sign3A_7 = arith.cmpi sgt, %jit3A, %sign3A_6 : i32
    %sign3A_8 = arith.extui %sign3A_7 : i1 to i32
    %sign3A_9 = arith.constant 0 : i32
    %sign3A_10 = arith.cmpi slt, %jit3A, %sign3A_9 : i32
    %sign3A_11 = arith.extui %sign3A_10 : i1 to i32
    %sign3A_12 = arith.subi %sign3A_8, %sign3A_11 : i32
    %ne3A = arith.cmpi ne, %sign3A_5, %sign3A_12 : i32
    %rem3A = arith.remsi %arg1, %jit3A : i32
    %ne3A_13 = arith.constant 0 : i32
    %ne3A_14 = arith.cmpi ne, %rem3A, %ne3A_13 : i32
    %and3A = arith.andi %ne3A, %ne3A_14 : i1
    %sub3A = arith.constant 1 : i32
    %sub3A_15 = arith.subi %div3A, %sub3A : i32
    %select_n3A = arith.select %and3A, %sub3A_15, %div3A : i32
    %mul3A = arith.constant 1 : i32
    %mul3A_16 = arith.muli %mul3A, %arg0 : i32
    %add3A = arith.addi %mul3A_16, %select_n3A : i32
    %jit3A_17 = arith.constant 16 : i32
    %eq3A = arith.constant 0 : i32
    %eq3A_18 = arith.cmpi eq, %jit3A_17, %eq3A : i32
    %jit3A_19 = arith.constant 1 : i32
    %select_n3A_20 = arith.select %eq3A_18, %jit3A_19, %jit3A_17 : i32
    %rem3A_21 = arith.remsi %arg1, %select_n3A_20 : i32
    %ne3A_22 = arith.constant 0 : i32
    %ne3A_23 = arith.cmpi ne, %rem3A_21, %ne3A_22 : i32
    %lt3A = arith.constant 0 : i32
    %lt3A_24 = arith.cmpi slt, %rem3A_21, %lt3A : i32
    %lt3A_25 = arith.constant 0 : i32
    %lt3A_26 = arith.cmpi slt, %select_n3A_20, %lt3A_25 : i32
    %ne3A_27 = arith.xori %lt3A_24, %lt3A_26 : i1
    %and3A_28 = arith.andi %ne3A_27, %ne3A_23 : i1
    %add3A_29 = arith.addi %rem3A_21, %select_n3A_20 : i32
    %select_n3A_30 = arith.select %and3A_28, %add3A_29, %rem3A_21 : i32
    %mul3A_31 = arith.constant 16 : i32
    %mul3A_32 = arith.muli %arg0, %mul3A_31 : i32
    %add3A_33 = arith.addi %mul3A_32, %arg1 : i32
    %iota3A = tpu.iota {dimensions = array<i32: 0>} : vector<16xi32>
    %mul3A_34 = arith.constant 3 : i32
    %mul3A_35 = arith.muli %add3A, %mul3A_34 : i32
    %mul3A_36 = arith.constant 1024 : i32
    %mul3A_37 = arith.muli %mul3A_35, %mul3A_36 : i32
    %mul3A_38 = arith.constant 3 : i32
    %mul3A_39 = arith.muli %select_n3A_30, %mul3A_38 : i32
    %mul3A_40 = arith.constant 64 : i32
    %mul3A_41 = arith.muli %mul3A_39, %mul3A_40 : i32
    %add3A_42 = arith.addi %mul3A_37, %mul3A_41 : i32
    %mul3A_43 = arith.constant 3 : i32
    %mul3A_44 = arith.muli %add3A, %mul3A_43 : i32
    %mul3A_45 = arith.constant 1024 : i32
    %mul3A_46 = arith.muli %mul3A_44, %mul3A_45 : i32
    "tpu.region"() ({
      %run_scoped3A = tpu.sem_alloc : memref<!tpu.dma_semaphore, #tpu.memory_space<semaphore_mem>>
      %dma_start3A = tpu.memref_slice %arg2[%mul3A_46] : memref<49152xf32, #tpu.memory_space<hbm>> -> memref<3072xf32, #tpu.memory_space<hbm>>
      %dma_start3A_468 = tpu.memref_slice %arg2[%mul3A_46] : memref<49152xf32, #tpu.memory_space<hbm>> -> memref<3072xf32, #tpu.memory_space<hbm>>
      tpu.enqueue_dma source(%dma_start3A_468 : memref<3072xf32, #tpu.memory_space<hbm>>) target(%arg8 : memref<3072xf32, #tpu.memory_space<vmem>>) target_semaphore(%run_scoped3A : memref<!tpu.dma_semaphore, #tpu.memory_space<semaphore_mem>>)
      %dma_wait3A = tpu.memref_slice %arg2[%mul3A_46] : memref<49152xf32, #tpu.memory_space<hbm>> -> memref<3072xf32, #tpu.memory_space<hbm>>
      %dma_wait3A_469 = tpu.memref_slice %arg2[%mul3A_46] : memref<49152xf32, #tpu.memory_space<hbm>> -> memref<3072xf32, #tpu.memory_space<hbm>>
      tpu.wait_dma2 semaphore(%run_scoped3A : memref<!tpu.dma_semaphore, #tpu.memory_space<semaphore_mem>>) src(%dma_wait3A_469 : memref<3072xf32, #tpu.memory_space<hbm>>) dst(%arg8 : memref<3072xf32, #tpu.memory_space<vmem>>)
      tpu.yield
    }) : () -> ()
    "tpu.region"() ({
      %run_scoped3A = tpu.sem_alloc : memref<!tpu.dma_semaphore, #tpu.memory_space<semaphore_mem>>
      %dma_start3A = tpu.memref_slice %arg3[%add3A_42] : memref<49152xf32, #tpu.memory_space<hbm>> -> memref<192xf32, #tpu.memory_space<hbm>>
      %dma_start3A_468 = tpu.memref_slice %arg3[%add3A_42] : memref<49152xf32, #tpu.memory_space<hbm>> -> memref<192xf32, #tpu.memory_space<hbm>>
      tpu.enqueue_dma source(%dma_start3A_468 : memref<192xf32, #tpu.memory_space<hbm>>) target(%arg7 : memref<192xf32, #tpu.memory_space<vmem>>) target_semaphore(%run_scoped3A : memref<!tpu.dma_semaphore, #tpu.memory_space<semaphore_mem>>)
      %dma_wait3A = tpu.memref_slice %arg3[%add3A_42] : memref<49152xf32, #tpu.memory_space<hbm>> -> memref<192xf32, #tpu.memory_space<hbm>>
      %dma_wait3A_469 = tpu.memref_slice %arg3[%add3A_42] : memref<49152xf32, #tpu.memory_space<hbm>> -> memref<192xf32, #tpu.memory_space<hbm>>
      tpu.wait_dma2 semaphore(%run_scoped3A : memref<!tpu.dma_semaphore, #tpu.memory_space<semaphore_mem>>) src(%dma_wait3A_469 : memref<192xf32, #tpu.memory_space<hbm>>) dst(%arg7 : memref<192xf32, #tpu.memory_space<vmem>>)
      tpu.yield
    }) : () -> ()
    %mul3A_47 = arith.constant 1024 : i32
    %mul3A_48 = arith.muli %add3A, %mul3A_47 : i32
    "tpu.region"() ({
      %run_scoped3A = tpu.sem_alloc : memref<!tpu.dma_semaphore, #tpu.memory_space<semaphore_mem>>
      %dma_start3A = tpu.memref_slice %arg4[%mul3A_48] : memref<16384xf32, #tpu.memory_space<hbm>> -> memref<1024xf32, #tpu.memory_space<hbm>>
      %dma_start3A_468 = tpu.memref_slice %arg4[%mul3A_48] : memref<16384xf32, #tpu.memory_space<hbm>> -> memref<1024xf32, #tpu.memory_space<hbm>>
      tpu.enqueue_dma source(%dma_start3A_468 : memref<1024xf32, #tpu.memory_space<hbm>>) target(%arg9 : memref<1024xf32, #tpu.memory_space<vmem>>) target_semaphore(%run_scoped3A : memref<!tpu.dma_semaphore, #tpu.memory_space<semaphore_mem>>)
      %dma_wait3A = tpu.memref_slice %arg4[%mul3A_48] : memref<16384xf32, #tpu.memory_space<hbm>> -> memref<1024xf32, #tpu.memory_space<hbm>>
      %dma_wait3A_469 = tpu.memref_slice %arg4[%mul3A_48] : memref<16384xf32, #tpu.memory_space<hbm>> -> memref<1024xf32, #tpu.memory_space<hbm>>
      tpu.wait_dma2 semaphore(%run_scoped3A : memref<!tpu.dma_semaphore, #tpu.memory_space<semaphore_mem>>) src(%dma_wait3A_469 : memref<1024xf32, #tpu.memory_space<hbm>>) dst(%arg9 : memref<1024xf32, #tpu.memory_space<vmem>>)
      tpu.yield
    }) : () -> ()
    "tpu.region"() ({
      %run_scoped3A = tpu.sem_alloc : memref<!tpu.dma_semaphore, #tpu.memory_space<semaphore_mem>>
      %dma_start3A = tpu.memref_slice %arg5[%add3A_42] : memref<49152xf32, #tpu.memory_space<hbm>> -> memref<192xf32, #tpu.memory_space<hbm>>
      %dma_start3A_468 = tpu.memref_slice %arg5[%add3A_42] : memref<49152xf32, #tpu.memory_space<hbm>> -> memref<192xf32, #tpu.memory_space<hbm>>
      tpu.enqueue_dma source(%dma_start3A_468 : memref<192xf32, #tpu.memory_space<hbm>>) target(%arg10 : memref<192xf32, #tpu.memory_space<vmem>>) target_semaphore(%run_scoped3A : memref<!tpu.dma_semaphore, #tpu.memory_space<semaphore_mem>>)
      %dma_wait3A = tpu.memref_slice %arg5[%add3A_42] : memref<49152xf32, #tpu.memory_space<hbm>> -> memref<192xf32, #tpu.memory_space<hbm>>
      %dma_wait3A_469 = tpu.memref_slice %arg5[%add3A_42] : memref<49152xf32, #tpu.memory_space<hbm>> -> memref<192xf32, #tpu.memory_space<hbm>>
      tpu.wait_dma2 semaphore(%run_scoped3A : memref<!tpu.dma_semaphore, #tpu.memory_space<semaphore_mem>>) src(%dma_wait3A_469 : memref<192xf32, #tpu.memory_space<hbm>>) dst(%arg10 : memref<192xf32, #tpu.memory_space<vmem>>)
      tpu.yield
    }) : () -> ()
    %mul3A_49 = arith.constant 3 : i32
    %mul3A_50 = vector.broadcast %mul3A_49 : i32 to vector<16xi32>
    %mul3A_51 = arith.muli %iota3A, %mul3A_50 : vector<16xi32>
    %scan3A = arith.constant 0 : i32
    %scan3A_52 = arith.constant 0 : i32
    %scan3A_53 = arith.constant 4 : i32
    %scan3A_54 = arith.addi %scan3A_52, %scan3A_53 : i32
    %scan3A_55 = arith.constant 1 : i32
    %scan3A_56 = scf.for %scan3A_468 = %scan3A_52 to %scan3A_54 step %scan3A_55 iter_args(%scan3A_469 = %scan3A) -> (i32)  : i32 {
      %mul3A_470 = arith.constant 48 : i32
      %mul3A_471 = arith.muli %scan3A_468, %mul3A_470 : i32
      %add3A_472 = vector.broadcast %mul3A_471 : i32 to vector<16xi32>
      %add3A_473 = arith.addi %add3A_472, %mul3A_51 : vector<16xi32>
      %gather3A = tpu.vector_load_idx %arg7[%add3A_473] : memref<192xf32, #tpu.memory_space<vmem>>[vector<16xi32>], vector<16xf32>,
      %mul3A_474 = arith.constant 16 : i32
      %mul3A_475 = arith.muli %scan3A_468, %mul3A_474 : i32
      %swap3A_476 = arith.index_cast %mul3A_475 : i32 to index
      %swap3A_477 = tpu.vector_load %arg11[%swap3A_476] {strides = array<i32>} : memref<64xf32, #tpu.memory_space<vmem>>, vector<16xf32>,
      tpu.vector_store %arg11[%swap3A_476], %gather3A {strides = array<i32>} : memref<64xf32, #tpu.memory_space<vmem>>, vector<16xf32>,
      %add3A_478 = arith.constant 1 : i32
      %add3A_479 = vector.broadcast %add3A_478 : i32 to vector<16xi32>
      %add3A_480 = arith.addi %add3A_473, %add3A_479 : vector<16xi32>
      %gather3A_481 = tpu.vector_load_idx %arg7[%add3A_480] : memref<192xf32, #tpu.memory_space<vmem>>[vector<16xi32>], vector<16xf32>,
      %mul3A_482 = arith.constant 16 : i32
      %mul3A_483 = arith.muli %scan3A_468, %mul3A_482 : i32
      %swap3A_484 = arith.index_cast %mul3A_483 : i32 to index
      %swap3A_485 = tpu.vector_load %arg12[%swap3A_484] {strides = array<i32>} : memref<64xf32, #tpu.memory_space<vmem>>, vector<16xf32>,
      tpu.vector_store %arg12[%swap3A_484], %gather3A_481 {strides = array<i32>} : memref<64xf32, #tpu.memory_space<vmem>>, vector<16xf32>,
      %add3A_486 = arith.constant 2 : i32
      %add3A_487 = vector.broadcast %add3A_486 : i32 to vector<16xi32>
      %add3A_488 = arith.addi %add3A_473, %add3A_487 : vector<16xi32>
      %gather3A_489 = tpu.vector_load_idx %arg7[%add3A_488] : memref<192xf32, #tpu.memory_space<vmem>>[vector<16xi32>], vector<16xf32>,
      %mul3A_490 = arith.constant 16 : i32
      %mul3A_491 = arith.muli %scan3A_468, %mul3A_490 : i32
      %swap3A_492 = arith.index_cast %mul3A_491 : i32 to index
      %swap3A_493 = tpu.vector_load %arg13[%swap3A_492] {strides = array<i32>} : memref<64xf32, #tpu.memory_space<vmem>>, vector<16xf32>,
      tpu.vector_store %arg13[%swap3A_492], %gather3A_489 {strides = array<i32>} : memref<64xf32, #tpu.memory_space<vmem>>, vector<16xf32>,
      %scan3A_494 = arith.constant 0 : i32
      scf.yield %scan3A_494 : i32
    }
    %scan3A_57 = arith.constant 4 : i32
    %scan3A_58 = arith.constant 0 : i32
    %scan3A_59 = arith.constant 0 : i32
    %scan3A_60 = arith.constant 64 : i32
    %scan3A_61 = arith.addi %scan3A_59, %scan3A_60 : i32
    %scan3A_62 = arith.constant 1 : i32
    %scan3A_63 = scf.for %scan3A_468 = %scan3A_59 to %scan3A_61 step %scan3A_62 iter_args(%scan3A_469 = %scan3A_58) -> (i32)  : i32 {
      %mul3A_470 = arith.constant 48 : i32
      %mul3A_471 = arith.muli %scan3A_468, %mul3A_470 : i32
      %add3A_472 = vector.broadcast %mul3A_471 : i32 to vector<16xi32>
      %add3A_473 = arith.addi %add3A_472, %mul3A_51 : vector<16xi32>
      %gather3A = tpu.vector_load_idx %arg8[%add3A_473] : memref<3072xf32, #tpu.memory_space<vmem>>[vector<16xi32>], vector<16xf32>,
      %mul3A_474 = arith.constant 16 : i32
      %mul3A_475 = arith.muli %scan3A_468, %mul3A_474 : i32
      %swap3A_476 = arith.index_cast %mul3A_475 : i32 to index
      %swap3A_477 = tpu.vector_load %arg14[%swap3A_476] {strides = array<i32>} : memref<1024xf32, #tpu.memory_space<vmem>>, vector<16xf32>,
      tpu.vector_store %arg14[%swap3A_476], %gather3A {strides = array<i32>} : memref<1024xf32, #tpu.memory_space<vmem>>, vector<16xf32>,
      %add3A_478 = arith.constant 1 : i32
      %add3A_479 = vector.broadcast %add3A_478 : i32 to vector<16xi32>
      %add3A_480 = arith.addi %add3A_473, %add3A_479 : vector<16xi32>
      %gather3A_481 = tpu.vector_load_idx %arg8[%add3A_480] : memref<3072xf32, #tpu.memory_space<vmem>>[vector<16xi32>], vector<16xf32>,
      %mul3A_482 = arith.constant 16 : i32
      %mul3A_483 = arith.muli %scan3A_468, %mul3A_482 : i32
      %swap3A_484 = arith.index_cast %mul3A_483 : i32 to index
      %swap3A_485 = tpu.vector_load %arg15[%swap3A_484] {strides = array<i32>} : memref<1024xf32, #tpu.memory_space<vmem>>, vector<16xf32>,
      tpu.vector_store %arg15[%swap3A_484], %gather3A_481 {strides = array<i32>} : memref<1024xf32, #tpu.memory_space<vmem>>, vector<16xf32>,
      %add3A_486 = arith.constant 2 : i32
      %add3A_487 = vector.broadcast %add3A_486 : i32 to vector<16xi32>
      %add3A_488 = arith.addi %add3A_473, %add3A_487 : vector<16xi32>
      %gather3A_489 = tpu.vector_load_idx %arg8[%add3A_488] : memref<3072xf32, #tpu.memory_space<vmem>>[vector<16xi32>], vector<16xf32>,
      %mul3A_490 = arith.constant 16 : i32
      %mul3A_491 = arith.muli %scan3A_468, %mul3A_490 : i32
      %swap3A_492 = arith.index_cast %mul3A_491 : i32 to index
      %swap3A_493 = tpu.vector_load %arg16[%swap3A_492] {strides = array<i32>} : memref<1024xf32, #tpu.memory_space<vmem>>, vector<16xf32>,
      tpu.vector_store %arg16[%swap3A_492], %gather3A_489 {strides = array<i32>} : memref<1024xf32, #tpu.memory_space<vmem>>, vector<16xf32>,
      %scan3A_494 = arith.constant 0 : i32
      scf.yield %scan3A_494 : i32
    }
    %scan3A_64 = arith.constant 64 : i32
    %broadcast_in_dim3A = arith.constant 0.000000e+00 : f32
    %broadcast_in_dim3A_65 = vector.broadcast %broadcast_in_dim3A : f32 to vector<16xf32>
    %scan3A_66 = arith.constant 0 : i32
    %scan3A_67 = arith.constant 12 : i32
    %scan3A_68 = arith.addi %scan3A_66, %scan3A_67 : i32
    %scan3A_69 = arith.constant 1 : i32
    %scan3A_70 = scf.for %scan3A_468 = %scan3A_66 to %scan3A_68 step %scan3A_69 iter_args(%scan3A_469 = %broadcast_in_dim3A_65) -> (vector<16xf32>)  : i32 {
      %mul3A_470 = arith.constant 16 : i32
      %mul3A_471 = arith.muli %scan3A_468, %mul3A_470 : i32
      %get3A = arith.index_cast %mul3A_471 : i32 to index
      %get3A_472 = tpu.vector_load %arg10[%get3A] {strides = array<i32>} : memref<192xf32, #tpu.memory_space<vmem>>, vector<16xf32>,
      %mul3A_473 = arith.mulf %get3A_472, %get3A_472 : vector<16xf32>
      %add3A_474 = arith.addf %scan3A_469, %mul3A_473 : vector<16xf32>
      scf.yield %add3A_474 : vector<16xf32>
    }
    %scan3A_71 = arith.constant 12 : i32
    %broadcast_in_dim3A_72 = arith.constant 3.000000e+38 : f32
    %broadcast_in_dim3A_73 = vector.broadcast %broadcast_in_dim3A_72 : f32 to vector<16xf32>
    %add3A_74 = arith.constant 0 : i32
    %add3A_75 = vector.broadcast %add3A_74 : i32 to vector<16xi32>
    %add3A_76 = arith.addi %iota3A, %add3A_75 : vector<16xi32>
    %and3A_77 = arith.constant 15 : i32
    %and3A_78 = vector.broadcast %and3A_77 : i32 to vector<16xi32>
    %and3A_79 = arith.andi %add3A_76, %and3A_78 : vector<16xi32>
    %add3A_80 = arith.constant 1 : i32
    %add3A_81 = vector.broadcast %add3A_80 : i32 to vector<16xi32>
    %add3A_82 = arith.addi %iota3A, %add3A_81 : vector<16xi32>
    %and3A_83 = arith.constant 15 : i32
    %and3A_84 = vector.broadcast %and3A_83 : i32 to vector<16xi32>
    %and3A_85 = arith.andi %add3A_82, %and3A_84 : vector<16xi32>
    %add3A_86 = arith.constant 2 : i32
    %add3A_87 = vector.broadcast %add3A_86 : i32 to vector<16xi32>
    %add3A_88 = arith.addi %iota3A, %add3A_87 : vector<16xi32>
    %and3A_89 = arith.constant 15 : i32
    %and3A_90 = vector.broadcast %and3A_89 : i32 to vector<16xi32>
    %and3A_91 = arith.andi %add3A_88, %and3A_90 : vector<16xi32>
    %add3A_92 = arith.constant 3 : i32
    %add3A_93 = vector.broadcast %add3A_92 : i32 to vector<16xi32>
    %add3A_94 = arith.addi %iota3A, %add3A_93 : vector<16xi32>
    %and3A_95 = arith.constant 15 : i32
    %and3A_96 = vector.broadcast %and3A_95 : i32 to vector<16xi32>
    %and3A_97 = arith.andi %add3A_94, %and3A_96 : vector<16xi32>
    %add3A_98 = arith.constant 4 : i32
    %add3A_99 = vector.broadcast %add3A_98 : i32 to vector<16xi32>
    %add3A_100 = arith.addi %iota3A, %add3A_99 : vector<16xi32>
    %and3A_101 = arith.constant 15 : i32
    %and3A_102 = vector.broadcast %and3A_101 : i32 to vector<16xi32>
    %and3A_103 = arith.andi %add3A_100, %and3A_102 : vector<16xi32>
    %add3A_104 = arith.constant 5 : i32
    %add3A_105 = vector.broadcast %add3A_104 : i32 to vector<16xi32>
    %add3A_106 = arith.addi %iota3A, %add3A_105 : vector<16xi32>
    %and3A_107 = arith.constant 15 : i32
    %and3A_108 = vector.broadcast %and3A_107 : i32 to vector<16xi32>
    %and3A_109 = arith.andi %add3A_106, %and3A_108 : vector<16xi32>
    %add3A_110 = arith.constant 6 : i32
    %add3A_111 = vector.broadcast %add3A_110 : i32 to vector<16xi32>
    %add3A_112 = arith.addi %iota3A, %add3A_111 : vector<16xi32>
    %and3A_113 = arith.constant 15 : i32
    %and3A_114 = vector.broadcast %and3A_113 : i32 to vector<16xi32>
    %and3A_115 = arith.andi %add3A_112, %and3A_114 : vector<16xi32>
    %add3A_116 = arith.constant 7 : i32
    %add3A_117 = vector.broadcast %add3A_116 : i32 to vector<16xi32>
    %add3A_118 = arith.addi %iota3A, %add3A_117 : vector<16xi32>
    %and3A_119 = arith.constant 15 : i32
    %and3A_120 = vector.broadcast %and3A_119 : i32 to vector<16xi32>
    %and3A_121 = arith.andi %add3A_118, %and3A_120 : vector<16xi32>
    %add3A_122 = arith.constant 8 : i32
    %add3A_123 = vector.broadcast %add3A_122 : i32 to vector<16xi32>
    %add3A_124 = arith.addi %iota3A, %add3A_123 : vector<16xi32>
    %and3A_125 = arith.constant 15 : i32
    %and3A_126 = vector.broadcast %and3A_125 : i32 to vector<16xi32>
    %and3A_127 = arith.andi %add3A_124, %and3A_126 : vector<16xi32>
    %add3A_128 = arith.constant 9 : i32
    %add3A_129 = vector.broadcast %add3A_128 : i32 to vector<16xi32>
    %add3A_130 = arith.addi %iota3A, %add3A_129 : vector<16xi32>
    %and3A_131 = arith.constant 15 : i32
    %and3A_132 = vector.broadcast %and3A_131 : i32 to vector<16xi32>
    %and3A_133 = arith.andi %add3A_130, %and3A_132 : vector<16xi32>
    %add3A_134 = arith.constant 10 : i32
    %add3A_135 = vector.broadcast %add3A_134 : i32 to vector<16xi32>
    %add3A_136 = arith.addi %iota3A, %add3A_135 : vector<16xi32>
    %and3A_137 = arith.constant 15 : i32
    %and3A_138 = vector.broadcast %and3A_137 : i32 to vector<16xi32>
    %and3A_139 = arith.andi %add3A_136, %and3A_138 : vector<16xi32>
    %add3A_140 = arith.constant 11 : i32
    %add3A_141 = vector.broadcast %add3A_140 : i32 to vector<16xi32>
    %add3A_142 = arith.addi %iota3A, %add3A_141 : vector<16xi32>
    %and3A_143 = arith.constant 15 : i32
    %and3A_144 = vector.broadcast %and3A_143 : i32 to vector<16xi32>
    %and3A_145 = arith.andi %add3A_142, %and3A_144 : vector<16xi32>
    %add3A_146 = arith.constant 12 : i32
    %add3A_147 = vector.broadcast %add3A_146 : i32 to vector<16xi32>
    %add3A_148 = arith.addi %iota3A, %add3A_147 : vector<16xi32>
    %and3A_149 = arith.constant 15 : i32
    %and3A_150 = vector.broadcast %and3A_149 : i32 to vector<16xi32>
    %and3A_151 = arith.andi %add3A_148, %and3A_150 : vector<16xi32>
    %add3A_152 = arith.constant 13 : i32
    %add3A_153 = vector.broadcast %add3A_152 : i32 to vector<16xi32>
    %add3A_154 = arith.addi %iota3A, %add3A_153 : vector<16xi32>
    %and3A_155 = arith.constant 15 : i32
    %and3A_156 = vector.broadcast %and3A_155 : i32 to vector<16xi32>
    %and3A_157 = arith.andi %add3A_154, %and3A_156 : vector<16xi32>
    %add3A_158 = arith.constant 14 : i32
    %add3A_159 = vector.broadcast %add3A_158 : i32 to vector<16xi32>
    %add3A_160 = arith.addi %iota3A, %add3A_159 : vector<16xi32>
    %and3A_161 = arith.constant 15 : i32
    %and3A_162 = vector.broadcast %and3A_161 : i32 to vector<16xi32>
    %and3A_163 = arith.andi %add3A_160, %and3A_162 : vector<16xi32>
    %add3A_164 = arith.constant 15 : i32
    %add3A_165 = vector.broadcast %add3A_164 : i32 to vector<16xi32>
    %add3A_166 = arith.addi %iota3A, %add3A_165 : vector<16xi32>
    %and3A_167 = arith.constant 15 : i32
    %and3A_168 = vector.broadcast %and3A_167 : i32 to vector<16xi32>
    %and3A_169 = arith.andi %add3A_166, %and3A_168 : vector<16xi32>
    %sub3A_170 = arith.constant 0 : i32
    %sub3A_171 = vector.broadcast %sub3A_170 : i32 to vector<16xi32>
    %sub3A_172 = arith.subi %iota3A, %sub3A_171 : vector<16xi32>
    %and3A_173 = arith.constant 15 : i32
    %and3A_174 = vector.broadcast %and3A_173 : i32 to vector<16xi32>
    %and3A_175 = arith.andi %sub3A_172, %and3A_174 : vector<16xi32>
    %sub3A_176 = arith.constant 1 : i32
    %sub3A_177 = vector.broadcast %sub3A_176 : i32 to vector<16xi32>
    %sub3A_178 = arith.subi %iota3A, %sub3A_177 : vector<16xi32>
    %and3A_179 = arith.constant 15 : i32
    %and3A_180 = vector.broadcast %and3A_179 : i32 to vector<16xi32>
    %and3A_181 = arith.andi %sub3A_178, %and3A_180 : vector<16xi32>
    %sub3A_182 = arith.constant 2 : i32
    %sub3A_183 = vector.broadcast %sub3A_182 : i32 to vector<16xi32>
    %sub3A_184 = arith.subi %iota3A, %sub3A_183 : vector<16xi32>
    %and3A_185 = arith.constant 15 : i32
    %and3A_186 = vector.broadcast %and3A_185 : i32 to vector<16xi32>
    %and3A_187 = arith.andi %sub3A_184, %and3A_186 : vector<16xi32>
    %sub3A_188 = arith.constant 3 : i32
    %sub3A_189 = vector.broadcast %sub3A_188 : i32 to vector<16xi32>
    %sub3A_190 = arith.subi %iota3A, %sub3A_189 : vector<16xi32>
    %and3A_191 = arith.constant 15 : i32
    %and3A_192 = vector.broadcast %and3A_191 : i32 to vector<16xi32>
    %and3A_193 = arith.andi %sub3A_190, %and3A_192 : vector<16xi32>
    %sub3A_194 = arith.constant 4 : i32
    %sub3A_195 = vector.broadcast %sub3A_194 : i32 to vector<16xi32>
    %sub3A_196 = arith.subi %iota3A, %sub3A_195 : vector<16xi32>
    %and3A_197 = arith.constant 15 : i32
    %and3A_198 = vector.broadcast %and3A_197 : i32 to vector<16xi32>
    %and3A_199 = arith.andi %sub3A_196, %and3A_198 : vector<16xi32>
    %sub3A_200 = arith.constant 5 : i32
    %sub3A_201 = vector.broadcast %sub3A_200 : i32 to vector<16xi32>
    %sub3A_202 = arith.subi %iota3A, %sub3A_201 : vector<16xi32>
    %and3A_203 = arith.constant 15 : i32
    %and3A_204 = vector.broadcast %and3A_203 : i32 to vector<16xi32>
    %and3A_205 = arith.andi %sub3A_202, %and3A_204 : vector<16xi32>
    %sub3A_206 = arith.constant 6 : i32
    %sub3A_207 = vector.broadcast %sub3A_206 : i32 to vector<16xi32>
    %sub3A_208 = arith.subi %iota3A, %sub3A_207 : vector<16xi32>
    %and3A_209 = arith.constant 15 : i32
    %and3A_210 = vector.broadcast %and3A_209 : i32 to vector<16xi32>
    %and3A_211 = arith.andi %sub3A_208, %and3A_210 : vector<16xi32>
    %sub3A_212 = arith.constant 7 : i32
    %sub3A_213 = vector.broadcast %sub3A_212 : i32 to vector<16xi32>
    %sub3A_214 = arith.subi %iota3A, %sub3A_213 : vector<16xi32>
    %and3A_215 = arith.constant 15 : i32
    %and3A_216 = vector.broadcast %and3A_215 : i32 to vector<16xi32>
    %and3A_217 = arith.andi %sub3A_214, %and3A_216 : vector<16xi32>
    %sub3A_218 = arith.constant 8 : i32
    %sub3A_219 = vector.broadcast %sub3A_218 : i32 to vector<16xi32>
    %sub3A_220 = arith.subi %iota3A, %sub3A_219 : vector<16xi32>
    %and3A_221 = arith.constant 15 : i32
    %and3A_222 = vector.broadcast %and3A_221 : i32 to vector<16xi32>
    %and3A_223 = arith.andi %sub3A_220, %and3A_222 : vector<16xi32>
    %sub3A_224 = arith.constant 9 : i32
    %sub3A_225 = vector.broadcast %sub3A_224 : i32 to vector<16xi32>
    %sub3A_226 = arith.subi %iota3A, %sub3A_225 : vector<16xi32>
    %and3A_227 = arith.constant 15 : i32
    %and3A_228 = vector.broadcast %and3A_227 : i32 to vector<16xi32>
    %and3A_229 = arith.andi %sub3A_226, %and3A_228 : vector<16xi32>
    %sub3A_230 = arith.constant 10 : i32
    %sub3A_231 = vector.broadcast %sub3A_230 : i32 to vector<16xi32>
    %sub3A_232 = arith.subi %iota3A, %sub3A_231 : vector<16xi32>
    %and3A_233 = arith.constant 15 : i32
    %and3A_234 = vector.broadcast %and3A_233 : i32 to vector<16xi32>
    %and3A_235 = arith.andi %sub3A_232, %and3A_234 : vector<16xi32>
    %sub3A_236 = arith.constant 11 : i32
    %sub3A_237 = vector.broadcast %sub3A_236 : i32 to vector<16xi32>
    %sub3A_238 = arith.subi %iota3A, %sub3A_237 : vector<16xi32>
    %and3A_239 = arith.constant 15 : i32
    %and3A_240 = vector.broadcast %and3A_239 : i32 to vector<16xi32>
    %and3A_241 = arith.andi %sub3A_238, %and3A_240 : vector<16xi32>
    %sub3A_242 = arith.constant 12 : i32
    %sub3A_243 = vector.broadcast %sub3A_242 : i32 to vector<16xi32>
    %sub3A_244 = arith.subi %iota3A, %sub3A_243 : vector<16xi32>
    %and3A_245 = arith.constant 15 : i32
    %and3A_246 = vector.broadcast %and3A_245 : i32 to vector<16xi32>
    %and3A_247 = arith.andi %sub3A_244, %and3A_246 : vector<16xi32>
    %sub3A_248 = arith.constant 13 : i32
    %sub3A_249 = vector.broadcast %sub3A_248 : i32 to vector<16xi32>
    %sub3A_250 = arith.subi %iota3A, %sub3A_249 : vector<16xi32>
    %and3A_251 = arith.constant 15 : i32
    %and3A_252 = vector.broadcast %and3A_251 : i32 to vector<16xi32>
    %and3A_253 = arith.andi %sub3A_250, %and3A_252 : vector<16xi32>
    %sub3A_254 = arith.constant 14 : i32
    %sub3A_255 = vector.broadcast %sub3A_254 : i32 to vector<16xi32>
    %sub3A_256 = arith.subi %iota3A, %sub3A_255 : vector<16xi32>
    %and3A_257 = arith.constant 15 : i32
    %and3A_258 = vector.broadcast %and3A_257 : i32 to vector<16xi32>
    %and3A_259 = arith.andi %sub3A_256, %and3A_258 : vector<16xi32>
    %sub3A_260 = arith.constant 15 : i32
    %sub3A_261 = vector.broadcast %sub3A_260 : i32 to vector<16xi32>
    %sub3A_262 = arith.subi %iota3A, %sub3A_261 : vector<16xi32>
    %and3A_263 = arith.constant 15 : i32
    %and3A_264 = vector.broadcast %and3A_263 : i32 to vector<16xi32>
    %and3A_265 = arith.andi %sub3A_262, %and3A_264 : vector<16xi32>
    %scan3A_266 = arith.constant 0 : i32
    %scan3A_267 = arith.constant 64 : i32
    %scan3A_268 = arith.addi %scan3A_266, %scan3A_267 : i32
    %scan3A_269 = arith.constant 1 : i32
    %scan3A_270:4 = scf.for %scan3A_468 = %scan3A_266 to %scan3A_268 step %scan3A_269 iter_args(%scan3A_469 = %broadcast_in_dim3A_73, %scan3A_470 = %broadcast_in_dim3A_73, %scan3A_471 = %broadcast_in_dim3A_73, %scan3A_472 = %broadcast_in_dim3A_73) -> (vector<16xf32>, vector<16xf32>, vector<16xf32>, vector<16xf32>)  : i32 {
      %mul3A_473 = arith.constant 16 : i32
      %mul3A_474 = arith.muli %scan3A_468, %mul3A_473 : i32
      %get3A = arith.index_cast %mul3A_474 : i32 to index
      %get3A_475 = tpu.vector_load %arg14[%get3A] {strides = array<i32>} : memref<1024xf32, #tpu.memory_space<vmem>>, vector<16xf32>,
      %mul3A_476 = arith.constant 16 : i32
      %mul3A_477 = arith.muli %scan3A_468, %mul3A_476 : i32
      %get3A_478 = arith.index_cast %mul3A_477 : i32 to index
      %get3A_479 = tpu.vector_load %arg15[%get3A_478] {strides = array<i32>} : memref<1024xf32, #tpu.memory_space<vmem>>, vector<16xf32>,
      %mul3A_480 = arith.constant 16 : i32
      %mul3A_481 = arith.muli %scan3A_468, %mul3A_480 : i32
      %get3A_482 = arith.index_cast %mul3A_481 : i32 to index
      %get3A_483 = tpu.vector_load %arg16[%get3A_482] {strides = array<i32>} : memref<1024xf32, #tpu.memory_space<vmem>>, vector<16xf32>,
      %broadcast_in_dim3A_484 = vector.shape_cast %and3A_79 : vector<16xi32> to vector<16x1xi32>
      %gather3A = vector.shape_cast %broadcast_in_dim3A_484 : vector<16x1xi32> to vector<16xi32>
      %gather3A_485 = tpu.dynamic_gather %get3A_475[%gather3A] in [0] : vector<16xf32>, vector<16xi32> -> vector<16xf32>
      %broadcast_in_dim3A_486 = vector.shape_cast %and3A_79 : vector<16xi32> to vector<16x1xi32>
      %gather3A_487 = vector.shape_cast %broadcast_in_dim3A_486 : vector<16x1xi32> to vector<16xi32>
      %gather3A_488 = tpu.dynamic_gather %get3A_479[%gather3A_487] in [0] : vector<16xf32>, vector<16xi32> -> vector<16xf32>
      %broadcast_in_dim3A_489 = vector.shape_cast %and3A_79 : vector<16xi32> to vector<16x1xi32>
      %gather3A_490 = vector.shape_cast %broadcast_in_dim3A_489 : vector<16x1xi32> to vector<16xi32>
      %gather3A_491 = tpu.dynamic_gather %get3A_483[%gather3A_490] in [0] : vector<16xf32>, vector<16xi32> -> vector<16xf32>
      %get3A_492 = arith.constant 0 : index
      %get3A_493 = tpu.vector_load %arg11[%get3A_492] {strides = array<i32>} : memref<64xf32, #tpu.memory_space<vmem>>, vector<16xf32>,
      %get3A_494 = arith.constant 0 : index
      %get3A_495 = tpu.vector_load %arg12[%get3A_494] {strides = array<i32>} : memref<64xf32, #tpu.memory_space<vmem>>, vector<16xf32>,
      %get3A_496 = arith.constant 0 : index
      %get3A_497 = tpu.vector_load %arg13[%get3A_496] {strides = array<i32>} : memref<64xf32, #tpu.memory_space<vmem>>, vector<16xf32>,
      %sub3A_498 = arith.subf %get3A_493, %gather3A_485 : vector<16xf32>
      %sub3A_499 = arith.subf %get3A_495, %gather3A_488 : vector<16xf32>
      %sub3A_500 = arith.subf %get3A_497, %gather3A_491 : vector<16xf32>
      %mul3A_501 = arith.mulf %sub3A_498, %sub3A_498 : vector<16xf32>
      %mul3A_502 = arith.mulf %sub3A_499, %sub3A_499 : vector<16xf32>
      %add3A_503 = arith.addf %mul3A_501, %mul3A_502 : vector<16xf32>
      %mul3A_504 = arith.mulf %sub3A_500, %sub3A_500 : vector<16xf32>
      %add3A_505 = arith.addf %add3A_503, %mul3A_504 : vector<16xf32>
      %min3A = arith.minimumf %scan3A_469, %add3A_505 : vector<16xf32>
      %broadcast_in_dim3A_506 = vector.shape_cast %and3A_175 : vector<16xi32> to vector<16x1xi32>
      %gather3A_507 = vector.shape_cast %broadcast_in_dim3A_506 : vector<16x1xi32> to vector<16xi32>
      %gather3A_508 = tpu.dynamic_gather %add3A_505[%gather3A_507] in [0] : vector<16xf32>, vector<16xi32> -> vector<16xf32>
      %min3A_509 = arith.minimumf %broadcast_in_dim3A_73, %gather3A_508 : vector<16xf32>
      %get3A_510 = arith.constant 16 : index
      %get3A_511 = tpu.vector_load %arg11[%get3A_510] {strides = array<i32>} : memref<64xf32, #tpu.memory_space<vmem>>, vector<16xf32>,
      %get3A_512 = arith.constant 16 : index
      %get3A_513 = tpu.vector_load %arg12[%get3A_512] {strides = array<i32>} : memref<64xf32, #tpu.memory_space<vmem>>, vector<16xf32>,
      %get3A_514 = arith.constant 16 : index
      %get3A_515 = tpu.vector_load %arg13[%get3A_514] {strides = array<i32>} : memref<64xf32, #tpu.memory_space<vmem>>, vector<16xf32>,
      %sub3A_516 = arith.subf %get3A_511, %gather3A_485 : vector<16xf32>
      %sub3A_517 = arith.subf %get3A_513, %gather3A_488 : vector<16xf32>
      %sub3A_518 = arith.subf %get3A_515, %gather3A_491 : vector<16xf32>
      %mul3A_519 = arith.mulf %sub3A_516, %sub3A_516 : vector<16xf32>
      %mul3A_520 = arith.mulf %sub3A_517, %sub3A_517 : vector<16xf32>
      %add3A_521 = arith.addf %mul3A_519, %mul3A_520 : vector<16xf32>
      %mul3A_522 = arith.mulf %sub3A_518, %sub3A_518 : vector<16xf32>
      %add3A_523 = arith.addf %add3A_521, %mul3A_522 : vector<16xf32>
      %min3A_524 = arith.minimumf %scan3A_470, %add3A_523 : vector<16xf32>
      %broadcast_in_dim3A_525 = vector.shape_cast %and3A_175 : vector<16xi32> to vector<16x1xi32>
      %gather3A_526 = vector.shape_cast %broadcast_in_dim3A_525 : vector<16x1xi32> to vector<16xi32>
      %gather3A_527 = tpu.dynamic_gather %add3A_523[%gather3A_526] in [0] : vector<16xf32>, vector<16xi32> -> vector<16xf32>
      %min3A_528 = arith.minimumf %min3A_509, %gather3A_527 : vector<16xf32>
      %get3A_529 = arith.constant 32 : index
      %get3A_530 = tpu.vector_load %arg11[%get3A_529] {strides = array<i32>} : memref<64xf32, #tpu.memory_space<vmem>>, vector<16xf32>,
      %get3A_531 = arith.constant 32 : index
      %get3A_532 = tpu.vector_load %arg12[%get3A_531] {strides = array<i32>} : memref<64xf32, #tpu.memory_space<vmem>>, vector<16xf32>,
      %get3A_533 = arith.constant 32 : index
      %get3A_534 = tpu.vector_load %arg13[%get3A_533] {strides = array<i32>} : memref<64xf32, #tpu.memory_space<vmem>>, vector<16xf32>,
      %sub3A_535 = arith.subf %get3A_530, %gather3A_485 : vector<16xf32>
      %sub3A_536 = arith.subf %get3A_532, %gather3A_488 : vector<16xf32>
      %sub3A_537 = arith.subf %get3A_534, %gather3A_491 : vector<16xf32>
      %mul3A_538 = arith.mulf %sub3A_535, %sub3A_535 : vector<16xf32>
      %mul3A_539 = arith.mulf %sub3A_536, %sub3A_536 : vector<16xf32>
      %add3A_540 = arith.addf %mul3A_538, %mul3A_539 : vector<16xf32>
      %mul3A_541 = arith.mulf %sub3A_537, %sub3A_537 : vector<16xf32>
      %add3A_542 = arith.addf %add3A_540, %mul3A_541 : vector<16xf32>
      %min3A_543 = arith.minimumf %scan3A_471, %add3A_542 : vector<16xf32>
      %broadcast_in_dim3A_544 = vector.shape_cast %and3A_175 : vector<16xi32> to vector<16x1xi32>
      %gather3A_545 = vector.shape_cast %broadcast_in_dim3A_544 : vector<16x1xi32> to vector<16xi32>
      %gather3A_546 = tpu.dynamic_gather %add3A_542[%gather3A_545] in [0] : vector<16xf32>, vector<16xi32> -> vector<16xf32>
      %min3A_547 = arith.minimumf %min3A_528, %gather3A_546 : vector<16xf32>
      %get3A_548 = arith.constant 48 : index
      %get3A_549 = tpu.vector_load %arg11[%get3A_548] {strides = array<i32>} : memref<64xf32, #tpu.memory_space<vmem>>, vector<16xf32>,
      %get3A_550 = arith.constant 48 : index
      %get3A_551 = tpu.vector_load %arg12[%get3A_550] {strides = array<i32>} : memref<64xf32, #tpu.memory_space<vmem>>, vector<16xf32>,
      %get3A_552 = arith.constant 48 : index
      %get3A_553 = tpu.vector_load %arg13[%get3A_552] {strides = array<i32>} : memref<64xf32, #tpu.memory_space<vmem>>, vector<16xf32>,
      %sub3A_554 = arith.subf %get3A_549, %gather3A_485 : vector<16xf32>
      %sub3A_555 = arith.subf %get3A_551, %gather3A_488 : vector<16xf32>
      %sub3A_556 = arith.subf %get3A_553, %gather3A_491 : vector<16xf32>
      %mul3A_557 = arith.mulf %sub3A_554, %sub3A_554 : vector<16xf32>
      %mul3A_558 = arith.mulf %sub3A_555, %sub3A_555 : vector<16xf32>
      %add3A_559 = arith.addf %mul3A_557, %mul3A_558 : vector<16xf32>
      %mul3A_560 = arith.mulf %sub3A_556, %sub3A_556 : vector<16xf32>
      %add3A_561 = arith.addf %add3A_559, %mul3A_560 : vector<16xf32>
      %min3A_562 = arith.minimumf %scan3A_472, %add3A_561 : vector<16xf32>
      %broadcast_in_dim3A_563 = vector.shape_cast %and3A_175 : vector<16xi32> to vector<16x1xi32>
      %gather3A_564 = vector.shape_cast %broadcast_in_dim3A_563 : vector<16x1xi32> to vector<16xi32>
      %gather3A_565 = tpu.dynamic_gather %add3A_561[%gather3A_564] in [0] : vector<16xf32>, vector<16xi32> -> vector<16xf32>
      %min3A_566 = arith.minimumf %min3A_547, %gather3A_565 : vector<16xf32>
      %broadcast_in_dim3A_567 = vector.shape_cast %and3A_85 : vector<16xi32> to vector<16x1xi32>
      %gather3A_568 = vector.shape_cast %broadcast_in_dim3A_567 : vector<16x1xi32> to vector<16xi32>
      %gather3A_569 = tpu.dynamic_gather %get3A_475[%gather3A_568] in [0] : vector<16xf32>, vector<16xi32> -> vector<16xf32>
      %broadcast_in_dim3A_570 = vector.shape_cast %and3A_85 : vector<16xi32> to vector<16x1xi32>
      %gather3A_571 = vector.shape_cast %broadcast_in_dim3A_570 : vector<16x1xi32> to vector<16xi32>
      %gather3A_572 = tpu.dynamic_gather %get3A_479[%gather3A_571] in [0] : vector<16xf32>, vector<16xi32> -> vector<16xf32>
      %broadcast_in_dim3A_573 = vector.shape_cast %and3A_85 : vector<16xi32> to vector<16x1xi32>
      %gather3A_574 = vector.shape_cast %broadcast_in_dim3A_573 : vector<16x1xi32> to vector<16xi32>
      %gather3A_575 = tpu.dynamic_gather %get3A_483[%gather3A_574] in [0] : vector<16xf32>, vector<16xi32> -> vector<16xf32>
      %get3A_576 = arith.constant 0 : index
      %get3A_577 = tpu.vector_load %arg11[%get3A_576] {strides = array<i32>} : memref<64xf32, #tpu.memory_space<vmem>>, vector<16xf32>,
      %get3A_578 = arith.constant 0 : index
      %get3A_579 = tpu.vector_load %arg12[%get3A_578] {strides = array<i32>} : memref<64xf32, #tpu.memory_space<vmem>>, vector<16xf32>,
      %get3A_580 = arith.constant 0 : index
      %get3A_581 = tpu.vector_load %arg13[%get3A_580] {strides = array<i32>} : memref<64xf32, #tpu.memory_space<vmem>>, vector<16xf32>,
      %sub3A_582 = arith.subf %get3A_577, %gather3A_569 : vector<16xf32>
      %sub3A_583 = arith.subf %get3A_579, %gather3A_572 : vector<16xf32>
      %sub3A_584 = arith.subf %get3A_581, %gather3A_575 : vector<16xf32>
      %mul3A_585 = arith.mulf %sub3A_582, %sub3A_582 : vector<16xf32>
      %mul3A_586 = arith.mulf %sub3A_583, %sub3A_583 : vector<16xf32>
      %add3A_587 = arith.addf %mul3A_585, %mul3A_586 : vector<16xf32>
      %mul3A_588 = arith.mulf %sub3A_584, %sub3A_584 : vector<16xf32>
      %add3A_589 = arith.addf %add3A_587, %mul3A_588 : vector<16xf32>
      %min3A_590 = arith.minimumf %min3A, %add3A_589 : vector<16xf32>
      %broadcast_in_dim3A_591 = vector.shape_cast %and3A_181 : vector<16xi32> to vector<16x1xi32>
      %gather3A_592 = vector.shape_cast %broadcast_in_dim3A_591 : vector<16x1xi32> to vector<16xi32>
      %gather3A_593 = tpu.dynamic_gather %add3A_589[%gather3A_592] in [0] : vector<16xf32>, vector<16xi32> -> vector<16xf32>
      %min3A_594 = arith.minimumf %min3A_566, %gather3A_593 : vector<16xf32>
      %get3A_595 = arith.constant 16 : index
      %get3A_596 = tpu.vector_load %arg11[%get3A_595] {strides = array<i32>} : memref<64xf32, #tpu.memory_space<vmem>>, vector<16xf32>,
      %get3A_597 = arith.constant 16 : index
      %get3A_598 = tpu.vector_load %arg12[%get3A_597] {strides = array<i32>} : memref<64xf32, #tpu.memory_space<vmem>>, vector<16xf32>,
      %get3A_599 = arith.constant 16 : index
      %get3A_600 = tpu.vector_load %arg13[%get3A_599] {strides = array<i32>} : memref<64xf32, #tpu.memory_space<vmem>>, vector<16xf32>,
      %sub3A_601 = arith.subf %get3A_596, %gather3A_569 : vector<16xf32>
      %sub3A_602 = arith.subf %get3A_598, %gather3A_572 : vector<16xf32>
      %sub3A_603 = arith.subf %get3A_600, %gather3A_575 : vector<16xf32>
      %mul3A_604 = arith.mulf %sub3A_601, %sub3A_601 : vector<16xf32>
      %mul3A_605 = arith.mulf %sub3A_602, %sub3A_602 : vector<16xf32>
      %add3A_606 = arith.addf %mul3A_604, %mul3A_605 : vector<16xf32>
      %mul3A_607 = arith.mulf %sub3A_603, %sub3A_603 : vector<16xf32>
      %add3A_608 = arith.addf %add3A_606, %mul3A_607 : vector<16xf32>
      %min3A_609 = arith.minimumf %min3A_524, %add3A_608 : vector<16xf32>
      %broadcast_in_dim3A_610 = vector.shape_cast %and3A_181 : vector<16xi32> to vector<16x1xi32>
      %gather3A_611 = vector.shape_cast %broadcast_in_dim3A_610 : vector<16x1xi32> to vector<16xi32>
      %gather3A_612 = tpu.dynamic_gather %add3A_608[%gather3A_611] in [0] : vector<16xf32>, vector<16xi32> -> vector<16xf32>
      %min3A_613 = arith.minimumf %min3A_594, %gather3A_612 : vector<16xf32>
      %get3A_614 = arith.constant 32 : index
      %get3A_615 = tpu.vector_load %arg11[%get3A_614] {strides = array<i32>} : memref<64xf32, #tpu.memory_space<vmem>>, vector<16xf32>,
      %get3A_616 = arith.constant 32 : index
      %get3A_617 = tpu.vector_load %arg12[%get3A_616] {strides = array<i32>} : memref<64xf32, #tpu.memory_space<vmem>>, vector<16xf32>,
      %get3A_618 = arith.constant 32 : index
      %get3A_619 = tpu.vector_load %arg13[%get3A_618] {strides = array<i32>} : memref<64xf32, #tpu.memory_space<vmem>>, vector<16xf32>,
      %sub3A_620 = arith.subf %get3A_615, %gather3A_569 : vector<16xf32>
      %sub3A_621 = arith.subf %get3A_617, %gather3A_572 : vector<16xf32>
      %sub3A_622 = arith.subf %get3A_619, %gather3A_575 : vector<16xf32>
      %mul3A_623 = arith.mulf %sub3A_620, %sub3A_620 : vector<16xf32>
      %mul3A_624 = arith.mulf %sub3A_621, %sub3A_621 : vector<16xf32>
      %add3A_625 = arith.addf %mul3A_623, %mul3A_624 : vector<16xf32>
      %mul3A_626 = arith.mulf %sub3A_622, %sub3A_622 : vector<16xf32>
      %add3A_627 = arith.addf %add3A_625, %mul3A_626 : vector<16xf32>
      %min3A_628 = arith.minimumf %min3A_543, %add3A_627 : vector<16xf32>
      %broadcast_in_dim3A_629 = vector.shape_cast %and3A_181 : vector<16xi32> to vector<16x1xi32>
      %gather3A_630 = vector.shape_cast %broadcast_in_dim3A_629 : vector<16x1xi32> to vector<16xi32>
      %gather3A_631 = tpu.dynamic_gather %add3A_627[%gather3A_630] in [0] : vector<16xf32>, vector<16xi32> -> vector<16xf32>
      %min3A_632 = arith.minimumf %min3A_613, %gather3A_631 : vector<16xf32>
      %get3A_633 = arith.constant 48 : index
      %get3A_634 = tpu.vector_load %arg11[%get3A_633] {strides = array<i32>} : memref<64xf32, #tpu.memory_space<vmem>>, vector<16xf32>,
      %get3A_635 = arith.constant 48 : index
      %get3A_636 = tpu.vector_load %arg12[%get3A_635] {strides = array<i32>} : memref<64xf32, #tpu.memory_space<vmem>>, vector<16xf32>,
      %get3A_637 = arith.constant 48 : index
      %get3A_638 = tpu.vector_load %arg13[%get3A_637] {strides = array<i32>} : memref<64xf32, #tpu.memory_space<vmem>>, vector<16xf32>,
      %sub3A_639 = arith.subf %get3A_634, %gather3A_569 : vector<16xf32>
      %sub3A_640 = arith.subf %get3A_636, %gather3A_572 : vector<16xf32>
      %sub3A_641 = arith.subf %get3A_638, %gather3A_575 : vector<16xf32>
      %mul3A_642 = arith.mulf %sub3A_639, %sub3A_639 : vector<16xf32>
      %mul3A_643 = arith.mulf %sub3A_640, %sub3A_640 : vector<16xf32>
      %add3A_644 = arith.addf %mul3A_642, %mul3A_643 : vector<16xf32>
      %mul3A_645 = arith.mulf %sub3A_641, %sub3A_641 : vector<16xf32>
      %add3A_646 = arith.addf %add3A_644, %mul3A_645 : vector<16xf32>
      %min3A_647 = arith.minimumf %min3A_562, %add3A_646 : vector<16xf32>
      %broadcast_in_dim3A_648 = vector.shape_cast %and3A_181 : vector<16xi32> to vector<16x1xi32>
      %gather3A_649 = vector.shape_cast %broadcast_in_dim3A_648 : vector<16x1xi32> to vector<16xi32>
      %gather3A_650 = tpu.dynamic_gather %add3A_646[%gather3A_649] in [0] : vector<16xf32>, vector<16xi32> -> vector<16xf32>
      %min3A_651 = arith.minimumf %min3A_632, %gather3A_650 : vector<16xf32>
      %broadcast_in_dim3A_652 = vector.shape_cast %and3A_91 : vector<16xi32> to vector<16x1xi32>
      %gather3A_653 = vector.shape_cast %broadcast_in_dim3A_652 : vector<16x1xi32> to vector<16xi32>
      %gather3A_654 = tpu.dynamic_gather %get3A_475[%gather3A_653] in [0] : vector<16xf32>, vector<16xi32> -> vector<16xf32>
      %broadcast_in_dim3A_655 = vector.shape_cast %and3A_91 : vector<16xi32> to vector<16x1xi32>
      %gather3A_656 = vector.shape_cast %broadcast_in_dim3A_655 : vector<16x1xi32> to vector<16xi32>
      %gather3A_657 = tpu.dynamic_gather %get3A_479[%gather3A_656] in [0] : vector<16xf32>, vector<16xi32> -> vector<16xf32>
      %broadcast_in_dim3A_658 = vector.shape_cast %and3A_91 : vector<16xi32> to vector<16x1xi32>
      %gather3A_659 = vector.shape_cast %broadcast_in_dim3A_658 : vector<16x1xi32> to vector<16xi32>
      %gather3A_660 = tpu.dynamic_gather %get3A_483[%gather3A_659] in [0] : vector<16xf32>, vector<16xi32> -> vector<16xf32>
      %get3A_661 = arith.constant 0 : index
      %get3A_662 = tpu.vector_load %arg11[%get3A_661] {strides = array<i32>} : memref<64xf32, #tpu.memory_space<vmem>>, vector<16xf32>,
      %get3A_663 = arith.constant 0 : index
      %get3A_664 = tpu.vector_load %arg12[%get3A_663] {strides = array<i32>} : memref<64xf32, #tpu.memory_space<vmem>>, vector<16xf32>,
      %get3A_665 = arith.constant 0 : index
      %get3A_666 = tpu.vector_load %arg13[%get3A_665] {strides = array<i32>} : memref<64xf32, #tpu.memory_space<vmem>>, vector<16xf32>,
      %sub3A_667 = arith.subf %get3A_662, %gather3A_654 : vector<16xf32>
      %sub3A_668 = arith.subf %get3A_664, %gather3A_657 : vector<16xf32>
      %sub3A_669 = arith.subf %get3A_666, %gather3A_660 : vector<16xf32>
      %mul3A_670 = arith.mulf %sub3A_667, %sub3A_667 : vector<16xf32>
      %mul3A_671 = arith.mulf %sub3A_668, %sub3A_668 : vector<16xf32>
      %add3A_672 = arith.addf %mul3A_670, %mul3A_671 : vector<16xf32>
      %mul3A_673 = arith.mulf %sub3A_669, %sub3A_669 : vector<16xf32>
      %add3A_674 = arith.addf %add3A_672, %mul3A_673 : vector<16xf32>
      %min3A_675 = arith.minimumf %min3A_590, %add3A_674 : vector<16xf32>
      %broadcast_in_dim3A_676 = vector.shape_cast %and3A_187 : vector<16xi32> to vector<16x1xi32>
      %gather3A_677 = vector.shape_cast %broadcast_in_dim3A_676 : vector<16x1xi32> to vector<16xi32>
      %gather3A_678 = tpu.dynamic_gather %add3A_674[%gather3A_677] in [0] : vector<16xf32>, vector<16xi32> -> vector<16xf32>
      %min3A_679 = arith.minimumf %min3A_651, %gather3A_678 : vector<16xf32>
      %get3A_680 = arith.constant 16 : index
      %get3A_681 = tpu.vector_load %arg11[%get3A_680] {strides = array<i32>} : memref<64xf32, #tpu.memory_space<vmem>>, vector<16xf32>,
      %get3A_682 = arith.constant 16 : index
      %get3A_683 = tpu.vector_load %arg12[%get3A_682] {strides = array<i32>} : memref<64xf32, #tpu.memory_space<vmem>>, vector<16xf32>,
      %get3A_684 = arith.constant 16 : index
      %get3A_685 = tpu.vector_load %arg13[%get3A_684] {strides = array<i32>} : memref<64xf32, #tpu.memory_space<vmem>>, vector<16xf32>,
      %sub3A_686 = arith.subf %get3A_681, %gather3A_654 : vector<16xf32>
      %sub3A_687 = arith.subf %get3A_683, %gather3A_657 : vector<16xf32>
      %sub3A_688 = arith.subf %get3A_685, %gather3A_660 : vector<16xf32>
      %mul3A_689 = arith.mulf %sub3A_686, %sub3A_686 : vector<16xf32>
      %mul3A_690 = arith.mulf %sub3A_687, %sub3A_687 : vector<16xf32>
      %add3A_691 = arith.addf %mul3A_689, %mul3A_690 : vector<16xf32>
      %mul3A_692 = arith.mulf %sub3A_688, %sub3A_688 : vector<16xf32>
      %add3A_693 = arith.addf %add3A_691, %mul3A_692 : vector<16xf32>
      %min3A_694 = arith.minimumf %min3A_609, %add3A_693 : vector<16xf32>
      %broadcast_in_dim3A_695 = vector.shape_cast %and3A_187 : vector<16xi32> to vector<16x1xi32>
      %gather3A_696 = vector.shape_cast %broadcast_in_dim3A_695 : vector<16x1xi32> to vector<16xi32>
      %gather3A_697 = tpu.dynamic_gather %add3A_693[%gather3A_696] in [0] : vector<16xf32>, vector<16xi32> -> vector<16xf32>
      %min3A_698 = arith.minimumf %min3A_679, %gather3A_697 : vector<16xf32>
      %get3A_699 = arith.constant 32 : index
      %get3A_700 = tpu.vector_load %arg11[%get3A_699] {strides = array<i32>} : memref<64xf32, #tpu.memory_space<vmem>>, vector<16xf32>,
      %get3A_701 = arith.constant 32 : index
      %get3A_702 = tpu.vector_load %arg12[%get3A_701] {strides = array<i32>} : memref<64xf32, #tpu.memory_space<vmem>>, vector<16xf32>,
      %get3A_703 = arith.constant 32 : index
      %get3A_704 = tpu.vector_load %arg13[%get3A_703] {strides = array<i32>} : memref<64xf32, #tpu.memory_space<vmem>>, vector<16xf32>,
      %sub3A_705 = arith.subf %get3A_700, %gather3A_654 : vector<16xf32>
      %sub3A_706 = arith.subf %get3A_702, %gather3A_657 : vector<16xf32>
      %sub3A_707 = arith.subf %get3A_704, %gather3A_660 : vector<16xf32>
      %mul3A_708 = arith.mulf %sub3A_705, %sub3A_705 : vector<16xf32>
      %mul3A_709 = arith.mulf %sub3A_706, %sub3A_706 : vector<16xf32>
      %add3A_710 = arith.addf %mul3A_708, %mul3A_709 : vector<16xf32>
      %mul3A_711 = arith.mulf %sub3A_707, %sub3A_707 : vector<16xf32>
      %add3A_712 = arith.addf %add3A_710, %mul3A_711 : vector<16xf32>
      %min3A_713 = arith.minimumf %min3A_628, %add3A_712 : vector<16xf32>
      %broadcast_in_dim3A_714 = vector.shape_cast %and3A_187 : vector<16xi32> to vector<16x1xi32>
      %gather3A_715 = vector.shape_cast %broadcast_in_dim3A_714 : vector<16x1xi32> to vector<16xi32>
      %gather3A_716 = tpu.dynamic_gather %add3A_712[%gather3A_715] in [0] : vector<16xf32>, vector<16xi32> -> vector<16xf32>
      %min3A_717 = arith.minimumf %min3A_698, %gather3A_716 : vector<16xf32>
      %get3A_718 = arith.constant 48 : index
      %get3A_719 = tpu.vector_load %arg11[%get3A_718] {strides = array<i32>} : memref<64xf32, #tpu.memory_space<vmem>>, vector<16xf32>,
      %get3A_720 = arith.constant 48 : index
      %get3A_721 = tpu.vector_load %arg12[%get3A_720] {strides = array<i32>} : memref<64xf32, #tpu.memory_space<vmem>>, vector<16xf32>,
      %get3A_722 = arith.constant 48 : index
      %get3A_723 = tpu.vector_load %arg13[%get3A_722] {strides = array<i32>} : memref<64xf32, #tpu.memory_space<vmem>>, vector<16xf32>,
      %sub3A_724 = arith.subf %get3A_719, %gather3A_654 : vector<16xf32>
      %sub3A_725 = arith.subf %get3A_721, %gather3A_657 : vector<16xf32>
      %sub3A_726 = arith.subf %get3A_723, %gather3A_660 : vector<16xf32>
      %mul3A_727 = arith.mulf %sub3A_724, %sub3A_724 : vector<16xf32>
      %mul3A_728 = arith.mulf %sub3A_725, %sub3A_725 : vector<16xf32>
      %add3A_729 = arith.addf %mul3A_727, %mul3A_728 : vector<16xf32>
      %mul3A_730 = arith.mulf %sub3A_726, %sub3A_726 : vector<16xf32>
      %add3A_731 = arith.addf %add3A_729, %mul3A_730 : vector<16xf32>
      %min3A_732 = arith.minimumf %min3A_647, %add3A_731 : vector<16xf32>
      %broadcast_in_dim3A_733 = vector.shape_cast %and3A_187 : vector<16xi32> to vector<16x1xi32>
      %gather3A_734 = vector.shape_cast %broadcast_in_dim3A_733 : vector<16x1xi32> to vector<16xi32>
      %gather3A_735 = tpu.dynamic_gather %add3A_731[%gather3A_734] in [0] : vector<16xf32>, vector<16xi32> -> vector<16xf32>
      %min3A_736 = arith.minimumf %min3A_717, %gather3A_735 : vector<16xf32>
      %broadcast_in_dim3A_737 = vector.shape_cast %and3A_97 : vector<16xi32> to vector<16x1xi32>
      %gather3A_738 = vector.shape_cast %broadcast_in_dim3A_737 : vector<16x1xi32> to vector<16xi32>
      %gather3A_739 = tpu.dynamic_gather %get3A_475[%gather3A_738] in [0] : vector<16xf32>, vector<16xi32> -> vector<16xf32>
      %broadcast_in_dim3A_740 = vector.shape_cast %and3A_97 : vector<16xi32> to vector<16x1xi32>
      %gather3A_741 = vector.shape_cast %broadcast_in_dim3A_740 : vector<16x1xi32> to vector<16xi32>
      %gather3A_742 = tpu.dynamic_gather %get3A_479[%gather3A_741] in [0] : vector<16xf32>, vector<16xi32> -> vector<16xf32>
      %broadcast_in_dim3A_743 = vector.shape_cast %and3A_97 : vector<16xi32> to vector<16x1xi32>
      %gather3A_744 = vector.shape_cast %broadcast_in_dim3A_743 : vector<16x1xi32> to vector<16xi32>
      %gather3A_745 = tpu.dynamic_gather %get3A_483[%gather3A_744] in [0] : vector<16xf32>, vector<16xi32> -> vector<16xf32>
      %get3A_746 = arith.constant 0 : index
      %get3A_747 = tpu.vector_load %arg11[%get3A_746] {strides = array<i32>} : memref<64xf32, #tpu.memory_space<vmem>>, vector<16xf32>,
      %get3A_748 = arith.constant 0 : index
      %get3A_749 = tpu.vector_load %arg12[%get3A_748] {strides = array<i32>} : memref<64xf32, #tpu.memory_space<vmem>>, vector<16xf32>,
      %get3A_750 = arith.constant 0 : index
      %get3A_751 = tpu.vector_load %arg13[%get3A_750] {strides = array<i32>} : memref<64xf32, #tpu.memory_space<vmem>>, vector<16xf32>,
      %sub3A_752 = arith.subf %get3A_747, %gather3A_739 : vector<16xf32>
      %sub3A_753 = arith.subf %get3A_749, %gather3A_742 : vector<16xf32>
      %sub3A_754 = arith.subf %get3A_751, %gather3A_745 : vector<16xf32>
      %mul3A_755 = arith.mulf %sub3A_752, %sub3A_752 : vector<16xf32>
      %mul3A_756 = arith.mulf %sub3A_753, %sub3A_753 : vector<16xf32>
      %add3A_757 = arith.addf %mul3A_755, %mul3A_756 : vector<16xf32>
      %mul3A_758 = arith.mulf %sub3A_754, %sub3A_754 : vector<16xf32>
      %add3A_759 = arith.addf %add3A_757, %mul3A_758 : vector<16xf32>
      %min3A_760 = arith.minimumf %min3A_675, %add3A_759 : vector<16xf32>
      %broadcast_in_dim3A_761 = vector.shape_cast %and3A_193 : vector<16xi32> to vector<16x1xi32>
      %gather3A_762 = vector.shape_cast %broadcast_in_dim3A_761 : vector<16x1xi32> to vector<16xi32>
      %gather3A_763 = tpu.dynamic_gather %add3A_759[%gather3A_762] in [0] : vector<16xf32>, vector<16xi32> -> vector<16xf32>
      %min3A_764 = arith.minimumf %min3A_736, %gather3A_763 : vector<16xf32>
      %get3A_765 = arith.constant 16 : index
      %get3A_766 = tpu.vector_load %arg11[%get3A_765] {strides = array<i32>} : memref<64xf32, #tpu.memory_space<vmem>>, vector<16xf32>,
      %get3A_767 = arith.constant 16 : index
      %get3A_768 = tpu.vector_load %arg12[%get3A_767] {strides = array<i32>} : memref<64xf32, #tpu.memory_space<vmem>>, vector<16xf32>,
      %get3A_769 = arith.constant 16 : index
      %get3A_770 = tpu.vector_load %arg13[%get3A_769] {strides = array<i32>} : memref<64xf32, #tpu.memory_space<vmem>>, vector<16xf32>,
      %sub3A_771 = arith.subf %get3A_766, %gather3A_739 : vector<16xf32>
      %sub3A_772 = arith.subf %get3A_768, %gather3A_742 : vector<16xf32>
      %sub3A_773 = arith.subf %get3A_770, %gather3A_745 : vector<16xf32>
      %mul3A_774 = arith.mulf %sub3A_771, %sub3A_771 : vector<16xf32>
      %mul3A_775 = arith.mulf %sub3A_772, %sub3A_772 : vector<16xf32>
      %add3A_776 = arith.addf %mul3A_774, %mul3A_775 : vector<16xf32>
      %mul3A_777 = arith.mulf %sub3A_773, %sub3A_773 : vector<16xf32>
      %add3A_778 = arith.addf %add3A_776, %mul3A_777 : vector<16xf32>
      %min3A_779 = arith.minimumf %min3A_694, %add3A_778 : vector<16xf32>
      %broadcast_in_dim3A_780 = vector.shape_cast %and3A_193 : vector<16xi32> to vector<16x1xi32>
      %gather3A_781 = vector.shape_cast %broadcast_in_dim3A_780 : vector<16x1xi32> to vector<16xi32>
      %gather3A_782 = tpu.dynamic_gather %add3A_778[%gather3A_781] in [0] : vector<16xf32>, vector<16xi32> -> vector<16xf32>
      %min3A_783 = arith.minimumf %min3A_764, %gather3A_782 : vector<16xf32>
      %get3A_784 = arith.constant 32 : index
      %get3A_785 = tpu.vector_load %arg11[%get3A_784] {strides = array<i32>} : memref<64xf32, #tpu.memory_space<vmem>>, vector<16xf32>,
      %get3A_786 = arith.constant 32 : index
      %get3A_787 = tpu.vector_load %arg12[%get3A_786] {strides = array<i32>} : memref<64xf32, #tpu.memory_space<vmem>>, vector<16xf32>,
      %get3A_788 = arith.constant 32 : index
      %get3A_789 = tpu.vector_load %arg13[%get3A_788] {strides = array<i32>} : memref<64xf32, #tpu.memory_space<vmem>>, vector<16xf32>,
      %sub3A_790 = arith.subf %get3A_785, %gather3A_739 : vector<16xf32>
      %sub3A_791 = arith.subf %get3A_787, %gather3A_742 : vector<16xf32>
      %sub3A_792 = arith.subf %get3A_789, %gather3A_745 : vector<16xf32>
      %mul3A_793 = arith.mulf %sub3A_790, %sub3A_790 : vector<16xf32>
      %mul3A_794 = arith.mulf %sub3A_791, %sub3A_791 : vector<16xf32>
      %add3A_795 = arith.addf %mul3A_793, %mul3A_794 : vector<16xf32>
      %mul3A_796 = arith.mulf %sub3A_792, %sub3A_792 : vector<16xf32>
      %add3A_797 = arith.addf %add3A_795, %mul3A_796 : vector<16xf32>
      %min3A_798 = arith.minimumf %min3A_713, %add3A_797 : vector<16xf32>
      %broadcast_in_dim3A_799 = vector.shape_cast %and3A_193 : vector<16xi32> to vector<16x1xi32>
      %gather3A_800 = vector.shape_cast %broadcast_in_dim3A_799 : vector<16x1xi32> to vector<16xi32>
      %gather3A_801 = tpu.dynamic_gather %add3A_797[%gather3A_800] in [0] : vector<16xf32>, vector<16xi32> -> vector<16xf32>
      %min3A_802 = arith.minimumf %min3A_783, %gather3A_801 : vector<16xf32>
      %get3A_803 = arith.constant 48 : index
      %get3A_804 = tpu.vector_load %arg11[%get3A_803] {strides = array<i32>} : memref<64xf32, #tpu.memory_space<vmem>>, vector<16xf32>,
      %get3A_805 = arith.constant 48 : index
      %get3A_806 = tpu.vector_load %arg12[%get3A_805] {strides = array<i32>} : memref<64xf32, #tpu.memory_space<vmem>>, vector<16xf32>,
      %get3A_807 = arith.constant 48 : index
      %get3A_808 = tpu.vector_load %arg13[%get3A_807] {strides = array<i32>} : memref<64xf32, #tpu.memory_space<vmem>>, vector<16xf32>,
      %sub3A_809 = arith.subf %get3A_804, %gather3A_739 : vector<16xf32>
      %sub3A_810 = arith.subf %get3A_806, %gather3A_742 : vector<16xf32>
      %sub3A_811 = arith.subf %get3A_808, %gather3A_745 : vector<16xf32>
      %mul3A_812 = arith.mulf %sub3A_809, %sub3A_809 : vector<16xf32>
      %mul3A_813 = arith.mulf %sub3A_810, %sub3A_810 : vector<16xf32>
      %add3A_814 = arith.addf %mul3A_812, %mul3A_813 : vector<16xf32>
      %mul3A_815 = arith.mulf %sub3A_811, %sub3A_811 : vector<16xf32>
      %add3A_816 = arith.addf %add3A_814, %mul3A_815 : vector<16xf32>
      %min3A_817 = arith.minimumf %min3A_732, %add3A_816 : vector<16xf32>
      %broadcast_in_dim3A_818 = vector.shape_cast %and3A_193 : vector<16xi32> to vector<16x1xi32>
      %gather3A_819 = vector.shape_cast %broadcast_in_dim3A_818 : vector<16x1xi32> to vector<16xi32>
      %gather3A_820 = tpu.dynamic_gather %add3A_816[%gather3A_819] in [0] : vector<16xf32>, vector<16xi32> -> vector<16xf32>
      %min3A_821 = arith.minimumf %min3A_802, %gather3A_820 : vector<16xf32>
      %broadcast_in_dim3A_822 = vector.shape_cast %and3A_103 : vector<16xi32> to vector<16x1xi32>
      %gather3A_823 = vector.shape_cast %broadcast_in_dim3A_822 : vector<16x1xi32> to vector<16xi32>
      %gather3A_824 = tpu.dynamic_gather %get3A_475[%gather3A_823] in [0] : vector<16xf32>, vector<16xi32> -> vector<16xf32>
      %broadcast_in_dim3A_825 = vector.shape_cast %and3A_103 : vector<16xi32> to vector<16x1xi32>
      %gather3A_826 = vector.shape_cast %broadcast_in_dim3A_825 : vector<16x1xi32> to vector<16xi32>
      %gather3A_827 = tpu.dynamic_gather %get3A_479[%gather3A_826] in [0] : vector<16xf32>, vector<16xi32> -> vector<16xf32>
      %broadcast_in_dim3A_828 = vector.shape_cast %and3A_103 : vector<16xi32> to vector<16x1xi32>
      %gather3A_829 = vector.shape_cast %broadcast_in_dim3A_828 : vector<16x1xi32> to vector<16xi32>
      %gather3A_830 = tpu.dynamic_gather %get3A_483[%gather3A_829] in [0] : vector<16xf32>, vector<16xi32> -> vector<16xf32>
      %get3A_831 = arith.constant 0 : index
      %get3A_832 = tpu.vector_load %arg11[%get3A_831] {strides = array<i32>} : memref<64xf32, #tpu.memory_space<vmem>>, vector<16xf32>,
      %get3A_833 = arith.constant 0 : index
      %get3A_834 = tpu.vector_load %arg12[%get3A_833] {strides = array<i32>} : memref<64xf32, #tpu.memory_space<vmem>>, vector<16xf32>,
      %get3A_835 = arith.constant 0 : index
      %get3A_836 = tpu.vector_load %arg13[%get3A_835] {strides = array<i32>} : memref<64xf32, #tpu.memory_space<vmem>>, vector<16xf32>,
      %sub3A_837 = arith.subf %get3A_832, %gather3A_824 : vector<16xf32>
      %sub3A_838 = arith.subf %get3A_834, %gather3A_827 : vector<16xf32>
      %sub3A_839 = arith.subf %get3A_836, %gather3A_830 : vector<16xf32>
      %mul3A_840 = arith.mulf %sub3A_837, %sub3A_837 : vector<16xf32>
      %mul3A_841 = arith.mulf %sub3A_838, %sub3A_838 : vector<16xf32>
      %add3A_842 = arith.addf %mul3A_840, %mul3A_841 : vector<16xf32>
      %mul3A_843 = arith.mulf %sub3A_839, %sub3A_839 : vector<16xf32>
      %add3A_844 = arith.addf %add3A_842, %mul3A_843 : vector<16xf32>
      %min3A_845 = arith.minimumf %min3A_760, %add3A_844 : vector<16xf32>
      %broadcast_in_dim3A_846 = vector.shape_cast %and3A_199 : vector<16xi32> to vector<16x1xi32>
      %gather3A_847 = vector.shape_cast %broadcast_in_dim3A_846 : vector<16x1xi32> to vector<16xi32>
      %gather3A_848 = tpu.dynamic_gather %add3A_844[%gather3A_847] in [0] : vector<16xf32>, vector<16xi32> -> vector<16xf32>
      %min3A_849 = arith.minimumf %min3A_821, %gather3A_848 : vector<16xf32>
      %get3A_850 = arith.constant 16 : index
      %get3A_851 = tpu.vector_load %arg11[%get3A_850] {strides = array<i32>} : memref<64xf32, #tpu.memory_space<vmem>>, vector<16xf32>,
      %get3A_852 = arith.constant 16 : index
      %get3A_853 = tpu.vector_load %arg12[%get3A_852] {strides = array<i32>} : memref<64xf32, #tpu.memory_space<vmem>>, vector<16xf32>,
      %get3A_854 = arith.constant 16 : index
      %get3A_855 = tpu.vector_load %arg13[%get3A_854] {strides = array<i32>} : memref<64xf32, #tpu.memory_space<vmem>>, vector<16xf32>,
      %sub3A_856 = arith.subf %get3A_851, %gather3A_824 : vector<16xf32>
      %sub3A_857 = arith.subf %get3A_853, %gather3A_827 : vector<16xf32>
      %sub3A_858 = arith.subf %get3A_855, %gather3A_830 : vector<16xf32>
      %mul3A_859 = arith.mulf %sub3A_856, %sub3A_856 : vector<16xf32>
      %mul3A_860 = arith.mulf %sub3A_857, %sub3A_857 : vector<16xf32>
      %add3A_861 = arith.addf %mul3A_859, %mul3A_860 : vector<16xf32>
      %mul3A_862 = arith.mulf %sub3A_858, %sub3A_858 : vector<16xf32>
      %add3A_863 = arith.addf %add3A_861, %mul3A_862 : vector<16xf32>
      %min3A_864 = arith.minimumf %min3A_779, %add3A_863 : vector<16xf32>
      %broadcast_in_dim3A_865 = vector.shape_cast %and3A_199 : vector<16xi32> to vector<16x1xi32>
      %gather3A_866 = vector.shape_cast %broadcast_in_dim3A_865 : vector<16x1xi32> to vector<16xi32>
      %gather3A_867 = tpu.dynamic_gather %add3A_863[%gather3A_866] in [0] : vector<16xf32>, vector<16xi32> -> vector<16xf32>
      %min3A_868 = arith.minimumf %min3A_849, %gather3A_867 : vector<16xf32>
      %get3A_869 = arith.constant 32 : index
      %get3A_870 = tpu.vector_load %arg11[%get3A_869] {strides = array<i32>} : memref<64xf32, #tpu.memory_space<vmem>>, vector<16xf32>,
      %get3A_871 = arith.constant 32 : index
      %get3A_872 = tpu.vector_load %arg12[%get3A_871] {strides = array<i32>} : memref<64xf32, #tpu.memory_space<vmem>>, vector<16xf32>,
      %get3A_873 = arith.constant 32 : index
      %get3A_874 = tpu.vector_load %arg13[%get3A_873] {strides = array<i32>} : memref<64xf32, #tpu.memory_space<vmem>>, vector<16xf32>,
      %sub3A_875 = arith.subf %get3A_870, %gather3A_824 : vector<16xf32>
      %sub3A_876 = arith.subf %get3A_872, %gather3A_827 : vector<16xf32>
      %sub3A_877 = arith.subf %get3A_874, %gather3A_830 : vector<16xf32>
      %mul3A_878 = arith.mulf %sub3A_875, %sub3A_875 : vector<16xf32>
      %mul3A_879 = arith.mulf %sub3A_876, %sub3A_876 : vector<16xf32>
      %add3A_880 = arith.addf %mul3A_878, %mul3A_879 : vector<16xf32>
      %mul3A_881 = arith.mulf %sub3A_877, %sub3A_877 : vector<16xf32>
      %add3A_882 = arith.addf %add3A_880, %mul3A_881 : vector<16xf32>
      %min3A_883 = arith.minimumf %min3A_798, %add3A_882 : vector<16xf32>
      %broadcast_in_dim3A_884 = vector.shape_cast %and3A_199 : vector<16xi32> to vector<16x1xi32>
      %gather3A_885 = vector.shape_cast %broadcast_in_dim3A_884 : vector<16x1xi32> to vector<16xi32>
      %gather3A_886 = tpu.dynamic_gather %add3A_882[%gather3A_885] in [0] : vector<16xf32>, vector<16xi32> -> vector<16xf32>
      %min3A_887 = arith.minimumf %min3A_868, %gather3A_886 : vector<16xf32>
      %get3A_888 = arith.constant 48 : index
      %get3A_889 = tpu.vector_load %arg11[%get3A_888] {strides = array<i32>} : memref<64xf32, #tpu.memory_space<vmem>>, vector<16xf32>,
      %get3A_890 = arith.constant 48 : index
      %get3A_891 = tpu.vector_load %arg12[%get3A_890] {strides = array<i32>} : memref<64xf32, #tpu.memory_space<vmem>>, vector<16xf32>,
      %get3A_892 = arith.constant 48 : index
      %get3A_893 = tpu.vector_load %arg13[%get3A_892] {strides = array<i32>} : memref<64xf32, #tpu.memory_space<vmem>>, vector<16xf32>,
      %sub3A_894 = arith.subf %get3A_889, %gather3A_824 : vector<16xf32>
      %sub3A_895 = arith.subf %get3A_891, %gather3A_827 : vector<16xf32>
      %sub3A_896 = arith.subf %get3A_893, %gather3A_830 : vector<16xf32>
      %mul3A_897 = arith.mulf %sub3A_894, %sub3A_894 : vector<16xf32>
      %mul3A_898 = arith.mulf %sub3A_895, %sub3A_895 : vector<16xf32>
      %add3A_899 = arith.addf %mul3A_897, %mul3A_898 : vector<16xf32>
      %mul3A_900 = arith.mulf %sub3A_896, %sub3A_896 : vector<16xf32>
      %add3A_901 = arith.addf %add3A_899, %mul3A_900 : vector<16xf32>
      %min3A_902 = arith.minimumf %min3A_817, %add3A_901 : vector<16xf32>
      %broadcast_in_dim3A_903 = vector.shape_cast %and3A_199 : vector<16xi32> to vector<16x1xi32>
      %gather3A_904 = vector.shape_cast %broadcast_in_dim3A_903 : vector<16x1xi32> to vector<16xi32>
      %gather3A_905 = tpu.dynamic_gather %add3A_901[%gather3A_904] in [0] : vector<16xf32>, vector<16xi32> -> vector<16xf32>
      %min3A_906 = arith.minimumf %min3A_887, %gather3A_905 : vector<16xf32>
      %broadcast_in_dim3A_907 = vector.shape_cast %and3A_109 : vector<16xi32> to vector<16x1xi32>
      %gather3A_908 = vector.shape_cast %broadcast_in_dim3A_907 : vector<16x1xi32> to vector<16xi32>
      %gather3A_909 = tpu.dynamic_gather %get3A_475[%gather3A_908] in [0] : vector<16xf32>, vector<16xi32> -> vector<16xf32>
      %broadcast_in_dim3A_910 = vector.shape_cast %and3A_109 : vector<16xi32> to vector<16x1xi32>
      %gather3A_911 = vector.shape_cast %broadcast_in_dim3A_910 : vector<16x1xi32> to vector<16xi32>
      %gather3A_912 = tpu.dynamic_gather %get3A_479[%gather3A_911] in [0] : vector<16xf32>, vector<16xi32> -> vector<16xf32>
      %broadcast_in_dim3A_913 = vector.shape_cast %and3A_109 : vector<16xi32> to vector<16x1xi32>
      %gather3A_914 = vector.shape_cast %broadcast_in_dim3A_913 : vector<16x1xi32> to vector<16xi32>
      %gather3A_915 = tpu.dynamic_gather %get3A_483[%gather3A_914] in [0] : vector<16xf32>, vector<16xi32> -> vector<16xf32>
      %get3A_916 = arith.constant 0 : index
      %get3A_917 = tpu.vector_load %arg11[%get3A_916] {strides = array<i32>} : memref<64xf32, #tpu.memory_space<vmem>>, vector<16xf32>,
      %get3A_918 = arith.constant 0 : index
      %get3A_919 = tpu.vector_load %arg12[%get3A_918] {strides = array<i32>} : memref<64xf32, #tpu.memory_space<vmem>>, vector<16xf32>,
      %get3A_920 = arith.constant 0 : index
      %get3A_921 = tpu.vector_load %arg13[%get3A_920] {strides = array<i32>} : memref<64xf32, #tpu.memory_space<vmem>>, vector<16xf32>,
      %sub3A_922 = arith.subf %get3A_917, %gather3A_909 : vector<16xf32>
      %sub3A_923 = arith.subf %get3A_919, %gather3A_912 : vector<16xf32>
      %sub3A_924 = arith.subf %get3A_921, %gather3A_915 : vector<16xf32>
      %mul3A_925 = arith.mulf %sub3A_922, %sub3A_922 : vector<16xf32>
      %mul3A_926 = arith.mulf %sub3A_923, %sub3A_923 : vector<16xf32>
      %add3A_927 = arith.addf %mul3A_925, %mul3A_926 : vector<16xf32>
      %mul3A_928 = arith.mulf %sub3A_924, %sub3A_924 : vector<16xf32>
      %add3A_929 = arith.addf %add3A_927, %mul3A_928 : vector<16xf32>
      %min3A_930 = arith.minimumf %min3A_845, %add3A_929 : vector<16xf32>
      %broadcast_in_dim3A_931 = vector.shape_cast %and3A_205 : vector<16xi32> to vector<16x1xi32>
      %gather3A_932 = vector.shape_cast %broadcast_in_dim3A_931 : vector<16x1xi32> to vector<16xi32>
      %gather3A_933 = tpu.dynamic_gather %add3A_929[%gather3A_932] in [0] : vector<16xf32>, vector<16xi32> -> vector<16xf32>
      %min3A_934 = arith.minimumf %min3A_906, %gather3A_933 : vector<16xf32>
      %get3A_935 = arith.constant 16 : index
      %get3A_936 = tpu.vector_load %arg11[%get3A_935] {strides = array<i32>} : memref<64xf32, #tpu.memory_space<vmem>>, vector<16xf32>,
      %get3A_937 = arith.constant 16 : index
      %get3A_938 = tpu.vector_load %arg12[%get3A_937] {strides = array<i32>} : memref<64xf32, #tpu.memory_space<vmem>>, vector<16xf32>,
      %get3A_939 = arith.constant 16 : index
      %get3A_940 = tpu.vector_load %arg13[%get3A_939] {strides = array<i32>} : memref<64xf32, #tpu.memory_space<vmem>>, vector<16xf32>,
      %sub3A_941 = arith.subf %get3A_936, %gather3A_909 : vector<16xf32>
      %sub3A_942 = arith.subf %get3A_938, %gather3A_912 : vector<16xf32>
      %sub3A_943 = arith.subf %get3A_940, %gather3A_915 : vector<16xf32>
      %mul3A_944 = arith.mulf %sub3A_941, %sub3A_941 : vector<16xf32>
      %mul3A_945 = arith.mulf %sub3A_942, %sub3A_942 : vector<16xf32>
      %add3A_946 = arith.addf %mul3A_944, %mul3A_945 : vector<16xf32>
      %mul3A_947 = arith.mulf %sub3A_943, %sub3A_943 : vector<16xf32>
      %add3A_948 = arith.addf %add3A_946, %mul3A_947 : vector<16xf32>
      %min3A_949 = arith.minimumf %min3A_864, %add3A_948 : vector<16xf32>
      %broadcast_in_dim3A_950 = vector.shape_cast %and3A_205 : vector<16xi32> to vector<16x1xi32>
      %gather3A_951 = vector.shape_cast %broadcast_in_dim3A_950 : vector<16x1xi32> to vector<16xi32>
      %gather3A_952 = tpu.dynamic_gather %add3A_948[%gather3A_951] in [0] : vector<16xf32>, vector<16xi32> -> vector<16xf32>
      %min3A_953 = arith.minimumf %min3A_934, %gather3A_952 : vector<16xf32>
      %get3A_954 = arith.constant 32 : index
      %get3A_955 = tpu.vector_load %arg11[%get3A_954] {strides = array<i32>} : memref<64xf32, #tpu.memory_space<vmem>>, vector<16xf32>,
      %get3A_956 = arith.constant 32 : index
      %get3A_957 = tpu.vector_load %arg12[%get3A_956] {strides = array<i32>} : memref<64xf32, #tpu.memory_space<vmem>>, vector<16xf32>,
      %get3A_958 = arith.constant 32 : index
      %get3A_959 = tpu.vector_load %arg13[%get3A_958] {strides = array<i32>} : memref<64xf32, #tpu.memory_space<vmem>>, vector<16xf32>,
      %sub3A_960 = arith.subf %get3A_955, %gather3A_909 : vector<16xf32>
      %sub3A_961 = arith.subf %get3A_957, %gather3A_912 : vector<16xf32>
      %sub3A_962 = arith.subf %get3A_959, %gather3A_915 : vector<16xf32>
      %mul3A_963 = arith.mulf %sub3A_960, %sub3A_960 : vector<16xf32>
      %mul3A_964 = arith.mulf %sub3A_961, %sub3A_961 : vector<16xf32>
      %add3A_965 = arith.addf %mul3A_963, %mul3A_964 : vector<16xf32>
      %mul3A_966 = arith.mulf %sub3A_962, %sub3A_962 : vector<16xf32>
      %add3A_967 = arith.addf %add3A_965, %mul3A_966 : vector<16xf32>
      %min3A_968 = arith.minimumf %min3A_883, %add3A_967 : vector<16xf32>
      %broadcast_in_dim3A_969 = vector.shape_cast %and3A_205 : vector<16xi32> to vector<16x1xi32>
      %gather3A_970 = vector.shape_cast %broadcast_in_dim3A_969 : vector<16x1xi32> to vector<16xi32>
      %gather3A_971 = tpu.dynamic_gather %add3A_967[%gather3A_970] in [0] : vector<16xf32>, vector<16xi32> -> vector<16xf32>
      %min3A_972 = arith.minimumf %min3A_953, %gather3A_971 : vector<16xf32>
      %get3A_973 = arith.constant 48 : index
      %get3A_974 = tpu.vector_load %arg11[%get3A_973] {strides = array<i32>} : memref<64xf32, #tpu.memory_space<vmem>>, vector<16xf32>,
      %get3A_975 = arith.constant 48 : index
      %get3A_976 = tpu.vector_load %arg12[%get3A_975] {strides = array<i32>} : memref<64xf32, #tpu.memory_space<vmem>>, vector<16xf32>,
      %get3A_977 = arith.constant 48 : index
      %get3A_978 = tpu.vector_load %arg13[%get3A_977] {strides = array<i32>} : memref<64xf32, #tpu.memory_space<vmem>>, vector<16xf32>,
      %sub3A_979 = arith.subf %get3A_974, %gather3A_909 : vector<16xf32>
      %sub3A_980 = arith.subf %get3A_976, %gather3A_912 : vector<16xf32>
      %sub3A_981 = arith.subf %get3A_978, %gather3A_915 : vector<16xf32>
      %mul3A_982 = arith.mulf %sub3A_979, %sub3A_979 : vector<16xf32>
      %mul3A_983 = arith.mulf %sub3A_980, %sub3A_980 : vector<16xf32>
      %add3A_984 = arith.addf %mul3A_982, %mul3A_983 : vector<16xf32>
      %mul3A_985 = arith.mulf %sub3A_981, %sub3A_981 : vector<16xf32>
      %add3A_986 = arith.addf %add3A_984, %mul3A_985 : vector<16xf32>
      %min3A_987 = arith.minimumf %min3A_902, %add3A_986 : vector<16xf32>
      %broadcast_in_dim3A_988 = vector.shape_cast %and3A_205 : vector<16xi32> to vector<16x1xi32>
      %gather3A_989 = vector.shape_cast %broadcast_in_dim3A_988 : vector<16x1xi32> to vector<16xi32>
      %gather3A_990 = tpu.dynamic_gather %add3A_986[%gather3A_989] in [0] : vector<16xf32>, vector<16xi32> -> vector<16xf32>
      %min3A_991 = arith.minimumf %min3A_972, %gather3A_990 : vector<16xf32>
      %broadcast_in_dim3A_992 = vector.shape_cast %and3A_115 : vector<16xi32> to vector<16x1xi32>
      %gather3A_993 = vector.shape_cast %broadcast_in_dim3A_992 : vector<16x1xi32> to vector<16xi32>
      %gather3A_994 = tpu.dynamic_gather %get3A_475[%gather3A_993] in [0] : vector<16xf32>, vector<16xi32> -> vector<16xf32>
      %broadcast_in_dim3A_995 = vector.shape_cast %and3A_115 : vector<16xi32> to vector<16x1xi32>
      %gather3A_996 = vector.shape_cast %broadcast_in_dim3A_995 : vector<16x1xi32> to vector<16xi32>
      %gather3A_997 = tpu.dynamic_gather %get3A_479[%gather3A_996] in [0] : vector<16xf32>, vector<16xi32> -> vector<16xf32>
      %broadcast_in_dim3A_998 = vector.shape_cast %and3A_115 : vector<16xi32> to vector<16x1xi32>
      %gather3A_999 = vector.shape_cast %broadcast_in_dim3A_998 : vector<16x1xi32> to vector<16xi32>
      %gather3A_1000 = tpu.dynamic_gather %get3A_483[%gather3A_999] in [0] : vector<16xf32>, vector<16xi32> -> vector<16xf32>
      %get3A_1001 = arith.constant 0 : index
      %get3A_1002 = tpu.vector_load %arg11[%get3A_1001] {strides = array<i32>} : memref<64xf32, #tpu.memory_space<vmem>>, vector<16xf32>,
      %get3A_1003 = arith.constant 0 : index
      %get3A_1004 = tpu.vector_load %arg12[%get3A_1003] {strides = array<i32>} : memref<64xf32, #tpu.memory_space<vmem>>, vector<16xf32>,
      %get3A_1005 = arith.constant 0 : index
      %get3A_1006 = tpu.vector_load %arg13[%get3A_1005] {strides = array<i32>} : memref<64xf32, #tpu.memory_space<vmem>>, vector<16xf32>,
      %sub3A_1007 = arith.subf %get3A_1002, %gather3A_994 : vector<16xf32>
      %sub3A_1008 = arith.subf %get3A_1004, %gather3A_997 : vector<16xf32>
      %sub3A_1009 = arith.subf %get3A_1006, %gather3A_1000 : vector<16xf32>
      %mul3A_1010 = arith.mulf %sub3A_1007, %sub3A_1007 : vector<16xf32>
      %mul3A_1011 = arith.mulf %sub3A_1008, %sub3A_1008 : vector<16xf32>
      %add3A_1012 = arith.addf %mul3A_1010, %mul3A_1011 : vector<16xf32>
      %mul3A_1013 = arith.mulf %sub3A_1009, %sub3A_1009 : vector<16xf32>
      %add3A_1014 = arith.addf %add3A_1012, %mul3A_1013 : vector<16xf32>
      %min3A_1015 = arith.minimumf %min3A_930, %add3A_1014 : vector<16xf32>
      %broadcast_in_dim3A_1016 = vector.shape_cast %and3A_211 : vector<16xi32> to vector<16x1xi32>
      %gather3A_1017 = vector.shape_cast %broadcast_in_dim3A_1016 : vector<16x1xi32> to vector<16xi32>
      %gather3A_1018 = tpu.dynamic_gather %add3A_1014[%gather3A_1017] in [0] : vector<16xf32>, vector<16xi32> -> vector<16xf32>
      %min3A_1019 = arith.minimumf %min3A_991, %gather3A_1018 : vector<16xf32>
      %get3A_1020 = arith.constant 16 : index
      %get3A_1021 = tpu.vector_load %arg11[%get3A_1020] {strides = array<i32>} : memref<64xf32, #tpu.memory_space<vmem>>, vector<16xf32>,
      %get3A_1022 = arith.constant 16 : index
      %get3A_1023 = tpu.vector_load %arg12[%get3A_1022] {strides = array<i32>} : memref<64xf32, #tpu.memory_space<vmem>>, vector<16xf32>,
      %get3A_1024 = arith.constant 16 : index
      %get3A_1025 = tpu.vector_load %arg13[%get3A_1024] {strides = array<i32>} : memref<64xf32, #tpu.memory_space<vmem>>, vector<16xf32>,
      %sub3A_1026 = arith.subf %get3A_1021, %gather3A_994 : vector<16xf32>
      %sub3A_1027 = arith.subf %get3A_1023, %gather3A_997 : vector<16xf32>
      %sub3A_1028 = arith.subf %get3A_1025, %gather3A_1000 : vector<16xf32>
      %mul3A_1029 = arith.mulf %sub3A_1026, %sub3A_1026 : vector<16xf32>
      %mul3A_1030 = arith.mulf %sub3A_1027, %sub3A_1027 : vector<16xf32>
      %add3A_1031 = arith.addf %mul3A_1029, %mul3A_1030 : vector<16xf32>
      %mul3A_1032 = arith.mulf %sub3A_1028, %sub3A_1028 : vector<16xf32>
      %add3A_1033 = arith.addf %add3A_1031, %mul3A_1032 : vector<16xf32>
      %min3A_1034 = arith.minimumf %min3A_949, %add3A_1033 : vector<16xf32>
      %broadcast_in_dim3A_1035 = vector.shape_cast %and3A_211 : vector<16xi32> to vector<16x1xi32>
      %gather3A_1036 = vector.shape_cast %broadcast_in_dim3A_1035 : vector<16x1xi32> to vector<16xi32>
      %gather3A_1037 = tpu.dynamic_gather %add3A_1033[%gather3A_1036] in [0] : vector<16xf32>, vector<16xi32> -> vector<16xf32>
      %min3A_1038 = arith.minimumf %min3A_1019, %gather3A_1037 : vector<16xf32>
      %get3A_1039 = arith.constant 32 : index
      %get3A_1040 = tpu.vector_load %arg11[%get3A_1039] {strides = array<i32>} : memref<64xf32, #tpu.memory_space<vmem>>, vector<16xf32>,
      %get3A_1041 = arith.constant 32 : index
      %get3A_1042 = tpu.vector_load %arg12[%get3A_1041] {strides = array<i32>} : memref<64xf32, #tpu.memory_space<vmem>>, vector<16xf32>,
      %get3A_1043 = arith.constant 32 : index
      %get3A_1044 = tpu.vector_load %arg13[%get3A_1043] {strides = array<i32>} : memref<64xf32, #tpu.memory_space<vmem>>, vector<16xf32>,
      %sub3A_1045 = arith.subf %get3A_1040, %gather3A_994 : vector<16xf32>
      %sub3A_1046 = arith.subf %get3A_1042, %gather3A_997 : vector<16xf32>
      %sub3A_1047 = arith.subf %get3A_1044, %gather3A_1000 : vector<16xf32>
      %mul3A_1048 = arith.mulf %sub3A_1045, %sub3A_1045 : vector<16xf32>
      %mul3A_1049 = arith.mulf %sub3A_1046, %sub3A_1046 : vector<16xf32>
      %add3A_1050 = arith.addf %mul3A_1048, %mul3A_1049 : vector<16xf32>
      %mul3A_1051 = arith.mulf %sub3A_1047, %sub3A_1047 : vector<16xf32>
      %add3A_1052 = arith.addf %add3A_1050, %mul3A_1051 : vector<16xf32>
      %min3A_1053 = arith.minimumf %min3A_968, %add3A_1052 : vector<16xf32>
      %broadcast_in_dim3A_1054 = vector.shape_cast %and3A_211 : vector<16xi32> to vector<16x1xi32>
      %gather3A_1055 = vector.shape_cast %broadcast_in_dim3A_1054 : vector<16x1xi32> to vector<16xi32>
      %gather3A_1056 = tpu.dynamic_gather %add3A_1052[%gather3A_1055] in [0] : vector<16xf32>, vector<16xi32> -> vector<16xf32>
      %min3A_1057 = arith.minimumf %min3A_1038, %gather3A_1056 : vector<16xf32>
      %get3A_1058 = arith.constant 48 : index
      %get3A_1059 = tpu.vector_load %arg11[%get3A_1058] {strides = array<i32>} : memref<64xf32, #tpu.memory_space<vmem>>, vector<16xf32>,
      %get3A_1060 = arith.constant 48 : index
      %get3A_1061 = tpu.vector_load %arg12[%get3A_1060] {strides = array<i32>} : memref<64xf32, #tpu.memory_space<vmem>>, vector<16xf32>,
      %get3A_1062 = arith.constant 48 : index
      %get3A_1063 = tpu.vector_load %arg13[%get3A_1062] {strides = array<i32>} : memref<64xf32, #tpu.memory_space<vmem>>, vector<16xf32>,
      %sub3A_1064 = arith.subf %get3A_1059, %gather3A_994 : vector<16xf32>
      %sub3A_1065 = arith.subf %get3A_1061, %gather3A_997 : vector<16xf32>
      %sub3A_1066 = arith.subf %get3A_1063, %gather3A_1000 : vector<16xf32>
      %mul3A_1067 = arith.mulf %sub3A_1064, %sub3A_1064 : vector<16xf32>
      %mul3A_1068 = arith.mulf %sub3A_1065, %sub3A_1065 : vector<16xf32>
      %add3A_1069 = arith.addf %mul3A_1067, %mul3A_1068 : vector<16xf32>
      %mul3A_1070 = arith.mulf %sub3A_1066, %sub3A_1066 : vector<16xf32>
      %add3A_1071 = arith.addf %add3A_1069, %mul3A_1070 : vector<16xf32>
      %min3A_1072 = arith.minimumf %min3A_987, %add3A_1071 : vector<16xf32>
      %broadcast_in_dim3A_1073 = vector.shape_cast %and3A_211 : vector<16xi32> to vector<16x1xi32>
      %gather3A_1074 = vector.shape_cast %broadcast_in_dim3A_1073 : vector<16x1xi32> to vector<16xi32>
      %gather3A_1075 = tpu.dynamic_gather %add3A_1071[%gather3A_1074] in [0] : vector<16xf32>, vector<16xi32> -> vector<16xf32>
      %min3A_1076 = arith.minimumf %min3A_1057, %gather3A_1075 : vector<16xf32>
      %broadcast_in_dim3A_1077 = vector.shape_cast %and3A_121 : vector<16xi32> to vector<16x1xi32>
      %gather3A_1078 = vector.shape_cast %broadcast_in_dim3A_1077 : vector<16x1xi32> to vector<16xi32>
      %gather3A_1079 = tpu.dynamic_gather %get3A_475[%gather3A_1078] in [0] : vector<16xf32>, vector<16xi32> -> vector<16xf32>
      %broadcast_in_dim3A_1080 = vector.shape_cast %and3A_121 : vector<16xi32> to vector<16x1xi32>
      %gather3A_1081 = vector.shape_cast %broadcast_in_dim3A_1080 : vector<16x1xi32> to vector<16xi32>
      %gather3A_1082 = tpu.dynamic_gather %get3A_479[%gather3A_1081] in [0] : vector<16xf32>, vector<16xi32> -> vector<16xf32>
      %broadcast_in_dim3A_1083 = vector.shape_cast %and3A_121 : vector<16xi32> to vector<16x1xi32>
      %gather3A_1084 = vector.shape_cast %broadcast_in_dim3A_1083 : vector<16x1xi32> to vector<16xi32>
      %gather3A_1085 = tpu.dynamic_gather %get3A_483[%gather3A_1084] in [0] : vector<16xf32>, vector<16xi32> -> vector<16xf32>
      %get3A_1086 = arith.constant 0 : index
      %get3A_1087 = tpu.vector_load %arg11[%get3A_1086] {strides = array<i32>} : memref<64xf32, #tpu.memory_space<vmem>>, vector<16xf32>,
      %get3A_1088 = arith.constant 0 : index
      %get3A_1089 = tpu.vector_load %arg12[%get3A_1088] {strides = array<i32>} : memref<64xf32, #tpu.memory_space<vmem>>, vector<16xf32>,
      %get3A_1090 = arith.constant 0 : index
      %get3A_1091 = tpu.vector_load %arg13[%get3A_1090] {strides = array<i32>} : memref<64xf32, #tpu.memory_space<vmem>>, vector<16xf32>,
      %sub3A_1092 = arith.subf %get3A_1087, %gather3A_1079 : vector<16xf32>
      %sub3A_1093 = arith.subf %get3A_1089, %gather3A_1082 : vector<16xf32>
      %sub3A_1094 = arith.subf %get3A_1091, %gather3A_1085 : vector<16xf32>
      %mul3A_1095 = arith.mulf %sub3A_1092, %sub3A_1092 : vector<16xf32>
      %mul3A_1096 = arith.mulf %sub3A_1093, %sub3A_1093 : vector<16xf32>
      %add3A_1097 = arith.addf %mul3A_1095, %mul3A_1096 : vector<16xf32>
      %mul3A_1098 = arith.mulf %sub3A_1094, %sub3A_1094 : vector<16xf32>
      %add3A_1099 = arith.addf %add3A_1097, %mul3A_1098 : vector<16xf32>
      %min3A_1100 = arith.minimumf %min3A_1015, %add3A_1099 : vector<16xf32>
      %broadcast_in_dim3A_1101 = vector.shape_cast %and3A_217 : vector<16xi32> to vector<16x1xi32>
      %gather3A_1102 = vector.shape_cast %broadcast_in_dim3A_1101 : vector<16x1xi32> to vector<16xi32>
      %gather3A_1103 = tpu.dynamic_gather %add3A_1099[%gather3A_1102] in [0] : vector<16xf32>, vector<16xi32> -> vector<16xf32>
      %min3A_1104 = arith.minimumf %min3A_1076, %gather3A_1103 : vector<16xf32>
      %get3A_1105 = arith.constant 16 : index
      %get3A_1106 = tpu.vector_load %arg11[%get3A_1105] {strides = array<i32>} : memref<64xf32, #tpu.memory_space<vmem>>, vector<16xf32>,
      %get3A_1107 = arith.constant 16 : index
      %get3A_1108 = tpu.vector_load %arg12[%get3A_1107] {strides = array<i32>} : memref<64xf32, #tpu.memory_space<vmem>>, vector<16xf32>,
      %get3A_1109 = arith.constant 16 : index
      %get3A_1110 = tpu.vector_load %arg13[%get3A_1109] {strides = array<i32>} : memref<64xf32, #tpu.memory_space<vmem>>, vector<16xf32>,
      %sub3A_1111 = arith.subf %get3A_1106, %gather3A_1079 : vector<16xf32>
      %sub3A_1112 = arith.subf %get3A_1108, %gather3A_1082 : vector<16xf32>
      %sub3A_1113 = arith.subf %get3A_1110, %gather3A_1085 : vector<16xf32>
      %mul3A_1114 = arith.mulf %sub3A_1111, %sub3A_1111 : vector<16xf32>
      %mul3A_1115 = arith.mulf %sub3A_1112, %sub3A_1112 : vector<16xf32>
      %add3A_1116 = arith.addf %mul3A_1114, %mul3A_1115 : vector<16xf32>
      %mul3A_1117 = arith.mulf %sub3A_1113, %sub3A_1113 : vector<16xf32>
      %add3A_1118 = arith.addf %add3A_1116, %mul3A_1117 : vector<16xf32>
      %min3A_1119 = arith.minimumf %min3A_1034, %add3A_1118 : vector<16xf32>
      %broadcast_in_dim3A_1120 = vector.shape_cast %and3A_217 : vector<16xi32> to vector<16x1xi32>
      %gather3A_1121 = vector.shape_cast %broadcast_in_dim3A_1120 : vector<16x1xi32> to vector<16xi32>
      %gather3A_1122 = tpu.dynamic_gather %add3A_1118[%gather3A_1121] in [0] : vector<16xf32>, vector<16xi32> -> vector<16xf32>
      %min3A_1123 = arith.minimumf %min3A_1104, %gather3A_1122 : vector<16xf32>
      %get3A_1124 = arith.constant 32 : index
      %get3A_1125 = tpu.vector_load %arg11[%get3A_1124] {strides = array<i32>} : memref<64xf32, #tpu.memory_space<vmem>>, vector<16xf32>,
      %get3A_1126 = arith.constant 32 : index
      %get3A_1127 = tpu.vector_load %arg12[%get3A_1126] {strides = array<i32>} : memref<64xf32, #tpu.memory_space<vmem>>, vector<16xf32>,
      %get3A_1128 = arith.constant 32 : index
      %get3A_1129 = tpu.vector_load %arg13[%get3A_1128] {strides = array<i32>} : memref<64xf32, #tpu.memory_space<vmem>>, vector<16xf32>,
      %sub3A_1130 = arith.subf %get3A_1125, %gather3A_1079 : vector<16xf32>
      %sub3A_1131 = arith.subf %get3A_1127, %gather3A_1082 : vector<16xf32>
      %sub3A_1132 = arith.subf %get3A_1129, %gather3A_1085 : vector<16xf32>
      %mul3A_1133 = arith.mulf %sub3A_1130, %sub3A_1130 : vector<16xf32>
      %mul3A_1134 = arith.mulf %sub3A_1131, %sub3A_1131 : vector<16xf32>
      %add3A_1135 = arith.addf %mul3A_1133, %mul3A_1134 : vector<16xf32>
      %mul3A_1136 = arith.mulf %sub3A_1132, %sub3A_1132 : vector<16xf32>
      %add3A_1137 = arith.addf %add3A_1135, %mul3A_1136 : vector<16xf32>
      %min3A_1138 = arith.minimumf %min3A_1053, %add3A_1137 : vector<16xf32>
      %broadcast_in_dim3A_1139 = vector.shape_cast %and3A_217 : vector<16xi32> to vector<16x1xi32>
      %gather3A_1140 = vector.shape_cast %broadcast_in_dim3A_1139 : vector<16x1xi32> to vector<16xi32>
      %gather3A_1141 = tpu.dynamic_gather %add3A_1137[%gather3A_1140] in [0] : vector<16xf32>, vector<16xi32> -> vector<16xf32>
      %min3A_1142 = arith.minimumf %min3A_1123, %gather3A_1141 : vector<16xf32>
      %get3A_1143 = arith.constant 48 : index
      %get3A_1144 = tpu.vector_load %arg11[%get3A_1143] {strides = array<i32>} : memref<64xf32, #tpu.memory_space<vmem>>, vector<16xf32>,
      %get3A_1145 = arith.constant 48 : index
      %get3A_1146 = tpu.vector_load %arg12[%get3A_1145] {strides = array<i32>} : memref<64xf32, #tpu.memory_space<vmem>>, vector<16xf32>,
      %get3A_1147 = arith.constant 48 : index
      %get3A_1148 = tpu.vector_load %arg13[%get3A_1147] {strides = array<i32>} : memref<64xf32, #tpu.memory_space<vmem>>, vector<16xf32>,
      %sub3A_1149 = arith.subf %get3A_1144, %gather3A_1079 : vector<16xf32>
      %sub3A_1150 = arith.subf %get3A_1146, %gather3A_1082 : vector<16xf32>
      %sub3A_1151 = arith.subf %get3A_1148, %gather3A_1085 : vector<16xf32>
      %mul3A_1152 = arith.mulf %sub3A_1149, %sub3A_1149 : vector<16xf32>
      %mul3A_1153 = arith.mulf %sub3A_1150, %sub3A_1150 : vector<16xf32>
      %add3A_1154 = arith.addf %mul3A_1152, %mul3A_1153 : vector<16xf32>
      %mul3A_1155 = arith.mulf %sub3A_1151, %sub3A_1151 : vector<16xf32>
      %add3A_1156 = arith.addf %add3A_1154, %mul3A_1155 : vector<16xf32>
      %min3A_1157 = arith.minimumf %min3A_1072, %add3A_1156 : vector<16xf32>
      %broadcast_in_dim3A_1158 = vector.shape_cast %and3A_217 : vector<16xi32> to vector<16x1xi32>
      %gather3A_1159 = vector.shape_cast %broadcast_in_dim3A_1158 : vector<16x1xi32> to vector<16xi32>
      %gather3A_1160 = tpu.dynamic_gather %add3A_1156[%gather3A_1159] in [0] : vector<16xf32>, vector<16xi32> -> vector<16xf32>
      %min3A_1161 = arith.minimumf %min3A_1142, %gather3A_1160 : vector<16xf32>
      %broadcast_in_dim3A_1162 = vector.shape_cast %and3A_127 : vector<16xi32> to vector<16x1xi32>
      %gather3A_1163 = vector.shape_cast %broadcast_in_dim3A_1162 : vector<16x1xi32> to vector<16xi32>
      %gather3A_1164 = tpu.dynamic_gather %get3A_475[%gather3A_1163] in [0] : vector<16xf32>, vector<16xi32> -> vector<16xf32>
      %broadcast_in_dim3A_1165 = vector.shape_cast %and3A_127 : vector<16xi32> to vector<16x1xi32>
      %gather3A_1166 = vector.shape_cast %broadcast_in_dim3A_1165 : vector<16x1xi32> to vector<16xi32>
      %gather3A_1167 = tpu.dynamic_gather %get3A_479[%gather3A_1166] in [0] : vector<16xf32>, vector<16xi32> -> vector<16xf32>
      %broadcast_in_dim3A_1168 = vector.shape_cast %and3A_127 : vector<16xi32> to vector<16x1xi32>
      %gather3A_1169 = vector.shape_cast %broadcast_in_dim3A_1168 : vector<16x1xi32> to vector<16xi32>
      %gather3A_1170 = tpu.dynamic_gather %get3A_483[%gather3A_1169] in [0] : vector<16xf32>, vector<16xi32> -> vector<16xf32>
      %get3A_1171 = arith.constant 0 : index
      %get3A_1172 = tpu.vector_load %arg11[%get3A_1171] {strides = array<i32>} : memref<64xf32, #tpu.memory_space<vmem>>, vector<16xf32>,
      %get3A_1173 = arith.constant 0 : index
      %get3A_1174 = tpu.vector_load %arg12[%get3A_1173] {strides = array<i32>} : memref<64xf32, #tpu.memory_space<vmem>>, vector<16xf32>,
      %get3A_1175 = arith.constant 0 : index
      %get3A_1176 = tpu.vector_load %arg13[%get3A_1175] {strides = array<i32>} : memref<64xf32, #tpu.memory_space<vmem>>, vector<16xf32>,
      %sub3A_1177 = arith.subf %get3A_1172, %gather3A_1164 : vector<16xf32>
      %sub3A_1178 = arith.subf %get3A_1174, %gather3A_1167 : vector<16xf32>
      %sub3A_1179 = arith.subf %get3A_1176, %gather3A_1170 : vector<16xf32>
      %mul3A_1180 = arith.mulf %sub3A_1177, %sub3A_1177 : vector<16xf32>
      %mul3A_1181 = arith.mulf %sub3A_1178, %sub3A_1178 : vector<16xf32>
      %add3A_1182 = arith.addf %mul3A_1180, %mul3A_1181 : vector<16xf32>
      %mul3A_1183 = arith.mulf %sub3A_1179, %sub3A_1179 : vector<16xf32>
      %add3A_1184 = arith.addf %add3A_1182, %mul3A_1183 : vector<16xf32>
      %min3A_1185 = arith.minimumf %min3A_1100, %add3A_1184 : vector<16xf32>
      %broadcast_in_dim3A_1186 = vector.shape_cast %and3A_223 : vector<16xi32> to vector<16x1xi32>
      %gather3A_1187 = vector.shape_cast %broadcast_in_dim3A_1186 : vector<16x1xi32> to vector<16xi32>
      %gather3A_1188 = tpu.dynamic_gather %add3A_1184[%gather3A_1187] in [0] : vector<16xf32>, vector<16xi32> -> vector<16xf32>
      %min3A_1189 = arith.minimumf %min3A_1161, %gather3A_1188 : vector<16xf32>
      %get3A_1190 = arith.constant 16 : index
      %get3A_1191 = tpu.vector_load %arg11[%get3A_1190] {strides = array<i32>} : memref<64xf32, #tpu.memory_space<vmem>>, vector<16xf32>,
      %get3A_1192 = arith.constant 16 : index
      %get3A_1193 = tpu.vector_load %arg12[%get3A_1192] {strides = array<i32>} : memref<64xf32, #tpu.memory_space<vmem>>, vector<16xf32>,
      %get3A_1194 = arith.constant 16 : index
      %get3A_1195 = tpu.vector_load %arg13[%get3A_1194] {strides = array<i32>} : memref<64xf32, #tpu.memory_space<vmem>>, vector<16xf32>,
      %sub3A_1196 = arith.subf %get3A_1191, %gather3A_1164 : vector<16xf32>
      %sub3A_1197 = arith.subf %get3A_1193, %gather3A_1167 : vector<16xf32>
      %sub3A_1198 = arith.subf %get3A_1195, %gather3A_1170 : vector<16xf32>
      %mul3A_1199 = arith.mulf %sub3A_1196, %sub3A_1196 : vector<16xf32>
      %mul3A_1200 = arith.mulf %sub3A_1197, %sub3A_1197 : vector<16xf32>
      %add3A_1201 = arith.addf %mul3A_1199, %mul3A_1200 : vector<16xf32>
      %mul3A_1202 = arith.mulf %sub3A_1198, %sub3A_1198 : vector<16xf32>
      %add3A_1203 = arith.addf %add3A_1201, %mul3A_1202 : vector<16xf32>
      %min3A_1204 = arith.minimumf %min3A_1119, %add3A_1203 : vector<16xf32>
      %broadcast_in_dim3A_1205 = vector.shape_cast %and3A_223 : vector<16xi32> to vector<16x1xi32>
      %gather3A_1206 = vector.shape_cast %broadcast_in_dim3A_1205 : vector<16x1xi32> to vector<16xi32>
      %gather3A_1207 = tpu.dynamic_gather %add3A_1203[%gather3A_1206] in [0] : vector<16xf32>, vector<16xi32> -> vector<16xf32>
      %min3A_1208 = arith.minimumf %min3A_1189, %gather3A_1207 : vector<16xf32>
      %get3A_1209 = arith.constant 32 : index
      %get3A_1210 = tpu.vector_load %arg11[%get3A_1209] {strides = array<i32>} : memref<64xf32, #tpu.memory_space<vmem>>, vector<16xf32>,
      %get3A_1211 = arith.constant 32 : index
      %get3A_1212 = tpu.vector_load %arg12[%get3A_1211] {strides = array<i32>} : memref<64xf32, #tpu.memory_space<vmem>>, vector<16xf32>,
      %get3A_1213 = arith.constant 32 : index
      %get3A_1214 = tpu.vector_load %arg13[%get3A_1213] {strides = array<i32>} : memref<64xf32, #tpu.memory_space<vmem>>, vector<16xf32>,
      %sub3A_1215 = arith.subf %get3A_1210, %gather3A_1164 : vector<16xf32>
      %sub3A_1216 = arith.subf %get3A_1212, %gather3A_1167 : vector<16xf32>
      %sub3A_1217 = arith.subf %get3A_1214, %gather3A_1170 : vector<16xf32>
      %mul3A_1218 = arith.mulf %sub3A_1215, %sub3A_1215 : vector<16xf32>
      %mul3A_1219 = arith.mulf %sub3A_1216, %sub3A_1216 : vector<16xf32>
      %add3A_1220 = arith.addf %mul3A_1218, %mul3A_1219 : vector<16xf32>
      %mul3A_1221 = arith.mulf %sub3A_1217, %sub3A_1217 : vector<16xf32>
      %add3A_1222 = arith.addf %add3A_1220, %mul3A_1221 : vector<16xf32>
      %min3A_1223 = arith.minimumf %min3A_1138, %add3A_1222 : vector<16xf32>
      %broadcast_in_dim3A_1224 = vector.shape_cast %and3A_223 : vector<16xi32> to vector<16x1xi32>
      %gather3A_1225 = vector.shape_cast %broadcast_in_dim3A_1224 : vector<16x1xi32> to vector<16xi32>
      %gather3A_1226 = tpu.dynamic_gather %add3A_1222[%gather3A_1225] in [0] : vector<16xf32>, vector<16xi32> -> vector<16xf32>
      %min3A_1227 = arith.minimumf %min3A_1208, %gather3A_1226 : vector<16xf32>
      %get3A_1228 = arith.constant 48 : index
      %get3A_1229 = tpu.vector_load %arg11[%get3A_1228] {strides = array<i32>} : memref<64xf32, #tpu.memory_space<vmem>>, vector<16xf32>,
      %get3A_1230 = arith.constant 48 : index
      %get3A_1231 = tpu.vector_load %arg12[%get3A_1230] {strides = array<i32>} : memref<64xf32, #tpu.memory_space<vmem>>, vector<16xf32>,
      %get3A_1232 = arith.constant 48 : index
      %get3A_1233 = tpu.vector_load %arg13[%get3A_1232] {strides = array<i32>} : memref<64xf32, #tpu.memory_space<vmem>>, vector<16xf32>,
      %sub3A_1234 = arith.subf %get3A_1229, %gather3A_1164 : vector<16xf32>
      %sub3A_1235 = arith.subf %get3A_1231, %gather3A_1167 : vector<16xf32>
      %sub3A_1236 = arith.subf %get3A_1233, %gather3A_1170 : vector<16xf32>
      %mul3A_1237 = arith.mulf %sub3A_1234, %sub3A_1234 : vector<16xf32>
      %mul3A_1238 = arith.mulf %sub3A_1235, %sub3A_1235 : vector<16xf32>
      %add3A_1239 = arith.addf %mul3A_1237, %mul3A_1238 : vector<16xf32>
      %mul3A_1240 = arith.mulf %sub3A_1236, %sub3A_1236 : vector<16xf32>
      %add3A_1241 = arith.addf %add3A_1239, %mul3A_1240 : vector<16xf32>
      %min3A_1242 = arith.minimumf %min3A_1157, %add3A_1241 : vector<16xf32>
      %broadcast_in_dim3A_1243 = vector.shape_cast %and3A_223 : vector<16xi32> to vector<16x1xi32>
      %gather3A_1244 = vector.shape_cast %broadcast_in_dim3A_1243 : vector<16x1xi32> to vector<16xi32>
      %gather3A_1245 = tpu.dynamic_gather %add3A_1241[%gather3A_1244] in [0] : vector<16xf32>, vector<16xi32> -> vector<16xf32>
      %min3A_1246 = arith.minimumf %min3A_1227, %gather3A_1245 : vector<16xf32>
      %broadcast_in_dim3A_1247 = vector.shape_cast %and3A_133 : vector<16xi32> to vector<16x1xi32>
      %gather3A_1248 = vector.shape_cast %broadcast_in_dim3A_1247 : vector<16x1xi32> to vector<16xi32>
      %gather3A_1249 = tpu.dynamic_gather %get3A_475[%gather3A_1248] in [0] : vector<16xf32>, vector<16xi32> -> vector<16xf32>
      %broadcast_in_dim3A_1250 = vector.shape_cast %and3A_133 : vector<16xi32> to vector<16x1xi32>
      %gather3A_1251 = vector.shape_cast %broadcast_in_dim3A_1250 : vector<16x1xi32> to vector<16xi32>
      %gather3A_1252 = tpu.dynamic_gather %get3A_479[%gather3A_1251] in [0] : vector<16xf32>, vector<16xi32> -> vector<16xf32>
      %broadcast_in_dim3A_1253 = vector.shape_cast %and3A_133 : vector<16xi32> to vector<16x1xi32>
      %gather3A_1254 = vector.shape_cast %broadcast_in_dim3A_1253 : vector<16x1xi32> to vector<16xi32>
      %gather3A_1255 = tpu.dynamic_gather %get3A_483[%gather3A_1254] in [0] : vector<16xf32>, vector<16xi32> -> vector<16xf32>
      %get3A_1256 = arith.constant 0 : index
      %get3A_1257 = tpu.vector_load %arg11[%get3A_1256] {strides = array<i32>} : memref<64xf32, #tpu.memory_space<vmem>>, vector<16xf32>,
      %get3A_1258 = arith.constant 0 : index
      %get3A_1259 = tpu.vector_load %arg12[%get3A_1258] {strides = array<i32>} : memref<64xf32, #tpu.memory_space<vmem>>, vector<16xf32>,
      %get3A_1260 = arith.constant 0 : index
      %get3A_1261 = tpu.vector_load %arg13[%get3A_1260] {strides = array<i32>} : memref<64xf32, #tpu.memory_space<vmem>>, vector<16xf32>,
      %sub3A_1262 = arith.subf %get3A_1257, %gather3A_1249 : vector<16xf32>
      %sub3A_1263 = arith.subf %get3A_1259, %gather3A_1252 : vector<16xf32>
      %sub3A_1264 = arith.subf %get3A_1261, %gather3A_1255 : vector<16xf32>
      %mul3A_1265 = arith.mulf %sub3A_1262, %sub3A_1262 : vector<16xf32>
      %mul3A_1266 = arith.mulf %sub3A_1263, %sub3A_1263 : vector<16xf32>
      %add3A_1267 = arith.addf %mul3A_1265, %mul3A_1266 : vector<16xf32>
      %mul3A_1268 = arith.mulf %sub3A_1264, %sub3A_1264 : vector<16xf32>
      %add3A_1269 = arith.addf %add3A_1267, %mul3A_1268 : vector<16xf32>
      %min3A_1270 = arith.minimumf %min3A_1185, %add3A_1269 : vector<16xf32>
      %broadcast_in_dim3A_1271 = vector.shape_cast %and3A_229 : vector<16xi32> to vector<16x1xi32>
      %gather3A_1272 = vector.shape_cast %broadcast_in_dim3A_1271 : vector<16x1xi32> to vector<16xi32>
      %gather3A_1273 = tpu.dynamic_gather %add3A_1269[%gather3A_1272] in [0] : vector<16xf32>, vector<16xi32> -> vector<16xf32>
      %min3A_1274 = arith.minimumf %min3A_1246, %gather3A_1273 : vector<16xf32>
      %get3A_1275 = arith.constant 16 : index
      %get3A_1276 = tpu.vector_load %arg11[%get3A_1275] {strides = array<i32>} : memref<64xf32, #tpu.memory_space<vmem>>, vector<16xf32>,
      %get3A_1277 = arith.constant 16 : index
      %get3A_1278 = tpu.vector_load %arg12[%get3A_1277] {strides = array<i32>} : memref<64xf32, #tpu.memory_space<vmem>>, vector<16xf32>,
      %get3A_1279 = arith.constant 16 : index
      %get3A_1280 = tpu.vector_load %arg13[%get3A_1279] {strides = array<i32>} : memref<64xf32, #tpu.memory_space<vmem>>, vector<16xf32>,
      %sub3A_1281 = arith.subf %get3A_1276, %gather3A_1249 : vector<16xf32>
      %sub3A_1282 = arith.subf %get3A_1278, %gather3A_1252 : vector<16xf32>
      %sub3A_1283 = arith.subf %get3A_1280, %gather3A_1255 : vector<16xf32>
      %mul3A_1284 = arith.mulf %sub3A_1281, %sub3A_1281 : vector<16xf32>
      %mul3A_1285 = arith.mulf %sub3A_1282, %sub3A_1282 : vector<16xf32>
      %add3A_1286 = arith.addf %mul3A_1284, %mul3A_1285 : vector<16xf32>
      %mul3A_1287 = arith.mulf %sub3A_1283, %sub3A_1283 : vector<16xf32>
      %add3A_1288 = arith.addf %add3A_1286, %mul3A_1287 : vector<16xf32>
      %min3A_1289 = arith.minimumf %min3A_1204, %add3A_1288 : vector<16xf32>
      %broadcast_in_dim3A_1290 = vector.shape_cast %and3A_229 : vector<16xi32> to vector<16x1xi32>
      %gather3A_1291 = vector.shape_cast %broadcast_in_dim3A_1290 : vector<16x1xi32> to vector<16xi32>
      %gather3A_1292 = tpu.dynamic_gather %add3A_1288[%gather3A_1291] in [0] : vector<16xf32>, vector<16xi32> -> vector<16xf32>
      %min3A_1293 = arith.minimumf %min3A_1274, %gather3A_1292 : vector<16xf32>
      %get3A_1294 = arith.constant 32 : index
      %get3A_1295 = tpu.vector_load %arg11[%get3A_1294] {strides = array<i32>} : memref<64xf32, #tpu.memory_space<vmem>>, vector<16xf32>,
      %get3A_1296 = arith.constant 32 : index
      %get3A_1297 = tpu.vector_load %arg12[%get3A_1296] {strides = array<i32>} : memref<64xf32, #tpu.memory_space<vmem>>, vector<16xf32>,
      %get3A_1298 = arith.constant 32 : index
      %get3A_1299 = tpu.vector_load %arg13[%get3A_1298] {strides = array<i32>} : memref<64xf32, #tpu.memory_space<vmem>>, vector<16xf32>,
      %sub3A_1300 = arith.subf %get3A_1295, %gather3A_1249 : vector<16xf32>
      %sub3A_1301 = arith.subf %get3A_1297, %gather3A_1252 : vector<16xf32>
      %sub3A_1302 = arith.subf %get3A_1299, %gather3A_1255 : vector<16xf32>
      %mul3A_1303 = arith.mulf %sub3A_1300, %sub3A_1300 : vector<16xf32>
      %mul3A_1304 = arith.mulf %sub3A_1301, %sub3A_1301 : vector<16xf32>
      %add3A_1305 = arith.addf %mul3A_1303, %mul3A_1304 : vector<16xf32>
      %mul3A_1306 = arith.mulf %sub3A_1302, %sub3A_1302 : vector<16xf32>
      %add3A_1307 = arith.addf %add3A_1305, %mul3A_1306 : vector<16xf32>
      %min3A_1308 = arith.minimumf %min3A_1223, %add3A_1307 : vector<16xf32>
      %broadcast_in_dim3A_1309 = vector.shape_cast %and3A_229 : vector<16xi32> to vector<16x1xi32>
      %gather3A_1310 = vector.shape_cast %broadcast_in_dim3A_1309 : vector<16x1xi32> to vector<16xi32>
      %gather3A_1311 = tpu.dynamic_gather %add3A_1307[%gather3A_1310] in [0] : vector<16xf32>, vector<16xi32> -> vector<16xf32>
      %min3A_1312 = arith.minimumf %min3A_1293, %gather3A_1311 : vector<16xf32>
      %get3A_1313 = arith.constant 48 : index
      %get3A_1314 = tpu.vector_load %arg11[%get3A_1313] {strides = array<i32>} : memref<64xf32, #tpu.memory_space<vmem>>, vector<16xf32>,
      %get3A_1315 = arith.constant 48 : index
      %get3A_1316 = tpu.vector_load %arg12[%get3A_1315] {strides = array<i32>} : memref<64xf32, #tpu.memory_space<vmem>>, vector<16xf32>,
      %get3A_1317 = arith.constant 48 : index
      %get3A_1318 = tpu.vector_load %arg13[%get3A_1317] {strides = array<i32>} : memref<64xf32, #tpu.memory_space<vmem>>, vector<16xf32>,
      %sub3A_1319 = arith.subf %get3A_1314, %gather3A_1249 : vector<16xf32>
      %sub3A_1320 = arith.subf %get3A_1316, %gather3A_1252 : vector<16xf32>
      %sub3A_1321 = arith.subf %get3A_1318, %gather3A_1255 : vector<16xf32>
      %mul3A_1322 = arith.mulf %sub3A_1319, %sub3A_1319 : vector<16xf32>
      %mul3A_1323 = arith.mulf %sub3A_1320, %sub3A_1320 : vector<16xf32>
      %add3A_1324 = arith.addf %mul3A_1322, %mul3A_1323 : vector<16xf32>
      %mul3A_1325 = arith.mulf %sub3A_1321, %sub3A_1321 : vector<16xf32>
      %add3A_1326 = arith.addf %add3A_1324, %mul3A_1325 : vector<16xf32>
      %min3A_1327 = arith.minimumf %min3A_1242, %add3A_1326 : vector<16xf32>
      %broadcast_in_dim3A_1328 = vector.shape_cast %and3A_229 : vector<16xi32> to vector<16x1xi32>
      %gather3A_1329 = vector.shape_cast %broadcast_in_dim3A_1328 : vector<16x1xi32> to vector<16xi32>
      %gather3A_1330 = tpu.dynamic_gather %add3A_1326[%gather3A_1329] in [0] : vector<16xf32>, vector<16xi32> -> vector<16xf32>
      %min3A_1331 = arith.minimumf %min3A_1312, %gather3A_1330 : vector<16xf32>
      %broadcast_in_dim3A_1332 = vector.shape_cast %and3A_139 : vector<16xi32> to vector<16x1xi32>
      %gather3A_1333 = vector.shape_cast %broadcast_in_dim3A_1332 : vector<16x1xi32> to vector<16xi32>
      %gather3A_1334 = tpu.dynamic_gather %get3A_475[%gather3A_1333] in [0] : vector<16xf32>, vector<16xi32> -> vector<16xf32>
      %broadcast_in_dim3A_1335 = vector.shape_cast %and3A_139 : vector<16xi32> to vector<16x1xi32>
      %gather3A_1336 = vector.shape_cast %broadcast_in_dim3A_1335 : vector<16x1xi32> to vector<16xi32>
      %gather3A_1337 = tpu.dynamic_gather %get3A_479[%gather3A_1336] in [0] : vector<16xf32>, vector<16xi32> -> vector<16xf32>
      %broadcast_in_dim3A_1338 = vector.shape_cast %and3A_139 : vector<16xi32> to vector<16x1xi32>
      %gather3A_1339 = vector.shape_cast %broadcast_in_dim3A_1338 : vector<16x1xi32> to vector<16xi32>
      %gather3A_1340 = tpu.dynamic_gather %get3A_483[%gather3A_1339] in [0] : vector<16xf32>, vector<16xi32> -> vector<16xf32>
      %get3A_1341 = arith.constant 0 : index
      %get3A_1342 = tpu.vector_load %arg11[%get3A_1341] {strides = array<i32>} : memref<64xf32, #tpu.memory_space<vmem>>, vector<16xf32>,
      %get3A_1343 = arith.constant 0 : index
      %get3A_1344 = tpu.vector_load %arg12[%get3A_1343] {strides = array<i32>} : memref<64xf32, #tpu.memory_space<vmem>>, vector<16xf32>,
      %get3A_1345 = arith.constant 0 : index
      %get3A_1346 = tpu.vector_load %arg13[%get3A_1345] {strides = array<i32>} : memref<64xf32, #tpu.memory_space<vmem>>, vector<16xf32>,
      %sub3A_1347 = arith.subf %get3A_1342, %gather3A_1334 : vector<16xf32>
      %sub3A_1348 = arith.subf %get3A_1344, %gather3A_1337 : vector<16xf32>
      %sub3A_1349 = arith.subf %get3A_1346, %gather3A_1340 : vector<16xf32>
      %mul3A_1350 = arith.mulf %sub3A_1347, %sub3A_1347 : vector<16xf32>
      %mul3A_1351 = arith.mulf %sub3A_1348, %sub3A_1348 : vector<16xf32>
      %add3A_1352 = arith.addf %mul3A_1350, %mul3A_1351 : vector<16xf32>
      %mul3A_1353 = arith.mulf %sub3A_1349, %sub3A_1349 : vector<16xf32>
      %add3A_1354 = arith.addf %add3A_1352, %mul3A_1353 : vector<16xf32>
      %min3A_1355 = arith.minimumf %min3A_1270, %add3A_1354 : vector<16xf32>
      %broadcast_in_dim3A_1356 = vector.shape_cast %and3A_235 : vector<16xi32> to vector<16x1xi32>
      %gather3A_1357 = vector.shape_cast %broadcast_in_dim3A_1356 : vector<16x1xi32> to vector<16xi32>
      %gather3A_1358 = tpu.dynamic_gather %add3A_1354[%gather3A_1357] in [0] : vector<16xf32>, vector<16xi32> -> vector<16xf32>
      %min3A_1359 = arith.minimumf %min3A_1331, %gather3A_1358 : vector<16xf32>
      %get3A_1360 = arith.constant 16 : index
      %get3A_1361 = tpu.vector_load %arg11[%get3A_1360] {strides = array<i32>} : memref<64xf32, #tpu.memory_space<vmem>>, vector<16xf32>,
      %get3A_1362 = arith.constant 16 : index
      %get3A_1363 = tpu.vector_load %arg12[%get3A_1362] {strides = array<i32>} : memref<64xf32, #tpu.memory_space<vmem>>, vector<16xf32>,
      %get3A_1364 = arith.constant 16 : index
      %get3A_1365 = tpu.vector_load %arg13[%get3A_1364] {strides = array<i32>} : memref<64xf32, #tpu.memory_space<vmem>>, vector<16xf32>,
      %sub3A_1366 = arith.subf %get3A_1361, %gather3A_1334 : vector<16xf32>
      %sub3A_1367 = arith.subf %get3A_1363, %gather3A_1337 : vector<16xf32>
      %sub3A_1368 = arith.subf %get3A_1365, %gather3A_1340 : vector<16xf32>
      %mul3A_1369 = arith.mulf %sub3A_1366, %sub3A_1366 : vector<16xf32>
      %mul3A_1370 = arith.mulf %sub3A_1367, %sub3A_1367 : vector<16xf32>
      %add3A_1371 = arith.addf %mul3A_1369, %mul3A_1370 : vector<16xf32>
      %mul3A_1372 = arith.mulf %sub3A_1368, %sub3A_1368 : vector<16xf32>
      %add3A_1373 = arith.addf %add3A_1371, %mul3A_1372 : vector<16xf32>
      %min3A_1374 = arith.minimumf %min3A_1289, %add3A_1373 : vector<16xf32>
      %broadcast_in_dim3A_1375 = vector.shape_cast %and3A_235 : vector<16xi32> to vector<16x1xi32>
      %gather3A_1376 = vector.shape_cast %broadcast_in_dim3A_1375 : vector<16x1xi32> to vector<16xi32>
      %gather3A_1377 = tpu.dynamic_gather %add3A_1373[%gather3A_1376] in [0] : vector<16xf32>, vector<16xi32> -> vector<16xf32>
      %min3A_1378 = arith.minimumf %min3A_1359, %gather3A_1377 : vector<16xf32>
      %get3A_1379 = arith.constant 32 : index
      %get3A_1380 = tpu.vector_load %arg11[%get3A_1379] {strides = array<i32>} : memref<64xf32, #tpu.memory_space<vmem>>, vector<16xf32>,
      %get3A_1381 = arith.constant 32 : index
      %get3A_1382 = tpu.vector_load %arg12[%get3A_1381] {strides = array<i32>} : memref<64xf32, #tpu.memory_space<vmem>>, vector<16xf32>,
      %get3A_1383 = arith.constant 32 : index
      %get3A_1384 = tpu.vector_load %arg13[%get3A_1383] {strides = array<i32>} : memref<64xf32, #tpu.memory_space<vmem>>, vector<16xf32>,
      %sub3A_1385 = arith.subf %get3A_1380, %gather3A_1334 : vector<16xf32>
      %sub3A_1386 = arith.subf %get3A_1382, %gather3A_1337 : vector<16xf32>
      %sub3A_1387 = arith.subf %get3A_1384, %gather3A_1340 : vector<16xf32>
      %mul3A_1388 = arith.mulf %sub3A_1385, %sub3A_1385 : vector<16xf32>
      %mul3A_1389 = arith.mulf %sub3A_1386, %sub3A_1386 : vector<16xf32>
      %add3A_1390 = arith.addf %mul3A_1388, %mul3A_1389 : vector<16xf32>
      %mul3A_1391 = arith.mulf %sub3A_1387, %sub3A_1387 : vector<16xf32>
      %add3A_1392 = arith.addf %add3A_1390, %mul3A_1391 : vector<16xf32>
      %min3A_1393 = arith.minimumf %min3A_1308, %add3A_1392 : vector<16xf32>
      %broadcast_in_dim3A_1394 = vector.shape_cast %and3A_235 : vector<16xi32> to vector<16x1xi32>
      %gather3A_1395 = vector.shape_cast %broadcast_in_dim3A_1394 : vector<16x1xi32> to vector<16xi32>
      %gather3A_1396 = tpu.dynamic_gather %add3A_1392[%gather3A_1395] in [0] : vector<16xf32>, vector<16xi32> -> vector<16xf32>
      %min3A_1397 = arith.minimumf %min3A_1378, %gather3A_1396 : vector<16xf32>
      %get3A_1398 = arith.constant 48 : index
      %get3A_1399 = tpu.vector_load %arg11[%get3A_1398] {strides = array<i32>} : memref<64xf32, #tpu.memory_space<vmem>>, vector<16xf32>,
      %get3A_1400 = arith.constant 48 : index
      %get3A_1401 = tpu.vector_load %arg12[%get3A_1400] {strides = array<i32>} : memref<64xf32, #tpu.memory_space<vmem>>, vector<16xf32>,
      %get3A_1402 = arith.constant 48 : index
      %get3A_1403 = tpu.vector_load %arg13[%get3A_1402] {strides = array<i32>} : memref<64xf32, #tpu.memory_space<vmem>>, vector<16xf32>,
      %sub3A_1404 = arith.subf %get3A_1399, %gather3A_1334 : vector<16xf32>
      %sub3A_1405 = arith.subf %get3A_1401, %gather3A_1337 : vector<16xf32>
      %sub3A_1406 = arith.subf %get3A_1403, %gather3A_1340 : vector<16xf32>
      %mul3A_1407 = arith.mulf %sub3A_1404, %sub3A_1404 : vector<16xf32>
      %mul3A_1408 = arith.mulf %sub3A_1405, %sub3A_1405 : vector<16xf32>
      %add3A_1409 = arith.addf %mul3A_1407, %mul3A_1408 : vector<16xf32>
      %mul3A_1410 = arith.mulf %sub3A_1406, %sub3A_1406 : vector<16xf32>
      %add3A_1411 = arith.addf %add3A_1409, %mul3A_1410 : vector<16xf32>
      %min3A_1412 = arith.minimumf %min3A_1327, %add3A_1411 : vector<16xf32>
      %broadcast_in_dim3A_1413 = vector.shape_cast %and3A_235 : vector<16xi32> to vector<16x1xi32>
      %gather3A_1414 = vector.shape_cast %broadcast_in_dim3A_1413 : vector<16x1xi32> to vector<16xi32>
      %gather3A_1415 = tpu.dynamic_gather %add3A_1411[%gather3A_1414] in [0] : vector<16xf32>, vector<16xi32> -> vector<16xf32>
      %min3A_1416 = arith.minimumf %min3A_1397, %gather3A_1415 : vector<16xf32>
      %broadcast_in_dim3A_1417 = vector.shape_cast %and3A_145 : vector<16xi32> to vector<16x1xi32>
      %gather3A_1418 = vector.shape_cast %broadcast_in_dim3A_1417 : vector<16x1xi32> to vector<16xi32>
      %gather3A_1419 = tpu.dynamic_gather %get3A_475[%gather3A_1418] in [0] : vector<16xf32>, vector<16xi32> -> vector<16xf32>
      %broadcast_in_dim3A_1420 = vector.shape_cast %and3A_145 : vector<16xi32> to vector<16x1xi32>
      %gather3A_1421 = vector.shape_cast %broadcast_in_dim3A_1420 : vector<16x1xi32> to vector<16xi32>
      %gather3A_1422 = tpu.dynamic_gather %get3A_479[%gather3A_1421] in [0] : vector<16xf32>, vector<16xi32> -> vector<16xf32>
      %broadcast_in_dim3A_1423 = vector.shape_cast %and3A_145 : vector<16xi32> to vector<16x1xi32>
      %gather3A_1424 = vector.shape_cast %broadcast_in_dim3A_1423 : vector<16x1xi32> to vector<16xi32>
      %gather3A_1425 = tpu.dynamic_gather %get3A_483[%gather3A_1424] in [0] : vector<16xf32>, vector<16xi32> -> vector<16xf32>
      %get3A_1426 = arith.constant 0 : index
      %get3A_1427 = tpu.vector_load %arg11[%get3A_1426] {strides = array<i32>} : memref<64xf32, #tpu.memory_space<vmem>>, vector<16xf32>,
      %get3A_1428 = arith.constant 0 : index
      %get3A_1429 = tpu.vector_load %arg12[%get3A_1428] {strides = array<i32>} : memref<64xf32, #tpu.memory_space<vmem>>, vector<16xf32>,
      %get3A_1430 = arith.constant 0 : index
      %get3A_1431 = tpu.vector_load %arg13[%get3A_1430] {strides = array<i32>} : memref<64xf32, #tpu.memory_space<vmem>>, vector<16xf32>,
      %sub3A_1432 = arith.subf %get3A_1427, %gather3A_1419 : vector<16xf32>
      %sub3A_1433 = arith.subf %get3A_1429, %gather3A_1422 : vector<16xf32>
      %sub3A_1434 = arith.subf %get3A_1431, %gather3A_1425 : vector<16xf32>
      %mul3A_1435 = arith.mulf %sub3A_1432, %sub3A_1432 : vector<16xf32>
      %mul3A_1436 = arith.mulf %sub3A_1433, %sub3A_1433 : vector<16xf32>
      %add3A_1437 = arith.addf %mul3A_1435, %mul3A_1436 : vector<16xf32>
      %mul3A_1438 = arith.mulf %sub3A_1434, %sub3A_1434 : vector<16xf32>
      %add3A_1439 = arith.addf %add3A_1437, %mul3A_1438 : vector<16xf32>
      %min3A_1440 = arith.minimumf %min3A_1355, %add3A_1439 : vector<16xf32>
      %broadcast_in_dim3A_1441 = vector.shape_cast %and3A_241 : vector<16xi32> to vector<16x1xi32>
      %gather3A_1442 = vector.shape_cast %broadcast_in_dim3A_1441 : vector<16x1xi32> to vector<16xi32>
      %gather3A_1443 = tpu.dynamic_gather %add3A_1439[%gather3A_1442] in [0] : vector<16xf32>, vector<16xi32> -> vector<16xf32>
      %min3A_1444 = arith.minimumf %min3A_1416, %gather3A_1443 : vector<16xf32>
      %get3A_1445 = arith.constant 16 : index
      %get3A_1446 = tpu.vector_load %arg11[%get3A_1445] {strides = array<i32>} : memref<64xf32, #tpu.memory_space<vmem>>, vector<16xf32>,
      %get3A_1447 = arith.constant 16 : index
      %get3A_1448 = tpu.vector_load %arg12[%get3A_1447] {strides = array<i32>} : memref<64xf32, #tpu.memory_space<vmem>>, vector<16xf32>,
      %get3A_1449 = arith.constant 16 : index
      %get3A_1450 = tpu.vector_load %arg13[%get3A_1449] {strides = array<i32>} : memref<64xf32, #tpu.memory_space<vmem>>, vector<16xf32>,
      %sub3A_1451 = arith.subf %get3A_1446, %gather3A_1419 : vector<16xf32>
      %sub3A_1452 = arith.subf %get3A_1448, %gather3A_1422 : vector<16xf32>
      %sub3A_1453 = arith.subf %get3A_1450, %gather3A_1425 : vector<16xf32>
      %mul3A_1454 = arith.mulf %sub3A_1451, %sub3A_1451 : vector<16xf32>
      %mul3A_1455 = arith.mulf %sub3A_1452, %sub3A_1452 : vector<16xf32>
      %add3A_1456 = arith.addf %mul3A_1454, %mul3A_1455 : vector<16xf32>
      %mul3A_1457 = arith.mulf %sub3A_1453, %sub3A_1453 : vector<16xf32>
      %add3A_1458 = arith.addf %add3A_1456, %mul3A_1457 : vector<16xf32>
      %min3A_1459 = arith.minimumf %min3A_1374, %add3A_1458 : vector<16xf32>
      %broadcast_in_dim3A_1460 = vector.shape_cast %and3A_241 : vector<16xi32> to vector<16x1xi32>
      %gather3A_1461 = vector.shape_cast %broadcast_in_dim3A_1460 : vector<16x1xi32> to vector<16xi32>
      %gather3A_1462 = tpu.dynamic_gather %add3A_1458[%gather3A_1461] in [0] : vector<16xf32>, vector<16xi32> -> vector<16xf32>
      %min3A_1463 = arith.minimumf %min3A_1444, %gather3A_1462 : vector<16xf32>
      %get3A_1464 = arith.constant 32 : index
      %get3A_1465 = tpu.vector_load %arg11[%get3A_1464] {strides = array<i32>} : memref<64xf32, #tpu.memory_space<vmem>>, vector<16xf32>,
      %get3A_1466 = arith.constant 32 : index
      %get3A_1467 = tpu.vector_load %arg12[%get3A_1466] {strides = array<i32>} : memref<64xf32, #tpu.memory_space<vmem>>, vector<16xf32>,
      %get3A_1468 = arith.constant 32 : index
      %get3A_1469 = tpu.vector_load %arg13[%get3A_1468] {strides = array<i32>} : memref<64xf32, #tpu.memory_space<vmem>>, vector<16xf32>,
      %sub3A_1470 = arith.subf %get3A_1465, %gather3A_1419 : vector<16xf32>
      %sub3A_1471 = arith.subf %get3A_1467, %gather3A_1422 : vector<16xf32>
      %sub3A_1472 = arith.subf %get3A_1469, %gather3A_1425 : vector<16xf32>
      %mul3A_1473 = arith.mulf %sub3A_1470, %sub3A_1470 : vector<16xf32>
      %mul3A_1474 = arith.mulf %sub3A_1471, %sub3A_1471 : vector<16xf32>
      %add3A_1475 = arith.addf %mul3A_1473, %mul3A_1474 : vector<16xf32>
      %mul3A_1476 = arith.mulf %sub3A_1472, %sub3A_1472 : vector<16xf32>
      %add3A_1477 = arith.addf %add3A_1475, %mul3A_1476 : vector<16xf32>
      %min3A_1478 = arith.minimumf %min3A_1393, %add3A_1477 : vector<16xf32>
      %broadcast_in_dim3A_1479 = vector.shape_cast %and3A_241 : vector<16xi32> to vector<16x1xi32>
      %gather3A_1480 = vector.shape_cast %broadcast_in_dim3A_1479 : vector<16x1xi32> to vector<16xi32>
      %gather3A_1481 = tpu.dynamic_gather %add3A_1477[%gather3A_1480] in [0] : vector<16xf32>, vector<16xi32> -> vector<16xf32>
      %min3A_1482 = arith.minimumf %min3A_1463, %gather3A_1481 : vector<16xf32>
      %get3A_1483 = arith.constant 48 : index
      %get3A_1484 = tpu.vector_load %arg11[%get3A_1483] {strides = array<i32>} : memref<64xf32, #tpu.memory_space<vmem>>, vector<16xf32>,
      %get3A_1485 = arith.constant 48 : index
      %get3A_1486 = tpu.vector_load %arg12[%get3A_1485] {strides = array<i32>} : memref<64xf32, #tpu.memory_space<vmem>>, vector<16xf32>,
      %get3A_1487 = arith.constant 48 : index
      %get3A_1488 = tpu.vector_load %arg13[%get3A_1487] {strides = array<i32>} : memref<64xf32, #tpu.memory_space<vmem>>, vector<16xf32>,
      %sub3A_1489 = arith.subf %get3A_1484, %gather3A_1419 : vector<16xf32>
      %sub3A_1490 = arith.subf %get3A_1486, %gather3A_1422 : vector<16xf32>
      %sub3A_1491 = arith.subf %get3A_1488, %gather3A_1425 : vector<16xf32>
      %mul3A_1492 = arith.mulf %sub3A_1489, %sub3A_1489 : vector<16xf32>
      %mul3A_1493 = arith.mulf %sub3A_1490, %sub3A_1490 : vector<16xf32>
      %add3A_1494 = arith.addf %mul3A_1492, %mul3A_1493 : vector<16xf32>
      %mul3A_1495 = arith.mulf %sub3A_1491, %sub3A_1491 : vector<16xf32>
      %add3A_1496 = arith.addf %add3A_1494, %mul3A_1495 : vector<16xf32>
      %min3A_1497 = arith.minimumf %min3A_1412, %add3A_1496 : vector<16xf32>
      %broadcast_in_dim3A_1498 = vector.shape_cast %and3A_241 : vector<16xi32> to vector<16x1xi32>
      %gather3A_1499 = vector.shape_cast %broadcast_in_dim3A_1498 : vector<16x1xi32> to vector<16xi32>
      %gather3A_1500 = tpu.dynamic_gather %add3A_1496[%gather3A_1499] in [0] : vector<16xf32>, vector<16xi32> -> vector<16xf32>
      %min3A_1501 = arith.minimumf %min3A_1482, %gather3A_1500 : vector<16xf32>
      %broadcast_in_dim3A_1502 = vector.shape_cast %and3A_151 : vector<16xi32> to vector<16x1xi32>
      %gather3A_1503 = vector.shape_cast %broadcast_in_dim3A_1502 : vector<16x1xi32> to vector<16xi32>
      %gather3A_1504 = tpu.dynamic_gather %get3A_475[%gather3A_1503] in [0] : vector<16xf32>, vector<16xi32> -> vector<16xf32>
      %broadcast_in_dim3A_1505 = vector.shape_cast %and3A_151 : vector<16xi32> to vector<16x1xi32>
      %gather3A_1506 = vector.shape_cast %broadcast_in_dim3A_1505 : vector<16x1xi32> to vector<16xi32>
      %gather3A_1507 = tpu.dynamic_gather %get3A_479[%gather3A_1506] in [0] : vector<16xf32>, vector<16xi32> -> vector<16xf32>
      %broadcast_in_dim3A_1508 = vector.shape_cast %and3A_151 : vector<16xi32> to vector<16x1xi32>
      %gather3A_1509 = vector.shape_cast %broadcast_in_dim3A_1508 : vector<16x1xi32> to vector<16xi32>
      %gather3A_1510 = tpu.dynamic_gather %get3A_483[%gather3A_1509] in [0] : vector<16xf32>, vector<16xi32> -> vector<16xf32>
      %get3A_1511 = arith.constant 0 : index
      %get3A_1512 = tpu.vector_load %arg11[%get3A_1511] {strides = array<i32>} : memref<64xf32, #tpu.memory_space<vmem>>, vector<16xf32>,
      %get3A_1513 = arith.constant 0 : index
      %get3A_1514 = tpu.vector_load %arg12[%get3A_1513] {strides = array<i32>} : memref<64xf32, #tpu.memory_space<vmem>>, vector<16xf32>,
      %get3A_1515 = arith.constant 0 : index
      %get3A_1516 = tpu.vector_load %arg13[%get3A_1515] {strides = array<i32>} : memref<64xf32, #tpu.memory_space<vmem>>, vector<16xf32>,
      %sub3A_1517 = arith.subf %get3A_1512, %gather3A_1504 : vector<16xf32>
      %sub3A_1518 = arith.subf %get3A_1514, %gather3A_1507 : vector<16xf32>
      %sub3A_1519 = arith.subf %get3A_1516, %gather3A_1510 : vector<16xf32>
      %mul3A_1520 = arith.mulf %sub3A_1517, %sub3A_1517 : vector<16xf32>
      %mul3A_1521 = arith.mulf %sub3A_1518, %sub3A_1518 : vector<16xf32>
      %add3A_1522 = arith.addf %mul3A_1520, %mul3A_1521 : vector<16xf32>
      %mul3A_1523 = arith.mulf %sub3A_1519, %sub3A_1519 : vector<16xf32>
      %add3A_1524 = arith.addf %add3A_1522, %mul3A_1523 : vector<16xf32>
      %min3A_1525 = arith.minimumf %min3A_1440, %add3A_1524 : vector<16xf32>
      %broadcast_in_dim3A_1526 = vector.shape_cast %and3A_247 : vector<16xi32> to vector<16x1xi32>
      %gather3A_1527 = vector.shape_cast %broadcast_in_dim3A_1526 : vector<16x1xi32> to vector<16xi32>
      %gather3A_1528 = tpu.dynamic_gather %add3A_1524[%gather3A_1527] in [0] : vector<16xf32>, vector<16xi32> -> vector<16xf32>
      %min3A_1529 = arith.minimumf %min3A_1501, %gather3A_1528 : vector<16xf32>
      %get3A_1530 = arith.constant 16 : index
      %get3A_1531 = tpu.vector_load %arg11[%get3A_1530] {strides = array<i32>} : memref<64xf32, #tpu.memory_space<vmem>>, vector<16xf32>,
      %get3A_1532 = arith.constant 16 : index
      %get3A_1533 = tpu.vector_load %arg12[%get3A_1532] {strides = array<i32>} : memref<64xf32, #tpu.memory_space<vmem>>, vector<16xf32>,
      %get3A_1534 = arith.constant 16 : index
      %get3A_1535 = tpu.vector_load %arg13[%get3A_1534] {strides = array<i32>} : memref<64xf32, #tpu.memory_space<vmem>>, vector<16xf32>,
      %sub3A_1536 = arith.subf %get3A_1531, %gather3A_1504 : vector<16xf32>
      %sub3A_1537 = arith.subf %get3A_1533, %gather3A_1507 : vector<16xf32>
      %sub3A_1538 = arith.subf %get3A_1535, %gather3A_1510 : vector<16xf32>
      %mul3A_1539 = arith.mulf %sub3A_1536, %sub3A_1536 : vector<16xf32>
      %mul3A_1540 = arith.mulf %sub3A_1537, %sub3A_1537 : vector<16xf32>
      %add3A_1541 = arith.addf %mul3A_1539, %mul3A_1540 : vector<16xf32>
      %mul3A_1542 = arith.mulf %sub3A_1538, %sub3A_1538 : vector<16xf32>
      %add3A_1543 = arith.addf %add3A_1541, %mul3A_1542 : vector<16xf32>
      %min3A_1544 = arith.minimumf %min3A_1459, %add3A_1543 : vector<16xf32>
      %broadcast_in_dim3A_1545 = vector.shape_cast %and3A_247 : vector<16xi32> to vector<16x1xi32>
      %gather3A_1546 = vector.shape_cast %broadcast_in_dim3A_1545 : vector<16x1xi32> to vector<16xi32>
      %gather3A_1547 = tpu.dynamic_gather %add3A_1543[%gather3A_1546] in [0] : vector<16xf32>, vector<16xi32> -> vector<16xf32>
      %min3A_1548 = arith.minimumf %min3A_1529, %gather3A_1547 : vector<16xf32>
      %get3A_1549 = arith.constant 32 : index
      %get3A_1550 = tpu.vector_load %arg11[%get3A_1549] {strides = array<i32>} : memref<64xf32, #tpu.memory_space<vmem>>, vector<16xf32>,
      %get3A_1551 = arith.constant 32 : index
      %get3A_1552 = tpu.vector_load %arg12[%get3A_1551] {strides = array<i32>} : memref<64xf32, #tpu.memory_space<vmem>>, vector<16xf32>,
      %get3A_1553 = arith.constant 32 : index
      %get3A_1554 = tpu.vector_load %arg13[%get3A_1553] {strides = array<i32>} : memref<64xf32, #tpu.memory_space<vmem>>, vector<16xf32>,
      %sub3A_1555 = arith.subf %get3A_1550, %gather3A_1504 : vector<16xf32>
      %sub3A_1556 = arith.subf %get3A_1552, %gather3A_1507 : vector<16xf32>
      %sub3A_1557 = arith.subf %get3A_1554, %gather3A_1510 : vector<16xf32>
      %mul3A_1558 = arith.mulf %sub3A_1555, %sub3A_1555 : vector<16xf32>
      %mul3A_1559 = arith.mulf %sub3A_1556, %sub3A_1556 : vector<16xf32>
      %add3A_1560 = arith.addf %mul3A_1558, %mul3A_1559 : vector<16xf32>
      %mul3A_1561 = arith.mulf %sub3A_1557, %sub3A_1557 : vector<16xf32>
      %add3A_1562 = arith.addf %add3A_1560, %mul3A_1561 : vector<16xf32>
      %min3A_1563 = arith.minimumf %min3A_1478, %add3A_1562 : vector<16xf32>
      %broadcast_in_dim3A_1564 = vector.shape_cast %and3A_247 : vector<16xi32> to vector<16x1xi32>
      %gather3A_1565 = vector.shape_cast %broadcast_in_dim3A_1564 : vector<16x1xi32> to vector<16xi32>
      %gather3A_1566 = tpu.dynamic_gather %add3A_1562[%gather3A_1565] in [0] : vector<16xf32>, vector<16xi32> -> vector<16xf32>
      %min3A_1567 = arith.minimumf %min3A_1548, %gather3A_1566 : vector<16xf32>
      %get3A_1568 = arith.constant 48 : index
      %get3A_1569 = tpu.vector_load %arg11[%get3A_1568] {strides = array<i32>} : memref<64xf32, #tpu.memory_space<vmem>>, vector<16xf32>,
      %get3A_1570 = arith.constant 48 : index
      %get3A_1571 = tpu.vector_load %arg12[%get3A_1570] {strides = array<i32>} : memref<64xf32, #tpu.memory_space<vmem>>, vector<16xf32>,
      %get3A_1572 = arith.constant 48 : index
      %get3A_1573 = tpu.vector_load %arg13[%get3A_1572] {strides = array<i32>} : memref<64xf32, #tpu.memory_space<vmem>>, vector<16xf32>,
      %sub3A_1574 = arith.subf %get3A_1569, %gather3A_1504 : vector<16xf32>
      %sub3A_1575 = arith.subf %get3A_1571, %gather3A_1507 : vector<16xf32>
      %sub3A_1576 = arith.subf %get3A_1573, %gather3A_1510 : vector<16xf32>
      %mul3A_1577 = arith.mulf %sub3A_1574, %sub3A_1574 : vector<16xf32>
      %mul3A_1578 = arith.mulf %sub3A_1575, %sub3A_1575 : vector<16xf32>
      %add3A_1579 = arith.addf %mul3A_1577, %mul3A_1578 : vector<16xf32>
      %mul3A_1580 = arith.mulf %sub3A_1576, %sub3A_1576 : vector<16xf32>
      %add3A_1581 = arith.addf %add3A_1579, %mul3A_1580 : vector<16xf32>
      %min3A_1582 = arith.minimumf %min3A_1497, %add3A_1581 : vector<16xf32>
      %broadcast_in_dim3A_1583 = vector.shape_cast %and3A_247 : vector<16xi32> to vector<16x1xi32>
      %gather3A_1584 = vector.shape_cast %broadcast_in_dim3A_1583 : vector<16x1xi32> to vector<16xi32>
      %gather3A_1585 = tpu.dynamic_gather %add3A_1581[%gather3A_1584] in [0] : vector<16xf32>, vector<16xi32> -> vector<16xf32>
      %min3A_1586 = arith.minimumf %min3A_1567, %gather3A_1585 : vector<16xf32>
      %broadcast_in_dim3A_1587 = vector.shape_cast %and3A_157 : vector<16xi32> to vector<16x1xi32>
      %gather3A_1588 = vector.shape_cast %broadcast_in_dim3A_1587 : vector<16x1xi32> to vector<16xi32>
      %gather3A_1589 = tpu.dynamic_gather %get3A_475[%gather3A_1588] in [0] : vector<16xf32>, vector<16xi32> -> vector<16xf32>
      %broadcast_in_dim3A_1590 = vector.shape_cast %and3A_157 : vector<16xi32> to vector<16x1xi32>
      %gather3A_1591 = vector.shape_cast %broadcast_in_dim3A_1590 : vector<16x1xi32> to vector<16xi32>
      %gather3A_1592 = tpu.dynamic_gather %get3A_479[%gather3A_1591] in [0] : vector<16xf32>, vector<16xi32> -> vector<16xf32>
      %broadcast_in_dim3A_1593 = vector.shape_cast %and3A_157 : vector<16xi32> to vector<16x1xi32>
      %gather3A_1594 = vector.shape_cast %broadcast_in_dim3A_1593 : vector<16x1xi32> to vector<16xi32>
      %gather3A_1595 = tpu.dynamic_gather %get3A_483[%gather3A_1594] in [0] : vector<16xf32>, vector<16xi32> -> vector<16xf32>
      %get3A_1596 = arith.constant 0 : index
      %get3A_1597 = tpu.vector_load %arg11[%get3A_1596] {strides = array<i32>} : memref<64xf32, #tpu.memory_space<vmem>>, vector<16xf32>,
      %get3A_1598 = arith.constant 0 : index
      %get3A_1599 = tpu.vector_load %arg12[%get3A_1598] {strides = array<i32>} : memref<64xf32, #tpu.memory_space<vmem>>, vector<16xf32>,
      %get3A_1600 = arith.constant 0 : index
      %get3A_1601 = tpu.vector_load %arg13[%get3A_1600] {strides = array<i32>} : memref<64xf32, #tpu.memory_space<vmem>>, vector<16xf32>,
      %sub3A_1602 = arith.subf %get3A_1597, %gather3A_1589 : vector<16xf32>
      %sub3A_1603 = arith.subf %get3A_1599, %gather3A_1592 : vector<16xf32>
      %sub3A_1604 = arith.subf %get3A_1601, %gather3A_1595 : vector<16xf32>
      %mul3A_1605 = arith.mulf %sub3A_1602, %sub3A_1602 : vector<16xf32>
      %mul3A_1606 = arith.mulf %sub3A_1603, %sub3A_1603 : vector<16xf32>
      %add3A_1607 = arith.addf %mul3A_1605, %mul3A_1606 : vector<16xf32>
      %mul3A_1608 = arith.mulf %sub3A_1604, %sub3A_1604 : vector<16xf32>
      %add3A_1609 = arith.addf %add3A_1607, %mul3A_1608 : vector<16xf32>
      %min3A_1610 = arith.minimumf %min3A_1525, %add3A_1609 : vector<16xf32>
      %broadcast_in_dim3A_1611 = vector.shape_cast %and3A_253 : vector<16xi32> to vector<16x1xi32>
      %gather3A_1612 = vector.shape_cast %broadcast_in_dim3A_1611 : vector<16x1xi32> to vector<16xi32>
      %gather3A_1613 = tpu.dynamic_gather %add3A_1609[%gather3A_1612] in [0] : vector<16xf32>, vector<16xi32> -> vector<16xf32>
      %min3A_1614 = arith.minimumf %min3A_1586, %gather3A_1613 : vector<16xf32>
      %get3A_1615 = arith.constant 16 : index
      %get3A_1616 = tpu.vector_load %arg11[%get3A_1615] {strides = array<i32>} : memref<64xf32, #tpu.memory_space<vmem>>, vector<16xf32>,
      %get3A_1617 = arith.constant 16 : index
      %get3A_1618 = tpu.vector_load %arg12[%get3A_1617] {strides = array<i32>} : memref<64xf32, #tpu.memory_space<vmem>>, vector<16xf32>,
      %get3A_1619 = arith.constant 16 : index
      %get3A_1620 = tpu.vector_load %arg13[%get3A_1619] {strides = array<i32>} : memref<64xf32, #tpu.memory_space<vmem>>, vector<16xf32>,
      %sub3A_1621 = arith.subf %get3A_1616, %gather3A_1589 : vector<16xf32>
      %sub3A_1622 = arith.subf %get3A_1618, %gather3A_1592 : vector<16xf32>
      %sub3A_1623 = arith.subf %get3A_1620, %gather3A_1595 : vector<16xf32>
      %mul3A_1624 = arith.mulf %sub3A_1621, %sub3A_1621 : vector<16xf32>
      %mul3A_1625 = arith.mulf %sub3A_1622, %sub3A_1622 : vector<16xf32>
      %add3A_1626 = arith.addf %mul3A_1624, %mul3A_1625 : vector<16xf32>
      %mul3A_1627 = arith.mulf %sub3A_1623, %sub3A_1623 : vector<16xf32>
      %add3A_1628 = arith.addf %add3A_1626, %mul3A_1627 : vector<16xf32>
      %min3A_1629 = arith.minimumf %min3A_1544, %add3A_1628 : vector<16xf32>
      %broadcast_in_dim3A_1630 = vector.shape_cast %and3A_253 : vector<16xi32> to vector<16x1xi32>
      %gather3A_1631 = vector.shape_cast %broadcast_in_dim3A_1630 : vector<16x1xi32> to vector<16xi32>
      %gather3A_1632 = tpu.dynamic_gather %add3A_1628[%gather3A_1631] in [0] : vector<16xf32>, vector<16xi32> -> vector<16xf32>
      %min3A_1633 = arith.minimumf %min3A_1614, %gather3A_1632 : vector<16xf32>
      %get3A_1634 = arith.constant 32 : index
      %get3A_1635 = tpu.vector_load %arg11[%get3A_1634] {strides = array<i32>} : memref<64xf32, #tpu.memory_space<vmem>>, vector<16xf32>,
      %get3A_1636 = arith.constant 32 : index
      %get3A_1637 = tpu.vector_load %arg12[%get3A_1636] {strides = array<i32>} : memref<64xf32, #tpu.memory_space<vmem>>, vector<16xf32>,
      %get3A_1638 = arith.constant 32 : index
      %get3A_1639 = tpu.vector_load %arg13[%get3A_1638] {strides = array<i32>} : memref<64xf32, #tpu.memory_space<vmem>>, vector<16xf32>,
      %sub3A_1640 = arith.subf %get3A_1635, %gather3A_1589 : vector<16xf32>
      %sub3A_1641 = arith.subf %get3A_1637, %gather3A_1592 : vector<16xf32>
      %sub3A_1642 = arith.subf %get3A_1639, %gather3A_1595 : vector<16xf32>
      %mul3A_1643 = arith.mulf %sub3A_1640, %sub3A_1640 : vector<16xf32>
      %mul3A_1644 = arith.mulf %sub3A_1641, %sub3A_1641 : vector<16xf32>
      %add3A_1645 = arith.addf %mul3A_1643, %mul3A_1644 : vector<16xf32>
      %mul3A_1646 = arith.mulf %sub3A_1642, %sub3A_1642 : vector<16xf32>
      %add3A_1647 = arith.addf %add3A_1645, %mul3A_1646 : vector<16xf32>
      %min3A_1648 = arith.minimumf %min3A_1563, %add3A_1647 : vector<16xf32>
      %broadcast_in_dim3A_1649 = vector.shape_cast %and3A_253 : vector<16xi32> to vector<16x1xi32>
      %gather3A_1650 = vector.shape_cast %broadcast_in_dim3A_1649 : vector<16x1xi32> to vector<16xi32>
      %gather3A_1651 = tpu.dynamic_gather %add3A_1647[%gather3A_1650] in [0] : vector<16xf32>, vector<16xi32> -> vector<16xf32>
      %min3A_1652 = arith.minimumf %min3A_1633, %gather3A_1651 : vector<16xf32>
      %get3A_1653 = arith.constant 48 : index
      %get3A_1654 = tpu.vector_load %arg11[%get3A_1653] {strides = array<i32>} : memref<64xf32, #tpu.memory_space<vmem>>, vector<16xf32>,
      %get3A_1655 = arith.constant 48 : index
      %get3A_1656 = tpu.vector_load %arg12[%get3A_1655] {strides = array<i32>} : memref<64xf32, #tpu.memory_space<vmem>>, vector<16xf32>,
      %get3A_1657 = arith.constant 48 : index
      %get3A_1658 = tpu.vector_load %arg13[%get3A_1657] {strides = array<i32>} : memref<64xf32, #tpu.memory_space<vmem>>, vector<16xf32>,
      %sub3A_1659 = arith.subf %get3A_1654, %gather3A_1589 : vector<16xf32>
      %sub3A_1660 = arith.subf %get3A_1656, %gather3A_1592 : vector<16xf32>
      %sub3A_1661 = arith.subf %get3A_1658, %gather3A_1595 : vector<16xf32>
      %mul3A_1662 = arith.mulf %sub3A_1659, %sub3A_1659 : vector<16xf32>
      %mul3A_1663 = arith.mulf %sub3A_1660, %sub3A_1660 : vector<16xf32>
      %add3A_1664 = arith.addf %mul3A_1662, %mul3A_1663 : vector<16xf32>
      %mul3A_1665 = arith.mulf %sub3A_1661, %sub3A_1661 : vector<16xf32>
      %add3A_1666 = arith.addf %add3A_1664, %mul3A_1665 : vector<16xf32>
      %min3A_1667 = arith.minimumf %min3A_1582, %add3A_1666 : vector<16xf32>
      %broadcast_in_dim3A_1668 = vector.shape_cast %and3A_253 : vector<16xi32> to vector<16x1xi32>
      %gather3A_1669 = vector.shape_cast %broadcast_in_dim3A_1668 : vector<16x1xi32> to vector<16xi32>
      %gather3A_1670 = tpu.dynamic_gather %add3A_1666[%gather3A_1669] in [0] : vector<16xf32>, vector<16xi32> -> vector<16xf32>
      %min3A_1671 = arith.minimumf %min3A_1652, %gather3A_1670 : vector<16xf32>
      %broadcast_in_dim3A_1672 = vector.shape_cast %and3A_163 : vector<16xi32> to vector<16x1xi32>
      %gather3A_1673 = vector.shape_cast %broadcast_in_dim3A_1672 : vector<16x1xi32> to vector<16xi32>
      %gather3A_1674 = tpu.dynamic_gather %get3A_475[%gather3A_1673] in [0] : vector<16xf32>, vector<16xi32> -> vector<16xf32>
      %broadcast_in_dim3A_1675 = vector.shape_cast %and3A_163 : vector<16xi32> to vector<16x1xi32>
      %gather3A_1676 = vector.shape_cast %broadcast_in_dim3A_1675 : vector<16x1xi32> to vector<16xi32>
      %gather3A_1677 = tpu.dynamic_gather %get3A_479[%gather3A_1676] in [0] : vector<16xf32>, vector<16xi32> -> vector<16xf32>
      %broadcast_in_dim3A_1678 = vector.shape_cast %and3A_163 : vector<16xi32> to vector<16x1xi32>
      %gather3A_1679 = vector.shape_cast %broadcast_in_dim3A_1678 : vector<16x1xi32> to vector<16xi32>
      %gather3A_1680 = tpu.dynamic_gather %get3A_483[%gather3A_1679] in [0] : vector<16xf32>, vector<16xi32> -> vector<16xf32>
      %get3A_1681 = arith.constant 0 : index
      %get3A_1682 = tpu.vector_load %arg11[%get3A_1681] {strides = array<i32>} : memref<64xf32, #tpu.memory_space<vmem>>, vector<16xf32>,
      %get3A_1683 = arith.constant 0 : index
      %get3A_1684 = tpu.vector_load %arg12[%get3A_1683] {strides = array<i32>} : memref<64xf32, #tpu.memory_space<vmem>>, vector<16xf32>,
      %get3A_1685 = arith.constant 0 : index
      %get3A_1686 = tpu.vector_load %arg13[%get3A_1685] {strides = array<i32>} : memref<64xf32, #tpu.memory_space<vmem>>, vector<16xf32>,
      %sub3A_1687 = arith.subf %get3A_1682, %gather3A_1674 : vector<16xf32>
      %sub3A_1688 = arith.subf %get3A_1684, %gather3A_1677 : vector<16xf32>
      %sub3A_1689 = arith.subf %get3A_1686, %gather3A_1680 : vector<16xf32>
      %mul3A_1690 = arith.mulf %sub3A_1687, %sub3A_1687 : vector<16xf32>
      %mul3A_1691 = arith.mulf %sub3A_1688, %sub3A_1688 : vector<16xf32>
      %add3A_1692 = arith.addf %mul3A_1690, %mul3A_1691 : vector<16xf32>
      %mul3A_1693 = arith.mulf %sub3A_1689, %sub3A_1689 : vector<16xf32>
      %add3A_1694 = arith.addf %add3A_1692, %mul3A_1693 : vector<16xf32>
      %min3A_1695 = arith.minimumf %min3A_1610, %add3A_1694 : vector<16xf32>
      %broadcast_in_dim3A_1696 = vector.shape_cast %and3A_259 : vector<16xi32> to vector<16x1xi32>
      %gather3A_1697 = vector.shape_cast %broadcast_in_dim3A_1696 : vector<16x1xi32> to vector<16xi32>
      %gather3A_1698 = tpu.dynamic_gather %add3A_1694[%gather3A_1697] in [0] : vector<16xf32>, vector<16xi32> -> vector<16xf32>
      %min3A_1699 = arith.minimumf %min3A_1671, %gather3A_1698 : vector<16xf32>
      %get3A_1700 = arith.constant 16 : index
      %get3A_1701 = tpu.vector_load %arg11[%get3A_1700] {strides = array<i32>} : memref<64xf32, #tpu.memory_space<vmem>>, vector<16xf32>,
      %get3A_1702 = arith.constant 16 : index
      %get3A_1703 = tpu.vector_load %arg12[%get3A_1702] {strides = array<i32>} : memref<64xf32, #tpu.memory_space<vmem>>, vector<16xf32>,
      %get3A_1704 = arith.constant 16 : index
      %get3A_1705 = tpu.vector_load %arg13[%get3A_1704] {strides = array<i32>} : memref<64xf32, #tpu.memory_space<vmem>>, vector<16xf32>,
      %sub3A_1706 = arith.subf %get3A_1701, %gather3A_1674 : vector<16xf32>
      %sub3A_1707 = arith.subf %get3A_1703, %gather3A_1677 : vector<16xf32>
      %sub3A_1708 = arith.subf %get3A_1705, %gather3A_1680 : vector<16xf32>
      %mul3A_1709 = arith.mulf %sub3A_1706, %sub3A_1706 : vector<16xf32>
      %mul3A_1710 = arith.mulf %sub3A_1707, %sub3A_1707 : vector<16xf32>
      %add3A_1711 = arith.addf %mul3A_1709, %mul3A_1710 : vector<16xf32>
      %mul3A_1712 = arith.mulf %sub3A_1708, %sub3A_1708 : vector<16xf32>
      %add3A_1713 = arith.addf %add3A_1711, %mul3A_1712 : vector<16xf32>
      %min3A_1714 = arith.minimumf %min3A_1629, %add3A_1713 : vector<16xf32>
      %broadcast_in_dim3A_1715 = vector.shape_cast %and3A_259 : vector<16xi32> to vector<16x1xi32>
      %gather3A_1716 = vector.shape_cast %broadcast_in_dim3A_1715 : vector<16x1xi32> to vector<16xi32>
      %gather3A_1717 = tpu.dynamic_gather %add3A_1713[%gather3A_1716] in [0] : vector<16xf32>, vector<16xi32> -> vector<16xf32>
      %min3A_1718 = arith.minimumf %min3A_1699, %gather3A_1717 : vector<16xf32>
      %get3A_1719 = arith.constant 32 : index
      %get3A_1720 = tpu.vector_load %arg11[%get3A_1719] {strides = array<i32>} : memref<64xf32, #tpu.memory_space<vmem>>, vector<16xf32>,
      %get3A_1721 = arith.constant 32 : index
      %get3A_1722 = tpu.vector_load %arg12[%get3A_1721] {strides = array<i32>} : memref<64xf32, #tpu.memory_space<vmem>>, vector<16xf32>,
      %get3A_1723 = arith.constant 32 : index
      %get3A_1724 = tpu.vector_load %arg13[%get3A_1723] {strides = array<i32>} : memref<64xf32, #tpu.memory_space<vmem>>, vector<16xf32>,
      %sub3A_1725 = arith.subf %get3A_1720, %gather3A_1674 : vector<16xf32>
      %sub3A_1726 = arith.subf %get3A_1722, %gather3A_1677 : vector<16xf32>
      %sub3A_1727 = arith.subf %get3A_1724, %gather3A_1680 : vector<16xf32>
      %mul3A_1728 = arith.mulf %sub3A_1725, %sub3A_1725 : vector<16xf32>
      %mul3A_1729 = arith.mulf %sub3A_1726, %sub3A_1726 : vector<16xf32>
      %add3A_1730 = arith.addf %mul3A_1728, %mul3A_1729 : vector<16xf32>
      %mul3A_1731 = arith.mulf %sub3A_1727, %sub3A_1727 : vector<16xf32>
      %add3A_1732 = arith.addf %add3A_1730, %mul3A_1731 : vector<16xf32>
      %min3A_1733 = arith.minimumf %min3A_1648, %add3A_1732 : vector<16xf32>
      %broadcast_in_dim3A_1734 = vector.shape_cast %and3A_259 : vector<16xi32> to vector<16x1xi32>
      %gather3A_1735 = vector.shape_cast %broadcast_in_dim3A_1734 : vector<16x1xi32> to vector<16xi32>
      %gather3A_1736 = tpu.dynamic_gather %add3A_1732[%gather3A_1735] in [0] : vector<16xf32>, vector<16xi32> -> vector<16xf32>
      %min3A_1737 = arith.minimumf %min3A_1718, %gather3A_1736 : vector<16xf32>
      %get3A_1738 = arith.constant 48 : index
      %get3A_1739 = tpu.vector_load %arg11[%get3A_1738] {strides = array<i32>} : memref<64xf32, #tpu.memory_space<vmem>>, vector<16xf32>,
      %get3A_1740 = arith.constant 48 : index
      %get3A_1741 = tpu.vector_load %arg12[%get3A_1740] {strides = array<i32>} : memref<64xf32, #tpu.memory_space<vmem>>, vector<16xf32>,
      %get3A_1742 = arith.constant 48 : index
      %get3A_1743 = tpu.vector_load %arg13[%get3A_1742] {strides = array<i32>} : memref<64xf32, #tpu.memory_space<vmem>>, vector<16xf32>,
      %sub3A_1744 = arith.subf %get3A_1739, %gather3A_1674 : vector<16xf32>
      %sub3A_1745 = arith.subf %get3A_1741, %gather3A_1677 : vector<16xf32>
      %sub3A_1746 = arith.subf %get3A_1743, %gather3A_1680 : vector<16xf32>
      %mul3A_1747 = arith.mulf %sub3A_1744, %sub3A_1744 : vector<16xf32>
      %mul3A_1748 = arith.mulf %sub3A_1745, %sub3A_1745 : vector<16xf32>
      %add3A_1749 = arith.addf %mul3A_1747, %mul3A_1748 : vector<16xf32>
      %mul3A_1750 = arith.mulf %sub3A_1746, %sub3A_1746 : vector<16xf32>
      %add3A_1751 = arith.addf %add3A_1749, %mul3A_1750 : vector<16xf32>
      %min3A_1752 = arith.minimumf %min3A_1667, %add3A_1751 : vector<16xf32>
      %broadcast_in_dim3A_1753 = vector.shape_cast %and3A_259 : vector<16xi32> to vector<16x1xi32>
      %gather3A_1754 = vector.shape_cast %broadcast_in_dim3A_1753 : vector<16x1xi32> to vector<16xi32>
      %gather3A_1755 = tpu.dynamic_gather %add3A_1751[%gather3A_1754] in [0] : vector<16xf32>, vector<16xi32> -> vector<16xf32>
      %min3A_1756 = arith.minimumf %min3A_1737, %gather3A_1755 : vector<16xf32>
      %broadcast_in_dim3A_1757 = vector.shape_cast %and3A_169 : vector<16xi32> to vector<16x1xi32>
      %gather3A_1758 = vector.shape_cast %broadcast_in_dim3A_1757 : vector<16x1xi32> to vector<16xi32>
      %gather3A_1759 = tpu.dynamic_gather %get3A_475[%gather3A_1758] in [0] : vector<16xf32>, vector<16xi32> -> vector<16xf32>
      %broadcast_in_dim3A_1760 = vector.shape_cast %and3A_169 : vector<16xi32> to vector<16x1xi32>
      %gather3A_1761 = vector.shape_cast %broadcast_in_dim3A_1760 : vector<16x1xi32> to vector<16xi32>
      %gather3A_1762 = tpu.dynamic_gather %get3A_479[%gather3A_1761] in [0] : vector<16xf32>, vector<16xi32> -> vector<16xf32>
      %broadcast_in_dim3A_1763 = vector.shape_cast %and3A_169 : vector<16xi32> to vector<16x1xi32>
      %gather3A_1764 = vector.shape_cast %broadcast_in_dim3A_1763 : vector<16x1xi32> to vector<16xi32>
      %gather3A_1765 = tpu.dynamic_gather %get3A_483[%gather3A_1764] in [0] : vector<16xf32>, vector<16xi32> -> vector<16xf32>
      %get3A_1766 = arith.constant 0 : index
      %get3A_1767 = tpu.vector_load %arg11[%get3A_1766] {strides = array<i32>} : memref<64xf32, #tpu.memory_space<vmem>>, vector<16xf32>,
      %get3A_1768 = arith.constant 0 : index
      %get3A_1769 = tpu.vector_load %arg12[%get3A_1768] {strides = array<i32>} : memref<64xf32, #tpu.memory_space<vmem>>, vector<16xf32>,
      %get3A_1770 = arith.constant 0 : index
      %get3A_1771 = tpu.vector_load %arg13[%get3A_1770] {strides = array<i32>} : memref<64xf32, #tpu.memory_space<vmem>>, vector<16xf32>,
      %sub3A_1772 = arith.subf %get3A_1767, %gather3A_1759 : vector<16xf32>
      %sub3A_1773 = arith.subf %get3A_1769, %gather3A_1762 : vector<16xf32>
      %sub3A_1774 = arith.subf %get3A_1771, %gather3A_1765 : vector<16xf32>
      %mul3A_1775 = arith.mulf %sub3A_1772, %sub3A_1772 : vector<16xf32>
      %mul3A_1776 = arith.mulf %sub3A_1773, %sub3A_1773 : vector<16xf32>
      %add3A_1777 = arith.addf %mul3A_1775, %mul3A_1776 : vector<16xf32>
      %mul3A_1778 = arith.mulf %sub3A_1774, %sub3A_1774 : vector<16xf32>
      %add3A_1779 = arith.addf %add3A_1777, %mul3A_1778 : vector<16xf32>
      %min3A_1780 = arith.minimumf %min3A_1695, %add3A_1779 : vector<16xf32>
      %broadcast_in_dim3A_1781 = vector.shape_cast %and3A_265 : vector<16xi32> to vector<16x1xi32>
      %gather3A_1782 = vector.shape_cast %broadcast_in_dim3A_1781 : vector<16x1xi32> to vector<16xi32>
      %gather3A_1783 = tpu.dynamic_gather %add3A_1779[%gather3A_1782] in [0] : vector<16xf32>, vector<16xi32> -> vector<16xf32>
      %min3A_1784 = arith.minimumf %min3A_1756, %gather3A_1783 : vector<16xf32>
      %get3A_1785 = arith.constant 16 : index
      %get3A_1786 = tpu.vector_load %arg11[%get3A_1785] {strides = array<i32>} : memref<64xf32, #tpu.memory_space<vmem>>, vector<16xf32>,
      %get3A_1787 = arith.constant 16 : index
      %get3A_1788 = tpu.vector_load %arg12[%get3A_1787] {strides = array<i32>} : memref<64xf32, #tpu.memory_space<vmem>>, vector<16xf32>,
      %get3A_1789 = arith.constant 16 : index
      %get3A_1790 = tpu.vector_load %arg13[%get3A_1789] {strides = array<i32>} : memref<64xf32, #tpu.memory_space<vmem>>, vector<16xf32>,
      %sub3A_1791 = arith.subf %get3A_1786, %gather3A_1759 : vector<16xf32>
      %sub3A_1792 = arith.subf %get3A_1788, %gather3A_1762 : vector<16xf32>
      %sub3A_1793 = arith.subf %get3A_1790, %gather3A_1765 : vector<16xf32>
      %mul3A_1794 = arith.mulf %sub3A_1791, %sub3A_1791 : vector<16xf32>
      %mul3A_1795 = arith.mulf %sub3A_1792, %sub3A_1792 : vector<16xf32>
      %add3A_1796 = arith.addf %mul3A_1794, %mul3A_1795 : vector<16xf32>
      %mul3A_1797 = arith.mulf %sub3A_1793, %sub3A_1793 : vector<16xf32>
      %add3A_1798 = arith.addf %add3A_1796, %mul3A_1797 : vector<16xf32>
      %min3A_1799 = arith.minimumf %min3A_1714, %add3A_1798 : vector<16xf32>
      %broadcast_in_dim3A_1800 = vector.shape_cast %and3A_265 : vector<16xi32> to vector<16x1xi32>
      %gather3A_1801 = vector.shape_cast %broadcast_in_dim3A_1800 : vector<16x1xi32> to vector<16xi32>
      %gather3A_1802 = tpu.dynamic_gather %add3A_1798[%gather3A_1801] in [0] : vector<16xf32>, vector<16xi32> -> vector<16xf32>
      %min3A_1803 = arith.minimumf %min3A_1784, %gather3A_1802 : vector<16xf32>
      %get3A_1804 = arith.constant 32 : index
      %get3A_1805 = tpu.vector_load %arg11[%get3A_1804] {strides = array<i32>} : memref<64xf32, #tpu.memory_space<vmem>>, vector<16xf32>,
      %get3A_1806 = arith.constant 32 : index
      %get3A_1807 = tpu.vector_load %arg12[%get3A_1806] {strides = array<i32>} : memref<64xf32, #tpu.memory_space<vmem>>, vector<16xf32>,
      %get3A_1808 = arith.constant 32 : index
      %get3A_1809 = tpu.vector_load %arg13[%get3A_1808] {strides = array<i32>} : memref<64xf32, #tpu.memory_space<vmem>>, vector<16xf32>,
      %sub3A_1810 = arith.subf %get3A_1805, %gather3A_1759 : vector<16xf32>
      %sub3A_1811 = arith.subf %get3A_1807, %gather3A_1762 : vector<16xf32>
      %sub3A_1812 = arith.subf %get3A_1809, %gather3A_1765 : vector<16xf32>
      %mul3A_1813 = arith.mulf %sub3A_1810, %sub3A_1810 : vector<16xf32>
      %mul3A_1814 = arith.mulf %sub3A_1811, %sub3A_1811 : vector<16xf32>
      %add3A_1815 = arith.addf %mul3A_1813, %mul3A_1814 : vector<16xf32>
      %mul3A_1816 = arith.mulf %sub3A_1812, %sub3A_1812 : vector<16xf32>
      %add3A_1817 = arith.addf %add3A_1815, %mul3A_1816 : vector<16xf32>
      %min3A_1818 = arith.minimumf %min3A_1733, %add3A_1817 : vector<16xf32>
      %broadcast_in_dim3A_1819 = vector.shape_cast %and3A_265 : vector<16xi32> to vector<16x1xi32>
      %gather3A_1820 = vector.shape_cast %broadcast_in_dim3A_1819 : vector<16x1xi32> to vector<16xi32>
      %gather3A_1821 = tpu.dynamic_gather %add3A_1817[%gather3A_1820] in [0] : vector<16xf32>, vector<16xi32> -> vector<16xf32>
      %min3A_1822 = arith.minimumf %min3A_1803, %gather3A_1821 : vector<16xf32>
      %get3A_1823 = arith.constant 48 : index
      %get3A_1824 = tpu.vector_load %arg11[%get3A_1823] {strides = array<i32>} : memref<64xf32, #tpu.memory_space<vmem>>, vector<16xf32>,
      %get3A_1825 = arith.constant 48 : index
      %get3A_1826 = tpu.vector_load %arg12[%get3A_1825] {strides = array<i32>} : memref<64xf32, #tpu.memory_space<vmem>>, vector<16xf32>,
      %get3A_1827 = arith.constant 48 : index
      %get3A_1828 = tpu.vector_load %arg13[%get3A_1827] {strides = array<i32>} : memref<64xf32, #tpu.memory_space<vmem>>, vector<16xf32>,
      %sub3A_1829 = arith.subf %get3A_1824, %gather3A_1759 : vector<16xf32>
      %sub3A_1830 = arith.subf %get3A_1826, %gather3A_1762 : vector<16xf32>
      %sub3A_1831 = arith.subf %get3A_1828, %gather3A_1765 : vector<16xf32>
      %mul3A_1832 = arith.mulf %sub3A_1829, %sub3A_1829 : vector<16xf32>
      %mul3A_1833 = arith.mulf %sub3A_1830, %sub3A_1830 : vector<16xf32>
      %add3A_1834 = arith.addf %mul3A_1832, %mul3A_1833 : vector<16xf32>
      %mul3A_1835 = arith.mulf %sub3A_1831, %sub3A_1831 : vector<16xf32>
      %add3A_1836 = arith.addf %add3A_1834, %mul3A_1835 : vector<16xf32>
      %min3A_1837 = arith.minimumf %min3A_1752, %add3A_1836 : vector<16xf32>
      %broadcast_in_dim3A_1838 = vector.shape_cast %and3A_265 : vector<16xi32> to vector<16x1xi32>
      %gather3A_1839 = vector.shape_cast %broadcast_in_dim3A_1838 : vector<16x1xi32> to vector<16xi32>
      %gather3A_1840 = tpu.dynamic_gather %add3A_1836[%gather3A_1839] in [0] : vector<16xf32>, vector<16xi32> -> vector<16xf32>
      %min3A_1841 = arith.minimumf %min3A_1822, %gather3A_1840 : vector<16xf32>
      %mul3A_1842 = arith.constant 16 : i32
      %mul3A_1843 = arith.muli %scan3A_468, %mul3A_1842 : i32
      %swap3A_1844 = arith.index_cast %mul3A_1843 : i32 to index
      %swap3A_1845 = tpu.vector_load %arg17[%swap3A_1844] {strides = array<i32>} : memref<1024xf32, #tpu.memory_space<vmem>>, vector<16xf32>,
      tpu.vector_store %arg17[%swap3A_1844], %min3A_1841 {strides = array<i32>} : memref<1024xf32, #tpu.memory_space<vmem>>, vector<16xf32>,
      scf.yield %min3A_1780, %min3A_1799, %min3A_1818, %min3A_1837 : vector<16xf32>, vector<16xf32>, vector<16xf32>, vector<16xf32>
    }
    %scan3A_271 = arith.constant 64 : i32
    %broadcast_in_dim3A_272 = arith.constant 0.000000e+00 : f32
    %broadcast_in_dim3A_273 = vector.broadcast %broadcast_in_dim3A_272 : f32 to vector<16xf32>
    %add3A_274 = arith.addf %broadcast_in_dim3A_273, %scan3A_270#0 : vector<16xf32>
    %add3A_275 = arith.addf %add3A_274, %scan3A_270#1 : vector<16xf32>
    %add3A_276 = arith.addf %add3A_275, %scan3A_270#2 : vector<16xf32>
    %add3A_277 = arith.addf %add3A_276, %scan3A_270#3 : vector<16xf32>
    "tpu.region"() ({
      %run_scoped3A = tpu.sem_alloc : memref<!tpu.dma_semaphore, #tpu.memory_space<semaphore_mem>>
      %dma_start3A = arith.constant 0 : i32
      %dma_start3A_468 = tpu.memref_slice %arg20[%arg1, %dma_start3A] : memref<16x1024xf32, #tpu.memory_space<vmem_shared>> -> memref<1x1024xf32, #tpu.memory_space<vmem_shared>>
      %dma_start3A_469 = tpu.memref_squeeze %dma_start3A_468 : memref<1x1024xf32, #tpu.memory_space<vmem_shared>> -> memref<1024xf32, #tpu.memory_space<vmem_shared>>
      %dma_start3A_470 = arith.constant 0 : i32
      %dma_start3A_471 = tpu.memref_slice %arg20[%arg1, %dma_start3A_470] : memref<16x1024xf32, #tpu.memory_space<vmem_shared>> -> memref<1x1024xf32, #tpu.memory_space<vmem_shared>>
      %dma_start3A_472 = tpu.memref_squeeze %dma_start3A_471 : memref<1x1024xf32, #tpu.memory_space<vmem_shared>> -> memref<1024xf32, #tpu.memory_space<vmem_shared>>
      tpu.enqueue_dma source(%arg17 : memref<1024xf32, #tpu.memory_space<vmem>>) target(%dma_start3A_472 : memref<1024xf32, #tpu.memory_space<vmem_shared>>) target_semaphore(%run_scoped3A : memref<!tpu.dma_semaphore, #tpu.memory_space<semaphore_mem>>)
      %dma_wait3A = arith.constant 0 : i32
      %dma_wait3A_473 = tpu.memref_slice %arg20[%arg1, %dma_wait3A] : memref<16x1024xf32, #tpu.memory_space<vmem_shared>> -> memref<1x1024xf32, #tpu.memory_space<vmem_shared>>
      %dma_wait3A_474 = tpu.memref_squeeze %dma_wait3A_473 : memref<1x1024xf32, #tpu.memory_space<vmem_shared>> -> memref<1024xf32, #tpu.memory_space<vmem_shared>>
      %dma_wait3A_475 = arith.constant 0 : i32
      %dma_wait3A_476 = tpu.memref_slice %arg20[%arg1, %dma_wait3A_475] : memref<16x1024xf32, #tpu.memory_space<vmem_shared>> -> memref<1x1024xf32, #tpu.memory_space<vmem_shared>>
      %dma_wait3A_477 = tpu.memref_squeeze %dma_wait3A_476 : memref<1x1024xf32, #tpu.memory_space<vmem_shared>> -> memref<1024xf32, #tpu.memory_space<vmem_shared>>
      tpu.wait_dma2 semaphore(%run_scoped3A : memref<!tpu.dma_semaphore, #tpu.memory_space<semaphore_mem>>) src(%arg17 : memref<1024xf32, #tpu.memory_space<vmem>>) dst(%dma_wait3A_477 : memref<1024xf32, #tpu.memory_space<vmem_shared>>)
      tpu.yield
    }) : () -> ()
    %barrier3A = arith.constant 0 : index
    tpu.barrier barrier_id(%barrier3A)
    %mul3A_278 = arith.constant 6.10351563E-5 : f32
    %mul3A_279 = vector.broadcast %mul3A_278 : f32 to vector<16xf32>
    %mul3A_280 = arith.mulf %add3A_277, %mul3A_279 : vector<16xf32>
    %mul3A_281 = arith.constant 2.03450527E-5 : f32
    %mul3A_282 = vector.broadcast %mul3A_281 : f32 to vector<16xf32>
    %mul3A_283 = arith.mulf %scan3A_70, %mul3A_282 : vector<16xf32>
    %add3A_284 = arith.addf %mul3A_280, %mul3A_283 : vector<16xf32>
    %mul3A_285 = arith.constant 16 : i32
    %mul3A_286 = arith.muli %select_n3A, %mul3A_285 : i32
    %add3A_287 = arith.constant 1 : i32
    %add3A_288 = arith.addi %mul3A_286, %add3A_287 : i32
    "tpu.region"() ({
      %run_scoped3A = tpu.sem_alloc : memref<!tpu.dma_semaphore, #tpu.memory_space<semaphore_mem>>
      %dma_start3A = arith.constant 0 : i32
      %dma_start3A_468 = tpu.memref_slice %arg20[%add3A_288, %dma_start3A] : memref<16x1024xf32, #tpu.memory_space<vmem_shared>> -> memref<1x1024xf32, #tpu.memory_space<vmem_shared>>
      %dma_start3A_469 = tpu.memref_squeeze %dma_start3A_468 : memref<1x1024xf32, #tpu.memory_space<vmem_shared>> -> memref<1024xf32, #tpu.memory_space<vmem_shared>>
      %dma_start3A_470 = arith.constant 0 : i32
      %dma_start3A_471 = tpu.memref_slice %arg20[%add3A_288, %dma_start3A_470] : memref<16x1024xf32, #tpu.memory_space<vmem_shared>> -> memref<1x1024xf32, #tpu.memory_space<vmem_shared>>
      %dma_start3A_472 = tpu.memref_squeeze %dma_start3A_471 : memref<1x1024xf32, #tpu.memory_space<vmem_shared>> -> memref<1024xf32, #tpu.memory_space<vmem_shared>>
      tpu.enqueue_dma source(%dma_start3A_472 : memref<1024xf32, #tpu.memory_space<vmem_shared>>) target(%arg18 : memref<1024xf32, #tpu.memory_space<vmem>>) target_semaphore(%run_scoped3A : memref<!tpu.dma_semaphore, #tpu.memory_space<semaphore_mem>>)
      %dma_wait3A = arith.constant 0 : i32
      %dma_wait3A_473 = tpu.memref_slice %arg20[%add3A_288, %dma_wait3A] : memref<16x1024xf32, #tpu.memory_space<vmem_shared>> -> memref<1x1024xf32, #tpu.memory_space<vmem_shared>>
      %dma_wait3A_474 = tpu.memref_squeeze %dma_wait3A_473 : memref<1x1024xf32, #tpu.memory_space<vmem_shared>> -> memref<1024xf32, #tpu.memory_space<vmem_shared>>
      %dma_wait3A_475 = arith.constant 0 : i32
      %dma_wait3A_476 = tpu.memref_slice %arg20[%add3A_288, %dma_wait3A_475] : memref<16x1024xf32, #tpu.memory_space<vmem_shared>> -> memref<1x1024xf32, #tpu.memory_space<vmem_shared>>
      %dma_wait3A_477 = tpu.memref_squeeze %dma_wait3A_476 : memref<1x1024xf32, #tpu.memory_space<vmem_shared>> -> memref<1024xf32, #tpu.memory_space<vmem_shared>>
      tpu.wait_dma2 semaphore(%run_scoped3A : memref<!tpu.dma_semaphore, #tpu.memory_space<semaphore_mem>>) src(%dma_wait3A_477 : memref<1024xf32, #tpu.memory_space<vmem_shared>>) dst(%arg18 : memref<1024xf32, #tpu.memory_space<vmem>>)
      tpu.yield
    }) : () -> ()
    %scan3A_289 = arith.constant 0 : i32
    %scan3A_290 = arith.constant 0 : i32
    %scan3A_291 = arith.constant 64 : i32
    %scan3A_292 = arith.addi %scan3A_290, %scan3A_291 : i32
    %scan3A_293 = arith.constant 1 : i32
    %scan3A_294 = scf.for %scan3A_468 = %scan3A_290 to %scan3A_292 step %scan3A_293 iter_args(%scan3A_469 = %scan3A_289) -> (i32)  : i32 {
      %mul3A_470 = arith.constant 16 : i32
      %mul3A_471 = arith.muli %scan3A_468, %mul3A_470 : i32
      %get3A = arith.index_cast %mul3A_471 : i32 to index
      %get3A_472 = tpu.vector_load %arg17[%get3A] {strides = array<i32>} : memref<1024xf32, #tpu.memory_space<vmem>>, vector<16xf32>,
      %mul3A_473 = arith.constant 16 : i32
      %mul3A_474 = arith.muli %scan3A_468, %mul3A_473 : i32
      %get3A_475 = arith.index_cast %mul3A_474 : i32 to index
      %get3A_476 = tpu.vector_load %arg18[%get3A_475] {strides = array<i32>} : memref<1024xf32, #tpu.memory_space<vmem>>, vector<16xf32>,
      %min3A = arith.minimumf %get3A_472, %get3A_476 : vector<16xf32>
      %mul3A_477 = arith.constant 16 : i32
      %mul3A_478 = arith.muli %scan3A_468, %mul3A_477 : i32
      %swap3A_479 = arith.index_cast %mul3A_478 : i32 to index
      %swap3A_480 = tpu.vector_load %arg17[%swap3A_479] {strides = array<i32>} : memref<1024xf32, #tpu.memory_space<vmem>>, vector<16xf32>,
      tpu.vector_store %arg17[%swap3A_479], %min3A {strides = array<i32>} : memref<1024xf32, #tpu.memory_space<vmem>>, vector<16xf32>,
      %scan3A_481 = arith.constant 0 : i32
      scf.yield %scan3A_481 : i32
    }
    %scan3A_295 = arith.constant 64 : i32
    %mul3A_296 = arith.constant 16 : i32
    %mul3A_297 = arith.muli %select_n3A, %mul3A_296 : i32
    %add3A_298 = arith.constant 2 : i32
    %add3A_299 = arith.addi %mul3A_297, %add3A_298 : i32
    "tpu.region"() ({
      %run_scoped3A = tpu.sem_alloc : memref<!tpu.dma_semaphore, #tpu.memory_space<semaphore_mem>>
      %dma_start3A = arith.constant 0 : i32
      %dma_start3A_468 = tpu.memref_slice %arg20[%add3A_299, %dma_start3A] : memref<16x1024xf32, #tpu.memory_space<vmem_shared>> -> memref<1x1024xf32, #tpu.memory_space<vmem_shared>>
      %dma_start3A_469 = tpu.memref_squeeze %dma_start3A_468 : memref<1x1024xf32, #tpu.memory_space<vmem_shared>> -> memref<1024xf32, #tpu.memory_space<vmem_shared>>
      %dma_start3A_470 = arith.constant 0 : i32
      %dma_start3A_471 = tpu.memref_slice %arg20[%add3A_299, %dma_start3A_470] : memref<16x1024xf32, #tpu.memory_space<vmem_shared>> -> memref<1x1024xf32, #tpu.memory_space<vmem_shared>>
      %dma_start3A_472 = tpu.memref_squeeze %dma_start3A_471 : memref<1x1024xf32, #tpu.memory_space<vmem_shared>> -> memref<1024xf32, #tpu.memory_space<vmem_shared>>
      tpu.enqueue_dma source(%dma_start3A_472 : memref<1024xf32, #tpu.memory_space<vmem_shared>>) target(%arg18 : memref<1024xf32, #tpu.memory_space<vmem>>) target_semaphore(%run_scoped3A : memref<!tpu.dma_semaphore, #tpu.memory_space<semaphore_mem>>)
      %dma_wait3A = arith.constant 0 : i32
      %dma_wait3A_473 = tpu.memref_slice %arg20[%add3A_299, %dma_wait3A] : memref<16x1024xf32, #tpu.memory_space<vmem_shared>> -> memref<1x1024xf32, #tpu.memory_space<vmem_shared>>
      %dma_wait3A_474 = tpu.memref_squeeze %dma_wait3A_473 : memref<1x1024xf32, #tpu.memory_space<vmem_shared>> -> memref<1024xf32, #tpu.memory_space<vmem_shared>>
      %dma_wait3A_475 = arith.constant 0 : i32
      %dma_wait3A_476 = tpu.memref_slice %arg20[%add3A_299, %dma_wait3A_475] : memref<16x1024xf32, #tpu.memory_space<vmem_shared>> -> memref<1x1024xf32, #tpu.memory_space<vmem_shared>>
      %dma_wait3A_477 = tpu.memref_squeeze %dma_wait3A_476 : memref<1x1024xf32, #tpu.memory_space<vmem_shared>> -> memref<1024xf32, #tpu.memory_space<vmem_shared>>
      tpu.wait_dma2 semaphore(%run_scoped3A : memref<!tpu.dma_semaphore, #tpu.memory_space<semaphore_mem>>) src(%dma_wait3A_477 : memref<1024xf32, #tpu.memory_space<vmem_shared>>) dst(%arg18 : memref<1024xf32, #tpu.memory_space<vmem>>)
      tpu.yield
    }) : () -> ()
    %scan3A_300 = arith.constant 0 : i32
    %scan3A_301 = arith.constant 0 : i32
    %scan3A_302 = arith.constant 64 : i32
    %scan3A_303 = arith.addi %scan3A_301, %scan3A_302 : i32
    %scan3A_304 = arith.constant 1 : i32
    %scan3A_305 = scf.for %scan3A_468 = %scan3A_301 to %scan3A_303 step %scan3A_304 iter_args(%scan3A_469 = %scan3A_300) -> (i32)  : i32 {
      %mul3A_470 = arith.constant 16 : i32
      %mul3A_471 = arith.muli %scan3A_468, %mul3A_470 : i32
      %get3A = arith.index_cast %mul3A_471 : i32 to index
      %get3A_472 = tpu.vector_load %arg17[%get3A] {strides = array<i32>} : memref<1024xf32, #tpu.memory_space<vmem>>, vector<16xf32>,
      %mul3A_473 = arith.constant 16 : i32
      %mul3A_474 = arith.muli %scan3A_468, %mul3A_473 : i32
      %get3A_475 = arith.index_cast %mul3A_474 : i32 to index
      %get3A_476 = tpu.vector_load %arg18[%get3A_475] {strides = array<i32>} : memref<1024xf32, #tpu.memory_space<vmem>>, vector<16xf32>,
      %min3A = arith.minimumf %get3A_472, %get3A_476 : vector<16xf32>
      %mul3A_477 = arith.constant 16 : i32
      %mul3A_478 = arith.muli %scan3A_468, %mul3A_477 : i32
      %swap3A_479 = arith.index_cast %mul3A_478 : i32 to index
      %swap3A_480 = tpu.vector_load %arg17[%swap3A_479] {strides = array<i32>} : memref<1024xf32, #tpu.memory_space<vmem>>, vector<16xf32>,
      tpu.vector_store %arg17[%swap3A_479], %min3A {strides = array<i32>} : memref<1024xf32, #tpu.memory_space<vmem>>, vector<16xf32>,
      %scan3A_481 = arith.constant 0 : i32
      scf.yield %scan3A_481 : i32
    }
    %scan3A_306 = arith.constant 64 : i32
    %mul3A_307 = arith.constant 16 : i32
    %mul3A_308 = arith.muli %select_n3A, %mul3A_307 : i32
    %add3A_309 = arith.constant 3 : i32
    %add3A_310 = arith.addi %mul3A_308, %add3A_309 : i32
    "tpu.region"() ({
      %run_scoped3A = tpu.sem_alloc : memref<!tpu.dma_semaphore, #tpu.memory_space<semaphore_mem>>
      %dma_start3A = arith.constant 0 : i32
      %dma_start3A_468 = tpu.memref_slice %arg20[%add3A_310, %dma_start3A] : memref<16x1024xf32, #tpu.memory_space<vmem_shared>> -> memref<1x1024xf32, #tpu.memory_space<vmem_shared>>
      %dma_start3A_469 = tpu.memref_squeeze %dma_start3A_468 : memref<1x1024xf32, #tpu.memory_space<vmem_shared>> -> memref<1024xf32, #tpu.memory_space<vmem_shared>>
      %dma_start3A_470 = arith.constant 0 : i32
      %dma_start3A_471 = tpu.memref_slice %arg20[%add3A_310, %dma_start3A_470] : memref<16x1024xf32, #tpu.memory_space<vmem_shared>> -> memref<1x1024xf32, #tpu.memory_space<vmem_shared>>
      %dma_start3A_472 = tpu.memref_squeeze %dma_start3A_471 : memref<1x1024xf32, #tpu.memory_space<vmem_shared>> -> memref<1024xf32, #tpu.memory_space<vmem_shared>>
      tpu.enqueue_dma source(%dma_start3A_472 : memref<1024xf32, #tpu.memory_space<vmem_shared>>) target(%arg18 : memref<1024xf32, #tpu.memory_space<vmem>>) target_semaphore(%run_scoped3A : memref<!tpu.dma_semaphore, #tpu.memory_space<semaphore_mem>>)
      %dma_wait3A = arith.constant 0 : i32
      %dma_wait3A_473 = tpu.memref_slice %arg20[%add3A_310, %dma_wait3A] : memref<16x1024xf32, #tpu.memory_space<vmem_shared>> -> memref<1x1024xf32, #tpu.memory_space<vmem_shared>>
      %dma_wait3A_474 = tpu.memref_squeeze %dma_wait3A_473 : memref<1x1024xf32, #tpu.memory_space<vmem_shared>> -> memref<1024xf32, #tpu.memory_space<vmem_shared>>
      %dma_wait3A_475 = arith.constant 0 : i32
      %dma_wait3A_476 = tpu.memref_slice %arg20[%add3A_310, %dma_wait3A_475] : memref<16x1024xf32, #tpu.memory_space<vmem_shared>> -> memref<1x1024xf32, #tpu.memory_space<vmem_shared>>
      %dma_wait3A_477 = tpu.memref_squeeze %dma_wait3A_476 : memref<1x1024xf32, #tpu.memory_space<vmem_shared>> -> memref<1024xf32, #tpu.memory_space<vmem_shared>>
      tpu.wait_dma2 semaphore(%run_scoped3A : memref<!tpu.dma_semaphore, #tpu.memory_space<semaphore_mem>>) src(%dma_wait3A_477 : memref<1024xf32, #tpu.memory_space<vmem_shared>>) dst(%arg18 : memref<1024xf32, #tpu.memory_space<vmem>>)
      tpu.yield
    }) : () -> ()
    %scan3A_311 = arith.constant 0 : i32
    %scan3A_312 = arith.constant 0 : i32
    %scan3A_313 = arith.constant 64 : i32
    %scan3A_314 = arith.addi %scan3A_312, %scan3A_313 : i32
    %scan3A_315 = arith.constant 1 : i32
    %scan3A_316 = scf.for %scan3A_468 = %scan3A_312 to %scan3A_314 step %scan3A_315 iter_args(%scan3A_469 = %scan3A_311) -> (i32)  : i32 {
      %mul3A_470 = arith.constant 16 : i32
      %mul3A_471 = arith.muli %scan3A_468, %mul3A_470 : i32
      %get3A = arith.index_cast %mul3A_471 : i32 to index
      %get3A_472 = tpu.vector_load %arg17[%get3A] {strides = array<i32>} : memref<1024xf32, #tpu.memory_space<vmem>>, vector<16xf32>,
      %mul3A_473 = arith.constant 16 : i32
      %mul3A_474 = arith.muli %scan3A_468, %mul3A_473 : i32
      %get3A_475 = arith.index_cast %mul3A_474 : i32 to index
      %get3A_476 = tpu.vector_load %arg18[%get3A_475] {strides = array<i32>} : memref<1024xf32, #tpu.memory_space<vmem>>, vector<16xf32>,
      %min3A = arith.minimumf %get3A_472, %get3A_476 : vector<16xf32>
      %mul3A_477 = arith.constant 16 : i32
      %mul3A_478 = arith.muli %scan3A_468, %mul3A_477 : i32
      %swap3A_479 = arith.index_cast %mul3A_478 : i32 to index
      %swap3A_480 = tpu.vector_load %arg17[%swap3A_479] {strides = array<i32>} : memref<1024xf32, #tpu.memory_space<vmem>>, vector<16xf32>,
      tpu.vector_store %arg17[%swap3A_479], %min3A {strides = array<i32>} : memref<1024xf32, #tpu.memory_space<vmem>>, vector<16xf32>,
      %scan3A_481 = arith.constant 0 : i32
      scf.yield %scan3A_481 : i32
    }
    %scan3A_317 = arith.constant 64 : i32
    %mul3A_318 = arith.constant 16 : i32
    %mul3A_319 = arith.muli %select_n3A, %mul3A_318 : i32
    %add3A_320 = arith.constant 4 : i32
    %add3A_321 = arith.addi %mul3A_319, %add3A_320 : i32
    "tpu.region"() ({
      %run_scoped3A = tpu.sem_alloc : memref<!tpu.dma_semaphore, #tpu.memory_space<semaphore_mem>>
      %dma_start3A = arith.constant 0 : i32
      %dma_start3A_468 = tpu.memref_slice %arg20[%add3A_321, %dma_start3A] : memref<16x1024xf32, #tpu.memory_space<vmem_shared>> -> memref<1x1024xf32, #tpu.memory_space<vmem_shared>>
      %dma_start3A_469 = tpu.memref_squeeze %dma_start3A_468 : memref<1x1024xf32, #tpu.memory_space<vmem_shared>> -> memref<1024xf32, #tpu.memory_space<vmem_shared>>
      %dma_start3A_470 = arith.constant 0 : i32
      %dma_start3A_471 = tpu.memref_slice %arg20[%add3A_321, %dma_start3A_470] : memref<16x1024xf32, #tpu.memory_space<vmem_shared>> -> memref<1x1024xf32, #tpu.memory_space<vmem_shared>>
      %dma_start3A_472 = tpu.memref_squeeze %dma_start3A_471 : memref<1x1024xf32, #tpu.memory_space<vmem_shared>> -> memref<1024xf32, #tpu.memory_space<vmem_shared>>
      tpu.enqueue_dma source(%dma_start3A_472 : memref<1024xf32, #tpu.memory_space<vmem_shared>>) target(%arg18 : memref<1024xf32, #tpu.memory_space<vmem>>) target_semaphore(%run_scoped3A : memref<!tpu.dma_semaphore, #tpu.memory_space<semaphore_mem>>)
      %dma_wait3A = arith.constant 0 : i32
      %dma_wait3A_473 = tpu.memref_slice %arg20[%add3A_321, %dma_wait3A] : memref<16x1024xf32, #tpu.memory_space<vmem_shared>> -> memref<1x1024xf32, #tpu.memory_space<vmem_shared>>
      %dma_wait3A_474 = tpu.memref_squeeze %dma_wait3A_473 : memref<1x1024xf32, #tpu.memory_space<vmem_shared>> -> memref<1024xf32, #tpu.memory_space<vmem_shared>>
      %dma_wait3A_475 = arith.constant 0 : i32
      %dma_wait3A_476 = tpu.memref_slice %arg20[%add3A_321, %dma_wait3A_475] : memref<16x1024xf32, #tpu.memory_space<vmem_shared>> -> memref<1x1024xf32, #tpu.memory_space<vmem_shared>>
      %dma_wait3A_477 = tpu.memref_squeeze %dma_wait3A_476 : memref<1x1024xf32, #tpu.memory_space<vmem_shared>> -> memref<1024xf32, #tpu.memory_space<vmem_shared>>
      tpu.wait_dma2 semaphore(%run_scoped3A : memref<!tpu.dma_semaphore, #tpu.memory_space<semaphore_mem>>) src(%dma_wait3A_477 : memref<1024xf32, #tpu.memory_space<vmem_shared>>) dst(%arg18 : memref<1024xf32, #tpu.memory_space<vmem>>)
      tpu.yield
    }) : () -> ()
    %scan3A_322 = arith.constant 0 : i32
    %scan3A_323 = arith.constant 0 : i32
    %scan3A_324 = arith.constant 64 : i32
    %scan3A_325 = arith.addi %scan3A_323, %scan3A_324 : i32
    %scan3A_326 = arith.constant 1 : i32
    %scan3A_327 = scf.for %scan3A_468 = %scan3A_323 to %scan3A_325 step %scan3A_326 iter_args(%scan3A_469 = %scan3A_322) -> (i32)  : i32 {
      %mul3A_470 = arith.constant 16 : i32
      %mul3A_471 = arith.muli %scan3A_468, %mul3A_470 : i32
      %get3A = arith.index_cast %mul3A_471 : i32 to index
      %get3A_472 = tpu.vector_load %arg17[%get3A] {strides = array<i32>} : memref<1024xf32, #tpu.memory_space<vmem>>, vector<16xf32>,
      %mul3A_473 = arith.constant 16 : i32
      %mul3A_474 = arith.muli %scan3A_468, %mul3A_473 : i32
      %get3A_475 = arith.index_cast %mul3A_474 : i32 to index
      %get3A_476 = tpu.vector_load %arg18[%get3A_475] {strides = array<i32>} : memref<1024xf32, #tpu.memory_space<vmem>>, vector<16xf32>,
      %min3A = arith.minimumf %get3A_472, %get3A_476 : vector<16xf32>
      %mul3A_477 = arith.constant 16 : i32
      %mul3A_478 = arith.muli %scan3A_468, %mul3A_477 : i32
      %swap3A_479 = arith.index_cast %mul3A_478 : i32 to index
      %swap3A_480 = tpu.vector_load %arg17[%swap3A_479] {strides = array<i32>} : memref<1024xf32, #tpu.memory_space<vmem>>, vector<16xf32>,
      tpu.vector_store %arg17[%swap3A_479], %min3A {strides = array<i32>} : memref<1024xf32, #tpu.memory_space<vmem>>, vector<16xf32>,
      %scan3A_481 = arith.constant 0 : i32
      scf.yield %scan3A_481 : i32
    }
    %scan3A_328 = arith.constant 64 : i32
    %mul3A_329 = arith.constant 16 : i32
    %mul3A_330 = arith.muli %select_n3A, %mul3A_329 : i32
    %add3A_331 = arith.constant 5 : i32
    %add3A_332 = arith.addi %mul3A_330, %add3A_331 : i32
    "tpu.region"() ({
      %run_scoped3A = tpu.sem_alloc : memref<!tpu.dma_semaphore, #tpu.memory_space<semaphore_mem>>
      %dma_start3A = arith.constant 0 : i32
      %dma_start3A_468 = tpu.memref_slice %arg20[%add3A_332, %dma_start3A] : memref<16x1024xf32, #tpu.memory_space<vmem_shared>> -> memref<1x1024xf32, #tpu.memory_space<vmem_shared>>
      %dma_start3A_469 = tpu.memref_squeeze %dma_start3A_468 : memref<1x1024xf32, #tpu.memory_space<vmem_shared>> -> memref<1024xf32, #tpu.memory_space<vmem_shared>>
      %dma_start3A_470 = arith.constant 0 : i32
      %dma_start3A_471 = tpu.memref_slice %arg20[%add3A_332, %dma_start3A_470] : memref<16x1024xf32, #tpu.memory_space<vmem_shared>> -> memref<1x1024xf32, #tpu.memory_space<vmem_shared>>
      %dma_start3A_472 = tpu.memref_squeeze %dma_start3A_471 : memref<1x1024xf32, #tpu.memory_space<vmem_shared>> -> memref<1024xf32, #tpu.memory_space<vmem_shared>>
      tpu.enqueue_dma source(%dma_start3A_472 : memref<1024xf32, #tpu.memory_space<vmem_shared>>) target(%arg18 : memref<1024xf32, #tpu.memory_space<vmem>>) target_semaphore(%run_scoped3A : memref<!tpu.dma_semaphore, #tpu.memory_space<semaphore_mem>>)
      %dma_wait3A = arith.constant 0 : i32
      %dma_wait3A_473 = tpu.memref_slice %arg20[%add3A_332, %dma_wait3A] : memref<16x1024xf32, #tpu.memory_space<vmem_shared>> -> memref<1x1024xf32, #tpu.memory_space<vmem_shared>>
      %dma_wait3A_474 = tpu.memref_squeeze %dma_wait3A_473 : memref<1x1024xf32, #tpu.memory_space<vmem_shared>> -> memref<1024xf32, #tpu.memory_space<vmem_shared>>
      %dma_wait3A_475 = arith.constant 0 : i32
      %dma_wait3A_476 = tpu.memref_slice %arg20[%add3A_332, %dma_wait3A_475] : memref<16x1024xf32, #tpu.memory_space<vmem_shared>> -> memref<1x1024xf32, #tpu.memory_space<vmem_shared>>
      %dma_wait3A_477 = tpu.memref_squeeze %dma_wait3A_476 : memref<1x1024xf32, #tpu.memory_space<vmem_shared>> -> memref<1024xf32, #tpu.memory_space<vmem_shared>>
      tpu.wait_dma2 semaphore(%run_scoped3A : memref<!tpu.dma_semaphore, #tpu.memory_space<semaphore_mem>>) src(%dma_wait3A_477 : memref<1024xf32, #tpu.memory_space<vmem_shared>>) dst(%arg18 : memref<1024xf32, #tpu.memory_space<vmem>>)
      tpu.yield
    }) : () -> ()
    %scan3A_333 = arith.constant 0 : i32
    %scan3A_334 = arith.constant 0 : i32
    %scan3A_335 = arith.constant 64 : i32
    %scan3A_336 = arith.addi %scan3A_334, %scan3A_335 : i32
    %scan3A_337 = arith.constant 1 : i32
    %scan3A_338 = scf.for %scan3A_468 = %scan3A_334 to %scan3A_336 step %scan3A_337 iter_args(%scan3A_469 = %scan3A_333) -> (i32)  : i32 {
      %mul3A_470 = arith.constant 16 : i32
      %mul3A_471 = arith.muli %scan3A_468, %mul3A_470 : i32
      %get3A = arith.index_cast %mul3A_471 : i32 to index
      %get3A_472 = tpu.vector_load %arg17[%get3A] {strides = array<i32>} : memref<1024xf32, #tpu.memory_space<vmem>>, vector<16xf32>,
      %mul3A_473 = arith.constant 16 : i32
      %mul3A_474 = arith.muli %scan3A_468, %mul3A_473 : i32
      %get3A_475 = arith.index_cast %mul3A_474 : i32 to index
      %get3A_476 = tpu.vector_load %arg18[%get3A_475] {strides = array<i32>} : memref<1024xf32, #tpu.memory_space<vmem>>, vector<16xf32>,
      %min3A = arith.minimumf %get3A_472, %get3A_476 : vector<16xf32>
      %mul3A_477 = arith.constant 16 : i32
      %mul3A_478 = arith.muli %scan3A_468, %mul3A_477 : i32
      %swap3A_479 = arith.index_cast %mul3A_478 : i32 to index
      %swap3A_480 = tpu.vector_load %arg17[%swap3A_479] {strides = array<i32>} : memref<1024xf32, #tpu.memory_space<vmem>>, vector<16xf32>,
      tpu.vector_store %arg17[%swap3A_479], %min3A {strides = array<i32>} : memref<1024xf32, #tpu.memory_space<vmem>>, vector<16xf32>,
      %scan3A_481 = arith.constant 0 : i32
      scf.yield %scan3A_481 : i32
    }
    %scan3A_339 = arith.constant 64 : i32
    %mul3A_340 = arith.constant 16 : i32
    %mul3A_341 = arith.muli %select_n3A, %mul3A_340 : i32
    %add3A_342 = arith.constant 6 : i32
    %add3A_343 = arith.addi %mul3A_341, %add3A_342 : i32
    "tpu.region"() ({
      %run_scoped3A = tpu.sem_alloc : memref<!tpu.dma_semaphore, #tpu.memory_space<semaphore_mem>>
      %dma_start3A = arith.constant 0 : i32
      %dma_start3A_468 = tpu.memref_slice %arg20[%add3A_343, %dma_start3A] : memref<16x1024xf32, #tpu.memory_space<vmem_shared>> -> memref<1x1024xf32, #tpu.memory_space<vmem_shared>>
      %dma_start3A_469 = tpu.memref_squeeze %dma_start3A_468 : memref<1x1024xf32, #tpu.memory_space<vmem_shared>> -> memref<1024xf32, #tpu.memory_space<vmem_shared>>
      %dma_start3A_470 = arith.constant 0 : i32
      %dma_start3A_471 = tpu.memref_slice %arg20[%add3A_343, %dma_start3A_470] : memref<16x1024xf32, #tpu.memory_space<vmem_shared>> -> memref<1x1024xf32, #tpu.memory_space<vmem_shared>>
      %dma_start3A_472 = tpu.memref_squeeze %dma_start3A_471 : memref<1x1024xf32, #tpu.memory_space<vmem_shared>> -> memref<1024xf32, #tpu.memory_space<vmem_shared>>
      tpu.enqueue_dma source(%dma_start3A_472 : memref<1024xf32, #tpu.memory_space<vmem_shared>>) target(%arg18 : memref<1024xf32, #tpu.memory_space<vmem>>) target_semaphore(%run_scoped3A : memref<!tpu.dma_semaphore, #tpu.memory_space<semaphore_mem>>)
      %dma_wait3A = arith.constant 0 : i32
      %dma_wait3A_473 = tpu.memref_slice %arg20[%add3A_343, %dma_wait3A] : memref<16x1024xf32, #tpu.memory_space<vmem_shared>> -> memref<1x1024xf32, #tpu.memory_space<vmem_shared>>
      %dma_wait3A_474 = tpu.memref_squeeze %dma_wait3A_473 : memref<1x1024xf32, #tpu.memory_space<vmem_shared>> -> memref<1024xf32, #tpu.memory_space<vmem_shared>>
      %dma_wait3A_475 = arith.constant 0 : i32
      %dma_wait3A_476 = tpu.memref_slice %arg20[%add3A_343, %dma_wait3A_475] : memref<16x1024xf32, #tpu.memory_space<vmem_shared>> -> memref<1x1024xf32, #tpu.memory_space<vmem_shared>>
      %dma_wait3A_477 = tpu.memref_squeeze %dma_wait3A_476 : memref<1x1024xf32, #tpu.memory_space<vmem_shared>> -> memref<1024xf32, #tpu.memory_space<vmem_shared>>
      tpu.wait_dma2 semaphore(%run_scoped3A : memref<!tpu.dma_semaphore, #tpu.memory_space<semaphore_mem>>) src(%dma_wait3A_477 : memref<1024xf32, #tpu.memory_space<vmem_shared>>) dst(%arg18 : memref<1024xf32, #tpu.memory_space<vmem>>)
      tpu.yield
    }) : () -> ()
    %scan3A_344 = arith.constant 0 : i32
    %scan3A_345 = arith.constant 0 : i32
    %scan3A_346 = arith.constant 64 : i32
    %scan3A_347 = arith.addi %scan3A_345, %scan3A_346 : i32
    %scan3A_348 = arith.constant 1 : i32
    %scan3A_349 = scf.for %scan3A_468 = %scan3A_345 to %scan3A_347 step %scan3A_348 iter_args(%scan3A_469 = %scan3A_344) -> (i32)  : i32 {
      %mul3A_470 = arith.constant 16 : i32
      %mul3A_471 = arith.muli %scan3A_468, %mul3A_470 : i32
      %get3A = arith.index_cast %mul3A_471 : i32 to index
      %get3A_472 = tpu.vector_load %arg17[%get3A] {strides = array<i32>} : memref<1024xf32, #tpu.memory_space<vmem>>, vector<16xf32>,
      %mul3A_473 = arith.constant 16 : i32
      %mul3A_474 = arith.muli %scan3A_468, %mul3A_473 : i32
      %get3A_475 = arith.index_cast %mul3A_474 : i32 to index
      %get3A_476 = tpu.vector_load %arg18[%get3A_475] {strides = array<i32>} : memref<1024xf32, #tpu.memory_space<vmem>>, vector<16xf32>,
      %min3A = arith.minimumf %get3A_472, %get3A_476 : vector<16xf32>
      %mul3A_477 = arith.constant 16 : i32
      %mul3A_478 = arith.muli %scan3A_468, %mul3A_477 : i32
      %swap3A_479 = arith.index_cast %mul3A_478 : i32 to index
      %swap3A_480 = tpu.vector_load %arg17[%swap3A_479] {strides = array<i32>} : memref<1024xf32, #tpu.memory_space<vmem>>, vector<16xf32>,
      tpu.vector_store %arg17[%swap3A_479], %min3A {strides = array<i32>} : memref<1024xf32, #tpu.memory_space<vmem>>, vector<16xf32>,
      %scan3A_481 = arith.constant 0 : i32
      scf.yield %scan3A_481 : i32
    }
    %scan3A_350 = arith.constant 64 : i32
    %mul3A_351 = arith.constant 16 : i32
    %mul3A_352 = arith.muli %select_n3A, %mul3A_351 : i32
    %add3A_353 = arith.constant 7 : i32
    %add3A_354 = arith.addi %mul3A_352, %add3A_353 : i32
    "tpu.region"() ({
      %run_scoped3A = tpu.sem_alloc : memref<!tpu.dma_semaphore, #tpu.memory_space<semaphore_mem>>
      %dma_start3A = arith.constant 0 : i32
      %dma_start3A_468 = tpu.memref_slice %arg20[%add3A_354, %dma_start3A] : memref<16x1024xf32, #tpu.memory_space<vmem_shared>> -> memref<1x1024xf32, #tpu.memory_space<vmem_shared>>
      %dma_start3A_469 = tpu.memref_squeeze %dma_start3A_468 : memref<1x1024xf32, #tpu.memory_space<vmem_shared>> -> memref<1024xf32, #tpu.memory_space<vmem_shared>>
      %dma_start3A_470 = arith.constant 0 : i32
      %dma_start3A_471 = tpu.memref_slice %arg20[%add3A_354, %dma_start3A_470] : memref<16x1024xf32, #tpu.memory_space<vmem_shared>> -> memref<1x1024xf32, #tpu.memory_space<vmem_shared>>
      %dma_start3A_472 = tpu.memref_squeeze %dma_start3A_471 : memref<1x1024xf32, #tpu.memory_space<vmem_shared>> -> memref<1024xf32, #tpu.memory_space<vmem_shared>>
      tpu.enqueue_dma source(%dma_start3A_472 : memref<1024xf32, #tpu.memory_space<vmem_shared>>) target(%arg18 : memref<1024xf32, #tpu.memory_space<vmem>>) target_semaphore(%run_scoped3A : memref<!tpu.dma_semaphore, #tpu.memory_space<semaphore_mem>>)
      %dma_wait3A = arith.constant 0 : i32
      %dma_wait3A_473 = tpu.memref_slice %arg20[%add3A_354, %dma_wait3A] : memref<16x1024xf32, #tpu.memory_space<vmem_shared>> -> memref<1x1024xf32, #tpu.memory_space<vmem_shared>>
      %dma_wait3A_474 = tpu.memref_squeeze %dma_wait3A_473 : memref<1x1024xf32, #tpu.memory_space<vmem_shared>> -> memref<1024xf32, #tpu.memory_space<vmem_shared>>
      %dma_wait3A_475 = arith.constant 0 : i32
      %dma_wait3A_476 = tpu.memref_slice %arg20[%add3A_354, %dma_wait3A_475] : memref<16x1024xf32, #tpu.memory_space<vmem_shared>> -> memref<1x1024xf32, #tpu.memory_space<vmem_shared>>
      %dma_wait3A_477 = tpu.memref_squeeze %dma_wait3A_476 : memref<1x1024xf32, #tpu.memory_space<vmem_shared>> -> memref<1024xf32, #tpu.memory_space<vmem_shared>>
      tpu.wait_dma2 semaphore(%run_scoped3A : memref<!tpu.dma_semaphore, #tpu.memory_space<semaphore_mem>>) src(%dma_wait3A_477 : memref<1024xf32, #tpu.memory_space<vmem_shared>>) dst(%arg18 : memref<1024xf32, #tpu.memory_space<vmem>>)
      tpu.yield
    }) : () -> ()
    %scan3A_355 = arith.constant 0 : i32
    %scan3A_356 = arith.constant 0 : i32
    %scan3A_357 = arith.constant 64 : i32
    %scan3A_358 = arith.addi %scan3A_356, %scan3A_357 : i32
    %scan3A_359 = arith.constant 1 : i32
    %scan3A_360 = scf.for %scan3A_468 = %scan3A_356 to %scan3A_358 step %scan3A_359 iter_args(%scan3A_469 = %scan3A_355) -> (i32)  : i32 {
      %mul3A_470 = arith.constant 16 : i32
      %mul3A_471 = arith.muli %scan3A_468, %mul3A_470 : i32
      %get3A = arith.index_cast %mul3A_471 : i32 to index
      %get3A_472 = tpu.vector_load %arg17[%get3A] {strides = array<i32>} : memref<1024xf32, #tpu.memory_space<vmem>>, vector<16xf32>,
      %mul3A_473 = arith.constant 16 : i32
      %mul3A_474 = arith.muli %scan3A_468, %mul3A_473 : i32
      %get3A_475 = arith.index_cast %mul3A_474 : i32 to index
      %get3A_476 = tpu.vector_load %arg18[%get3A_475] {strides = array<i32>} : memref<1024xf32, #tpu.memory_space<vmem>>, vector<16xf32>,
      %min3A = arith.minimumf %get3A_472, %get3A_476 : vector<16xf32>
      %mul3A_477 = arith.constant 16 : i32
      %mul3A_478 = arith.muli %scan3A_468, %mul3A_477 : i32
      %swap3A_479 = arith.index_cast %mul3A_478 : i32 to index
      %swap3A_480 = tpu.vector_load %arg17[%swap3A_479] {strides = array<i32>} : memref<1024xf32, #tpu.memory_space<vmem>>, vector<16xf32>,
      tpu.vector_store %arg17[%swap3A_479], %min3A {strides = array<i32>} : memref<1024xf32, #tpu.memory_space<vmem>>, vector<16xf32>,
      %scan3A_481 = arith.constant 0 : i32
      scf.yield %scan3A_481 : i32
    }
    %scan3A_361 = arith.constant 64 : i32
    %mul3A_362 = arith.constant 16 : i32
    %mul3A_363 = arith.muli %select_n3A, %mul3A_362 : i32
    %add3A_364 = arith.constant 8 : i32
    %add3A_365 = arith.addi %mul3A_363, %add3A_364 : i32
    "tpu.region"() ({
      %run_scoped3A = tpu.sem_alloc : memref<!tpu.dma_semaphore, #tpu.memory_space<semaphore_mem>>
      %dma_start3A = arith.constant 0 : i32
      %dma_start3A_468 = tpu.memref_slice %arg20[%add3A_365, %dma_start3A] : memref<16x1024xf32, #tpu.memory_space<vmem_shared>> -> memref<1x1024xf32, #tpu.memory_space<vmem_shared>>
      %dma_start3A_469 = tpu.memref_squeeze %dma_start3A_468 : memref<1x1024xf32, #tpu.memory_space<vmem_shared>> -> memref<1024xf32, #tpu.memory_space<vmem_shared>>
      %dma_start3A_470 = arith.constant 0 : i32
      %dma_start3A_471 = tpu.memref_slice %arg20[%add3A_365, %dma_start3A_470] : memref<16x1024xf32, #tpu.memory_space<vmem_shared>> -> memref<1x1024xf32, #tpu.memory_space<vmem_shared>>
      %dma_start3A_472 = tpu.memref_squeeze %dma_start3A_471 : memref<1x1024xf32, #tpu.memory_space<vmem_shared>> -> memref<1024xf32, #tpu.memory_space<vmem_shared>>
      tpu.enqueue_dma source(%dma_start3A_472 : memref<1024xf32, #tpu.memory_space<vmem_shared>>) target(%arg18 : memref<1024xf32, #tpu.memory_space<vmem>>) target_semaphore(%run_scoped3A : memref<!tpu.dma_semaphore, #tpu.memory_space<semaphore_mem>>)
      %dma_wait3A = arith.constant 0 : i32
      %dma_wait3A_473 = tpu.memref_slice %arg20[%add3A_365, %dma_wait3A] : memref<16x1024xf32, #tpu.memory_space<vmem_shared>> -> memref<1x1024xf32, #tpu.memory_space<vmem_shared>>
      %dma_wait3A_474 = tpu.memref_squeeze %dma_wait3A_473 : memref<1x1024xf32, #tpu.memory_space<vmem_shared>> -> memref<1024xf32, #tpu.memory_space<vmem_shared>>
      %dma_wait3A_475 = arith.constant 0 : i32
      %dma_wait3A_476 = tpu.memref_slice %arg20[%add3A_365, %dma_wait3A_475] : memref<16x1024xf32, #tpu.memory_space<vmem_shared>> -> memref<1x1024xf32, #tpu.memory_space<vmem_shared>>
      %dma_wait3A_477 = tpu.memref_squeeze %dma_wait3A_476 : memref<1x1024xf32, #tpu.memory_space<vmem_shared>> -> memref<1024xf32, #tpu.memory_space<vmem_shared>>
      tpu.wait_dma2 semaphore(%run_scoped3A : memref<!tpu.dma_semaphore, #tpu.memory_space<semaphore_mem>>) src(%dma_wait3A_477 : memref<1024xf32, #tpu.memory_space<vmem_shared>>) dst(%arg18 : memref<1024xf32, #tpu.memory_space<vmem>>)
      tpu.yield
    }) : () -> ()
    %scan3A_366 = arith.constant 0 : i32
    %scan3A_367 = arith.constant 0 : i32
    %scan3A_368 = arith.constant 64 : i32
    %scan3A_369 = arith.addi %scan3A_367, %scan3A_368 : i32
    %scan3A_370 = arith.constant 1 : i32
    %scan3A_371 = scf.for %scan3A_468 = %scan3A_367 to %scan3A_369 step %scan3A_370 iter_args(%scan3A_469 = %scan3A_366) -> (i32)  : i32 {
      %mul3A_470 = arith.constant 16 : i32
      %mul3A_471 = arith.muli %scan3A_468, %mul3A_470 : i32
      %get3A = arith.index_cast %mul3A_471 : i32 to index
      %get3A_472 = tpu.vector_load %arg17[%get3A] {strides = array<i32>} : memref<1024xf32, #tpu.memory_space<vmem>>, vector<16xf32>,
      %mul3A_473 = arith.constant 16 : i32
      %mul3A_474 = arith.muli %scan3A_468, %mul3A_473 : i32
      %get3A_475 = arith.index_cast %mul3A_474 : i32 to index
      %get3A_476 = tpu.vector_load %arg18[%get3A_475] {strides = array<i32>} : memref<1024xf32, #tpu.memory_space<vmem>>, vector<16xf32>,
      %min3A = arith.minimumf %get3A_472, %get3A_476 : vector<16xf32>
      %mul3A_477 = arith.constant 16 : i32
      %mul3A_478 = arith.muli %scan3A_468, %mul3A_477 : i32
      %swap3A_479 = arith.index_cast %mul3A_478 : i32 to index
      %swap3A_480 = tpu.vector_load %arg17[%swap3A_479] {strides = array<i32>} : memref<1024xf32, #tpu.memory_space<vmem>>, vector<16xf32>,
      tpu.vector_store %arg17[%swap3A_479], %min3A {strides = array<i32>} : memref<1024xf32, #tpu.memory_space<vmem>>, vector<16xf32>,
      %scan3A_481 = arith.constant 0 : i32
      scf.yield %scan3A_481 : i32
    }
    %scan3A_372 = arith.constant 64 : i32
    %mul3A_373 = arith.constant 16 : i32
    %mul3A_374 = arith.muli %select_n3A, %mul3A_373 : i32
    %add3A_375 = arith.constant 9 : i32
    %add3A_376 = arith.addi %mul3A_374, %add3A_375 : i32
    "tpu.region"() ({
      %run_scoped3A = tpu.sem_alloc : memref<!tpu.dma_semaphore, #tpu.memory_space<semaphore_mem>>
      %dma_start3A = arith.constant 0 : i32
      %dma_start3A_468 = tpu.memref_slice %arg20[%add3A_376, %dma_start3A] : memref<16x1024xf32, #tpu.memory_space<vmem_shared>> -> memref<1x1024xf32, #tpu.memory_space<vmem_shared>>
      %dma_start3A_469 = tpu.memref_squeeze %dma_start3A_468 : memref<1x1024xf32, #tpu.memory_space<vmem_shared>> -> memref<1024xf32, #tpu.memory_space<vmem_shared>>
      %dma_start3A_470 = arith.constant 0 : i32
      %dma_start3A_471 = tpu.memref_slice %arg20[%add3A_376, %dma_start3A_470] : memref<16x1024xf32, #tpu.memory_space<vmem_shared>> -> memref<1x1024xf32, #tpu.memory_space<vmem_shared>>
      %dma_start3A_472 = tpu.memref_squeeze %dma_start3A_471 : memref<1x1024xf32, #tpu.memory_space<vmem_shared>> -> memref<1024xf32, #tpu.memory_space<vmem_shared>>
      tpu.enqueue_dma source(%dma_start3A_472 : memref<1024xf32, #tpu.memory_space<vmem_shared>>) target(%arg18 : memref<1024xf32, #tpu.memory_space<vmem>>) target_semaphore(%run_scoped3A : memref<!tpu.dma_semaphore, #tpu.memory_space<semaphore_mem>>)
      %dma_wait3A = arith.constant 0 : i32
      %dma_wait3A_473 = tpu.memref_slice %arg20[%add3A_376, %dma_wait3A] : memref<16x1024xf32, #tpu.memory_space<vmem_shared>> -> memref<1x1024xf32, #tpu.memory_space<vmem_shared>>
      %dma_wait3A_474 = tpu.memref_squeeze %dma_wait3A_473 : memref<1x1024xf32, #tpu.memory_space<vmem_shared>> -> memref<1024xf32, #tpu.memory_space<vmem_shared>>
      %dma_wait3A_475 = arith.constant 0 : i32
      %dma_wait3A_476 = tpu.memref_slice %arg20[%add3A_376, %dma_wait3A_475] : memref<16x1024xf32, #tpu.memory_space<vmem_shared>> -> memref<1x1024xf32, #tpu.memory_space<vmem_shared>>
      %dma_wait3A_477 = tpu.memref_squeeze %dma_wait3A_476 : memref<1x1024xf32, #tpu.memory_space<vmem_shared>> -> memref<1024xf32, #tpu.memory_space<vmem_shared>>
      tpu.wait_dma2 semaphore(%run_scoped3A : memref<!tpu.dma_semaphore, #tpu.memory_space<semaphore_mem>>) src(%dma_wait3A_477 : memref<1024xf32, #tpu.memory_space<vmem_shared>>) dst(%arg18 : memref<1024xf32, #tpu.memory_space<vmem>>)
      tpu.yield
    }) : () -> ()
    %scan3A_377 = arith.constant 0 : i32
    %scan3A_378 = arith.constant 0 : i32
    %scan3A_379 = arith.constant 64 : i32
    %scan3A_380 = arith.addi %scan3A_378, %scan3A_379 : i32
    %scan3A_381 = arith.constant 1 : i32
    %scan3A_382 = scf.for %scan3A_468 = %scan3A_378 to %scan3A_380 step %scan3A_381 iter_args(%scan3A_469 = %scan3A_377) -> (i32)  : i32 {
      %mul3A_470 = arith.constant 16 : i32
      %mul3A_471 = arith.muli %scan3A_468, %mul3A_470 : i32
      %get3A = arith.index_cast %mul3A_471 : i32 to index
      %get3A_472 = tpu.vector_load %arg17[%get3A] {strides = array<i32>} : memref<1024xf32, #tpu.memory_space<vmem>>, vector<16xf32>,
      %mul3A_473 = arith.constant 16 : i32
      %mul3A_474 = arith.muli %scan3A_468, %mul3A_473 : i32
      %get3A_475 = arith.index_cast %mul3A_474 : i32 to index
      %get3A_476 = tpu.vector_load %arg18[%get3A_475] {strides = array<i32>} : memref<1024xf32, #tpu.memory_space<vmem>>, vector<16xf32>,
      %min3A = arith.minimumf %get3A_472, %get3A_476 : vector<16xf32>
      %mul3A_477 = arith.constant 16 : i32
      %mul3A_478 = arith.muli %scan3A_468, %mul3A_477 : i32
      %swap3A_479 = arith.index_cast %mul3A_478 : i32 to index
      %swap3A_480 = tpu.vector_load %arg17[%swap3A_479] {strides = array<i32>} : memref<1024xf32, #tpu.memory_space<vmem>>, vector<16xf32>,
      tpu.vector_store %arg17[%swap3A_479], %min3A {strides = array<i32>} : memref<1024xf32, #tpu.memory_space<vmem>>, vector<16xf32>,
      %scan3A_481 = arith.constant 0 : i32
      scf.yield %scan3A_481 : i32
    }
    %scan3A_383 = arith.constant 64 : i32
    %mul3A_384 = arith.constant 16 : i32
    %mul3A_385 = arith.muli %select_n3A, %mul3A_384 : i32
    %add3A_386 = arith.constant 10 : i32
    %add3A_387 = arith.addi %mul3A_385, %add3A_386 : i32
    "tpu.region"() ({
      %run_scoped3A = tpu.sem_alloc : memref<!tpu.dma_semaphore, #tpu.memory_space<semaphore_mem>>
      %dma_start3A = arith.constant 0 : i32
      %dma_start3A_468 = tpu.memref_slice %arg20[%add3A_387, %dma_start3A] : memref<16x1024xf32, #tpu.memory_space<vmem_shared>> -> memref<1x1024xf32, #tpu.memory_space<vmem_shared>>
      %dma_start3A_469 = tpu.memref_squeeze %dma_start3A_468 : memref<1x1024xf32, #tpu.memory_space<vmem_shared>> -> memref<1024xf32, #tpu.memory_space<vmem_shared>>
      %dma_start3A_470 = arith.constant 0 : i32
      %dma_start3A_471 = tpu.memref_slice %arg20[%add3A_387, %dma_start3A_470] : memref<16x1024xf32, #tpu.memory_space<vmem_shared>> -> memref<1x1024xf32, #tpu.memory_space<vmem_shared>>
      %dma_start3A_472 = tpu.memref_squeeze %dma_start3A_471 : memref<1x1024xf32, #tpu.memory_space<vmem_shared>> -> memref<1024xf32, #tpu.memory_space<vmem_shared>>
      tpu.enqueue_dma source(%dma_start3A_472 : memref<1024xf32, #tpu.memory_space<vmem_shared>>) target(%arg18 : memref<1024xf32, #tpu.memory_space<vmem>>) target_semaphore(%run_scoped3A : memref<!tpu.dma_semaphore, #tpu.memory_space<semaphore_mem>>)
      %dma_wait3A = arith.constant 0 : i32
      %dma_wait3A_473 = tpu.memref_slice %arg20[%add3A_387, %dma_wait3A] : memref<16x1024xf32, #tpu.memory_space<vmem_shared>> -> memref<1x1024xf32, #tpu.memory_space<vmem_shared>>
      %dma_wait3A_474 = tpu.memref_squeeze %dma_wait3A_473 : memref<1x1024xf32, #tpu.memory_space<vmem_shared>> -> memref<1024xf32, #tpu.memory_space<vmem_shared>>
      %dma_wait3A_475 = arith.constant 0 : i32
      %dma_wait3A_476 = tpu.memref_slice %arg20[%add3A_387, %dma_wait3A_475] : memref<16x1024xf32, #tpu.memory_space<vmem_shared>> -> memref<1x1024xf32, #tpu.memory_space<vmem_shared>>
      %dma_wait3A_477 = tpu.memref_squeeze %dma_wait3A_476 : memref<1x1024xf32, #tpu.memory_space<vmem_shared>> -> memref<1024xf32, #tpu.memory_space<vmem_shared>>
      tpu.wait_dma2 semaphore(%run_scoped3A : memref<!tpu.dma_semaphore, #tpu.memory_space<semaphore_mem>>) src(%dma_wait3A_477 : memref<1024xf32, #tpu.memory_space<vmem_shared>>) dst(%arg18 : memref<1024xf32, #tpu.memory_space<vmem>>)
      tpu.yield
    }) : () -> ()
    %scan3A_388 = arith.constant 0 : i32
    %scan3A_389 = arith.constant 0 : i32
    %scan3A_390 = arith.constant 64 : i32
    %scan3A_391 = arith.addi %scan3A_389, %scan3A_390 : i32
    %scan3A_392 = arith.constant 1 : i32
    %scan3A_393 = scf.for %scan3A_468 = %scan3A_389 to %scan3A_391 step %scan3A_392 iter_args(%scan3A_469 = %scan3A_388) -> (i32)  : i32 {
      %mul3A_470 = arith.constant 16 : i32
      %mul3A_471 = arith.muli %scan3A_468, %mul3A_470 : i32
      %get3A = arith.index_cast %mul3A_471 : i32 to index
      %get3A_472 = tpu.vector_load %arg17[%get3A] {strides = array<i32>} : memref<1024xf32, #tpu.memory_space<vmem>>, vector<16xf32>,
      %mul3A_473 = arith.constant 16 : i32
      %mul3A_474 = arith.muli %scan3A_468, %mul3A_473 : i32
      %get3A_475 = arith.index_cast %mul3A_474 : i32 to index
      %get3A_476 = tpu.vector_load %arg18[%get3A_475] {strides = array<i32>} : memref<1024xf32, #tpu.memory_space<vmem>>, vector<16xf32>,
      %min3A = arith.minimumf %get3A_472, %get3A_476 : vector<16xf32>
      %mul3A_477 = arith.constant 16 : i32
      %mul3A_478 = arith.muli %scan3A_468, %mul3A_477 : i32
      %swap3A_479 = arith.index_cast %mul3A_478 : i32 to index
      %swap3A_480 = tpu.vector_load %arg17[%swap3A_479] {strides = array<i32>} : memref<1024xf32, #tpu.memory_space<vmem>>, vector<16xf32>,
      tpu.vector_store %arg17[%swap3A_479], %min3A {strides = array<i32>} : memref<1024xf32, #tpu.memory_space<vmem>>, vector<16xf32>,
      %scan3A_481 = arith.constant 0 : i32
      scf.yield %scan3A_481 : i32
    }
    %scan3A_394 = arith.constant 64 : i32
    %mul3A_395 = arith.constant 16 : i32
    %mul3A_396 = arith.muli %select_n3A, %mul3A_395 : i32
    %add3A_397 = arith.constant 11 : i32
    %add3A_398 = arith.addi %mul3A_396, %add3A_397 : i32
    "tpu.region"() ({
      %run_scoped3A = tpu.sem_alloc : memref<!tpu.dma_semaphore, #tpu.memory_space<semaphore_mem>>
      %dma_start3A = arith.constant 0 : i32
      %dma_start3A_468 = tpu.memref_slice %arg20[%add3A_398, %dma_start3A] : memref<16x1024xf32, #tpu.memory_space<vmem_shared>> -> memref<1x1024xf32, #tpu.memory_space<vmem_shared>>
      %dma_start3A_469 = tpu.memref_squeeze %dma_start3A_468 : memref<1x1024xf32, #tpu.memory_space<vmem_shared>> -> memref<1024xf32, #tpu.memory_space<vmem_shared>>
      %dma_start3A_470 = arith.constant 0 : i32
      %dma_start3A_471 = tpu.memref_slice %arg20[%add3A_398, %dma_start3A_470] : memref<16x1024xf32, #tpu.memory_space<vmem_shared>> -> memref<1x1024xf32, #tpu.memory_space<vmem_shared>>
      %dma_start3A_472 = tpu.memref_squeeze %dma_start3A_471 : memref<1x1024xf32, #tpu.memory_space<vmem_shared>> -> memref<1024xf32, #tpu.memory_space<vmem_shared>>
      tpu.enqueue_dma source(%dma_start3A_472 : memref<1024xf32, #tpu.memory_space<vmem_shared>>) target(%arg18 : memref<1024xf32, #tpu.memory_space<vmem>>) target_semaphore(%run_scoped3A : memref<!tpu.dma_semaphore, #tpu.memory_space<semaphore_mem>>)
      %dma_wait3A = arith.constant 0 : i32
      %dma_wait3A_473 = tpu.memref_slice %arg20[%add3A_398, %dma_wait3A] : memref<16x1024xf32, #tpu.memory_space<vmem_shared>> -> memref<1x1024xf32, #tpu.memory_space<vmem_shared>>
      %dma_wait3A_474 = tpu.memref_squeeze %dma_wait3A_473 : memref<1x1024xf32, #tpu.memory_space<vmem_shared>> -> memref<1024xf32, #tpu.memory_space<vmem_shared>>
      %dma_wait3A_475 = arith.constant 0 : i32
      %dma_wait3A_476 = tpu.memref_slice %arg20[%add3A_398, %dma_wait3A_475] : memref<16x1024xf32, #tpu.memory_space<vmem_shared>> -> memref<1x1024xf32, #tpu.memory_space<vmem_shared>>
      %dma_wait3A_477 = tpu.memref_squeeze %dma_wait3A_476 : memref<1x1024xf32, #tpu.memory_space<vmem_shared>> -> memref<1024xf32, #tpu.memory_space<vmem_shared>>
      tpu.wait_dma2 semaphore(%run_scoped3A : memref<!tpu.dma_semaphore, #tpu.memory_space<semaphore_mem>>) src(%dma_wait3A_477 : memref<1024xf32, #tpu.memory_space<vmem_shared>>) dst(%arg18 : memref<1024xf32, #tpu.memory_space<vmem>>)
      tpu.yield
    }) : () -> ()
    %scan3A_399 = arith.constant 0 : i32
    %scan3A_400 = arith.constant 0 : i32
    %scan3A_401 = arith.constant 64 : i32
    %scan3A_402 = arith.addi %scan3A_400, %scan3A_401 : i32
    %scan3A_403 = arith.constant 1 : i32
    %scan3A_404 = scf.for %scan3A_468 = %scan3A_400 to %scan3A_402 step %scan3A_403 iter_args(%scan3A_469 = %scan3A_399) -> (i32)  : i32 {
      %mul3A_470 = arith.constant 16 : i32
      %mul3A_471 = arith.muli %scan3A_468, %mul3A_470 : i32
      %get3A = arith.index_cast %mul3A_471 : i32 to index
      %get3A_472 = tpu.vector_load %arg17[%get3A] {strides = array<i32>} : memref<1024xf32, #tpu.memory_space<vmem>>, vector<16xf32>,
      %mul3A_473 = arith.constant 16 : i32
      %mul3A_474 = arith.muli %scan3A_468, %mul3A_473 : i32
      %get3A_475 = arith.index_cast %mul3A_474 : i32 to index
      %get3A_476 = tpu.vector_load %arg18[%get3A_475] {strides = array<i32>} : memref<1024xf32, #tpu.memory_space<vmem>>, vector<16xf32>,
      %min3A = arith.minimumf %get3A_472, %get3A_476 : vector<16xf32>
      %mul3A_477 = arith.constant 16 : i32
      %mul3A_478 = arith.muli %scan3A_468, %mul3A_477 : i32
      %swap3A_479 = arith.index_cast %mul3A_478 : i32 to index
      %swap3A_480 = tpu.vector_load %arg17[%swap3A_479] {strides = array<i32>} : memref<1024xf32, #tpu.memory_space<vmem>>, vector<16xf32>,
      tpu.vector_store %arg17[%swap3A_479], %min3A {strides = array<i32>} : memref<1024xf32, #tpu.memory_space<vmem>>, vector<16xf32>,
      %scan3A_481 = arith.constant 0 : i32
      scf.yield %scan3A_481 : i32
    }
    %scan3A_405 = arith.constant 64 : i32
    %mul3A_406 = arith.constant 16 : i32
    %mul3A_407 = arith.muli %select_n3A, %mul3A_406 : i32
    %add3A_408 = arith.constant 12 : i32
    %add3A_409 = arith.addi %mul3A_407, %add3A_408 : i32
    "tpu.region"() ({
      %run_scoped3A = tpu.sem_alloc : memref<!tpu.dma_semaphore, #tpu.memory_space<semaphore_mem>>
      %dma_start3A = arith.constant 0 : i32
      %dma_start3A_468 = tpu.memref_slice %arg20[%add3A_409, %dma_start3A] : memref<16x1024xf32, #tpu.memory_space<vmem_shared>> -> memref<1x1024xf32, #tpu.memory_space<vmem_shared>>
      %dma_start3A_469 = tpu.memref_squeeze %dma_start3A_468 : memref<1x1024xf32, #tpu.memory_space<vmem_shared>> -> memref<1024xf32, #tpu.memory_space<vmem_shared>>
      %dma_start3A_470 = arith.constant 0 : i32
      %dma_start3A_471 = tpu.memref_slice %arg20[%add3A_409, %dma_start3A_470] : memref<16x1024xf32, #tpu.memory_space<vmem_shared>> -> memref<1x1024xf32, #tpu.memory_space<vmem_shared>>
      %dma_start3A_472 = tpu.memref_squeeze %dma_start3A_471 : memref<1x1024xf32, #tpu.memory_space<vmem_shared>> -> memref<1024xf32, #tpu.memory_space<vmem_shared>>
      tpu.enqueue_dma source(%dma_start3A_472 : memref<1024xf32, #tpu.memory_space<vmem_shared>>) target(%arg18 : memref<1024xf32, #tpu.memory_space<vmem>>) target_semaphore(%run_scoped3A : memref<!tpu.dma_semaphore, #tpu.memory_space<semaphore_mem>>)
      %dma_wait3A = arith.constant 0 : i32
      %dma_wait3A_473 = tpu.memref_slice %arg20[%add3A_409, %dma_wait3A] : memref<16x1024xf32, #tpu.memory_space<vmem_shared>> -> memref<1x1024xf32, #tpu.memory_space<vmem_shared>>
      %dma_wait3A_474 = tpu.memref_squeeze %dma_wait3A_473 : memref<1x1024xf32, #tpu.memory_space<vmem_shared>> -> memref<1024xf32, #tpu.memory_space<vmem_shared>>
      %dma_wait3A_475 = arith.constant 0 : i32
      %dma_wait3A_476 = tpu.memref_slice %arg20[%add3A_409, %dma_wait3A_475] : memref<16x1024xf32, #tpu.memory_space<vmem_shared>> -> memref<1x1024xf32, #tpu.memory_space<vmem_shared>>
      %dma_wait3A_477 = tpu.memref_squeeze %dma_wait3A_476 : memref<1x1024xf32, #tpu.memory_space<vmem_shared>> -> memref<1024xf32, #tpu.memory_space<vmem_shared>>
      tpu.wait_dma2 semaphore(%run_scoped3A : memref<!tpu.dma_semaphore, #tpu.memory_space<semaphore_mem>>) src(%dma_wait3A_477 : memref<1024xf32, #tpu.memory_space<vmem_shared>>) dst(%arg18 : memref<1024xf32, #tpu.memory_space<vmem>>)
      tpu.yield
    }) : () -> ()
    %scan3A_410 = arith.constant 0 : i32
    %scan3A_411 = arith.constant 0 : i32
    %scan3A_412 = arith.constant 64 : i32
    %scan3A_413 = arith.addi %scan3A_411, %scan3A_412 : i32
    %scan3A_414 = arith.constant 1 : i32
    %scan3A_415 = scf.for %scan3A_468 = %scan3A_411 to %scan3A_413 step %scan3A_414 iter_args(%scan3A_469 = %scan3A_410) -> (i32)  : i32 {
      %mul3A_470 = arith.constant 16 : i32
      %mul3A_471 = arith.muli %scan3A_468, %mul3A_470 : i32
      %get3A = arith.index_cast %mul3A_471 : i32 to index
      %get3A_472 = tpu.vector_load %arg17[%get3A] {strides = array<i32>} : memref<1024xf32, #tpu.memory_space<vmem>>, vector<16xf32>,
      %mul3A_473 = arith.constant 16 : i32
      %mul3A_474 = arith.muli %scan3A_468, %mul3A_473 : i32
      %get3A_475 = arith.index_cast %mul3A_474 : i32 to index
      %get3A_476 = tpu.vector_load %arg18[%get3A_475] {strides = array<i32>} : memref<1024xf32, #tpu.memory_space<vmem>>, vector<16xf32>,
      %min3A = arith.minimumf %get3A_472, %get3A_476 : vector<16xf32>
      %mul3A_477 = arith.constant 16 : i32
      %mul3A_478 = arith.muli %scan3A_468, %mul3A_477 : i32
      %swap3A_479 = arith.index_cast %mul3A_478 : i32 to index
      %swap3A_480 = tpu.vector_load %arg17[%swap3A_479] {strides = array<i32>} : memref<1024xf32, #tpu.memory_space<vmem>>, vector<16xf32>,
      tpu.vector_store %arg17[%swap3A_479], %min3A {strides = array<i32>} : memref<1024xf32, #tpu.memory_space<vmem>>, vector<16xf32>,
      %scan3A_481 = arith.constant 0 : i32
      scf.yield %scan3A_481 : i32
    }
    %scan3A_416 = arith.constant 64 : i32
    %mul3A_417 = arith.constant 16 : i32
    %mul3A_418 = arith.muli %select_n3A, %mul3A_417 : i32
    %add3A_419 = arith.constant 13 : i32
    %add3A_420 = arith.addi %mul3A_418, %add3A_419 : i32
    "tpu.region"() ({
      %run_scoped3A = tpu.sem_alloc : memref<!tpu.dma_semaphore, #tpu.memory_space<semaphore_mem>>
      %dma_start3A = arith.constant 0 : i32
      %dma_start3A_468 = tpu.memref_slice %arg20[%add3A_420, %dma_start3A] : memref<16x1024xf32, #tpu.memory_space<vmem_shared>> -> memref<1x1024xf32, #tpu.memory_space<vmem_shared>>
      %dma_start3A_469 = tpu.memref_squeeze %dma_start3A_468 : memref<1x1024xf32, #tpu.memory_space<vmem_shared>> -> memref<1024xf32, #tpu.memory_space<vmem_shared>>
      %dma_start3A_470 = arith.constant 0 : i32
      %dma_start3A_471 = tpu.memref_slice %arg20[%add3A_420, %dma_start3A_470] : memref<16x1024xf32, #tpu.memory_space<vmem_shared>> -> memref<1x1024xf32, #tpu.memory_space<vmem_shared>>
      %dma_start3A_472 = tpu.memref_squeeze %dma_start3A_471 : memref<1x1024xf32, #tpu.memory_space<vmem_shared>> -> memref<1024xf32, #tpu.memory_space<vmem_shared>>
      tpu.enqueue_dma source(%dma_start3A_472 : memref<1024xf32, #tpu.memory_space<vmem_shared>>) target(%arg18 : memref<1024xf32, #tpu.memory_space<vmem>>) target_semaphore(%run_scoped3A : memref<!tpu.dma_semaphore, #tpu.memory_space<semaphore_mem>>)
      %dma_wait3A = arith.constant 0 : i32
      %dma_wait3A_473 = tpu.memref_slice %arg20[%add3A_420, %dma_wait3A] : memref<16x1024xf32, #tpu.memory_space<vmem_shared>> -> memref<1x1024xf32, #tpu.memory_space<vmem_shared>>
      %dma_wait3A_474 = tpu.memref_squeeze %dma_wait3A_473 : memref<1x1024xf32, #tpu.memory_space<vmem_shared>> -> memref<1024xf32, #tpu.memory_space<vmem_shared>>
      %dma_wait3A_475 = arith.constant 0 : i32
      %dma_wait3A_476 = tpu.memref_slice %arg20[%add3A_420, %dma_wait3A_475] : memref<16x1024xf32, #tpu.memory_space<vmem_shared>> -> memref<1x1024xf32, #tpu.memory_space<vmem_shared>>
      %dma_wait3A_477 = tpu.memref_squeeze %dma_wait3A_476 : memref<1x1024xf32, #tpu.memory_space<vmem_shared>> -> memref<1024xf32, #tpu.memory_space<vmem_shared>>
      tpu.wait_dma2 semaphore(%run_scoped3A : memref<!tpu.dma_semaphore, #tpu.memory_space<semaphore_mem>>) src(%dma_wait3A_477 : memref<1024xf32, #tpu.memory_space<vmem_shared>>) dst(%arg18 : memref<1024xf32, #tpu.memory_space<vmem>>)
      tpu.yield
    }) : () -> ()
    %scan3A_421 = arith.constant 0 : i32
    %scan3A_422 = arith.constant 0 : i32
    %scan3A_423 = arith.constant 64 : i32
    %scan3A_424 = arith.addi %scan3A_422, %scan3A_423 : i32
    %scan3A_425 = arith.constant 1 : i32
    %scan3A_426 = scf.for %scan3A_468 = %scan3A_422 to %scan3A_424 step %scan3A_425 iter_args(%scan3A_469 = %scan3A_421) -> (i32)  : i32 {
      %mul3A_470 = arith.constant 16 : i32
      %mul3A_471 = arith.muli %scan3A_468, %mul3A_470 : i32
      %get3A = arith.index_cast %mul3A_471 : i32 to index
      %get3A_472 = tpu.vector_load %arg17[%get3A] {strides = array<i32>} : memref<1024xf32, #tpu.memory_space<vmem>>, vector<16xf32>,
      %mul3A_473 = arith.constant 16 : i32
      %mul3A_474 = arith.muli %scan3A_468, %mul3A_473 : i32
      %get3A_475 = arith.index_cast %mul3A_474 : i32 to index
      %get3A_476 = tpu.vector_load %arg18[%get3A_475] {strides = array<i32>} : memref<1024xf32, #tpu.memory_space<vmem>>, vector<16xf32>,
      %min3A = arith.minimumf %get3A_472, %get3A_476 : vector<16xf32>
      %mul3A_477 = arith.constant 16 : i32
      %mul3A_478 = arith.muli %scan3A_468, %mul3A_477 : i32
      %swap3A_479 = arith.index_cast %mul3A_478 : i32 to index
      %swap3A_480 = tpu.vector_load %arg17[%swap3A_479] {strides = array<i32>} : memref<1024xf32, #tpu.memory_space<vmem>>, vector<16xf32>,
      tpu.vector_store %arg17[%swap3A_479], %min3A {strides = array<i32>} : memref<1024xf32, #tpu.memory_space<vmem>>, vector<16xf32>,
      %scan3A_481 = arith.constant 0 : i32
      scf.yield %scan3A_481 : i32
    }
    %scan3A_427 = arith.constant 64 : i32
    %mul3A_428 = arith.constant 16 : i32
    %mul3A_429 = arith.muli %select_n3A, %mul3A_428 : i32
    %add3A_430 = arith.constant 14 : i32
    %add3A_431 = arith.addi %mul3A_429, %add3A_430 : i32
    "tpu.region"() ({
      %run_scoped3A = tpu.sem_alloc : memref<!tpu.dma_semaphore, #tpu.memory_space<semaphore_mem>>
      %dma_start3A = arith.constant 0 : i32
      %dma_start3A_468 = tpu.memref_slice %arg20[%add3A_431, %dma_start3A] : memref<16x1024xf32, #tpu.memory_space<vmem_shared>> -> memref<1x1024xf32, #tpu.memory_space<vmem_shared>>
      %dma_start3A_469 = tpu.memref_squeeze %dma_start3A_468 : memref<1x1024xf32, #tpu.memory_space<vmem_shared>> -> memref<1024xf32, #tpu.memory_space<vmem_shared>>
      %dma_start3A_470 = arith.constant 0 : i32
      %dma_start3A_471 = tpu.memref_slice %arg20[%add3A_431, %dma_start3A_470] : memref<16x1024xf32, #tpu.memory_space<vmem_shared>> -> memref<1x1024xf32, #tpu.memory_space<vmem_shared>>
      %dma_start3A_472 = tpu.memref_squeeze %dma_start3A_471 : memref<1x1024xf32, #tpu.memory_space<vmem_shared>> -> memref<1024xf32, #tpu.memory_space<vmem_shared>>
      tpu.enqueue_dma source(%dma_start3A_472 : memref<1024xf32, #tpu.memory_space<vmem_shared>>) target(%arg18 : memref<1024xf32, #tpu.memory_space<vmem>>) target_semaphore(%run_scoped3A : memref<!tpu.dma_semaphore, #tpu.memory_space<semaphore_mem>>)
      %dma_wait3A = arith.constant 0 : i32
      %dma_wait3A_473 = tpu.memref_slice %arg20[%add3A_431, %dma_wait3A] : memref<16x1024xf32, #tpu.memory_space<vmem_shared>> -> memref<1x1024xf32, #tpu.memory_space<vmem_shared>>
      %dma_wait3A_474 = tpu.memref_squeeze %dma_wait3A_473 : memref<1x1024xf32, #tpu.memory_space<vmem_shared>> -> memref<1024xf32, #tpu.memory_space<vmem_shared>>
      %dma_wait3A_475 = arith.constant 0 : i32
      %dma_wait3A_476 = tpu.memref_slice %arg20[%add3A_431, %dma_wait3A_475] : memref<16x1024xf32, #tpu.memory_space<vmem_shared>> -> memref<1x1024xf32, #tpu.memory_space<vmem_shared>>
      %dma_wait3A_477 = tpu.memref_squeeze %dma_wait3A_476 : memref<1x1024xf32, #tpu.memory_space<vmem_shared>> -> memref<1024xf32, #tpu.memory_space<vmem_shared>>
      tpu.wait_dma2 semaphore(%run_scoped3A : memref<!tpu.dma_semaphore, #tpu.memory_space<semaphore_mem>>) src(%dma_wait3A_477 : memref<1024xf32, #tpu.memory_space<vmem_shared>>) dst(%arg18 : memref<1024xf32, #tpu.memory_space<vmem>>)
      tpu.yield
    }) : () -> ()
    %scan3A_432 = arith.constant 0 : i32
    %scan3A_433 = arith.constant 0 : i32
    %scan3A_434 = arith.constant 64 : i32
    %scan3A_435 = arith.addi %scan3A_433, %scan3A_434 : i32
    %scan3A_436 = arith.constant 1 : i32
    %scan3A_437 = scf.for %scan3A_468 = %scan3A_433 to %scan3A_435 step %scan3A_436 iter_args(%scan3A_469 = %scan3A_432) -> (i32)  : i32 {
      %mul3A_470 = arith.constant 16 : i32
      %mul3A_471 = arith.muli %scan3A_468, %mul3A_470 : i32
      %get3A = arith.index_cast %mul3A_471 : i32 to index
      %get3A_472 = tpu.vector_load %arg17[%get3A] {strides = array<i32>} : memref<1024xf32, #tpu.memory_space<vmem>>, vector<16xf32>,
      %mul3A_473 = arith.constant 16 : i32
      %mul3A_474 = arith.muli %scan3A_468, %mul3A_473 : i32
      %get3A_475 = arith.index_cast %mul3A_474 : i32 to index
      %get3A_476 = tpu.vector_load %arg18[%get3A_475] {strides = array<i32>} : memref<1024xf32, #tpu.memory_space<vmem>>, vector<16xf32>,
      %min3A = arith.minimumf %get3A_472, %get3A_476 : vector<16xf32>
      %mul3A_477 = arith.constant 16 : i32
      %mul3A_478 = arith.muli %scan3A_468, %mul3A_477 : i32
      %swap3A_479 = arith.index_cast %mul3A_478 : i32 to index
      %swap3A_480 = tpu.vector_load %arg17[%swap3A_479] {strides = array<i32>} : memref<1024xf32, #tpu.memory_space<vmem>>, vector<16xf32>,
      tpu.vector_store %arg17[%swap3A_479], %min3A {strides = array<i32>} : memref<1024xf32, #tpu.memory_space<vmem>>, vector<16xf32>,
      %scan3A_481 = arith.constant 0 : i32
      scf.yield %scan3A_481 : i32
    }
    %scan3A_438 = arith.constant 64 : i32
    %mul3A_439 = arith.constant 16 : i32
    %mul3A_440 = arith.muli %select_n3A, %mul3A_439 : i32
    %add3A_441 = arith.constant 15 : i32
    %add3A_442 = arith.addi %mul3A_440, %add3A_441 : i32
    "tpu.region"() ({
      %run_scoped3A = tpu.sem_alloc : memref<!tpu.dma_semaphore, #tpu.memory_space<semaphore_mem>>
      %dma_start3A = arith.constant 0 : i32
      %dma_start3A_468 = tpu.memref_slice %arg20[%add3A_442, %dma_start3A] : memref<16x1024xf32, #tpu.memory_space<vmem_shared>> -> memref<1x1024xf32, #tpu.memory_space<vmem_shared>>
      %dma_start3A_469 = tpu.memref_squeeze %dma_start3A_468 : memref<1x1024xf32, #tpu.memory_space<vmem_shared>> -> memref<1024xf32, #tpu.memory_space<vmem_shared>>
      %dma_start3A_470 = arith.constant 0 : i32
      %dma_start3A_471 = tpu.memref_slice %arg20[%add3A_442, %dma_start3A_470] : memref<16x1024xf32, #tpu.memory_space<vmem_shared>> -> memref<1x1024xf32, #tpu.memory_space<vmem_shared>>
      %dma_start3A_472 = tpu.memref_squeeze %dma_start3A_471 : memref<1x1024xf32, #tpu.memory_space<vmem_shared>> -> memref<1024xf32, #tpu.memory_space<vmem_shared>>
      tpu.enqueue_dma source(%dma_start3A_472 : memref<1024xf32, #tpu.memory_space<vmem_shared>>) target(%arg18 : memref<1024xf32, #tpu.memory_space<vmem>>) target_semaphore(%run_scoped3A : memref<!tpu.dma_semaphore, #tpu.memory_space<semaphore_mem>>)
      %dma_wait3A = arith.constant 0 : i32
      %dma_wait3A_473 = tpu.memref_slice %arg20[%add3A_442, %dma_wait3A] : memref<16x1024xf32, #tpu.memory_space<vmem_shared>> -> memref<1x1024xf32, #tpu.memory_space<vmem_shared>>
      %dma_wait3A_474 = tpu.memref_squeeze %dma_wait3A_473 : memref<1x1024xf32, #tpu.memory_space<vmem_shared>> -> memref<1024xf32, #tpu.memory_space<vmem_shared>>
      %dma_wait3A_475 = arith.constant 0 : i32
      %dma_wait3A_476 = tpu.memref_slice %arg20[%add3A_442, %dma_wait3A_475] : memref<16x1024xf32, #tpu.memory_space<vmem_shared>> -> memref<1x1024xf32, #tpu.memory_space<vmem_shared>>
      %dma_wait3A_477 = tpu.memref_squeeze %dma_wait3A_476 : memref<1x1024xf32, #tpu.memory_space<vmem_shared>> -> memref<1024xf32, #tpu.memory_space<vmem_shared>>
      tpu.wait_dma2 semaphore(%run_scoped3A : memref<!tpu.dma_semaphore, #tpu.memory_space<semaphore_mem>>) src(%dma_wait3A_477 : memref<1024xf32, #tpu.memory_space<vmem_shared>>) dst(%arg18 : memref<1024xf32, #tpu.memory_space<vmem>>)
      tpu.yield
    }) : () -> ()
    %scan3A_443 = arith.constant 0 : i32
    %scan3A_444 = arith.constant 0 : i32
    %scan3A_445 = arith.constant 64 : i32
    %scan3A_446 = arith.addi %scan3A_444, %scan3A_445 : i32
    %scan3A_447 = arith.constant 1 : i32
    %scan3A_448 = scf.for %scan3A_468 = %scan3A_444 to %scan3A_446 step %scan3A_447 iter_args(%scan3A_469 = %scan3A_443) -> (i32)  : i32 {
      %mul3A_470 = arith.constant 16 : i32
      %mul3A_471 = arith.muli %scan3A_468, %mul3A_470 : i32
      %get3A = arith.index_cast %mul3A_471 : i32 to index
      %get3A_472 = tpu.vector_load %arg17[%get3A] {strides = array<i32>} : memref<1024xf32, #tpu.memory_space<vmem>>, vector<16xf32>,
      %mul3A_473 = arith.constant 16 : i32
      %mul3A_474 = arith.muli %scan3A_468, %mul3A_473 : i32
      %get3A_475 = arith.index_cast %mul3A_474 : i32 to index
      %get3A_476 = tpu.vector_load %arg18[%get3A_475] {strides = array<i32>} : memref<1024xf32, #tpu.memory_space<vmem>>, vector<16xf32>,
      %min3A = arith.minimumf %get3A_472, %get3A_476 : vector<16xf32>
      %mul3A_477 = arith.constant 16 : i32
      %mul3A_478 = arith.muli %scan3A_468, %mul3A_477 : i32
      %swap3A_479 = arith.index_cast %mul3A_478 : i32 to index
      %swap3A_480 = tpu.vector_load %arg17[%swap3A_479] {strides = array<i32>} : memref<1024xf32, #tpu.memory_space<vmem>>, vector<16xf32>,
      tpu.vector_store %arg17[%swap3A_479], %min3A {strides = array<i32>} : memref<1024xf32, #tpu.memory_space<vmem>>, vector<16xf32>,
      %scan3A_481 = arith.constant 0 : i32
      scf.yield %scan3A_481 : i32
    }
    %scan3A_449 = arith.constant 64 : i32
    %broadcast_in_dim3A_450 = arith.constant 0.000000e+00 : f32
    %broadcast_in_dim3A_451 = vector.broadcast %broadcast_in_dim3A_450 : f32 to vector<16xf32>
    %scan3A_452 = arith.constant 0 : i32
    %scan3A_453 = arith.constant 64 : i32
    %scan3A_454 = arith.addi %scan3A_452, %scan3A_453 : i32
    %scan3A_455 = arith.constant 1 : i32
    %scan3A_456 = scf.for %scan3A_468 = %scan3A_452 to %scan3A_454 step %scan3A_455 iter_args(%scan3A_469 = %broadcast_in_dim3A_451) -> (vector<16xf32>)  : i32 {
      %mul3A_470 = arith.constant 16 : i32
      %mul3A_471 = arith.muli %scan3A_468, %mul3A_470 : i32
      %get3A = arith.index_cast %mul3A_471 : i32 to index
      %get3A_472 = tpu.vector_load %arg9[%get3A] {strides = array<i32>} : memref<1024xf32, #tpu.memory_space<vmem>>, vector<16xf32>,
      %mul3A_473 = arith.constant 16 : i32
      %mul3A_474 = arith.muli %scan3A_468, %mul3A_473 : i32
      %get3A_475 = arith.index_cast %mul3A_474 : i32 to index
      %get3A_476 = tpu.vector_load %arg17[%get3A_475] {strides = array<i32>} : memref<1024xf32, #tpu.memory_space<vmem>>, vector<16xf32>,
      %mul3A_477 = arith.mulf %get3A_476, %get3A_472 : vector<16xf32>
      %add3A_478 = arith.addf %scan3A_469, %mul3A_477 : vector<16xf32>
      scf.yield %add3A_478 : vector<16xf32>
    }
    %scan3A_457 = arith.constant 64 : i32
    %eq3A_458 = arith.constant 0 : i32
    %eq3A_459 = arith.cmpi eq, %select_n3A_30, %eq3A_458 : i32
    %mul3A_460 = arith.constant 6.10351563E-5 : f32
    %mul3A_461 = vector.broadcast %mul3A_460 : f32 to vector<16xf32>
    %mul3A_462 = arith.mulf %scan3A_456, %mul3A_461 : vector<16xf32>
    %add3A_463 = arith.addf %add3A_284, %mul3A_462 : vector<16xf32>
    %select_n3A_464 = arith.select %eq3A_459, %add3A_463, %add3A_284 : vector<16xf32>
    %swap3A = arith.constant 0 : index
    %swap3A_465 = tpu.vector_load %arg19[%swap3A] {strides = array<i32>} : memref<16xf32, #tpu.memory_space<vmem>>, vector<16xf32>,
    tpu.vector_store %arg19[%swap3A], %select_n3A_464 {strides = array<i32>} : memref<16xf32, #tpu.memory_space<vmem>>, vector<16xf32>,
    %mul3A_466 = arith.constant 16 : i32
    %mul3A_467 = arith.muli %add3A_33, %mul3A_466 : i32
    "tpu.region"() ({
      %run_scoped3A = tpu.sem_alloc : memref<!tpu.dma_semaphore, #tpu.memory_space<semaphore_mem>>
      %dma_start3A = tpu.memref_slice %arg6[%mul3A_467] : memref<512xf32, #tpu.memory_space<hbm>> -> memref<16xf32, #tpu.memory_space<hbm>>
      %dma_start3A_468 = tpu.memref_slice %arg6[%mul3A_467] : memref<512xf32, #tpu.memory_space<hbm>> -> memref<16xf32, #tpu.memory_space<hbm>>
      tpu.enqueue_dma source(%arg19 : memref<16xf32, #tpu.memory_space<vmem>>) target(%dma_start3A_468 : memref<16xf32, #tpu.memory_space<hbm>>) target_semaphore(%run_scoped3A : memref<!tpu.dma_semaphore, #tpu.memory_space<semaphore_mem>>)
      %dma_wait3A = tpu.memref_slice %arg6[%mul3A_467] : memref<512xf32, #tpu.memory_space<hbm>> -> memref<16xf32, #tpu.memory_space<hbm>>
      %dma_wait3A_469 = tpu.memref_slice %arg6[%mul3A_467] : memref<512xf32, #tpu.memory_space<hbm>> -> memref<16xf32, #tpu.memory_space<hbm>>
      tpu.wait_dma2 semaphore(%run_scoped3A : memref<!tpu.dma_semaphore, #tpu.memory_space<semaphore_mem>>) src(%arg19 : memref<16xf32, #tpu.memory_space<vmem>>) dst(%dma_wait3A_469 : memref<16xf32, #tpu.memory_space<hbm>>)
      tpu.yield
    }) : () -> ()
    return
  }
}

module attributes {stable_mosaic.version = 14 : i64} {
  func.func @_tc_kernel(%arg0: i32, %arg1: memref<1x1024x3xf32, #tpu.memory_space<vmem>>, %arg2: memref<1x1024x3xf32, #tpu.memory_space<vmem>>, %arg3: memref<1x1x1x32x32xf32, #tpu.memory_space<vmem>>, %arg4: memref<1x1024x3xf32, #tpu.memory_space<vmem>>, %arg5: memref<1x1xf32, #tpu.memory_space<vmem>>) attributes {dimension_semantics = [#tpu.dimension_semantics<arbitrary>], iteration_bounds = array<i64: 14>, scalar_prefetch = 0 : i64, scratch_operands = 0 : i64, tpu.core_type = #tpu.core_type<tc>, window_params = [{transform_indices = @transform_0, window_bounds = array<i64: 1, 1024, 3>}, {transform_indices = @transform_1, window_bounds = array<i64: 1, 1024, 3>}, {transform_indices = @transform_2, window_bounds = array<i64: 1, 1, 1, 32, 32>}, {transform_indices = @transform_3, window_bounds = array<i64: 1, 1024, 3>}, {pipeline_mode = #tpu.pipeline_mode<synchronous>, transform_indices = @transform_4, window_bounds = array<i64: 1, 1>}]} {
    %get3A = arith.constant 0 : index
    %get3A_0 = arith.constant 0 : index
    %get3A_1 = arith.constant 0 : index
    %get3A_2 = vector.load %arg1[%get3A, %get3A_0, %get3A_1] : memref<1x1024x3xf32, #tpu.memory_space<vmem>>, vector<1x1024x3xf32>
    %get3A_3 = vector.shape_cast %get3A_2 : vector<1x1024x3xf32> to vector<1024x3xf32>
    %get3A_4 = arith.constant 0 : index
    %get3A_5 = arith.constant 0 : index
    %get3A_6 = arith.constant 0 : index
    %get3A_7 = vector.load %arg2[%get3A_4, %get3A_5, %get3A_6] : memref<1x1024x3xf32, #tpu.memory_space<vmem>>, vector<1x1024x3xf32>
    %get3A_8 = vector.shape_cast %get3A_7 : vector<1x1024x3xf32> to vector<1024x3xf32>
    %broadcast_in_dim3A = arith.constant 1.000000e+00 : f32
    %broadcast_in_dim3A_9 = vector.broadcast %broadcast_in_dim3A : f32 to vector<3x1xf32>
    %mul3A = arith.mulf %get3A_3, %get3A_3 : vector<1024x3xf32>
    %dot_general3A = arith.constant dense<0.000000e+00> : vector<1024x1xf32>
    %dot_general3A_10 = tpu.matmul %mul3A, %broadcast_in_dim3A_9, %dot_general3A {dimension_numbers = #tpu.dot_dimension_numbers<[1], [0], [0], [1], [0, 0, 1, 1], [], []>, transpose_lhs_hint = false} : vector<1024x3xf32>, vector<3x1xf32>, vector<1024x1xf32> -> vector<1024x1xf32>
    %transpose3A = tpu.transpose %get3A_8, [1, 0] : vector<1024x3xf32> -> vector<3x1024xf32>
    %mul3A_11 = arith.mulf %transpose3A, %transpose3A : vector<3x1024xf32>
    %reduce_sum3A = arith.constant dense<0.000000e+00> : vector<1024xf32>
    %reduce_sum3A_12 = vector.multi_reduction <add>, %mul3A_11, %reduce_sum3A [0] : vector<3x1024xf32> to vector<1024xf32>
    %broadcast_in_dim3A_13 = vector.shape_cast %reduce_sum3A_12 : vector<1024xf32> to vector<1x1024xf32>
    %mul3A_14 = arith.constant -2.000000e+00 : f32
    %mul3A_15 = vector.broadcast %mul3A_14 : f32 to vector<1024x3xf32>
    %mul3A_16 = arith.mulf %get3A_3, %mul3A_15 : vector<1024x3xf32>
    %broadcast_in_dim3A_17 = arith.constant 1.000000e+00 : f32
    %broadcast_in_dim3A_18 = vector.broadcast %broadcast_in_dim3A_17 : f32 to vector<1024x1xf32>
    %concatenate3A = tpu.concatenate %mul3A_16, %dot_general3A_10, %broadcast_in_dim3A_18 in 1 : vector<1024x3xf32>, vector<1024x1xf32>, vector<1024x1xf32> -> vector<1024x5xf32>
    %broadcast_in_dim3A_19 = arith.constant 1.000000e+00 : f32
    %broadcast_in_dim3A_20 = vector.broadcast %broadcast_in_dim3A_19 : f32 to vector<1x1024xf32>
    %concatenate3A_21 = tpu.concatenate %transpose3A, %broadcast_in_dim3A_20, %broadcast_in_dim3A_13 in 0 : vector<3x1024xf32>, vector<1x1024xf32>, vector<1x1024xf32> -> vector<5x1024xf32>
    %dot_general3A_22 = arith.constant dense<0.000000e+00> : vector<1024x1024xf32>
    %dot_general3A_23 = tpu.matmul %concatenate3A, %concatenate3A_21, %dot_general3A_22 {dimension_numbers = #tpu.dot_dimension_numbers<[1], [0], [0], [1], [0, 0, 1, 1], [], []>, transpose_lhs_hint = false} : vector<1024x5xf32>, vector<5x1024xf32>, vector<1024x1024xf32> -> vector<1024x1024xf32>
    %reduce_min3A = arith.constant dense<0x7F800000> : vector<1024xf32>
    %reduce_min3A_24 = vector.multi_reduction <minimumf>, %dot_general3A_23, %reduce_min3A [1] : vector<1024x1024xf32> to vector<1024xf32>
    %reduce_min3A_25 = arith.constant dense<0x7F800000> : vector<1024xf32>
    %reduce_min3A_26 = vector.multi_reduction <minimumf>, %dot_general3A_23, %reduce_min3A_25 [0] : vector<1024x1024xf32> to vector<1024xf32>
    %get3A_27 = arith.constant 0 : index
    %get3A_28 = arith.constant 0 : index
    %get3A_29 = arith.constant 0 : index
    %get3A_30 = arith.constant 0 : index
    %get3A_31 = arith.constant 0 : index
    %get3A_32 = vector.load %arg3[%get3A_27, %get3A_28, %get3A_29, %get3A_30, %get3A_31] : memref<1x1x1x32x32xf32, #tpu.memory_space<vmem>>, vector<1x1x1x32x32xf32>
    %get3A_33 = vector.shape_cast %get3A_32 : vector<1x1x1x32x32xf32> to vector<32x32xf32>
    %reshape3A = vector.shape_cast %get3A_33 : vector<32x32xf32> to vector<1x1024xf32>
    %get3A_34 = arith.constant 0 : index
    %get3A_35 = arith.constant 0 : index
    %get3A_36 = arith.constant 0 : index
    %get3A_37 = vector.load %arg4[%get3A_34, %get3A_35, %get3A_36] : memref<1x1024x3xf32, #tpu.memory_space<vmem>>, vector<1x1024x3xf32>
    %get3A_38 = vector.shape_cast %get3A_37 : vector<1x1024x3xf32> to vector<1024x3xf32>
    %reshape3A_39 = vector.shape_cast %reduce_min3A_26 : vector<1024xf32> to vector<1x1024xf32>
    %mul3A_40 = arith.mulf %reshape3A_39, %reshape3A : vector<1x1024xf32>
    %reduce_sum3A_41 = vector.shape_cast %mul3A_40 : vector<1x1024xf32> to vector<1x1x1024xf32>
    %reduce_sum3A_42 = arith.constant dense<0.000000e+00> : vector<1xf32>
    %reduce_sum3A_43 = vector.multi_reduction <add>, %reduce_sum3A_41, %reduce_sum3A_42 [1, 2] : vector<1x1x1024xf32> to vector<1xf32>
    %reduce_sum3A_44 = vector.shape_cast %reduce_sum3A_43 : vector<1xf32> to vector<1x1x1xf32>
    %reduce_sum3A_45 = vector.extract %reduce_sum3A_44[0, 0, 0] : f32 from vector<1x1x1xf32>
    %reduce_sum3A_46 = vector.shape_cast %reduce_min3A_24 : vector<1024xf32> to vector<1x1024xf32>
    %reduce_sum3A_47 = arith.constant dense<0.000000e+00> : vector<1xf32>
    %reduce_sum3A_48 = vector.multi_reduction <add>, %reduce_sum3A_46, %reduce_sum3A_47 [1] : vector<1x1024xf32> to vector<1xf32>
    %reduce_sum3A_49 = vector.shape_cast %reduce_sum3A_48 : vector<1xf32> to vector<1x1xf32>
    %reduce_sum3A_50 = vector.extract %reduce_sum3A_49[0, 0] : f32 from vector<1x1xf32>
    %add3A = arith.addf %reduce_sum3A_50, %reduce_sum3A_45 : f32
    %mul3A_51 = arith.constant 6.10351563E-5 : f32
    %mul3A_52 = arith.mulf %add3A, %mul3A_51 : f32
    %mul3A_53 = arith.mulf %get3A_38, %get3A_38 : vector<1024x3xf32>
    %reduce_sum3A_54 = vector.shape_cast %mul3A_53 : vector<1024x3xf32> to vector<1x1024x3xf32>
    %reduce_sum3A_55 = arith.constant dense<0.000000e+00> : vector<1xf32>
    %reduce_sum3A_56 = vector.multi_reduction <add>, %reduce_sum3A_54, %reduce_sum3A_55 [1, 2] : vector<1x1024x3xf32> to vector<1xf32>
    %reduce_sum3A_57 = vector.shape_cast %reduce_sum3A_56 : vector<1xf32> to vector<1x1x1xf32>
    %reduce_sum3A_58 = vector.extract %reduce_sum3A_57[0, 0, 0] : f32 from vector<1x1x1xf32>
    %mul3A_59 = arith.constant 2.03450527E-5 : f32
    %mul3A_60 = arith.mulf %reduce_sum3A_58, %mul3A_59 : f32
    %add3A_61 = arith.addf %mul3A_52, %mul3A_60 : f32
    %eq3A = arith.constant 0 : i32
    %eq3A_62 = arith.cmpi eq, %arg0, %eq3A : i32
    %convert_element_type3A = arith.extui %eq3A_62 : i1 to i32
    %cond3A = arith.constant 0 : i32
    %cond3A_63 = arith.cmpi ne, %convert_element_type3A, %cond3A : i32
    scf.if %cond3A_63 {
      %broadcast_in_dim3A_71 = arith.constant 0.000000e+00 : f32
      %broadcast_in_dim3A_72 = vector.broadcast %broadcast_in_dim3A_71 : f32 to vector<1x1xf32>
      %swap3A_73 = arith.constant 0 : index
      %swap3A_74 = arith.constant 0 : index
      %swap3A_75 = vector.load %arg5[%swap3A_73, %swap3A_74] : memref<1x1xf32, #tpu.memory_space<vmem>>, vector<1x1xf32>
      tpu.vector_store %arg5[%swap3A_73, %swap3A_74], %broadcast_in_dim3A_72 {strides = array<i32>} : memref<1x1xf32, #tpu.memory_space<vmem>>, vector<1x1xf32>,
    } else {
    }
    %get3A_64 = arith.constant 0 : index
    %get3A_65 = arith.constant 0 : index
    %get3A_66 = vector.load %arg5[%get3A_64, %get3A_65] : memref<1x1xf32, #tpu.memory_space<vmem>>, vector<1x1xf32>
    %broadcast_in_dim3A_67 = vector.broadcast %add3A_61 : f32 to vector<1x1xf32>
    %add3A_68 = arith.addf %get3A_66, %broadcast_in_dim3A_67 : vector<1x1xf32>
    %swap3A = arith.constant 0 : index
    %swap3A_69 = arith.constant 0 : index
    %swap3A_70 = vector.load %arg5[%swap3A, %swap3A_69] : memref<1x1xf32, #tpu.memory_space<vmem>>, vector<1x1xf32>
    tpu.vector_store %arg5[%swap3A, %swap3A_69], %add3A_68 {strides = array<i32>} : memref<1x1xf32, #tpu.memory_space<vmem>>, vector<1x1xf32>,
    return
  }
  func.func @transform_0(%arg0: i32) -> (i32, i32, i32) {
    %add3A = arith.constant 2 : i32
    %add3A_0 = arith.addi %arg0, %add3A : i32
    %c0_i32 = arith.constant 0 : i32
    %c0_i32_1 = arith.constant 0 : i32
    %c0_i32_2 = arith.constant 0 : i32
    return %add3A_0, %c0_i32, %c0_i32_1 : i32, i32, i32
  }
  func.func @transform_1(%arg0: i32) -> (i32, i32, i32) {
    %add3A = arith.constant 2 : i32
    %add3A_0 = arith.addi %arg0, %add3A : i32
    %c0_i32 = arith.constant 0 : i32
    %c0_i32_1 = arith.constant 0 : i32
    %c0_i32_2 = arith.constant 0 : i32
    return %add3A_0, %c0_i32, %c0_i32_1 : i32, i32, i32
  }
  func.func @transform_2(%arg0: i32) -> (i32, i32, i32, i32, i32) {
    %add3A = arith.constant 2 : i32
    %add3A_0 = arith.addi %arg0, %add3A : i32
    %jit3A = arith.constant 4 : i32
    %div3A = arith.divsi %add3A_0, %jit3A : i32
    %sign3A = arith.constant 0 : i32
    %sign3A_1 = arith.cmpi sgt, %add3A_0, %sign3A : i32
    %sign3A_2 = arith.extui %sign3A_1 : i1 to i32
    %sign3A_3 = arith.constant 0 : i32
    %sign3A_4 = arith.cmpi slt, %add3A_0, %sign3A_3 : i32
    %sign3A_5 = arith.extui %sign3A_4 : i1 to i32
    %sign3A_6 = arith.subi %sign3A_2, %sign3A_5 : i32
    %sign3A_7 = arith.constant 0 : i32
    %sign3A_8 = arith.cmpi sgt, %jit3A, %sign3A_7 : i32
    %sign3A_9 = arith.extui %sign3A_8 : i1 to i32
    %sign3A_10 = arith.constant 0 : i32
    %sign3A_11 = arith.cmpi slt, %jit3A, %sign3A_10 : i32
    %sign3A_12 = arith.extui %sign3A_11 : i1 to i32
    %sign3A_13 = arith.subi %sign3A_9, %sign3A_12 : i32
    %ne3A = arith.cmpi ne, %sign3A_6, %sign3A_13 : i32
    %rem3A = arith.remsi %add3A_0, %jit3A : i32
    %ne3A_14 = arith.constant 0 : i32
    %ne3A_15 = arith.cmpi ne, %rem3A, %ne3A_14 : i32
    %and3A = arith.andi %ne3A, %ne3A_15 : i1
    %sub3A = arith.constant 1 : i32
    %sub3A_16 = arith.subi %div3A, %sub3A : i32
    %select_n3A = arith.select %and3A, %sub3A_16, %div3A : i32
    %add3A_17 = arith.constant 2 : i32
    %add3A_18 = arith.addi %arg0, %add3A_17 : i32
    %jit3A_19 = arith.constant 4 : i32
    %eq3A = arith.constant 0 : i32
    %eq3A_20 = arith.cmpi eq, %jit3A_19, %eq3A : i32
    %jit3A_21 = arith.constant 1 : i32
    %select_n3A_22 = arith.select %eq3A_20, %jit3A_21, %jit3A_19 : i32
    %rem3A_23 = arith.remsi %add3A_18, %select_n3A_22 : i32
    %ne3A_24 = arith.constant 0 : i32
    %ne3A_25 = arith.cmpi ne, %rem3A_23, %ne3A_24 : i32
    %lt3A = arith.constant 0 : i32
    %lt3A_26 = arith.cmpi slt, %rem3A_23, %lt3A : i32
    %lt3A_27 = arith.constant 0 : i32
    %lt3A_28 = arith.cmpi slt, %select_n3A_22, %lt3A_27 : i32
    %ne3A_29 = arith.xori %lt3A_26, %lt3A_28 : i1
    %and3A_30 = arith.andi %ne3A_29, %ne3A_25 : i1
    %add3A_31 = arith.addi %rem3A_23, %select_n3A_22 : i32
    %select_n3A_32 = arith.select %and3A_30, %add3A_31, %rem3A_23 : i32
    %c0_i32 = arith.constant 0 : i32
    %c0_i32_33 = arith.constant 0 : i32
    %c0_i32_34 = arith.constant 0 : i32
    %c0_i32_35 = arith.constant 0 : i32
    return %select_n3A, %select_n3A_32, %c0_i32, %c0_i32_33, %c0_i32_34 : i32, i32, i32, i32, i32
  }
  func.func @transform_3(%arg0: i32) -> (i32, i32, i32) {
    %add3A = arith.constant 2 : i32
    %add3A_0 = arith.addi %arg0, %add3A : i32
    %c0_i32 = arith.constant 0 : i32
    %c0_i32_1 = arith.constant 0 : i32
    %c0_i32_2 = arith.constant 0 : i32
    return %add3A_0, %c0_i32, %c0_i32_1 : i32, i32, i32
  }
  func.func @transform_4(%arg0: i32) -> (i32, i32) {
    %c0_i32 = arith.constant 0 : i32
    %c0_i32_0 = arith.constant 0 : i32
    %c0_i32_1 = arith.constant 0 : i32
    return %c0_i32, %c0_i32_0 : i32, i32
  }
}

</mosaic_0001>

<sc_bundles>
// kernel: kernel.4.cloned.1.call-start
scs
__scs_entry_jumppad:
0x0: {  	(pc) =	sbr.rel $0x88, $3  }
0x1: {  	(tag) =	ssettag $0x0;
	lr =	simm.s32 $0x1  }
0x2: {  	[smem:$0x3F9D] =	sst lr;
	_ =	strace $0xD0000000  }
0x3: {  	_ = 	snop  }
0x4: {  	_ = 	snop  }
0x5: {  	_ = 	snop  }
0x6: {  	_ = 	snop  }
0x7: {  	_ = 	snop  }
__scs_overlays_trampoline_lowered:
0x8: {  	[smem:$0x3FAC] =	sst s0  }
0x9: {  	[smem:$0x3FAD] =	sst s1  }
0xa: {  	[smem:$0x3FAE] =	sst s2  }
0xb: {  	[smem:$0x3FAF] =	sst s3  }
0xc: {  	[smem:$0x3FB0] =	sst s4  }
0xd: {  	[smem:$0x3FB1] =	sst s5  }
0xe: {  	[smem:$0x3FB2] =	sst s6  }
0xf: {  	[smem:$0x3FB3] =	sst s7  }
0x10: {  	[smem:$0x3FB4] =	sst s8  }
0x11: {  	[smem:$0x3FB5] =	sst s9;
	s0 =	simm.s32 @!p0 $0x0  }
0x12: {  	s1 =	sld [smem:$0x3F9B];
	s0 =	simm.s32 @p0 $0x1  }
0x13: {  	[smem:$0x3FB6] =	sst s0;
	s0 =	simm.s32 @!p1 $0x0  }
0x14: {  	s2 =	sld [smem:$0x3F9A];
	s0 =	simm.s32 @p1 $0x1  }
0x15: {  	[smem:$0x3FB7] =	sst s0;
	s0 =	simm.s32 @!p2 $0x0  }
0x16: {  	s3 =	sld [smem:$0x3FDB];
	s0 =	simm.s32 @p2 $0x1  }
0x17: {  	s4 =	simm.s32 $0x1BF5;
	[smem:$0x3FB9] =	sst s0  }
0x18: {  	s0 =	sld [smem:$0x3F9C];
	_ =	swait.ge [sflag:s4], $0x0  }
0x19: {  	s7 =	sld [smem:$0x3F9D]  }
0x1a: {  	s8 =	sadd.s32 $0xFFFFE003, lr  }
0x1b: {  	s9 =	sadd.s32 $0xFFFFFEF7, lr;
	s5 =	simm.s32 $0xFFFFFFFF;
	p2 =	slt.u32 s8, $0xFFFFF086  }
0x1c: {  	p1 =	slt.u32 s9, $0xF7A;
	s5 =	simm.s32 @!p2 $0x0  }
0x1d: {  	s5 =	simm.s32 @p1 $0x1;
	p0 =	seq.s32 s7, s2  }
0x1e: {  	s7 =	smul.u32 @!p0 $0xF7A, s2;
	p2 =	seq.s32 @!p0 s5, $0x0  }
0x1f: {  	s9 =	smul.u32 $0xF7A, s1;
	s8 =	simm.s32 @!p0 $0x1BF5;
	p2 =	por !p2, p0  }
0x20: {  	[sflag:s8] =	ssyncset.s32 @!p0 $0xFFFFF086;
	s6 =	sadd.s32 @!p0 s3, s7;
	s7 =	simm.s32 @!p0 $0x108  }
0x21: {  	s3 =	sadd.s32 s3, s9;
	s6 =	sadd.s32 @!p0 $0x88, s6;
	s7 =	simm.s32 @p2 $0x1082  }
0x22: {  	[simem:s7], [sflag:s8] =	dma.local @!p0 [hbm:s6], $0xF7A  }
0x23: {  	s9 =	sor.u32 $0xD0000000, s2;
	s6 =	simm.s32 $0x108;
	_ =	swait.ge @!p0 [sflag:s8], $0x0  }
0x24: {  	s3 =	sadd.s32 $0x88, s3;
	s6 =	simm.s32 @!p1 $0x1082;
	[sflag:s4] =	ssyncset.s32 $0xFFFFF086  }
0x25: {  	[simem:s6], [sflag:s4] =	dma.local [hbm:s3], $0xF7A  }
0x26: {  	[smem:$0x3F9D] =	sst s1;
	(tag) =	ssettag s2;
	_ =	strace s9  }
0x27: {  	s1 =	sld [smem:$0x3FAD]  }
0x28: {  	s2 =	sld [smem:$0x3FAE]  }
0x29: {  	s4 =	sld [smem:$0x3FB0]  }
0x2a: {  	p0 =	seq.s32 s5, $0x0;
	s5 =	sld [smem:$0x3FB1]  }
0x2b: {  	s6 =	sld [smem:$0x3FB2]  }
0x2c: {  	s7 =	sld [smem:$0x3FB3]  }
0x2d: {  	s3 =	simm.s32 $0x108;
	s8 =	sld [smem:$0x3FB4]  }
0x2e: {  	s3 =	simm.s32 @!p0 $0x1082;
	s9 =	sld [smem:$0x3FB5]  }
0x2f: {  	lr =	sadd.s32 s0, s3;
	s0 =	sld [smem:$0x3FAC]  }
0x30: {  	s3 =	sld [smem:$0x3FAF]  }
0x31: {  	[smem:$0x3FB8] =	sst s10  }
0x32: {  	s10 =	sld [smem:$0x3FB6];
	_ =	sdelay $0x3  }
0x33: {  	p0 =	seq.s32 s10, $0x1;
	s10 =	sld [smem:$0x3FB8];
	_ =	sdelay $0x3  }
0x34: {  	[smem:$0x3FB8] =	sst s10  }
0x35: {  	s10 =	sld [smem:$0x3FB7];
	_ =	sdelay $0x3  }
0x36: {  	p1 =	seq.s32 s10, $0x1;
	s10 =	sld [smem:$0x3FB8];
	_ =	sdelay $0x3  }
0x37: {  	[smem:$0x3FB8] =	sst s10  }
0x38: {  	s10 =	sld [smem:$0x3FB9]  }
0x39: {  	_ = 	snop;
	(pc) =	sbr.ind lr, $3  }
0x3a: {  	_ = 	snop  }
0x3b: {  	_ = 	snop  }
0x3c: {  	p2 =	seq.s32 s10, $0x1;
	s10 =	sld [smem:$0x3FB8]  }
0x3d: {  	_ =	shalt  }
0x3e: {  	_ =	shalt  }
0x3f: {  	_ =	shalt  }
0x40: {  	_ =	shalt  }
0x41: {  	_ =	shalt  }
0x42: {  	_ =	shalt  }
0x43: {  	_ =	shalt  }
0x44: {  	_ =	shalt  }
0x45: {  	_ =	shalt  }
0x46: {  	_ =	shalt  }
0x47: {  	_ =	shalt  }
0x48: {  	_ =	shalt  }
0x49: {  	_ =	shalt  }
0x4a: {  	_ =	shalt  }
0x4b: {  	_ =	shalt  }
0x4c: {  	_ =	shalt  }
0x4d: {  	_ =	shalt  }
0x4e: {  	_ =	shalt  }
0x4f: {  	_ =	shalt  }
0x50: {  	_ =	shalt  }
0x51: {  	_ =	shalt  }
0x52: {  	_ =	shalt  }
0x53: {  	_ =	shalt  }
0x54: {  	_ =	shalt  }
0x55: {  	_ =	shalt  }
0x56: {  	_ =	shalt  }
0x57: {  	_ =	shalt  }
0x58: {  	_ =	shalt  }
0x59: {  	_ =	shalt  }
0x5a: {  	_ =	shalt  }
0x5b: {  	_ =	shalt  }
0x5c: {  	_ =	shalt  }
0x5d: {  	_ =	shalt  }
0x5e: {  	_ =	shalt  }
0x5f: {  	_ =	shalt  }
0x60: {  	_ =	shalt  }
0x61: {  	_ =	shalt  }
0x62: {  	_ =	shalt  }
0x63: {  	_ =	shalt  }
0x64: {  	_ =	shalt  }
0x65: {  	_ =	shalt  }
0x66: {  	_ =	shalt  }
0x67: {  	_ =	shalt  }
0x68: {  	_ =	shalt  }
0x69: {  	_ =	shalt  }
0x6a: {  	_ =	shalt  }
0x6b: {  	_ =	shalt  }
0x6c: {  	_ =	shalt  }
0x6d: {  	_ =	shalt  }
0x6e: {  	_ =	shalt  }
0x6f: {  	_ =	shalt  }
0x70: {  	_ =	shalt  }
0x71: {  	_ =	shalt  }
0x72: {  	_ =	shalt  }
0x73: {  	_ =	shalt  }
0x74: {  	_ =	shalt  }
0x75: {  	_ =	shalt  }
0x76: {  	_ =	shalt  }
0x77: {  	_ =	shalt  }
0x78: {  	_ =	shalt  }
0x79: {  	_ =	shalt  }
0x7a: {  	_ =	shalt  }
0x7b: {  	_ =	shalt  }
0x7c: {  	_ =	shalt  }
0x7d: {  	_ =	shalt  }
0x7e: {  	_ =	shalt  }
0x7f: {  	_ =	shalt  }
0x80: {  	_ =	shalt  }
0x81: {  	_ =	shalt  }
0x82: {  	_ =	shalt  }
0x83: {  	_ =	shalt  }
0x84: {  	_ =	shalt  }
0x85: {  	_ =	shalt  }
0x86: {  	_ =	shalt  }
0x87: {  	_ =	shalt  }
.Lfunc_end0:
.L_simem_size_0:
called_computation_lowered:
.L_overlay_start_0:
0x88: {  	s2 =	sld [smem:$0x3FD9]  }
0x89: {  	s3 =	sld [smem:$0x3FFE];
	_ =	sdelay $0x1  }
0x8a: {  	s1 =	srdreg.scid  }
0x8b: {  	s0 =	sand.u32 $0x1, s1  }
0x8c: {  	s16 =	sshll.u32 s0, $0xA;
	s2 =	sadd.s32 s3, s2  }
0x8d: {  	s2 =	sadd.s32 s2, s16  }
0x8e: {  	[smem:$0x3FC4] =	sst s2  }
0x8f: {  	_ = 	snop  }
0x90: {  	(tm) =	ssettm $0x1  }
0x91: {  	s17 =	sld [smem:$0x3FFB];
	_ =	sdelay $0x3  }
0x92: {  	_ =	strace s17  }
0x93: {  	s2 =	sld [smem:$0x3FFC];
	_ =	sdelay $0x3  }
0x94: {  	_ =	strace s2  }
0x95: {  	s2 =	sld [smem:$0x3FFD];
	_ =	sdelay $0x3  }
0x96: {  	_ =	strace s2  }
0x97: {  	_ =	strace $0x8FFFFFFF  }
0x98: {  	s18 =	sld [smem:$0x3FDB];
	_ =	sdelay $0x1  }
0x99: {  	s19 =	simm.s32 $_scs_section_size  }
0x9a: {  	s4 =	simm.s32 $_size__tile_overlayer_lowered;
	s5 =	simm.s32 $_tile_overlayer_lowered  }
0x9b: {  	s22 =	simm.s32 $0x1BFF;
	s21 =	sshll.u32 s5, $0x1;
	s2 =	sadd.s32 s19, s18  }
0x9c: {  	s6 =	simm.s32 $0x0;
	s20 =	sshll.u32 s4, $0x1;
	s4 =	sadd.s32 s21, s2  }
0x9d: {  	[timem:s6], [sflag:s22] =	dma.local [hbm:s4], s20  }
0x9e: {  	_ =	swait.ge [sflag:s22], s20  }
0x9f: {  	s3 =	ssub.s32 $0x0, s20;
	[sflag:s22] =	ssyncset.done $0x0  }
0xa0: {  	[sflag:s22] =	ssyncadd.s32 s3;
	_ =	sdelay $0x1  }
0xa1: {  	s23 =	simm.s32 $0x1B8B  }
0xa2: {  	_ =	swait.ge [sflag:s23], $0x1  }
0xa3: {  	[sflag:s23] =	ssyncset.done $0x0  }
0xa4: {  	s25 =	simm.s32 $0x1B8E;
	s24 =	sld [smem:$0x3FFE];
	[sflag:s23] =	ssyncadd.s32 $0xFFFFFFFF  }
0xa5: {  	s26 =	simm.s32 $execute0_lowered;
	[smem:$0x3FD2] =	sst s25  }
0xa6: {  	s4 =	sshll.u32 s26, $0x1;
	_ =	strace $0x80000046;
	[dreg:$0x1] =	wrdreg $0xFFFFFFFF  }
0xa7: {  	s28 =	simm.s32 $_size_execute0_lowered;
	s2 =	sadd.s32 s2, s4;
	[dreg:$0x0] =	wrdreg $0x0  }
0xa8: {  	s4 =	sshll.u32 s28, $0x1;
	[dreg:$0x2] =	wrdreg s2  }
0xa9: {  	[dreg:$0x3] =	wrdreg s4  }
0xaa: {  	[dreg:$0x4] =	wrdreg $0xC0  }
0xab: {  	_ =	task [dreg:s6], $0x5FFFF  }
0xac: {  	[dreg:$0x1] =	wrdreg $0xFFFFFFFF  }
0xad: {  	[dreg:$0x0] =	wrdreg $0x60  }
0xae: {  	[dreg:$0x2] =	wrdreg s24  }
0xaf: {  	[dreg:$0x3] =	wrdreg $0x28000  }
0xb0: {  	[dreg:$0x4] =	wrdreg $0x9  }
0xb1: {  	_ =	task.clear_ibuf [dreg:s6], $0x5FFFF;
	_ =	strace $0x90000046  }
0xb2: {  	s29 =	simm.s32 $0x9;
	_ =	strace $0x80000048  }
0xb3: {  	_ =	swait.ge [sflag:s29], $0x1  }
0xb4: {  	[sflag:s29] =	ssyncadd.s32 $0xFFFFFFFF  }
0xb5: {  	_ =	strace $0x90000048  }
0xb6: {  	_ =	sfence  }
0xb7: {  	s30 =	sld [smem:$0x0];
	_ =	sdelay $0x2  }
0xb8: {  	s31 =	sshll.u32 s1, $0xD;
	s1 =	sshrl.u32 s1, $0x2  }
0xb9: {  	s3 =	sand.u32 $0x4000, s31;
	s1 =	sadd.s32 s1, s30  }
0xba: {  	s0 =	sor.u32 s3, s0;
	s1 =	sshll.u32 s1, $0x11  }
0xbb: {  	s0 =	sor.u32 s1, s0  }
0xbc: {  	s0 =	sadd.s32 $0x8F2B, s0  }
0xbd: {  	[sflag:s0] =	ssyncadd.remote.s32 $0x1  }
0xbe: {  	_ =	sfence.sel $0xFFFF  }
0xbf: {  	[dreg:$0x0] =	wrdreg $0xFFFFFFFF;
	(pc) =	sbr.abs _section_cstart, $3  }
0xc0: {  	[dreg:$0x1] =	wrdreg $0xFFFFFFFF  }
0xc1: {  	_ =	task.clear_ibuf [dreg:s6], $0x2FFFF;
	_ =	strace $0x9FFFFFFF  }
0xc2: {  	(tm) =	ssettm $0x7FFFFFFF  }
0xc3: {  	_ =	shalt  }
tec
execute0_lowered:
.L_overlay_start_1:
0x0: {  	(tag) =	ssettag $0x1  }
0x1: {  	v0 =	vlaneseq.u32;
	v54 =	vimm.s32 $0xFEDCBA9;
	v60 =	vimm.s32 $0x87654321  }
0x2: {  	v2 =	vimm.s32 $0xEDCBA987;
	v3 =	vimm.s32 $0x6543210F;
	v4 =	vimm.s32 $0x10FEDCBA  }
0x3: {  	v5 =	vimm.s32 $0x98765432;
	v6 =	vimm.s32 $0xDCBA9876;
	v7 =	vimm.s32 $0x543210FE  }
0x4: {  	v11 =	vimm.s32 $0x210FEDCB;
	v12 =	vimm.s32 $0xA9876543;
	v13 =	vimm.s32 $0xCBA98765  }
0x5: {  	v14 =	vimm.s32 $0x43210FED;
	v15 =	vimm.s32 $0x3210FEDC;
	v16 =	vimm.s32 $0xBA987654  }
0x6: {  	v19 =	vmul.u32 $0x3, v0;
	v2 =	vunpack.c.l.s4.s8 v2;
	v3 =	vunpack.c.l.s4.s8 v3  }
0x7: {  	v4 =	vunpack.c.l.s4.s8 v4;
	v5 =	vunpack.c.l.s4.s8 v5;
	v6 =	vunpack.c.l.s4.s8 v6  }
0x8: {  	v7 =	vunpack.c.l.s4.s8 v7;
	v11 =	vunpack.c.l.s4.s8 v11;
	v0 =	vadd.s32 $0x30, v19  }
0x9: {  	v12 =	vunpack.c.l.s4.s8 v12;
	v13 =	vunpack.c.l.s4.s8 v13;
	v53 =	vadd.s32 $0x31, v19;
	[tilespmem:$0x1FE50] =	vst v0  }
0xa: {  	v14 =	vunpack.c.l.s4.s8 v14;
	v15 =	vunpack.c.l.s4.s8 v15;
	v1 =	vadd.s32 $0x32, v19;
	[tilespmem:$0x1FE60] =	vst v53  }
0xb: {  	v16 =	vunpack.c.l.s4.s8 v16;
	v20 =	vadd.s32 $0x1, v19;
	v55 =	vadd.s32 $0x60, v19;
	[tilespmem:$0x1FE70] =	vst v1  }
0xc: {  	v21 =	vadd.s32 $0x2, v19;
	v56 =	vadd.s32 $0x61, v19;
	v57 =	vadd.s32 $0x62, v19;
	[tilespmem:$0x1FE80] =	vst v55  }
0xd: {  	v58 =	vadd.s32 $0x90, v19;
	v59 =	vadd.s32 $0x91, v19;
	v2 =	vunpack.c.0.s8.s32 v2;
	[tilespmem:$0x1FE90] =	vst v56  }
0xe: {  	v3 =	vunpack.c.0.s8.s32 v3;
	v4 =	vunpack.c.0.s8.s32 v4;
	v5 =	vunpack.c.0.s8.s32 v5;
	[tilespmem:$0x1FEA0] =	vst v57  }
0xf: {  	s3 =	rddreg [dreg:$0x0];
	v8 =	vadd.s32 $0x92, v19;
	v6 =	vunpack.c.0.s8.s32 v6;
	v7 =	vunpack.c.0.s8.s32 v7;
	[tilespmem:$0x1FEB0] =	vst v58  }
0x10: {  	s0 =	rddreg [dreg:$0x1];
	s1 =	srdreg.scid;
	s2 =	simm.s32 $0x0;
	v11 =	vunpack.c.0.s8.s32 v11;
	v12 =	vunpack.c.0.s8.s32 v12;
	v13 =	vunpack.c.0.s8.s32 v13;
	[tilespmem:$0x1FEC0] =	vst v59  }
0x11: {  	s26 =	stileid.u32;
	s30 =	simm.s32 $0x80;
	[smem:$0x7FF] =	sst s2;
	v14 =	vunpack.c.0.s8.s32 v14;
	v0 =	vunpack.c.l.s4.s8 v54;
	v1 =	vunpack.c.l.s4.s8 v60;
	[tilespmem:$0x1FED0] =	vst v8  }
0x12: {  	s31 =	simm.s32 $0x400;
	s29 =	simm.s32 $0x0;
	v15 =	vunpack.c.0.s8.s32 v15;
	v16 =	vunpack.c.0.s8.s32 v16;
	v9 =	vcombine.low v3, v2;
	_ =	strace $0x80000047;
	[tilespmem:$0x1FEF0] =	vst v19  }
0x13: {  	s1 =	sand.u32 $0x1, s1;
	s5 =	smul.u32 $0xC0, s26;
	s8 =	sshll.u32 s26, $0x1;
	v17 =	vcombine.low v12, v11;
	[tilespmem:$0x1FF00] =	vst v20;
	v0 =	vunpack.c.0.s8.s32 v0;
	v1 =	vunpack.c.0.s8.s32 v1  }
0x14: {  	s21 =	sshll.u32 s26, $0xA;
	s23 =	sshll.u32 s26, $0x7;
	s10 =	sadd.s32 $0x180, s0;
	v10 =	vcombine.low v5, v4;
	v4 =	vcombine.low v4, v5;
	[tilespmem:$0x1FF10] =	vst v21;
	v22 =	vand.u32 $0xF, v9  }
0x15: {  	s11 =	sadd.s32 $0x200, s0;
	s12 =	sadd.s32 $0x280, s0;
	s13 =	sadd.s32 $0x300, s0;
	v18 =	vcombine.low v16, v15;
	v31 =	vand.u32 $0xF, v17;
	v8 =	vcombine.low v1, v0;
	[tilespmem:$0x1FF40] =	vst v22  }
0x16: {  	s14 =	sadd.s32 $0x380, s0;
	s15 =	sadd.s32 $0x2000, s0;
	s16 =	sadd.s32 $0x2080, s0;
	v2 =	vcombine.low v2, v3;
	v9 =	vcombine.low v14, v13;
	v23 =	vand.u32 $0xF, v4;
	[tilespmem:$0x1FF50] =	vst v31  }
0x17: {  	s17 =	sadd.s32 $0x2100, s0;
	s18 =	sadd.s32 $0x2180, s0;
	p0 =	seq.s32 s26, $0x0;
	v18 =	vand.u32 $0xF, v18;
	[tilespmem:$0x1FF80] =	vst v23;
	v54 =	vand.u32 $0xF, v8;
	v8 =	vcombine.low v7, v6  }
0x18: {  	s26 =	simm.s32 $0x1;
	s4 =	smul.u32 $0xC00, s1;
	s7 =	sshll.u32 s1, $0x7;
	v24 =	vand.u32 $0xF, v10;
	v33 =	vand.u32 $0xF, v2;
	[tilespmem:$0x1FFA0] =	vst v18  }
0x19: {  	s20 =	ssub.s32 $0x2, s1;
	s22 =	sand.u32 $0x2000, s21;
	s1 =	sshll.u32 s1, $0x5;
	v0 =	vcombine.low v0, v1;
	[tilespmem:$0x1FFD0] =	vst v33;
	v29 =	vand.u32 $0xF, v8;
	v8 =	vand.u32 $0xF, v9  }
0x1a: {  	s21 =	sadd.s32 $0x2300, s0;
	s19 =	sadd.s32 s7, s3;
	s9 =	sshrl.u32 s20, $0x1;
	v10 =	vcombine.low v11, v12;
	v11 =	vimm.s32 $0xFEDCBA98;
	[tilespmem:$0x1FEE0] =	vst v8;
	v8 =	vcombine.low v15, v16  }
0x1b: {  	s7 =	sand.u32 $0x380, s23;
	s28 =	sadd.s32 s22, s0;
	s22 =	sadd.s32 $0x2380, s0;
	v11 =	vunpack.c.l.s4.s8 v11;
	[tilespmem:$0x1FFE0] =	vst v24;
	v17 =	vand.u32 $0xF, v0  }
0x1c: {  	s6 =	sshrl.u32 s4, $0x3;
	s4 =	sadd.s32 s5, s4;
	s24 =	ssub.s32 s20, s9;
	v6 =	vcombine.low v6, v7;
	[tilespmem:$0x1FF20] =	vst v17;
	v12 =	vand.u32 $0xF, v8;
	v8 =	vimm.s32 $0x76543210  }
0x1d: {  	s5 =	sadd.s32 $0x43800, s19;
	s7 =	sadd.s32 s7, s28;
	s9 =	sadd.s32 $0x100, s0;
	[tilespmem:$0x1FFF0] =	vst v54;
	v9 =	vcombine.low v13, v14;
	v14 =	vand.u32 $0xF, v10;
	v8 =	vunpack.c.l.s4.s8 v8  }
0x1e: {  	s19 =	sadd.s32 $0x2200, s0;
	s20 =	sadd.s32 $0x2280, s0;
	s6 =	sadd.s32 s6, s3;
	v61 =	vunpack.c.0.s8.s32 v11;
	[tilespmem:$0x1FF70] =	vst v14  }
0x1f: {  	s4 =	sshrl.u32 s4, $0x3;
	[dreg:$0x5] =	wrdreg s5;
	s24 =	smax.u32 s24, $0x1;
	v11 =	vand.u32 $0xF, v6;
	[tilespmem:$0x1FF90] =	vst v29;
	v62 =	vunpack.c.0.s8.s32 v8  }
0x20: {  	s4 =	sadd.s32 s4, s3;
	s3 =	sadd.s32 s8, s3;
	s6 =	sadd.s32 $0x40800, s6;
	v63 =	vand.u32 $0xF, v61;
	[tilespmem:$0x1FFC0] =	vst v11;
	v9 =	vand.u32 $0xF, v9  }
0x21: {  	s8 =	sadd.s32 $0x80, s0;
	[dreg:$0x3] =	wrdreg s6;
	s25 =	sadd.s32 $0x42000, s4;
	[tilespmem:$0x1FFB0] =	vst v9;
	v25 =	vcombine.low v63, v62  }
0x22: {  	s6 =	sadd.s32 $0x44000, s4;
	s1 =	sadd.s32 s1, s3;
	[dreg:$0x4] =	wrdreg s25;
	[tilespmem:$0x1FF60] =	vst v12  }
0x23: {  	s23 =	sadd.s32 $0x45800, s1;
	s25 =	simm.s32 $0x100;
	s1 =	simm.s32 $0x2380;
	[tilespmem:$0x1FF30] =	vst v25  }
.LBB2_1:
0x24: {  	s0 =	rddreg [dreg:$0x3]  }
0x25: {  	[tilespmem:s25], [sflag:$0x1] =	stream.linear.gather [hbm4b:s0+s2], $0xC00, $0x38;
	[tilespmem:$0x2C00] =	vst v63  }
0x26: {  	_ =	swait.ge [sflag:s26], $0xC00  }
0x27: {  	[sflag:s26] =	ssyncset.done $0x0  }
0x28: {  	s3 =	rddreg [dreg:$0x4];
	[sflag:s26] =	ssyncadd.s32 $0xFFFFF400  }
0x29: {  	[tilespmem:s2], [sflag:$0x1] =	stream.linear.gather [hbm4b:s3+s2], $0xC0, $0x38;
	[tilespmem:$0x2C00] =	vst v63  }
0x2a: {  	_ =	swait.ge [sflag:s26], $0xC0  }
0x2b: {  	[sflag:s26] =	ssyncset.done $0x0  }
0x2c: {  	s3 =	simm.s32 $0xD00;
	s4 =	rddreg [dreg:$0x5];
	[sflag:s26] =	ssyncadd.s32 $0xFFFFFF40  }
0x2d: {  	[tilespmem:s3], [sflag:$0x1] =	stream.linear.gather [hbm4b:s4+s2], $0x400, $0x38;
	[tilespmem:$0x2C00] =	vst v63  }
0x2e: {  	_ =	swait.ge [sflag:s26], $0x400  }
0x2f: {  	[sflag:s26] =	ssyncset.done $0x0  }
0x30: {  	s5 =	simm.s32 $0x1100;
	[sflag:s26] =	ssyncadd.s32 $0xFFFFFC00  }
0x31: {  	[tilespmem:s5], [sflag:$0x1] =	stream.linear.gather [hbm4b:s6+s2], $0xC0, $0x38;
	[tilespmem:$0x2C00] =	vst v63  }
0x32: {  	_ =	swait.ge [sflag:s26], $0xC0  }
0x33: {  	[sflag:s26] =	ssyncset.done $0x0  }
0x34: {  	[sflag:s26] =	ssyncadd.s32 $0xFFFFFF40  }
0x35: {  	v0 =	vld.idx.msk [tilespmem:v19+s2+$0x0], $0xffff;
	_ =	sdelay $0x4  }
0x36: {  	[tilespmem:$0x1200] =	vst v0  }
0x37: {  	v0 =	vld.idx.msk [tilespmem:v20+s2+$0x0], $0xffff;
	_ =	sdelay $0x4  }
0x38: {  	[tilespmem:$0x1280] =	vst v0  }
0x39: {  	v0 =	vld.idx.msk [tilespmem:v21+s2+$0x0], $0xffff;
	_ =	sdelay $0x4  }
0x3a: {  	[tilespmem:$0x1300] =	vst v0;
	v0 =	vld [tilespmem:$0x1FE50];
	_ =	sdelay $0x7  }
0x3b: {  	v0 =	vld.idx.msk [tilespmem:v0+s2+$0x0], $0xffff;
	_ =	sdelay $0x4  }
0x3c: {  	[tilespmem:$0x1210] =	vst v0;
	v0 =	vld [tilespmem:$0x1FE60];
	_ =	sdelay $0x7  }
0x3d: {  	v0 =	vld.idx.msk [tilespmem:v0+s2+$0x0], $0xffff;
	_ =	sdelay $0x4  }
0x3e: {  	[tilespmem:$0x1290] =	vst v0;
	v0 =	vld [tilespmem:$0x1FE70];
	_ =	sdelay $0x7  }
0x3f: {  	v0 =	vld.idx.msk [tilespmem:v0+s2+$0x0], $0xffff;
	_ =	sdelay $0x4  }
0x40: {  	[tilespmem:$0x1310] =	vst v0;
	v0 =	vld [tilespmem:$0x1FE80];
	_ =	sdelay $0x7  }
0x41: {  	v0 =	vld.idx.msk [tilespmem:v0+s2+$0x0], $0xffff;
	_ =	sdelay $0x4  }
0x42: {  	[tilespmem:$0x1220] =	vst v0;
	v0 =	vld [tilespmem:$0x1FE90];
	_ =	sdelay $0x7  }
0x43: {  	v0 =	vld.idx.msk [tilespmem:v0+s2+$0x0], $0xffff;
	_ =	sdelay $0x4  }
0x44: {  	[tilespmem:$0x12A0] =	vst v0;
	v0 =	vld [tilespmem:$0x1FEA0];
	_ =	sdelay $0x7  }
0x45: {  	v0 =	vld.idx.msk [tilespmem:v0+s2+$0x0], $0xffff;
	_ =	sdelay $0x4  }
0x46: {  	[tilespmem:$0x1320] =	vst v0;
	v0 =	vld [tilespmem:$0x1FEB0];
	_ =	sdelay $0x7  }
0x47: {  	v0 =	vld.idx.msk [tilespmem:v0+s2+$0x0], $0xffff;
	_ =	sdelay $0x4  }
0x48: {  	[tilespmem:$0x1230] =	vst v0;
	v0 =	vld [tilespmem:$0x1FEC0];
	_ =	sdelay $0x7  }
0x49: {  	v0 =	vld.idx.msk [tilespmem:v0+s2+$0x0], $0xffff;
	_ =	sdelay $0x4  }
0x4a: {  	[tilespmem:$0x12B0] =	vst v0;
	v0 =	vld [tilespmem:$0x1FED0];
	_ =	sdelay $0x7  }
0x4b: {  	v0 =	vld.idx.msk [tilespmem:v0+s2+$0x0], $0xffff  }
0x4c: {  	v1 =	vadd.s32 s2, v19;
	_ =	sdelay $0x3  }
0x4d: {  	[tilespmem:$0x1330] =	vst v0  }
0x4e: {  	v0 =	vld.idx.msk [tilespmem:v1+s25+$0x0], $0xffff  }
0x4f: {  	v1 =	vadd.s32 s2, v20;
	_ =	sdelay $0x2  }
0x50: {  	s3 =	simm.s32 $0x1380  }
0x51: {  	[tilespmem:s3+$0x0] =	vst v0  }
0x52: {  	v0 =	vld.idx.msk [tilespmem:v1+s25+$0x0], $0xffff  }
0x53: {  	v1 =	vadd.s32 s2, v21;
	_ =	sdelay $0x2  }
0x54: {  	s4 =	simm.s32 $0x1780  }
0x55: {  	[tilespmem:s4+$0x0] =	vst v0  }
0x56: {  	s5 =	simm.s32 $0x30;
	v0 =	vld.idx.msk [tilespmem:v1+s25+$0x0], $0xffff  }
0x57: {  	v1 =	vadd.s32 s5, v19;
	_ =	sdelay $0x2  }
0x58: {  	s0 =	simm.s32 $0x1B80  }
0x59: {  	[tilespmem:s0+$0x0] =	vst v0  }
0x5a: {  	v0 =	vld.idx.msk [tilespmem:v1+s25+$0x0], $0xffff  }
0x5b: {  	v1 =	vadd.s32 s5, v20;
	_ =	sdelay $0x2  }
0x5c: {  	s28 =	simm.s32 $0x1390  }
0x5d: {  	[tilespmem:s28+$0x0] =	vst v0  }
0x5e: {  	v0 =	vld.idx.msk [tilespmem:v1+s25+$0x0], $0xffff  }
0x5f: {  	v1 =	vadd.s32 s5, v21;
	_ =	sdelay $0x2  }
0x60: {  	s3 =	simm.s32 $0x1790  }
0x61: {  	[tilespmem:s3+$0x0] =	vst v0  }
0x62: {  	s4 =	simm.s32 $0x60;
	v0 =	vld.idx.msk [tilespmem:v1+s25+$0x0], $0xffff  }
0x63: {  	s5 =	simm.s32 $0x90;
	v1 =	vadd.s32 s4, v19  }
.LBB2_2:
0x64: {  	p1 =	sne.s32 s5, $0xBD0;
	_ =	sdelay $0x1  }
0x65: {  	s0 =	sadd.s32 $0x10, s0  }
0x66: {  	[tilespmem:s0+$0x0] =	vst v0  }
0x67: {  	v0 =	vld.idx.msk [tilespmem:v1+s25+$0x0], $0xffff;
	_ =	sdelay $0x1  }
0x68: {  	v1 =	vadd.s32 s4, v20;
	_ =	sdelay $0x2  }
0x69: {  	s28 =	sadd.s32 $0x10, s28  }
0x6a: {  	[tilespmem:s28+$0x0] =	vst v0  }
0x6b: {  	v0 =	vld.idx.msk [tilespmem:v1+s25+$0x0], $0xffff;
	_ =	sdelay $0x1  }
0x6c: {  	v1 =	vadd.s32 s4, v21;
	s4 =	smov.u32 s5;
	_ =	sdelay $0x2  }
.Ltmp0:
0x6d: {  	s3 =	sadd.s32 $0x10, s3;
	(pc) =	sbr.rel @p1 .LBB2_2-.Ltmp0, $3  }
0x6e: {  	[tilespmem:s3+$0x0] =	vst v0  }
0x6f: {  	v0 =	vld.idx.msk [tilespmem:v1+s25+$0x0], $0xffff;
	_ =	sdelay $0x1  }
0x70: {  	s5 =	sadd.s32 $0x30, s5;
	v1 =	vadd.s32 s4, v19  }
0x71: {  	_ =	sdelay $0x1  }
0x72: {  	s0 =	sadd.s32 $0x10, s0  }
0x73: {  	[tilespmem:s0+$0x0] =	vst v0  }
0x74: {  	v0 =	vld.idx.msk [tilespmem:v1+s25+$0x0], $0xffff  }
0x75: {  	v1 =	vadd.s32 s4, v20;
	_ =	sdelay $0x2  }
0x76: {  	s5 =	sadd.s32 $0x10, s28  }
0x77: {  	[tilespmem:s5+$0x0] =	vst v0  }
0x78: {  	v0 =	vld.idx.msk [tilespmem:v1+s25+$0x0], $0xffff  }
0x79: {  	v1 =	vadd.s32 s4, v21;
	_ =	sdelay $0x2  }
0x7a: {  	s3 =	sadd.s32 $0x10, s3  }
0x7b: {  	[tilespmem:s3+$0x0] =	vst v0  }
0x7c: {  	v0 =	vld.idx.msk [tilespmem:v1+s25+$0x0], $0xffff;
	_ =	sdelay $0x3  }
0x7d: {  	s0 =	sadd.s32 $0x10, s0  }
0x7e: {  	[tilespmem:s0+$0x0] =	vst v0;
	s0 =	simm.s32 $0x0  }
0x7f: {  	v1 =	vld [tilespmem:s0+$0x1B80];
	_ =	sdelay $0x1  }
0x80: {  	v3 =	vld [tilespmem:$0x1330];
	_ =	sdelay $0x2  }
0x81: {  	v0 =	vld [tilespmem:$0x1FEE0];
	v7 =	vperm.xlane v1, v22;
	_ =	sdelay $0x1  }
0x82: {  	v15 =	vperm.xlane v1, v12;
	v2 =	vsub.f32 v3, v7;
	_ =	sdelay $0x1  }
0x83: {  	v26 =	vperm.xlane v1, v25;
	[tilespmem:$0x1F450] =	vst v2;
	v2 =	vsub.f32 v3, v15  }
0x84: {  	v10 =	vperm.xlane v1, v29;
	v13 =	vperm.xlane v1, v0  }
0x85: {  	v16 =	vperm.xlane v1, v14;
	v28 =	vperm.xlane v1, v11;
	[tilespmem:$0x1F3D0] =	vst v2;
	v2 =	vsub.f32 v3, v26  }
0x86: {  	v19 =	vperm.xlane v1, v23;
	v21 =	vperm.xlane v1, v17  }
0x87: {  	v27 =	vperm.xlane v1, v33;
	v32 =	vperm.xlane v1, v18;
	[tilespmem:$0x1F3E0] =	vst v2;
	v2 =	vsub.f32 v3, v28  }
0x88: {  	v30 =	vperm.xlane v1, v9;
	v34 =	vperm.xlane v1, v31  }
0x89: {  	v35 =	vperm.xlane v1, v24;
	v42 =	vsub.f32 v3, v10;
	[tilespmem:$0x1F3F0] =	vst v2;
	v2 =	vsub.f32 v3, v32  }
0x8a: {  	v37 =	vperm.xlane v1, v54;
	v20 =	vsub.f32 v3, v13;
	v62 =	vsub.f32 v3, v19  }
0x8b: {  	v5 =	vmovc v25;
	v25 =	vld [tilespmem:$0x1320];
	v40 =	vsub.f32 v3, v16;
	v38 =	vsub.f32 v3, v21;
	[tilespmem:$0x1F400] =	vst v2;
	v2 =	vlaneseq.u32  }
0x8c: {  	v39 =	vsub.f32 v3, v27;
	v6 =	vsub.f32 v3, v35;
	v1 =	vperm.xlane v1, v2  }
0x8d: {  	v41 =	vsub.f32 v3, v30;
	v45 =	vsub.f32 v3, v34  }
0x8e: {  	[tilespmem:$0x1F420] =	vst v6;
	v6 =	vsub.f32 v3, v37;
	v3 =	vsub.f32 v3, v1;
	_ =	sdelay $0x1  }
0x8f: {  	[tilespmem:$0x1F430] =	vst v3;
	v3 =	vsub.f32 v25, v7;
	_ =	sdelay $0x1  }
0x90: {  	[tilespmem:$0x1F480] =	vst v3;
	v3 =	vsub.f32 v25, v13;
	_ =	sdelay $0x1  }
0x91: {  	[tilespmem:$0x1F4B0] =	vst v3;
	v3 =	vsub.f32 v25, v10;
	_ =	sdelay $0x1  }
0x92: {  	[tilespmem:$0x1F470] =	vst v3;
	v3 =	vsub.f32 v25, v16;
	_ =	sdelay $0x1  }
0x93: {  	[tilespmem:$0x1F4D0] =	vst v3;
	v3 =	vsub.f32 v25, v15;
	_ =	sdelay $0x1  }
0x94: {  	[tilespmem:$0x1F4A0] =	vst v3;
	v3 =	vsub.f32 v25, v21;
	_ =	sdelay $0x1  }
0x95: {  	[tilespmem:$0x1F4F0] =	vst v3;
	v3 =	vsub.f32 v25, v19;
	_ =	sdelay $0x1  }
0x96: {  	[tilespmem:$0x1F4C0] =	vst v3;
	v3 =	vld [tilespmem:$0x1310];
	_ =	sdelay $0x1  }
0x97: {  	[tilespmem:$0x1F410] =	vst v6;
	v6 =	vsub.f32 v25, v27;
	_ =	sdelay $0x1  }
0x98: {  	[tilespmem:$0x1F510] =	vst v6;
	v6 =	vsub.f32 v25, v26  }
0x99: {  	v0 =	vsub.f32 v3, v30  }
0x9a: {  	[tilespmem:$0x1F4E0] =	vst v6;
	v6 =	vsub.f32 v25, v30  }
0x9b: {  	[tilespmem:$0x1F6F0] =	vst v0;
	v0 =	vsub.f32 v3, v34  }
0x9c: {  	[tilespmem:$0x1F520] =	vst v6;
	v6 =	vsub.f32 v25, v28  }
0x9d: {  	[tilespmem:$0x1F740] =	vst v0;
	v0 =	vsub.f32 v3, v35  }
0x9e: {  	v52 =	vld [tilespmem:$0x1300];
	[tilespmem:$0x1F500] =	vst v6;
	v6 =	vsub.f32 v25, v32  }
0x9f: {  	[tilespmem:$0x1F760] =	vst v0;
	v0 =	vsub.f32 v3, v37  }
0xa0: {  	[tilespmem:$0x1F530] =	vst v6;
	v6 =	vsub.f32 v25, v34  }
0xa1: {  	[tilespmem:$0x1F790] =	vst v0;
	v0 =	vsub.f32 v3, v1  }
0xa2: {  	[tilespmem:$0x1F540] =	vst v6;
	v6 =	vsub.f32 v25, v35  }
0xa3: {  	[tilespmem:$0x1F7B0] =	vst v0;
	v0 =	vsub.f32 v52, v10  }
0xa4: {  	[tilespmem:$0x1F550] =	vst v6;
	v6 =	vsub.f32 v25, v37  }
0xa5: {  	[tilespmem:$0x1F800] =	vst v0;
	v0 =	vsub.f32 v52, v7  }
0xa6: {  	[tilespmem:$0x1F570] =	vst v6;
	v6 =	vsub.f32 v25, v1  }
0xa7: {  	[tilespmem:$0x1F7E0] =	vst v0;
	v0 =	vsub.f32 v52, v15  }
0xa8: {  	[tilespmem:$0x1F580] =	vst v6;
	v6 =	vsub.f32 v3, v10  }
0xa9: {  	[tilespmem:$0x1F840] =	vst v0;
	v0 =	vsub.f32 v52, v13  }
0xaa: {  	[tilespmem:$0x1F590] =	vst v6;
	v6 =	vsub.f32 v3, v7  }
0xab: {  	[tilespmem:$0x1F820] =	vst v0;
	v0 =	vsub.f32 v52, v19  }
0xac: {  	[tilespmem:$0x1F5B0] =	vst v6;
	v6 =	vsub.f32 v3, v15  }
0xad: {  	[tilespmem:$0x1F880] =	vst v0;
	v0 =	vsub.f32 v52, v16  }
0xae: {  	[tilespmem:$0x1F5D0] =	vst v6;
	v6 =	vsub.f32 v3, v13  }
0xaf: {  	[tilespmem:$0x1F860] =	vst v0;
	v0 =	vsub.f32 v52, v26  }
0xb0: {  	[tilespmem:$0x1F5F0] =	vst v6;
	v6 =	vsub.f32 v3, v19  }
0xb1: {  	[tilespmem:$0x1F8C0] =	vst v0;
	v0 =	vsub.f32 v52, v21  }
0xb2: {  	[tilespmem:$0x1F610] =	vst v6;
	v6 =	vsub.f32 v3, v16  }
0xb3: {  	[tilespmem:$0x1F8A0] =	vst v0;
	v0 =	vsub.f32 v52, v28  }
0xb4: {  	v59 =	vld [tilespmem:s0+$0x1380];
	[tilespmem:$0x1F630] =	vst v6  }
0xb5: {  	v6 =	vsub.f32 v3, v26;
	[tilespmem:$0x1F900] =	vst v0;
	v0 =	vld [tilespmem:$0x1FEE0];
	_ =	sdelay $0x1  }
0xb6: {  	[tilespmem:$0x1F650] =	vst v6;
	v6 =	vsub.f32 v3, v21  }
0xb7: {  	v1 =	vsub.f32 v52, v1  }
0xb8: {  	[tilespmem:$0x1F670] =	vst v6;
	v6 =	vsub.f32 v3, v28  }
0xb9: {  	v10 =	vld [tilespmem:$0x1230];
	[tilespmem:$0x1F9E0] =	vst v1;
	v56 =	vperm.xlane v59, v0;
	v0 =	vsub.f32 v52, v27  }
0xba: {  	v7 =	vld [tilespmem:s0+$0x1780];
	[tilespmem:$0x1F6C0] =	vst v6;
	v6 =	vsub.f32 v3, v27  }
0xbb: {  	v48 =	vperm.xlane v59, v22;
	[tilespmem:$0x1F8E0] =	vst v0;
	v0 =	vsub.f32 v52, v32  }
0xbc: {  	v51 =	vperm.xlane v59, v29;
	v53 =	vperm.xlane v59, v14;
	[tilespmem:$0x1F6A0] =	vst v6;
	v6 =	vsub.f32 v3, v32  }
0xbd: {  	v46 =	vperm.xlane v59, v12;
	v58 =	vperm.xlane v59, v23;
	[tilespmem:$0x1F940] =	vst v0;
	v0 =	vld [tilespmem:$0x12B0]  }
0xbe: {  	v44 =	vperm.xlane v59, v5;
	v1 =	vsub.f32 v10, v51;
	[tilespmem:$0x1F710] =	vst v6;
	v6 =	vsub.f32 v52, v30  }
0xbf: {  	v4 =	vmovc v31;
	v61 =	vperm.xlane v59, v9;
	v15 =	vsub.f32 v10, v53;
	v31 =	vperm.xlane v7, v29  }
0xc0: {  	v1 =	vmul.f32 v1, v1;
	[tilespmem:$0x1F920] =	vst v6;
	v6 =	vsub.f32 v52, v35;
	v35 =	vperm.xlane v7, v22  }
0xc1: {  	v2 =	vsub.f32 v52, v37;
	v15 =	vmul.f32 v15, v15;
	v55 =	vperm.xlane v7, v14  }
0xc2: {  	v36 =	vperm.xlane v7, v5;
	v3 =	vsub.f32 v10, v48;
	v21 =	vsub.f32 v0, v35  }
0xc3: {  	v50 =	vperm.xlane v7, v17;
	v47 =	vperm.xlane v7, v11;
	[tilespmem:$0x1F980] =	vst v6;
	v6 =	vsub.f32 v52, v34  }
0xc4: {  	v8 =	vmovc v33;
	v19 =	vsub.f32 v10, v46;
	v3 =	vmul.f32 v3, v3;
	v21 =	vmul.f32 v21, v21  }
0xc5: {  	v43 =	vperm.xlane v7, v8;
	v49 =	vperm.xlane v7, v18  }
0xc6: {  	[tilespmem:$0x1F9A0] =	vst v2;
	v19 =	vmul.f32 v19, v19;
	v26 =	vsub.f32 v10, v58;
	v2 =	vadd.f32 v21, v3  }
0xc7: {  	v30 =	vmovc v24;
	v24 =	vperm.xlane v59, v11;
	v34 =	vperm.xlane v59, v4;
	[tilespmem:$0x1F960] =	vst v6;
	v6 =	vmov v23  }
0xc8: {  	v23 =	vperm.xlane v7, v12;
	v63 =	vperm.xlane v7, v6;
	v6 =	vlaneseq.u32;
	[tilespmem:$0x1F3B0] =	vst v2;
	v2 =	vld [tilespmem:$0x1FEE0]  }
0xc9: {  	v60 =	vperm.xlane v59, v6;
	v13 =	vsub.f32 v10, v56;
	v16 =	vsub.f32 v0, v31  }
0xca: {  	v32 =	vperm.xlane v59, v8;
	v52 =	vperm.xlane v59, v18;
	v27 =	vsub.f32 v0, v63  }
0xcb: {  	v28 =	vsub.f32 v0, v36;
	v37 =	vsub.f32 v0, v47;
	v16 =	vmul.f32 v16, v16  }
0xcc: {  	v13 =	vmul.f32 v13, v13;
	v5 =	vsub.f32 v0, v49;
	v3 =	vsub.f32 v0, v23  }
0xcd: {  	v37 =	vmul.f32 v37, v37;
	v33 =	vadd.f32 v16, v1;
	v22 =	vperm.xlane v7, v2  }
0xce: {  	v1 =	vmul.f32 v26, v26;
	v26 =	vsub.f32 v0, v55;
	v3 =	vmul.f32 v3, v3  }
0xcf: {  	v5 =	vmul.f32 v5, v5;
	v16 =	vsub.f32 v10, v44;
	v21 =	vsub.f32 v0, v22  }
0xd0: {  	v29 =	vadd.f32 v3, v19;
	v3 =	vmul.f32 v27, v27;
	v19 =	vmul.f32 v26, v26  }
0xd1: {  	v27 =	vperm.xlane v59, v17;
	v26 =	vsub.f32 v0, v50;
	v21 =	vmul.f32 v21, v21  }
0xd2: {  	v16 =	vmul.f32 v16, v16;
	v25 =	vadd.f32 v3, v1;
	v17 =	vadd.f32 v19, v15  }
0xd3: {  	v3 =	vsub.f32 v10, v27;
	v21 =	vadd.f32 v21, v13;
	v13 =	vmul.f32 v28, v28  }
0xd4: {  	v1 =	vmovc v4;
	v15 =	vsub.f32 v10, v24;
	v26 =	vmul.f32 v26, v26;
	v4 =	vsub.f32 v10, v52  }
0xd5: {  	v2 =	vsub.f32 v0, v43;
	v19 =	vmul.f32 v3, v3;
	v13 =	vadd.f32 v13, v16  }
0xd6: {  	v28 =	vmovc v30;
	v16 =	vperm.xlane v59, v30;
	v30 =	vperm.xlane v59, v54;
	v59 =	vsub.f32 v10, v32  }
0xd7: {  	v15 =	vmul.f32 v15, v15;
	v4 =	vmul.f32 v4, v4  }
0xd8: {  	v2 =	vmul.f32 v2, v2;
	v14 =	vadd.f32 v26, v19;
	v19 =	vmul.f32 v59, v59  }
0xd9: {  	v57 =	vperm.xlane v7, v9;
	v18 =	vadd.f32 v37, v15  }
0xda: {  	v37 =	vadd.f32 v2, v19;
	v19 =	vperm.xlane v7, v1;
	v1 =	vadd.f32 v5, v4  }
0xdb: {  	v26 =	vperm.xlane v7, v6;
	v5 =	vsub.f32 v10, v61;
	v2 =	vsub.f32 v0, v57  }
0xdc: {  	v20 =	vmul.f32 v20, v20;
	v59 =	vperm.xlane v7, v28  }
0xdd: {  	v6 =	vsub.f32 v0, v26;
	v8 =	vmul.f32 v5, v5;
	v2 =	vmul.f32 v2, v2  }
0xde: {  	v28 =	vperm.xlane v7, v54;
	v7 =	vsub.f32 v10, v34;
	v4 =	vsub.f32 v10, v16  }
0xdf: {  	v3 =	vadd.f32 v20, v21;
	v2 =	vadd.f32 v2, v8;
	v8 =	vmul.f32 v42, v42  }
0xe0: {  	v9 =	vmul.f32 v7, v7;
	v7 =	vmul.f32 v4, v4;
	v4 =	vsub.f32 v0, v59  }
0xe1: {  	v11 =	vsub.f32 v10, v30;
	[tilespmem:$0x1FB10] =	vst v3;
	v3 =	vadd.f32 v8, v33  }
0xe2: {  	v5 =	vsub.f32 v0, v19;
	v0 =	vsub.f32 v0, v28;
	v4 =	vmul.f32 v4, v4  }
0xe3: {  	[tilespmem:$0x1F3C0] =	vst v3;
	v3 =	vld [tilespmem:$0x1F3D0]  }
0xe4: {  	v0 =	vmul.f32 v0, v0;
	v4 =	vadd.f32 v4, v7;
	v7 =	vmul.f32 v11, v11;
	_ =	sdelay $0x1  }
0xe5: {  	v0 =	vadd.f32 v0, v7;
	v7 =	vmul.f32 v40, v40;
	_ =	sdelay $0x1  }
0xe6: {  	v5 =	vmul.f32 v5, v5;
	v8 =	vmul.f32 v3, v3;
	v3 =	vadd.f32 v7, v17;
	_ =	sdelay $0x1  }
0xe7: {  	v5 =	vadd.f32 v5, v9;
	v9 =	vmul.f32 v38, v38;
	[tilespmem:$0x1FB60] =	vst v3;
	v3 =	vadd.f32 v8, v29;
	_ =	sdelay $0x1  }
0xe8: {  	[tilespmem:$0x1FB40] =	vst v3;
	v3 =	vadd.f32 v9, v14;
	_ =	sdelay $0x1  }
0xe9: {  	v10 =	vsub.f32 v10, v60;
	[tilespmem:$0x1FBB0] =	vst v3;
	v3 =	vld [tilespmem:$0x1F3E0];
	_ =	sdelay $0x1  }
0xea: {  	v6 =	vmul.f32 v6, v6;
	v10 =	vmul.f32 v10, v10  }
0xeb: {  	v7 =	vmul.f32 v62, v62  }
0xec: {  	v6 =	vadd.f32 v6, v10  }
0xed: {  	v10 =	vmul.f32 v39, v39;
	v8 =	vmul.f32 v3, v3;
	v3 =	vadd.f32 v7, v25;
	_ =	sdelay $0x1  }
0xee: {  	[tilespmem:$0x1FB90] =	vst v3;
	v3 =	vadd.f32 v10, v37;
	_ =	sdelay $0x1  }
0xef: {  	[tilespmem:$0x1FC10] =	vst v3;
	v3 =	vadd.f32 v8, v13;
	_ =	sdelay $0x1  }
0xf0: {  	[tilespmem:$0x1FBF0] =	vst v3;
	v3 =	vld [tilespmem:$0x1F3F0];
	_ =	sdelay $0x4  }
0xf1: {  	v8 =	vmul.f32 v3, v3;
	v3 =	vld [tilespmem:$0x1F410];
	_ =	sdelay $0x2  }
0xf2: {  	v7 =	vmul.f32 v41, v41;
	_ =	sdelay $0x1  }
0xf3: {  	v2 =	vadd.f32 v7, v2;
	v7 =	vmul.f32 v3, v3;
	_ =	sdelay $0x1  }
0xf4: {  	[tilespmem:$0x1FC60] =	vst v2;
	v2 =	vld [tilespmem:$0x1F400];
	v0 =	vadd.f32 v7, v0;
	_ =	sdelay $0x1  }
0xf5: {  	[tilespmem:$0x1FD10] =	vst v0;
	v0 =	vld [tilespmem:$0x1F420]  }
0xf6: {  	v9 =	vld [tilespmem:$0x1220]  }
0xf7: {  	v10 =	vld [tilespmem:$0x12A0]  }
0xf8: {  	v2 =	vmul.f32 v2, v2  }
0xf9: {  	v11 =	vmul.f32 v45, v45;
	v3 =	vadd.f32 v8, v18  }
0xfa: {  	v1 =	vadd.f32 v2, v1;
	v0 =	vmul.f32 v0, v0  }
0xfb: {  	v2 =	vsub.f32 v9, v48;
	[tilespmem:$0x1FC40] =	vst v3;
	v3 =	vadd.f32 v11, v5  }
0xfc: {  	[tilespmem:$0x1FC90] =	vst v1;
	v1 =	vld [tilespmem:$0x1F430];
	v5 =	vsub.f32 v10, v35;
	v0 =	vadd.f32 v0, v4;
	_ =	sdelay $0x1  }
0xfd: {  	[tilespmem:$0x1FD00] =	vst v0;
	v0 =	vmul.f32 v2, v2;
	v2 =	vmul.f32 v5, v5;
	_ =	sdelay $0x1  }
0xfe: {  	v11 =	vsub.f32 v10, v22;
	v0 =	vadd.f32 v2, v0  }
0xff: {  	v8 =	vsub.f32 v9, v56;
	v7 =	vmul.f32 v1, v1  }
0x100: {  	v5 =	vmul.f32 v11, v11;
	v11 =	vsub.f32 v10, v31;
	[tilespmem:$0x1F440] =	vst v0;
	v0 =	vsub.f32 v9, v51  }
0x101: {  	v14 =	vsub.f32 v10, v23;
	v1 =	vadd.f32 v7, v6;
	v4 =	vmul.f32 v8, v8  }
0x102: {  	v8 =	vsub.f32 v9, v32;
	v11 =	vmul.f32 v11, v11;
	v0 =	vmul.f32 v0, v0  }
0x103: {  	v20 =	vsub.f32 v10, v43;
	[tilespmem:$0x1FD30] =	vst v1;
	v1 =	vsub.f32 v10, v50  }
0x104: {  	v8 =	vmul.f32 v8, v8;
	v0 =	vadd.f32 v11, v0;
	v11 =	vmul.f32 v14, v14  }
0x105: {  	v14 =	vmul.f32 v1, v1;
	v1 =	vmul.f32 v20, v20;
	_ =	sdelay $0x1  }
0x106: {  	v8 =	vadd.f32 v1, v8;
	v1 =	vld [tilespmem:$0x1F450];
	_ =	sdelay $0x4  }
0x107: {  	v1 =	vmul.f32 v1, v1;
	_ =	sdelay $0x1  }
0x108: {  	[tilespmem:$0x1F460] =	vst v1;
	v1 =	vld [tilespmem:$0x1F470]  }
0x109: {  	v2 =	vadd.f32 v5, v4;
	v4 =	vsub.f32 v9, v46;
	_ =	sdelay $0x1  }
0x10a: {  	v4 =	vmul.f32 v4, v4;
	_ =	sdelay $0x1  }
0x10b: {  	v4 =	vadd.f32 v11, v4;
	v11 =	vmul.f32 v1, v1;
	v1 =	vld [tilespmem:$0x1F480]  }
0x10c: {  	v12 =	vsub.f32 v10, v55;
	v5 =	vsub.f32 v9, v53  }
0x10d: {  	v6 =	vsub.f32 v9, v58  }
0x10e: {  	v12 =	vmul.f32 v12, v12;
	v18 =	vsub.f32 v10, v63;
	v5 =	vmul.f32 v5, v5  }
0x10f: {  	v7 =	vsub.f32 v9, v27;
	v6 =	vmul.f32 v6, v6  }
0x110: {  	v5 =	vadd.f32 v12, v5;
	v12 =	vmul.f32 v18, v18;
	v1 =	vmul.f32 v1, v1  }
0x111: {  	v13 =	vsub.f32 v9, v34  }
0x112: {  	v7 =	vmul.f32 v7, v7;
	v18 =	vsub.f32 v10, v36;
	v6 =	vadd.f32 v12, v6;
	[tilespmem:$0x1F490] =	vst v1;
	v1 =	vld [tilespmem:$0x1F4A0]  }
0x113: {  	v12 =	vsub.f32 v9, v44;
	v20 =	vsub.f32 v10, v57  }
0x114: {  	v7 =	vadd.f32 v14, v7;
	v14 =	vsub.f32 v9, v61  }
0x115: {  	v25 =	vsub.f32 v10, v19;
	v18 =	vmul.f32 v18, v18;
	v12 =	vmul.f32 v12, v12  }
0x116: {  	[tilespmem:$0x1FA60] =	vst v22;
	v22 =	vsub.f32 v9, v24;
	v20 =	vmul.f32 v20, v20;
	v14 =	vmul.f32 v14, v14  }
0x117: {  	[tilespmem:$0x1FCB0] =	vst v3;
	v12 =	vadd.f32 v18, v12;
	v3 =	vmul.f32 v1, v1;
	v1 =	vsub.f32 v10, v47  }
0x118: {  	v18 =	vmul.f32 v22, v22;
	v14 =	vadd.f32 v20, v14;
	v20 =	vmul.f32 v13, v13  }
0x119: {  	v22 =	vmul.f32 v1, v1;
	v1 =	vmul.f32 v25, v25;
	_ =	sdelay $0x1  }
0x11a: {  	v15 =	vadd.f32 v1, v20;
	v1 =	vld [tilespmem:$0x1F4D0];
	_ =	sdelay $0x4  }
0x11b: {  	v1 =	vmul.f32 v1, v1;
	_ =	sdelay $0x1  }
0x11c: {  	[tilespmem:$0x1FA80] =	vst v23;
	v23 =	vadd.f32 v1, v5;
	v1 =	vld [tilespmem:$0x1F650];
	_ =	sdelay $0x4  }
0x11d: {  	v1 =	vmul.f32 v1, v1  }
0x11e: {  	v17 =	vld [tilespmem:$0x1F4E0]  }
0x11f: {  	[tilespmem:$0x1F660] =	vst v1;
	v1 =	vld [tilespmem:$0x1F670];
	_ =	sdelay $0x4  }
0x120: {  	v25 =	vmul.f32 v17, v17;
	v1 =	vmul.f32 v1, v1;
	_ =	sdelay $0x1  }
0x121: {  	[tilespmem:$0x1F680] =	vst v1;
	v1 =	vadd.f32 v25, v12;
	_ =	sdelay $0x1  }
0x122: {  	[tilespmem:$0x1F690] =	vst v1;
	v1 =	vld [tilespmem:$0x1F6A0];
	_ =	sdelay $0x4  }
0x123: {  	v1 =	vmul.f32 v1, v1  }
0x124: {  	v17 =	vld [tilespmem:$0x1F4F0]  }
0x125: {  	[tilespmem:$0x1F6B0] =	vst v1;
	v1 =	vld [tilespmem:$0x1F6C0];
	_ =	sdelay $0x4  }
0x126: {  	v29 =	vmul.f32 v17, v17;
	v1 =	vmul.f32 v1, v1;
	_ =	sdelay $0x1  }
0x127: {  	[tilespmem:$0x1F6D0] =	vst v1;
	v1 =	vadd.f32 v29, v7;
	_ =	sdelay $0x1  }
0x128: {  	[tilespmem:$0x1F6E0] =	vst v1;
	v1 =	vld [tilespmem:$0x1F6F0];
	_ =	sdelay $0x4  }
0x129: {  	v1 =	vmul.f32 v1, v1  }
0x12a: {  	v17 =	vld [tilespmem:$0x1F500]  }
0x12b: {  	[tilespmem:$0x1F700] =	vst v1;
	v1 =	vld [tilespmem:$0x1F710];
	_ =	sdelay $0x4  }
0x12c: {  	v54 =	vmovc v36;
	v18 =	vadd.f32 v22, v18;
	v36 =	vmul.f32 v17, v17;
	v1 =	vmul.f32 v1, v1;
	_ =	sdelay $0x1  }
0x12d: {  	[tilespmem:$0x1F720] =	vst v1;
	v1 =	vadd.f32 v36, v18;
	_ =	sdelay $0x1  }
0x12e: {  	[tilespmem:$0x1F730] =	vst v1;
	v1 =	vld [tilespmem:$0x1F740];
	_ =	sdelay $0x4  }
0x12f: {  	v1 =	vmul.f32 v1, v1  }
0x130: {  	v17 =	vld [tilespmem:$0x1F510]  }
0x131: {  	[tilespmem:$0x1F750] =	vst v1;
	v1 =	vld [tilespmem:$0x1F760];
	_ =	sdelay $0x4  }
0x132: {  	v40 =	vmul.f32 v17, v17;
	v1 =	vmul.f32 v1, v1;
	_ =	sdelay $0x1  }
0x133: {  	[tilespmem:$0x1F770] =	vst v1;
	v1 =	vadd.f32 v40, v8;
	_ =	sdelay $0x1  }
0x134: {  	[tilespmem:$0x1F780] =	vst v1;
	v1 =	vld [tilespmem:$0x1F790]  }
0x135: {  	v17 =	vld [tilespmem:$0x1F520];
	_ =	sdelay $0x2  }
0x136: {  	v62 =	vsub.f32 v10, v49  }
0x137: {  	v1 =	vmul.f32 v1, v1  }
0x138: {  	v39 =	vmul.f32 v62, v62;
	v62 =	vmul.f32 v17, v17;
	v17 =	vld [tilespmem:$0x1F530]  }
0x139: {  	[tilespmem:$0x1F7A0] =	vst v1;
	v1 =	vld [tilespmem:$0x1F7B0]  }
0x13a: {  	[tilespmem:$0x1FA70] =	vst v31;
	v31 =	vsub.f32 v9, v52  }
0x13b: {  	[tilespmem:$0x1FD40] =	vst v35;
	v35 =	vsub.f32 v10, v28  }
0x13c: {  	v31 =	vmul.f32 v31, v31  }
0x13d: {  	v41 =	vmul.f32 v35, v35  }
0x13e: {  	v31 =	vadd.f32 v39, v31;
	v35 =	vmul.f32 v17, v17;
	v1 =	vmul.f32 v1, v1;
	_ =	sdelay $0x1  }
0x13f: {  	[tilespmem:$0x1F7C0] =	vst v1;
	v1 =	vadd.f32 v35, v31;
	_ =	sdelay $0x1  }
0x140: {  	[tilespmem:$0x1F7D0] =	vst v1;
	v1 =	vld [tilespmem:$0x1F7E0];
	_ =	sdelay $0x4  }
0x141: {  	v1 =	vmul.f32 v1, v1;
	_ =	sdelay $0x1  }
0x142: {  	[tilespmem:$0x1F7F0] =	vst v1;
	v1 =	vld [tilespmem:$0x1F800];
	_ =	sdelay $0x4  }
0x143: {  	v1 =	vmul.f32 v1, v1;
	_ =	sdelay $0x1  }
0x144: {  	[tilespmem:$0x1F810] =	vst v1;
	v1 =	vld [tilespmem:$0x1F820];
	_ =	sdelay $0x4  }
0x145: {  	v1 =	vmul.f32 v1, v1;
	_ =	sdelay $0x1  }
0x146: {  	[tilespmem:$0x1F830] =	vst v1;
	v1 =	vld [tilespmem:$0x1F840];
	_ =	sdelay $0x4  }
0x147: {  	v1 =	vmul.f32 v1, v1;
	_ =	sdelay $0x1  }
0x148: {  	[tilespmem:$0x1F850] =	vst v1;
	v1 =	vld [tilespmem:$0x1F860];
	_ =	sdelay $0x4  }
0x149: {  	v1 =	vmul.f32 v1, v1;
	_ =	sdelay $0x1  }
0x14a: {  	[tilespmem:$0x1F870] =	vst v1;
	v1 =	vld [tilespmem:$0x1F880];
	_ =	sdelay $0x4  }
0x14b: {  	v1 =	vmul.f32 v1, v1;
	_ =	sdelay $0x1  }
0x14c: {  	[tilespmem:$0x1F890] =	vst v1;
	v1 =	vld [tilespmem:$0x1F8A0];
	_ =	sdelay $0x4  }
0x14d: {  	v1 =	vmul.f32 v1, v1;
	_ =	sdelay $0x1  }
0x14e: {  	v0 =	vadd.f32 v11, v0;
	[tilespmem:$0x1F8B0] =	vst v1;
	v1 =	vld [tilespmem:$0x1F8C0];
	_ =	sdelay $0x1  }
0x14f: {  	[tilespmem:$0x1F560] =	vst v0;
	v0 =	vld [tilespmem:$0x1F570]  }
0x150: {  	[tilespmem:$0x1FCD0] =	vst v48;
	v48 =	vsub.f32 v9, v30;
	_ =	sdelay $0x1  }
0x151: {  	v38 =	vmul.f32 v48, v48;
	v13 =	vld [tilespmem:$0x1F4B0];
	v1 =	vmul.f32 v1, v1;
	_ =	sdelay $0x1  }
0x152: {  	v38 =	vadd.f32 v41, v38;
	v0 =	vmul.f32 v0, v0;
	[tilespmem:$0x1F8D0] =	vst v1;
	v1 =	vld [tilespmem:$0x1F8E0];
	_ =	sdelay $0x1  }
0x153: {  	v25 =	vadd.f32 v0, v38;
	v0 =	vld [tilespmem:$0x1F920]  }
0x154: {  	v22 =	vmul.f32 v13, v13  }
0x155: {  	v45 =	vsub.f32 v10, v59  }
0x156: {  	[tilespmem:$0x1FBE0] =	vst v26;
	v10 =	vsub.f32 v10, v26;
	v26 =	vadd.f32 v22, v2;
	v2 =	vld [tilespmem:$0x1F5D0];
	v1 =	vmul.f32 v1, v1;
	_ =	sdelay $0x1  }
0x157: {  	v0 =	vmul.f32 v0, v0;
	[tilespmem:$0x1F8F0] =	vst v1;
	v1 =	vld [tilespmem:$0x1F900];
	_ =	sdelay $0x1  }
0x158: {  	[tilespmem:$0x1F930] =	vst v0;
	v0 =	vld [tilespmem:$0x1F940]  }
0x159: {  	v2 =	vmul.f32 v2, v2;
	_ =	sdelay $0x1  }
0x15a: {  	[tilespmem:$0x1F5E0] =	vst v2;
	v2 =	vld [tilespmem:$0x1F5F0];
	v1 =	vmul.f32 v1, v1  }
0x15b: {  	v33 =	vsub.f32 v9, v16;
	v9 =	vsub.f32 v9, v60;
	v11 =	vld [tilespmem:$0x1F580]  }
0x15c: {  	v0 =	vmul.f32 v0, v0;
	[tilespmem:$0x1F910] =	vst v1;
	v1 =	vld [tilespmem:$0x1F9A0]  }
0x15d: {  	v9 =	vmul.f32 v9, v9;
	v10 =	vmul.f32 v10, v10;
	v13 =	vld [tilespmem:$0x1F4C0]  }
0x15e: {  	v3 =	vadd.f32 v3, v4;
	[tilespmem:$0x1F950] =	vst v0;
	v0 =	vld [tilespmem:$0x1F960]  }
0x15f: {  	v9 =	vadd.f32 v10, v9;
	v10 =	vld [tilespmem:$0x1F540];
	v2 =	vmul.f32 v2, v2  }
0x160: {  	v33 =	vmul.f32 v33, v33;
	v48 =	vmul.f32 v45, v45;
	[tilespmem:$0x1FD90] =	vst v3;
	v3 =	vld [tilespmem:$0x1F590]  }
0x161: {  	[tilespmem:$0x1F600] =	vst v2;
	v2 =	vld [tilespmem:$0x1F610];
	v1 =	vmul.f32 v1, v1  }
0x162: {  	v33 =	vadd.f32 v48, v33;
	v48 =	vadd.f32 v62, v14;
	v14 =	vld [tilespmem:$0x1210]  }
0x163: {  	v0 =	vmul.f32 v0, v0;
	[tilespmem:$0x1F9B0] =	vst v1;
	v1 =	vld [tilespmem:$0x1F9E0]  }
0x164: {  	v17 =	vld [tilespmem:$0x1F550]  }
0x165: {  	v11 =	vmul.f32 v11, v11;
	[tilespmem:$0x1F970] =	vst v0;
	v0 =	vld [tilespmem:$0x1F980]  }
0x166: {  	v13 =	vmul.f32 v13, v13;
	v2 =	vmul.f32 v2, v2  }
0x167: {  	[tilespmem:$0x1FAF0] =	vst v28;
	v10 =	vmul.f32 v10, v10;
	v3 =	vmul.f32 v3, v3;
	v7 =	vsub.f32 v14, v53  }
0x168: {  	v28 =	vadd.f32 v13, v6;
	[tilespmem:$0x1F620] =	vst v2;
	v2 =	vld [tilespmem:$0x1F630];
	v4 =	vsub.f32 v14, v56;
	v1 =	vmul.f32 v1, v1  }
0x169: {  	[tilespmem:$0x1F9D0] =	vst v56;
	v37 =	vmul.f32 v17, v17;
	v17 =	vld [tilespmem:$0x1290];
	v56 =	vmul.f32 v7, v7;
	v7 =	vsub.f32 v14, v24  }
0x16a: {  	v45 =	vadd.f32 v10, v15;
	v22 =	vmul.f32 v0, v0;
	v0 =	vsub.f32 v14, v51;
	[tilespmem:$0x1F9F0] =	vst v1;
	v1 =	vld [tilespmem:$0x1FA70]  }
0x16b: {  	[tilespmem:$0x1F990] =	vst v51;
	v10 =	vsub.f32 v14, v32;
	v51 =	vmul.f32 v7, v7;
	v7 =	vsub.f32 v14, v52  }
0x16c: {  	[tilespmem:$0x1FA30] =	vst v27;
	v6 =	vmul.f32 v0, v0;
	v0 =	vsub.f32 v14, v58;
	v35 =	vadd.f32 v11, v9  }
0x16d: {  	v9 =	vsub.f32 v14, v27;
	v27 =	vmovc v60;
	v60 =	vmul.f32 v7, v7;
	v7 =	vsub.f32 v14, v30  }
0x16e: {  	[tilespmem:$0x1F5A0] =	vst v3;
	v3 =	vld [tilespmem:$0x1F5B0];
	v2 =	vmul.f32 v2, v2;
	v15 =	vmul.f32 v0, v0;
	v0 =	vsub.f32 v14, v44  }
0x16f: {  	[tilespmem:$0x1F9C0] =	vst v46;
	v20 =	vadd.f32 v37, v33;
	v33 =	vmul.f32 v7, v7;
	v7 =	vsub.f32 v17, v1;
	v1 =	vld [tilespmem:$0x1FA80]  }
0x170: {  	[tilespmem:$0x1FA20] =	vst v44;
	v44 =	vmul.f32 v0, v0;
	v0 =	vsub.f32 v14, v61  }
0x171: {  	[tilespmem:$0x1F640] =	vst v2;
	v2 =	vsub.f32 v14, v46;
	v36 =	vmul.f32 v10, v10  }
0x172: {  	v46 =	vmovc v52;
	v52 =	vmul.f32 v0, v0;
	v0 =	vsub.f32 v14, v34;
	v10 =	vsub.f32 v14, v27  }
0x173: {  	v3 =	vmul.f32 v3, v3  }
0x174: {  	v39 =	vmul.f32 v0, v0;
	v0 =	vmul.f32 v10, v10;
	v10 =	vsub.f32 v17, v1;
	_ =	sdelay $0x1  }
0x175: {  	[tilespmem:$0x1F5C0] =	vst v3;
	v2 =	vmul.f32 v2, v2;
	v3 =	vmul.f32 v10, v10;
	_ =	sdelay $0x1  }
0x176: {  	[tilespmem:$0x1FA50] =	vst v32;
	v32 =	vadd.f32 v3, v2;
	v3 =	vld [tilespmem:$0x1110];
	_ =	sdelay $0x3  }
0x177: {  	[tilespmem:$0x1FAC0] =	vst v43;
	v10 =	vsub.f32 v17, v43;
	v43 =	vld [tilespmem:$0x1FF50]  }
0x178: {  	[tilespmem:$0x1FB00] =	vst v3;
	v3 =	vld [tilespmem:$0x1FB10]  }
0x179: {  	v12 =	vld [tilespmem:$0x1FA60];
	_ =	sdelay $0x2  }
0x17a: {  	v21 =	vmul.f32 v9, v9;
	v9 =	vsub.f32 v14, v16  }
0x17b: {  	v31 =	vsub.f32 v17, v63;
	v3 =	vperm.xlane v3, v43  }
0x17c: {  	v62 =	vmovc v61;
	v4 =	vmul.f32 v4, v4;
	v29 =	vmul.f32 v9, v9;
	v9 =	vsub.f32 v17, v12  }
0x17d: {  	v61 =	vmul.f32 v31, v31;
	v31 =	vsub.f32 v17, v54;
	v1 =	vsub.f32 v17, v55;
	[tilespmem:$0x1FB20] =	vst v3;
	v3 =	vld [tilespmem:$0x1120]  }
0x17e: {  	v18 =	vmul.f32 v9, v9;
	v7 =	vmul.f32 v7, v7  }
0x17f: {  	v38 =	vmul.f32 v1, v1;
	v1 =	vmul.f32 v31, v31;
	v31 =	vsub.f32 v17, v49;
	_ =	sdelay $0x1  }
0x180: {  	v6 =	vadd.f32 v7, v6;
	v7 =	vmul.f32 v31, v31;
	v31 =	vadd.f32 v18, v4;
	v18 =	vld [tilespmem:$0x1FFA0]  }
0x181: {  	[tilespmem:$0x1FB30] =	vst v3;
	v3 =	vld [tilespmem:$0x1FB40];
	_ =	sdelay $0x4  }
0x182: {  	v3 =	vperm.xlane v3, v18  }
0x183: {  	v11 =	vmov v30;
	v30 =	vld [tilespmem:$0x1FFB0]  }
0x184: {  	[tilespmem:$0x1FB50] =	vst v3;
	v3 =	vld [tilespmem:$0x1FB60];
	_ =	sdelay $0x4  }
0x185: {  	v3 =	vperm.xlane v3, v30;
	_ =	sdelay $0x1  }
0x186: {  	[tilespmem:$0x1FB70] =	vst v3;
	v3 =	vld [tilespmem:$0x1130];
	_ =	sdelay $0x1  }
0x187: {  	v5 =	vsub.f32 v17, v59;
	_ =	sdelay $0x1  }
0x188: {  	v2 =	vmul.f32 v5, v5;
	v5 =	vld [tilespmem:$0x1FFC0]  }
0x189: {  	[tilespmem:$0x1FB80] =	vst v3;
	v3 =	vld [tilespmem:$0x1FB90];
	_ =	sdelay $0x4  }
0x18a: {  	v3 =	vperm.xlane v3, v5  }
0x18b: {  	v4 =	vld [tilespmem:$0x1FBB0]  }
0x18c: {  	[tilespmem:$0x1FBA0] =	vst v3;
	v3 =	vld [tilespmem:$0x1FFD0];
	_ =	sdelay $0x3  }
0x18d: {  	v40 =	vadd.f32 v61, v15;
	v15 =	vld [tilespmem:$0x1FBF0]  }
0x18e: {  	v3 =	vperm.xlane v4, v3;
	v4 =	vld [tilespmem:$0x1FF30];
	_ =	sdelay $0x4  }
0x18f: {  	v4 =	vperm.xlane v15, v4  }
0x190: {  	v15 =	vld [tilespmem:$0x1FC10]  }
0x191: {  	[tilespmem:$0x1FC00] =	vst v4;
	v4 =	vld [tilespmem:$0x1FF20];
	_ =	sdelay $0x4  }
0x192: {  	v4 =	vperm.xlane v15, v4;
	_ =	sdelay $0x1  }
0x193: {  	[tilespmem:$0x1FC20] =	vst v4;
	v4 =	vadd.f32 v1, v44;
	v1 =	vld [tilespmem:$0x1150];
	_ =	sdelay $0x3  }
0x194: {  	v15 =	vld [tilespmem:$0x1FC40]  }
0x195: {  	[tilespmem:$0x1FC30] =	vst v1;
	v1 =	vld [tilespmem:$0x1FF80];
	_ =	sdelay $0x4  }
0x196: {  	v1 =	vperm.xlane v15, v1  }
0x197: {  	v15 =	vld [tilespmem:$0x1FC60]  }
0x198: {  	[tilespmem:$0x1FC50] =	vst v1;
	v1 =	vld [tilespmem:$0x1FF70];
	_ =	sdelay $0x4  }
0x199: {  	v1 =	vperm.xlane v15, v1;
	_ =	sdelay $0x1  }
0x19a: {  	[tilespmem:$0x1FC70] =	vst v1;
	v1 =	vld [tilespmem:$0x1160];
	_ =	sdelay $0x3  }
0x19b: {  	v15 =	vld [tilespmem:$0x1FC90]  }
0x19c: {  	[tilespmem:$0x1FC80] =	vst v1;
	v1 =	vld [tilespmem:$0x1FF60];
	_ =	sdelay $0x4  }
0x19d: {  	v1 =	vperm.xlane v15, v1  }
0x19e: {  	v15 =	vld [tilespmem:$0x1FCB0]  }
0x19f: {  	[tilespmem:$0x1FCA0] =	vst v1;
	v1 =	vld [tilespmem:$0x1FEE0];
	_ =	sdelay $0x4  }
0x1a0: {  	v1 =	vperm.xlane v15, v1;
	_ =	sdelay $0x1  }
0x1a1: {  	[tilespmem:$0x1FCC0] =	vst v1;
	v1 =	vld [tilespmem:$0x1FCD0];
	_ =	sdelay $0x4  }
0x1a2: {  	v42 =	vsub.f32 v17, v50;
	v1 =	vsub.f32 v14, v1  }
0x1a3: {  	[tilespmem:$0x1FAB0] =	vst v50  }
0x1a4: {  	v50 =	vmul.f32 v42, v42;
	[tilespmem:$0x1FCE0] =	vst v1;
	v1 =	vld [tilespmem:$0x1170];
	_ =	sdelay $0x1  }
0x1a5: {  	[tilespmem:$0x1FAA0] =	vst v63;
	v63 =	vsub.f32 v17, v57;
	_ =	sdelay $0x1  }
0x1a6: {  	v8 =	vmovc v57;
	v57 =	vmul.f32 v63, v63;
	v63 =	vadd.f32 v50, v21;
	v50 =	vmov v12;
	v12 =	vld [tilespmem:$0x1FD00]  }
0x1a7: {  	[tilespmem:$0x1FCF0] =	vst v1;
	v1 =	vld [tilespmem:$0x1FF90];
	_ =	sdelay $0x4  }
0x1a8: {  	v37 =	vmov v34;
	v34 =	vperm.xlane v12, v1;
	v1 =	vld [tilespmem:$0x1FF40]  }
0x1a9: {  	v12 =	vld [tilespmem:$0x1FD10];
	_ =	sdelay $0x4  }
0x1aa: {  	[tilespmem:$0x1FA10] =	vst v53;
	v53 =	vperm.xlane v12, v1;
	v1 =	vld [tilespmem:$0x1180]  }
0x1ab: {  	v12 =	vld [tilespmem:$0x1FD30];
	_ =	sdelay $0x3  }
0x1ac: {  	[tilespmem:$0x1FD20] =	vst v1;
	v1 =	vlaneseq.u32  }
0x1ad: {  	v56 =	vadd.f32 v38, v56;
	v38 =	vperm.xlane v12, v1;
	v1 =	vld [tilespmem:$0x1FD40];
	_ =	sdelay $0x4  }
0x1ae: {  	v1 =	vsub.f32 v17, v1;
	_ =	sdelay $0x1  }
0x1af: {  	[tilespmem:$0x1FD50] =	vst v1;
	v1 =	vld [tilespmem:$0x1190];
	_ =	sdelay $0x1  }
0x1b0: {  	v12 =	vld [tilespmem:$0x1FD90];
	_ =	sdelay $0x2  }
0x1b1: {  	[tilespmem:$0x1FD60] =	vst v1;
	v1 =	vperm.xlane v26, v43;
	_ =	sdelay $0x1  }
0x1b2: {  	[tilespmem:$0x1FD80] =	vst v1;
	v1 =	vperm.xlane v12, v18;
	_ =	sdelay $0x1  }
0x1b3: {  	[tilespmem:$0x1FDA0] =	vst v1;
	v1 =	vld [tilespmem:$0x11A0]  }
0x1b4: {  	[tilespmem:$0x1FA00] =	vst v58  }
0x1b5: {  	[tilespmem:$0x1FA90] =	vst v55  }
0x1b6: {  	[tilespmem:$0x1FA40] =	vst v24  }
0x1b7: {  	[tilespmem:$0x1FAD0] =	vst v54  }
0x1b8: {  	v41 =	vmul.f32 v10, v10;
	v10 =	vsub.f32 v17, v47;
	[tilespmem:$0x1FDB0] =	vst v1;
	v1 =	vimm.f32 $3.000000010e+38  }
0x1b9: {  	v13 =	vsub.f32 v17, v19;
	[tilespmem:$0x1FDC0] =	vst v1;
	v1 =	vperm.xlane v23, v30  }
0x1ba: {  	v54 =	vmul.f32 v10, v10;
	[tilespmem:$0x1FBC0] =	vst v3;
	v3 =	vld [tilespmem:$0x1140]  }
0x1bb: {  	v10 =	vmul.f32 v13, v13;
	v13 =	vld [tilespmem:$0x1100];
	[tilespmem:$0x1FDE0] =	vst v1;
	v1 =	vperm.xlane v28, v5  }
0x1bc: {  	[tilespmem:$0x1FD70] =	vst v26  }
0x1bd: {  	[tilespmem:$0x1FE00] =	vst v1;
	v1 =	vld [tilespmem:$0x11B0]  }
0x1be: {  	[tilespmem:$0x1FDD0] =	vst v23  }
0x1bf: {  	[tilespmem:$0x1FBD0] =	vst v3;
	v3 =	vld [tilespmem:$0x1FBE0]  }
0x1c0: {  	[tilespmem:$0x1FAE0] =	vst v13;
	v13 =	vld [tilespmem:$0x1FAF0]  }
0x1c1: {  	[tilespmem:$0x1FDF0] =	vst v28  }
0x1c2: {  	[tilespmem:$0x1FE10] =	vst v1;
	v1 =	vimm.f32 $3.000000010e+38  }
0x1c3: {  	[tilespmem:$0x1FE20] =	vst v1;
	v1 =	vimm.f32 $3.000000010e+38  }
0x1c4: {  	v42 =	vsub.f32 v17, v3;
	[tilespmem:$0x1FE30] =	vst v1;
	v1 =	vimm.f32 $3.000000010e+38  }
0x1c5: {  	s28 =	simm.s32 $0x40;
	v24 =	vmovc v19;
	v19 =	vmovc v59;
	v9 =	vmov v47;
	v47 =	vmov v49;
	v14 =	vsub.f32 v17, v13;
	[tilespmem:$0x1FE40] =	vst v1  }
.LBB2_4:
0x1c6: {  	v28 =	vadd.f32 v54, v51;
	v51 =	vmul.f32 v42, v42  }
0x1c7: {  	v61 =	vld [tilespmem:$0x1FF30]  }
0x1c8: {  	v30 =	vadd.f32 v51, v0;
	v0 =	vld [tilespmem:$0x1F690];
	_ =	sdelay $0x3  }
0x1c9: {  	v55 =	vld [tilespmem:$0x1FF20]  }
0x1ca: {  	v43 =	vadd.f32 v41, v36;
	[tilespmem:$0x1F690] =	vst v0;
	v41 =	vperm.xlane v0, v61;
	v0 =	vld [tilespmem:$0x1F780];
	_ =	sdelay $0x4  }
0x1cb: {  	v2 =	vadd.f32 v2, v29;
	[tilespmem:$0x1F780] =	vst v0;
	v29 =	vperm.xlane v0, v55;
	v0 =	vld [tilespmem:$0x1F5E0];
	_ =	sdelay $0x4  }
0x1cc: {  	v21 =	vld [tilespmem:$0x1FFD0];
	v0 =	vadd.f32 v0, v32  }
0x1cd: {  	v1 =	vld [tilespmem:$0x1F6E0]  }
0x1ce: {  	[tilespmem:$0x1F050] =	vst v0;
	v0 =	vld [tilespmem:$0x1F600];
	_ =	sdelay $0x3  }
0x1cf: {  	[tilespmem:$0x1F6E0] =	vst v1;
	v1 =	vperm.xlane v1, v21  }
0x1d0: {  	v58 =	vld [tilespmem:$0x1FF80];
	v0 =	vadd.f32 v0, v31  }
0x1d1: {  	[tilespmem:$0x1F030] =	vst v1;
	v1 =	vld [tilespmem:$0x1FEE0]  }
0x1d2: {  	[tilespmem:$0x1F060] =	vst v0;
	v0 =	vld [tilespmem:$0x1F730];
	_ =	sdelay $0x2  }
0x1d3: {  	v14 =	vmul.f32 v14, v14  }
0x1d4: {  	v5 =	vperm.xlane v45, v1;
	v1 =	vld [tilespmem:$0x1F6D0]  }
0x1d5: {  	v14 =	vadd.f32 v14, v33;
	[tilespmem:$0x1F730] =	vst v0;
	v33 =	vperm.xlane v0, v58;
	v0 =	vld [tilespmem:$0x1F620];
	_ =	sdelay $0x3  }
0x1d6: {  	v36 =	vadd.f32 v1, v28;
	v1 =	vld [tilespmem:$0x1F6B0]  }
0x1d7: {  	v51 =	vadd.f32 v0, v40;
	v0 =	vld [tilespmem:$0x1F640];
	_ =	sdelay $0x4  }
0x1d8: {  	v0 =	vadd.f32 v0, v56;
	v56 =	vadd.f32 v1, v43;
	v1 =	vld [tilespmem:$0x1F700];
	_ =	sdelay $0x2  }
0x1d9: {  	v42 =	vadd.f32 v57, v52;
	_ =	sdelay $0x1  }
0x1da: {  	v40 =	vadd.f32 v1, v42;
	v1 =	vld [tilespmem:$0x1F720];
	_ =	sdelay $0x2  }
0x1db: {  	v7 =	vadd.f32 v7, v60  }
0x1dc: {  	[tilespmem:$0x1F040] =	vst v0;
	v0 =	vld [tilespmem:$0x1F660]  }
0x1dd: {  	v42 =	vadd.f32 v1, v7;
	v1 =	vld [tilespmem:$0x1F770];
	_ =	sdelay $0x1  }
0x1de: {  	v54 =	vld [tilespmem:$0x1200]  }
0x1df: {  	v57 =	vld [tilespmem:$0x1280]  }
0x1e0: {  	v49 =	vadd.f32 v0, v4;
	v0 =	vld [tilespmem:$0x1F680]  }
0x1e1: {  	v44 =	vadd.f32 v10, v39;
	v39 =	vadd.f32 v1, v2;
	v1 =	vld [tilespmem:$0x1F750];
	_ =	sdelay $0x2  }
0x1e2: {  	v4 =	vsub.f32 v57, v3  }
0x1e3: {  	[tilespmem:$0x1F070] =	vst v6;
	v6 =	vadd.f32 v0, v63;
	v0 =	vsub.f32 v54, v27  }
0x1e4: {  	v44 =	vadd.f32 v1, v44;
	v1 =	vld [tilespmem:$0x1F9F0]  }
0x1e5: {  	v4 =	vmul.f32 v4, v4;
	v0 =	vmul.f32 v0, v0;
	_ =	sdelay $0x1  }
0x1e6: {  	v0 =	vadd.f32 v4, v0;
	_ =	sdelay $0x1  }
0x1e7: {  	v0 =	vadd.f32 v1, v0;
	v1 =	vld [tilespmem:$0x1F7C0];
	_ =	sdelay $0x3  }
0x1e8: {  	v59 =	vld [tilespmem:$0x1FF40]  }
0x1e9: {  	v18 =	vadd.f32 v1, v30;
	v1 =	vld [tilespmem:$0x1FCE0];
	_ =	sdelay $0x4  }
0x1ea: {  	v26 =	vmov v25;
	v7 =	vperm.xlane v25, v59;
	v25 =	vmul.f32 v1, v1;
	v1 =	vld [tilespmem:$0x1F7A0];
	_ =	sdelay $0x2  }
0x1eb: {  	v28 =	vsub.f32 v54, v11  }
0x1ec: {  	v4 =	vsub.f32 v57, v13  }
0x1ed: {  	v2 =	vmul.f32 v28, v28;
	v28 =	vsub.f32 v54, v16;
	v16 =	vadd.f32 v1, v14;
	v1 =	vld [tilespmem:$0x1F9B0]  }
0x1ee: {  	v4 =	vmul.f32 v4, v4  }
0x1ef: {  	v3 =	vlaneseq.u32  }
0x1f0: {  	v2 =	vadd.f32 v4, v2;
	v12 =	vperm.xlane v0, v3  }
0x1f1: {  	v23 =	vperm.xlane v35, v3;
	v4 =	vsub.f32 v57, v19;
	v19 =	vperm.xlane v18, v3  }
0x1f2: {  	v12 =	vmin.f32 v12, $3.000000010e+38;
	v14 =	vmul.f32 v28, v28;
	v32 =	vadd.f32 v1, v2  }
0x1f3: {  	v2 =	vmul.f32 v4, v4;
	v4 =	vmin.f32 v12, v19;
	v12 =	vsub.f32 v54, v37  }
0x1f4: {  	v31 =	vmovc v45;
	v45 =	vld [tilespmem:$0x1FF90];
	v1 =	vsub.f32 v54, v46;
	v4 =	vmin.f32 v4, v23;
	v15 =	vperm.xlane v32, v59  }
0x1f5: {  	v2 =	vadd.f32 v2, v14;
	v4 =	vmin.f32 v4, v38;
	v14 =	vperm.xlane v16, v59  }
0x1f6: {  	v13 =	vsub.f32 v57, v24;
	v19 =	vmul.f32 v12, v12;
	v4 =	vmin.f32 v4, v15  }
0x1f7: {  	v12 =	vadd.f32 v22, v2;
	v4 =	vmin.f32 v4, v14;
	v14 =	vmul.f32 v1, v1;
	v1 =	vld [tilespmem:$0x1F970]  }
0x1f8: {  	v2 =	vmul.f32 v13, v13  }
0x1f9: {  	v3 =	vsub.f32 v57, v47;
	v4 =	vmin.f32 v4, v7;
	v7 =	vperm.xlane v12, v45  }
0x1fa: {  	v13 =	vperm.xlane v39, v45;
	v2 =	vadd.f32 v2, v19;
	v4 =	vmin.f32 v4, v53  }
0x1fb: {  	v4 =	vmin.f32 v4, v7  }
0x1fc: {  	v1 =	vadd.f32 v1, v2;
	v2 =	vmul.f32 v3, v3;
	v3 =	vmin.f32 v4, v13;
	v13 =	vld [tilespmem:$0x1FEE0];
	_ =	sdelay $0x2  }
0x1fd: {  	v43 =	vperm.xlane v20, v45;
	_ =	sdelay $0x1  }
0x1fe: {  	v3 =	vmin.f32 v3, v43;
	v13 =	vperm.xlane v1, v13  }
0x1ff: {  	v3 =	vmin.f32 v3, v34  }
0x200: {  	v13 =	vmin.f32 v3, v13;
	v3 =	vld [tilespmem:$0x1F950]  }
0x201: {  	v60 =	vld [tilespmem:$0x1FF70]  }
0x202: {  	v7 =	vsub.f32 v57, v8  }
0x203: {  	v4 =	vsub.f32 v54, v62;
	v2 =	vadd.f32 v2, v14;
	v14 =	vld [tilespmem:$0x1FEE0];
	_ =	sdelay $0x1  }
0x204: {  	v4 =	vmul.f32 v4, v4;
	v3 =	vadd.f32 v3, v2;
	v2 =	vmul.f32 v7, v7  }
0x205: {  	[tilespmem:$0x1F080] =	vst v48;
	v10 =	vperm.xlane v48, v60;
	v48 =	vld [tilespmem:$0x1FF60]  }
0x206: {  	v2 =	vadd.f32 v2, v4;
	v4 =	vld [tilespmem:$0x1FCC0]  }
0x207: {  	v14 =	vperm.xlane v44, v14;
	_ =	sdelay $0x1  }
0x208: {  	v7 =	vmin.f32 v13, v14  }
0x209: {  	v8 =	vld [tilespmem:$0x1FA40];
	v5 =	vmin.f32 v7, v5;
	v7 =	vperm.xlane v3, v48  }
0x20a: {  	v4 =	vmin.f32 v5, v4  }
0x20b: {  	v4 =	vmin.f32 v4, v7;
	v7 =	vld [tilespmem:$0x1F930];
	_ =	sdelay $0x1  }
0x20c: {  	v52 =	vld [tilespmem:$0x1F7D0]  }
0x20d: {  	v13 =	vsub.f32 v54, v8;
	_ =	sdelay $0x1  }
0x20e: {  	v15 =	vmul.f32 v13, v13;
	v13 =	vadd.f32 v7, v2;
	v7 =	vld [tilespmem:$0x1FAC0]  }
0x20f: {  	v8 =	vld [tilespmem:$0x1FCA0];
	v5 =	vperm.xlane v42, v48  }
0x210: {  	v63 =	vperm.xlane v52, v48  }
0x211: {  	v14 =	vsub.f32 v57, v9;
	v4 =	vmin.f32 v4, v5  }
0x212: {  	v4 =	vmin.f32 v4, v63  }
0x213: {  	v5 =	vld [tilespmem:$0x1FA50];
	v2 =	vmul.f32 v14, v14;
	v14 =	vsub.f32 v57, v7;
	v7 =	vperm.xlane v13, v60  }
0x214: {  	v4 =	vmin.f32 v4, v8;
	v8 =	vld [tilespmem:$0x1FA20]  }
0x215: {  	v4 =	vmin.f32 v4, v7;
	v7 =	vld [tilespmem:$0x1F910];
	_ =	sdelay $0x2  }
0x216: {  	v2 =	vadd.f32 v2, v15  }
0x217: {  	v5 =	vsub.f32 v54, v5  }
0x218: {  	v7 =	vadd.f32 v7, v2;
	v2 =	vmul.f32 v14, v14;
	v14 =	vsub.f32 v54, v8;
	v8 =	vld [tilespmem:$0x1FAD0];
	_ =	sdelay $0x1  }
0x219: {  	v5 =	vmul.f32 v5, v5  }
0x21a: {  	v15 =	vperm.xlane v40, v60  }
0x21b: {  	v2 =	vadd.f32 v2, v5;
	v5 =	vld [tilespmem:$0x1FC70]  }
0x21c: {  	v4 =	vmin.f32 v4, v15;
	v15 =	vsub.f32 v57, v8;
	v8 =	vld [tilespmem:$0x1F8F0];
	_ =	sdelay $0x2  }
0x21d: {  	v4 =	vmin.f32 v4, v10;
	v10 =	vperm.xlane v7, v58  }
0x21e: {  	v4 =	vmin.f32 v4, v5  }
0x21f: {  	v4 =	vmin.f32 v4, v10;
	v10 =	vadd.f32 v8, v2;
	v8 =	vld [tilespmem:$0x1FAB0];
	_ =	sdelay $0x4  }
0x220: {  	v17 =	vsub.f32 v57, v8;
	v8 =	vld [tilespmem:$0x1FC50]  }
0x221: {  	v5 =	vperm.xlane v36, v58;
	_ =	sdelay $0x1  }
0x222: {  	v4 =	vmin.f32 v4, v5  }
0x223: {  	v4 =	vmin.f32 v4, v33  }
0x224: {  	v4 =	vmin.f32 v4, v8;
	v8 =	vld [tilespmem:$0x1F8D0]  }
0x225: {  	v14 =	vmul.f32 v14, v14;
	v2 =	vmul.f32 v15, v15;
	_ =	sdelay $0x1  }
0x226: {  	v15 =	vperm.xlane v10, v55;
	v2 =	vadd.f32 v2, v14;
	_ =	sdelay $0x1  }
0x227: {  	v4 =	vmin.f32 v4, v15;
	v15 =	vadd.f32 v8, v2;
	v8 =	vld [tilespmem:$0x1FA00];
	_ =	sdelay $0x2  }
0x228: {  	v14 =	vperm.xlane v56, v55  }
0x229: {  	v5 =	vld [tilespmem:$0x1FA30]  }
0x22a: {  	v4 =	vmin.f32 v4, v14;
	v14 =	vsub.f32 v54, v8;
	v8 =	vld [tilespmem:$0x1FAA0];
	_ =	sdelay $0x3  }
0x22b: {  	v5 =	vsub.f32 v54, v5  }
0x22c: {  	v2 =	vmul.f32 v17, v17;
	v17 =	vsub.f32 v57, v8;
	v8 =	vld [tilespmem:$0x1F8B0]  }
0x22d: {  	v5 =	vmul.f32 v5, v5;
	_ =	sdelay $0x1  }
0x22e: {  	v2 =	vadd.f32 v2, v5;
	_ =	sdelay $0x1  }
0x22f: {  	v9 =	vadd.f32 v8, v2;
	v8 =	vld [tilespmem:$0x1FA90]  }
0x230: {  	v5 =	vld [tilespmem:$0x1FC20];
	_ =	sdelay $0x2  }
0x231: {  	v4 =	vmin.f32 v4, v29  }
0x232: {  	v19 =	vperm.xlane v15, v61;
	v2 =	vmul.f32 v17, v17;
	v17 =	vsub.f32 v57, v8;
	v8 =	vld [tilespmem:$0x1FC00]  }
0x233: {  	v4 =	vmin.f32 v4, v5;
	v5 =	vperm.xlane v49, v61  }
0x234: {  	v4 =	vmin.f32 v4, v19  }
0x235: {  	v4 =	vmin.f32 v4, v5;
	v5 =	vld [tilespmem:$0x1FA10]  }
0x236: {  	v4 =	vmin.f32 v4, v41  }
0x237: {  	v4 =	vmin.f32 v4, v8;
	v8 =	vld [tilespmem:$0x1F890]  }
0x238: {  	v14 =	vmul.f32 v14, v14;
	_ =	sdelay $0x1  }
0x239: {  	v5 =	vsub.f32 v54, v5;
	v2 =	vadd.f32 v2, v14;
	_ =	sdelay $0x1  }
0x23a: {  	v38 =	vld [tilespmem:$0x1FFC0];
	v5 =	vmul.f32 v5, v5;
	v8 =	vadd.f32 v8, v2;
	v2 =	vmul.f32 v17, v17  }
0x23b: {  	v53 =	vmov v6;
	v14 =	vperm.xlane v6, v21;
	v6 =	vld [tilespmem:$0x1F030]  }
0x23c: {  	v19 =	vperm.xlane v9, v21;
	v2 =	vadd.f32 v2, v5;
	v5 =	vld [tilespmem:$0x1FBC0];
	_ =	sdelay $0x1  }
0x23d: {  	v4 =	vmin.f32 v4, v19  }
0x23e: {  	v4 =	vmin.f32 v4, v14  }
0x23f: {  	v4 =	vmin.f32 v4, v6;
	v17 =	vld [tilespmem:$0x1FA80];
	v19 =	vperm.xlane v8, v38  }
0x240: {  	v4 =	vmin.f32 v4, v5  }
0x241: {  	v19 =	vmin.f32 v4, v19;
	v4 =	vld [tilespmem:$0x1F870];
	_ =	sdelay $0x2  }
0x242: {  	v17 =	vsub.f32 v57, v17;
	_ =	sdelay $0x1  }
0x243: {  	v4 =	vadd.f32 v4, v2;
	v2 =	vmul.f32 v17, v17;
	v17 =	vld [tilespmem:$0x1F9D0]  }
0x244: {  	v14 =	vld [tilespmem:$0x1F9C0];
	_ =	sdelay $0x3  }
0x245: {  	v17 =	vsub.f32 v54, v17  }
0x246: {  	v14 =	vsub.f32 v54, v14  }
0x247: {  	v22 =	vmul.f32 v17, v17;
	v17 =	vld [tilespmem:$0x1F850]  }
0x248: {  	v14 =	vmul.f32 v14, v14;
	v5 =	vperm.xlane v51, v38  }
0x249: {  	v41 =	vld [tilespmem:$0x1FFB0]  }
0x24a: {  	v6 =	vld [tilespmem:$0x1FE00];
	v5 =	vmin.f32 v19, v5;
	v19 =	vsub.f32 v57, v50;
	v2 =	vadd.f32 v2, v14  }
0x24b: {  	v14 =	vld [tilespmem:$0x1FBA0]  }
0x24c: {  	v17 =	vadd.f32 v17, v2;
	v2 =	vmul.f32 v19, v19;
	v19 =	vld [tilespmem:$0x1FA70];
	_ =	sdelay $0x1  }
0x24d: {  	v50 =	vld [tilespmem:$0x1F040]  }
0x24e: {  	v27 =	vmov v20;
	v5 =	vmin.f32 v5, v6;
	v20 =	vperm.xlane v4, v41  }
0x24f: {  	v46 =	vld [tilespmem:$0x1FFA0];
	v5 =	vmin.f32 v5, v14  }
0x250: {  	v5 =	vmin.f32 v5, v20;
	v20 =	vsub.f32 v57, v19;
	v19 =	vld [tilespmem:$0x1FDE0]  }
0x251: {  	v2 =	vadd.f32 v2, v22;
	v22 =	vld [tilespmem:$0x1FB70]  }
0x252: {  	v14 =	vperm.xlane v50, v41;
	_ =	sdelay $0x1  }
0x253: {  	v5 =	vmin.f32 v5, v14  }
0x254: {  	v14 =	vld [tilespmem:$0x1F990];
	v5 =	vmin.f32 v5, v19;
	v19 =	vperm.xlane v17, v46  }
0x255: {  	v5 =	vmin.f32 v5, v22  }
0x256: {  	v5 =	vmin.f32 v5, v19;
	v19 =	vld [tilespmem:$0x1F830];
	_ =	sdelay $0x2  }
0x257: {  	v62 =	vmov v49;
	v49 =	vld [tilespmem:$0x1F050];
	v14 =	vsub.f32 v54, v14  }
0x258: {  	v47 =	vld [tilespmem:$0x1F060]  }
0x259: {  	v23 =	vld [tilespmem:$0x1FDA0];
	v14 =	vmul.f32 v14, v14;
	v19 =	vadd.f32 v19, v2;
	v2 =	vmul.f32 v20, v20  }
0x25a: {  	v43 =	vld [tilespmem:$0x1FF50]  }
0x25b: {  	v2 =	vadd.f32 v2, v14;
	v14 =	vld [tilespmem:$0x1FB50]  }
0x25c: {  	v22 =	vperm.xlane v49, v46;
	_ =	sdelay $0x1  }
0x25d: {  	v5 =	vmin.f32 v5, v22  }
0x25e: {  	v5 =	vmin.f32 v5, v23;
	v20 =	vld [tilespmem:$0x1FCD0];
	v23 =	vperm.xlane v19, v43  }
0x25f: {  	v5 =	vmin.f32 v5, v14;
	v14 =	vperm.xlane v47, v43  }
0x260: {  	v6 =	vld [tilespmem:$0x1F070];
	v5 =	vmin.f32 v5, v23  }
0x261: {  	v5 =	vmin.f32 v5, v14;
	v14 =	vld [tilespmem:$0x1F5A0];
	_ =	sdelay $0x1  }
0x262: {  	v22 =	vld [tilespmem:$0x1FD40];
	v20 =	vsub.f32 v54, v20;
	_ =	sdelay $0x1  }
0x263: {  	v24 =	vmul.f32 v20, v20;
	v20 =	vld [tilespmem:$0x1F810]  }
0x264: {  	v14 =	vadd.f32 v14, v6;
	v6 =	vld [tilespmem:$0x1FD50];
	_ =	sdelay $0x1  }
0x265: {  	v22 =	vsub.f32 v57, v22  }
0x266: {  	v30 =	vld [tilespmem:$0x1FFE0]  }
0x267: {  	v20 =	vadd.f32 v20, v2;
	v2 =	vmul.f32 v22, v22;
	v22 =	vld [tilespmem:$0x1FD80]  }
0x268: {  	v23 =	vld [tilespmem:$0x1FB20];
	v6 =	vmul.f32 v6, v6;
	_ =	sdelay $0x1  }
0x269: {  	v2 =	vadd.f32 v2, v24;
	v24 =	vadd.f32 v6, v25;
	v6 =	vld [tilespmem:$0x1F7F0];
	_ =	sdelay $0x1  }
0x26a: {  	v5 =	vmin.f32 v5, v22;
	v22 =	vperm.xlane v20, v30  }
0x26b: {  	v5 =	vmin.f32 v5, v23;
	v23 =	vperm.xlane v14, v30  }
0x26c: {  	v5 =	vmin.f32 v5, v22  }
0x26d: {  	v6 =	vadd.f32 v6, v2;
	v2 =	vmin.f32 v5, v23;
	v23 =	vld [tilespmem:$0x1F5C0];
	_ =	sdelay $0x3  }
0x26e: {  	v25 =	vld [tilespmem:$0x1F440]  }
0x26f: {  	v23 =	vadd.f32 v23, v24;
	v24 =	vld [tilespmem:$0x1F490];
	_ =	sdelay $0x3  }
0x270: {  	v28 =	vld [tilespmem:$0x1F3B0]  }
0x271: {  	v24 =	vadd.f32 v24, v25;
	v25 =	vld [tilespmem:$0x1F460];
	_ =	sdelay $0x2  }
0x272: {  	v29 =	vld [tilespmem:$0x1FD30]  }
0x273: {  	v54 =	vld [tilespmem:$0x1F560]  }
0x274: {  	v25 =	vadd.f32 v25, v28;
	v28 =	vld [tilespmem:$0x1FDC0]  }
0x275: {  	v57 =	vld [tilespmem:$0x1F3C0]  }
0x276: {  	v33 =	vld [tilespmem:$0x1FFF0];
	_ =	sdelay $0x2  }
0x277: {  	v22 =	vperm.xlane v54, v30;
	v28 =	vmin.f32 v28, v29;
	v29 =	vld [tilespmem:$0x1FD10]  }
0x278: {  	v5 =	vperm.xlane v57, v30  }
0x279: {  	v2 =	vmin.f32 v2, v22;
	v22 =	vperm.xlane v6, v33  }
0x27a: {  	v2 =	vmin.f32 v2, v5;
	v5 =	vperm.xlane v23, v33  }
0x27b: {  	v2 =	vmin.f32 v2, v22;
	v22 =	vperm.xlane v24, v33  }
0x27c: {  	v2 =	vmin.f32 v2, v5;
	v5 =	vperm.xlane v25, v33;
	v28 =	vmin.f32 v28, v29;
	v29 =	vld [tilespmem:$0x1FE20]  }
0x27d: {  	v2 =	vmin.f32 v2, v22  }
0x27e: {  	v2 =	vmin.f32 v2, v5;
	v5 =	vld [tilespmem:$0x1FE30];
	_ =	sdelay $0x1  }
0x27f: {  	v11 =	vmov v35  }
0x280: {  	v63 =	vld [tilespmem:$0x1FD00];
	v29 =	vmin.f32 v29, v11  }
0x281: {  	v22 =	vmin.f32 v29, v26;
	v29 =	vld [tilespmem:$0x1FCB0]  }
0x282: {  	v5 =	vmin.f32 v5, v18;
	v18 =	vmin.f32 v22, v27;
	v22 =	vld [tilespmem:$0x1FC90]  }
0x283: {  	[tilespmem:s0+$0x1F80] =	vst v2;
	v2 =	vmin.f32 v5, v16;
	v16 =	vld [tilespmem:$0x1FC60]  }
0x284: {  	v5 =	vmin.f32 v18, v31;
	v18 =	vld [tilespmem:$0x1FC40]  }
0x285: {  	v28 =	vmin.f32 v28, v63  }
0x286: {  	v28 =	vmin.f32 v28, v29  }
0x287: {  	v22 =	vmin.f32 v28, v22  }
0x288: {  	v16 =	vmin.f32 v22, v16  }
0x289: {  	v16 =	vmin.f32 v16, v18;
	v18 =	vld [tilespmem:$0x1FC10];
	_ =	sdelay $0x3  }
0x28a: {  	v11 =	vld [tilespmem:$0x1F080]  }
0x28b: {  	v16 =	vmin.f32 v16, v18;
	v18 =	vld [tilespmem:$0x1FBF0];
	_ =	sdelay $0x2  }
0x28c: {  	v5 =	vmin.f32 v5, v52  }
0x28d: {  	v5 =	vmin.f32 v5, v11;
	v11 =	vld [tilespmem:$0x1F730]  }
0x28e: {  	v16 =	vmin.f32 v16, v18;
	v18 =	vld [tilespmem:$0x1FBB0];
	_ =	sdelay $0x3  }
0x28f: {  	v5 =	vmin.f32 v5, v11;
	v11 =	vld [tilespmem:$0x1F780]  }
0x290: {  	v16 =	vmin.f32 v16, v18;
	v18 =	vld [tilespmem:$0x1FB90];
	_ =	sdelay $0x3  }
0x291: {  	v5 =	vmin.f32 v5, v11;
	v11 =	vld [tilespmem:$0x1F690]  }
0x292: {  	v16 =	vmin.f32 v16, v18;
	v18 =	vld [tilespmem:$0x1FB60];
	_ =	sdelay $0x3  }
0x293: {  	v5 =	vmin.f32 v5, v11;
	v11 =	vld [tilespmem:$0x1F6E0]  }
0x294: {  	v16 =	vmin.f32 v16, v18;
	v18 =	vld [tilespmem:$0x1FDF0];
	_ =	sdelay $0x3  }
0x295: {  	v5 =	vmin.f32 v5, v11  }
0x296: {  	v5 =	vmin.f32 v5, v18;
	v18 =	vld [tilespmem:$0x1FB40]  }
0x297: {  	v2 =	vmin.f32 v2, v39  }
0x298: {  	v2 =	vmin.f32 v2, v44  }
0x299: {  	v2 =	vmin.f32 v2, v42  }
0x29a: {  	v2 =	vmin.f32 v2, v40  }
0x29b: {  	v2 =	vmin.f32 v2, v36;
	v16 =	vmin.f32 v16, v18;
	v18 =	vld [tilespmem:$0x1FDD0]  }
0x29c: {  	v2 =	vmin.f32 v2, v56  }
0x29d: {  	v2 =	vmin.f32 v2, v62  }
0x29e: {  	s0 =	sshra.s32 s28, $0x2;
	v2 =	vmin.f32 v2, v53  }
0x29f: {  	v27 =	vld [tilespmem:s0+$0x1380];
	v2 =	vmin.f32 v2, v51  }
0x2a0: {  	v2 =	vmin.f32 v2, v50;
	v5 =	vmin.f32 v5, v18;
	v18 =	vld [tilespmem:$0x1FB10]  }
0x2a1: {  	v2 =	vmin.f32 v2, v49  }
0x2a2: {  	v28 =	vld [tilespmem:s0+$0x1780];
	v2 =	vmin.f32 v2, v47  }
0x2a3: {  	v2 =	vmin.f32 v2, v14  }
0x2a4: {  	v2 =	vmin.f32 v2, v23  }
0x2a5: {  	[tilespmem:$0x1FE30] =	vst v2;
	v2 =	vperm.xlane v27, v59;
	v16 =	vmin.f32 v16, v18;
	v18 =	vld [tilespmem:$0x1FD90];
	_ =	sdelay $0x1  }
0x2a6: {  	[tilespmem:$0x1FCD0] =	vst v2;
	v2 =	vperm.xlane v28, v59  }
0x2a7: {  	v22 =	vld [tilespmem:s0+$0x1B80]  }
0x2a8: {  	[tilespmem:$0x1FD40] =	vst v2;
	v2 =	vld [tilespmem:$0x1FEE0];
	v16 =	vmin.f32 v16, v57  }
0x2a9: {  	v16 =	vmin.f32 v16, v25;
	v5 =	vmin.f32 v5, v18;
	v18 =	vld [tilespmem:$0x1FD70]  }
0x2aa: {  	[tilespmem:$0x1FDC0] =	vst v16;
	v16 =	vld [tilespmem:$0x1FE40];
	_ =	sdelay $0x3  }
0x2ab: {  	v5 =	vmin.f32 v5, v18;
	v18 =	vperm.xlane v22, v2;
	v2 =	vperm.xlane v28, v45  }
0x2ac: {  	v0 =	vmin.f32 v16, v0;
	v5 =	vmin.f32 v5, v54  }
0x2ad: {  	v0 =	vmin.f32 v0, v32;
	v5 =	vmin.f32 v5, v24;
	[tilespmem:$0x1FA70] =	vst v2;
	v2 =	vld [tilespmem:$0x1FEE0]  }
0x2ae: {  	[tilespmem:$0x1FE20] =	vst v5;
	v5 =	vmin.f32 v0, v12  }
0x2af: {  	v1 =	vmin.f32 v5, v1  }
0x2b0: {  	v1 =	vmin.f32 v1, v3  }
0x2b1: {  	v1 =	vmin.f32 v1, v13  }
0x2b2: {  	v1 =	vmin.f32 v1, v7;
	v51 =	vperm.xlane v27, v2;
	v2 =	vld [tilespmem:$0x1FEE0]  }
0x2b3: {  	v1 =	vmin.f32 v1, v10  }
0x2b4: {  	v1 =	vmin.f32 v1, v15  }
0x2b5: {  	v1 =	vmin.f32 v1, v9  }
0x2b6: {  	v1 =	vmin.f32 v1, v8  }
0x2b7: {  	v2 =	vperm.xlane v28, v2;
	v1 =	vmin.f32 v1, v4  }
0x2b8: {  	v1 =	vmin.f32 v1, v17  }
0x2b9: {  	[tilespmem:$0x1FA60] =	vst v2;
	v2 =	vperm.xlane v28, v48;
	v1 =	vmin.f32 v1, v19  }
0x2ba: {  	v35 =	vperm.xlane v27, v45;
	v1 =	vmin.f32 v1, v20  }
0x2bb: {  	v49 =	vperm.xlane v27, v58;
	v47 =	vperm.xlane v27, v55;
	[tilespmem:$0x1FA80] =	vst v2;
	v1 =	vmin.f32 v1, v6  }
0x2bc: {  	v2 =	vperm.xlane v28, v60;
	[tilespmem:$0x1FE40] =	vst v1;
	v1 =	vperm.xlane v28, v21  }
0x2bd: {  	v36 =	vperm.xlane v27, v21;
	v26 =	vperm.xlane v27, v46  }
0x2be: {  	v50 =	vperm.xlane v27, v33;
	[tilespmem:$0x1FA90] =	vst v2;
	v2 =	vperm.xlane v28, v58  }
0x2bf: {  	v23 =	vperm.xlane v27, v48;
	v44 =	vperm.xlane v22, v55;
	[tilespmem:$0x1FAC0] =	vst v1  }
0x2c0: {  	v52 =	vperm.xlane v22, v21;
	[tilespmem:$0x1FAA0] =	vst v2;
	v2 =	vperm.xlane v28, v55;
	v1 =	vmov v43  }
0x2c1: {  	v21 =	vperm.xlane v27, v1;
	v1 =	vperm.xlane v28, v1  }
0x2c2: {  	v53 =	vperm.xlane v22, v61;
	[tilespmem:$0x1FAB0] =	vst v2;
	v2 =	vperm.xlane v28, v61  }
0x2c3: {  	v25 =	vperm.xlane v27, v30;
	[tilespmem:$0x1F0A0] =	vst v1;
	v1 =	vperm.xlane v28, v30  }
0x2c4: {  	v24 =	vperm.xlane v27, v38;
	v0 =	vperm.xlane v22, v59;
	[tilespmem:$0x1FAD0] =	vst v2;
	v2 =	vld [tilespmem:$0x1330]  }
0x2c5: {  	v59 =	vperm.xlane v27, v60;
	[tilespmem:$0x1F390] =	vst v1;
	v1 =	vperm.xlane v28, v33  }
0x2c6: {  	v4 =	vperm.xlane v28, v38;
	v17 =	vperm.xlane v27, v61  }
0x2c7: {  	v55 =	vperm.xlane v22, v38;
	v38 =	vperm.xlane v27, v41;
	[tilespmem:$0x1FAF0] =	vst v1;
	v1 =	vlaneseq.u32  }
0x2c8: {  	v61 =	vperm.xlane v22, v1;
	v27 =	vperm.xlane v27, v1;
	v1 =	vlaneseq.u32  }
0x2c9: {  	v5 =	vsub.f32 v2, v0;
	v1 =	vperm.xlane v28, v1;
	_ =	sdelay $0x1  }
0x2ca: {  	v39 =	vperm.xlane v22, v45;
	v7 =	vsub.f32 v2, v18;
	[tilespmem:$0x1FBE0] =	vst v1;
	v1 =	vmul.f32 v5, v5  }
0x2cb: {  	[tilespmem:$0x1F090] =	vst v4  }
0x2cc: {  	v40 =	vperm.xlane v22, v60;
	v4 =	vsub.f32 v2, v39;
	[tilespmem:$0x1F460] =	vst v1;
	v1 =	vmul.f32 v7, v7;
	_ =	sdelay $0x1  }
0x2cd: {  	v42 =	vperm.xlane v22, v48;
	v9 =	vsub.f32 v2, v40;
	[tilespmem:$0x1F0C0] =	vst v1;
	v1 =	vmul.f32 v4, v4;
	_ =	sdelay $0x1  }
0x2ce: {  	v6 =	vsub.f32 v2, v42;
	[tilespmem:$0x1F0D0] =	vst v1;
	v1 =	vmul.f32 v9, v9;
	_ =	sdelay $0x1  }
0x2cf: {  	v48 =	vperm.xlane v22, v58;
	v11 =	vsub.f32 v2, v44;
	[tilespmem:$0x1F0E0] =	vst v1;
	v1 =	vmul.f32 v6, v6;
	_ =	sdelay $0x1  }
0x2d0: {  	v8 =	vsub.f32 v2, v48;
	[tilespmem:$0x1F0F0] =	vst v1;
	v1 =	vmul.f32 v11, v11;
	_ =	sdelay $0x1  }
0x2d1: {  	v14 =	vsub.f32 v2, v52;
	[tilespmem:$0x1F110] =	vst v1;
	v1 =	vmul.f32 v8, v8  }
0x2d2: {  	v56 =	vperm.xlane v22, v43  }
0x2d3: {  	v54 =	vperm.xlane v22, v41;
	v10 =	vsub.f32 v2, v53;
	[tilespmem:$0x1F120] =	vst v1;
	v1 =	vmul.f32 v14, v14  }
0x2d4: {  	v57 =	vperm.xlane v22, v46;
	v60 =	vperm.xlane v22, v30  }
0x2d5: {  	v58 =	vperm.xlane v22, v33;
	v22 =	vsub.f32 v2, v54;
	[tilespmem:$0x1F140] =	vst v1;
	v1 =	vmul.f32 v10, v10;
	_ =	sdelay $0x1  }
0x2d6: {  	v12 =	vsub.f32 v2, v55;
	[tilespmem:$0x1F150] =	vst v1;
	v1 =	vmul.f32 v22, v22;
	_ =	sdelay $0x1  }
0x2d7: {  	v20 =	vsub.f32 v2, v57;
	[tilespmem:$0x1F170] =	vst v1;
	v1 =	vmul.f32 v12, v12;
	_ =	sdelay $0x1  }
0x2d8: {  	v5 =	vsub.f32 v2, v56;
	[tilespmem:$0x1F180] =	vst v1;
	v1 =	vmul.f32 v20, v20;
	_ =	sdelay $0x1  }
0x2d9: {  	v4 =	vsub.f32 v2, v60;
	[tilespmem:$0x1F1B0] =	vst v1;
	v1 =	vmul.f32 v5, v5  }
0x2da: {  	v3 =	vperm.xlane v28, v41;
	v43 =	vperm.xlane v28, v46;
	v28 =	vld [tilespmem:$0x1320]  }
0x2db: {  	v6 =	vsub.f32 v2, v58;
	[tilespmem:$0x1F1A0] =	vst v1;
	v1 =	vmul.f32 v4, v4;
	_ =	sdelay $0x1  }
0x2dc: {  	v2 =	vsub.f32 v2, v61;
	[tilespmem:$0x1F1E0] =	vst v1;
	v1 =	vmul.f32 v6, v6;
	_ =	sdelay $0x1  }
0x2dd: {  	v9 =	vsub.f32 v28, v39;
	[tilespmem:$0x1F1C0] =	vst v1;
	v1 =	vmul.f32 v2, v2;
	_ =	sdelay $0x1  }
0x2de: {  	v7 =	vsub.f32 v28, v0;
	[tilespmem:$0x1F1F0] =	vst v1;
	v1 =	vmul.f32 v9, v9;
	_ =	sdelay $0x1  }
0x2df: {  	v12 =	vsub.f32 v28, v42;
	[tilespmem:$0x1F230] =	vst v1;
	v1 =	vmul.f32 v7, v7;
	_ =	sdelay $0x1  }
0x2e0: {  	v10 =	vsub.f32 v28, v18;
	[tilespmem:$0x1F490] =	vst v1;
	v1 =	vmul.f32 v12, v12;
	_ =	sdelay $0x1  }
0x2e1: {  	v14 =	vsub.f32 v28, v48;
	[tilespmem:$0x1F240] =	vst v1;
	v1 =	vmul.f32 v10, v10;
	_ =	sdelay $0x1  }
0x2e2: {  	v5 =	vsub.f32 v28, v40;
	[tilespmem:$0x1F250] =	vst v1;
	v1 =	vmul.f32 v14, v14;
	_ =	sdelay $0x1  }
0x2e3: {  	v6 =	vsub.f32 v28, v53;
	[tilespmem:$0x1F260] =	vst v1;
	v1 =	vmul.f32 v5, v5;
	_ =	sdelay $0x1  }
0x2e4: {  	v4 =	vsub.f32 v28, v44;
	[tilespmem:$0x1F270] =	vst v1;
	v1 =	vmul.f32 v6, v6;
	_ =	sdelay $0x1  }
0x2e5: {  	v30 =	vsub.f32 v28, v55;
	[tilespmem:$0x1F280] =	vst v1;
	v1 =	vmul.f32 v4, v4;
	_ =	sdelay $0x1  }
0x2e6: {  	v29 =	vsub.f32 v28, v52;
	[tilespmem:$0x1F290] =	vst v1;
	v1 =	vmul.f32 v30, v30;
	_ =	sdelay $0x1  }
0x2e7: {  	v2 =	vsub.f32 v28, v54;
	[tilespmem:$0x1F2A0] =	vst v1;
	v1 =	vmul.f32 v29, v29;
	_ =	sdelay $0x1  }
0x2e8: {  	v31 =	vsub.f32 v28, v57;
	[tilespmem:$0x1F2B0] =	vst v1;
	v1 =	vmul.f32 v2, v2;
	_ =	sdelay $0x1  }
0x2e9: {  	v7 =	vsub.f32 v28, v56;
	[tilespmem:$0x1F2D0] =	vst v1;
	v1 =	vmul.f32 v31, v31  }
0x2ea: {  	v62 =	vld [tilespmem:$0x1310]  }
0x2eb: {  	v10 =	vsub.f32 v28, v60;
	[tilespmem:$0x1F2C0] =	vst v1;
	v1 =	vmul.f32 v7, v7;
	_ =	sdelay $0x1  }
0x2ec: {  	[tilespmem:$0x1F2F0] =	vst v1;
	v1 =	vmul.f32 v10, v10  }
0x2ed: {  	v45 =	vld [tilespmem:$0x1300]  }
0x2ee: {  	v41 =	vsub.f32 v28, v58;
	[tilespmem:$0x1F2E0] =	vst v1;
	v1 =	vsub.f32 v62, v53  }
0x2ef: {  	[tilespmem:$0x1F380] =	vst v3;
	v3 =	vsub.f32 v62, v44  }
0x2f0: {  	v2 =	vmul.f32 v41, v41;
	v41 =	vsub.f32 v62, v55;
	v1 =	vmul.f32 v1, v1  }
0x2f1: {  	v16 =	vsub.f32 v62, v54;
	v63 =	vsub.f32 v62, v0  }
0x2f2: {  	[tilespmem:$0x1F660] =	vst v1;
	v1 =	vmul.f32 v3, v3;
	v3 =	vsub.f32 v45, v0;
	v0 =	vmul.f32 v41, v41;
	_ =	sdelay $0x1  }
0x2f3: {  	[tilespmem:$0x1F6D0] =	vst v0;
	v0 =	vmul.f32 v16, v16;
	_ =	sdelay $0x1  }
0x2f4: {  	v15 =	vsub.f32 v62, v57;
	[tilespmem:$0x1F700] =	vst v0;
	v0 =	vsub.f32 v45, v48  }
0x2f5: {  	v28 =	vsub.f32 v28, v61  }
0x2f6: {  	v19 =	vsub.f32 v62, v56;
	[tilespmem:$0x1F0B0] =	vst v0;
	v0 =	vmul.f32 v15, v15  }
0x2f7: {  	v30 =	vsub.f32 v62, v39;
	[tilespmem:$0x1F310] =	vst v2;
	v2 =	vmul.f32 v28, v28  }
0x2f8: {  	[tilespmem:$0x1F720] =	vst v0;
	v0 =	vmul.f32 v19, v19  }
0x2f9: {  	[tilespmem:$0x1F300] =	vst v2;
	v2 =	vmul.f32 v30, v30  }
0x2fa: {  	v30 =	vsub.f32 v62, v60;
	[tilespmem:$0x1F750] =	vst v0;
	v0 =	vsub.f32 v45, v55  }
0x2fb: {  	v46 =	vsub.f32 v62, v42;
	[tilespmem:$0x1F5A0] =	vst v2;
	v2 =	vmul.f32 v63, v63  }
0x2fc: {  	[tilespmem:$0x1F100] =	vst v0;
	v0 =	vmul.f32 v30, v30  }
0x2fd: {  	[tilespmem:$0x1F5C0] =	vst v2;
	v2 =	vmul.f32 v46, v46  }
0x2fe: {  	v34 =	vsub.f32 v62, v18;
	[tilespmem:$0x1F770] =	vst v0;
	v0 =	vsub.f32 v45, v57  }
0x2ff: {  	[tilespmem:$0x1F5E0] =	vst v2  }
0x300: {  	v2 =	vmul.f32 v34, v34;
	v34 =	vsub.f32 v62, v58;
	[tilespmem:$0x1F160] =	vst v0;
	v0 =	vsub.f32 v45, v54;
	_ =	sdelay $0x1  }
0x301: {  	[tilespmem:$0x1F130] =	vst v0;
	v0 =	vmul.f32 v34, v34;
	_ =	sdelay $0x1  }
0x302: {  	[tilespmem:$0x1F7A0] =	vst v0;
	v0 =	vsub.f32 v45, v60;
	_ =	sdelay $0x1  }
0x303: {  	[tilespmem:$0x1F1D0] =	vst v0;
	v0 =	vsub.f32 v45, v56;
	_ =	sdelay $0x1  }
0x304: {  	v63 =	vsub.f32 v62, v61;
	[tilespmem:$0x1F190] =	vst v0;
	v0 =	vsub.f32 v45, v61  }
0x305: {  	v13 =	vsub.f32 v62, v52  }
0x306: {  	[tilespmem:$0x1F210] =	vst v0;
	v0 =	vmul.f32 v63, v63  }
0x307: {  	[tilespmem:$0x1F680] =	vst v1;
	v1 =	vmul.f32 v13, v13  }
0x308: {  	[tilespmem:$0x1F7C0] =	vst v0;
	v0 =	vsub.f32 v45, v58  }
0x309: {  	[tilespmem:$0x1F6B0] =	vst v1  }
0x30a: {  	v1 =	vsub.f32 v45, v39;
	[tilespmem:$0x1F200] =	vst v0;
	v0 =	vmul.f32 v3, v3;
	_ =	sdelay $0x1  }
0x30b: {  	v46 =	vsub.f32 v45, v18;
	[tilespmem:$0x1F7F0] =	vst v0;
	v0 =	vmul.f32 v1, v1;
	_ =	sdelay $0x1  }
0x30c: {  	v13 =	vsub.f32 v45, v42;
	[tilespmem:$0x1F810] =	vst v0;
	v0 =	vmul.f32 v46, v46  }
0x30d: {  	v42 =	vld [tilespmem:$0x1230]  }
0x30e: {  	v16 =	vsub.f32 v45, v40;
	[tilespmem:$0x1F830] =	vst v0;
	v0 =	vmul.f32 v13, v13  }
0x30f: {  	v55 =	vld [tilespmem:$0x1FAB0]  }
0x310: {  	[tilespmem:$0x1F850] =	vst v0;
	v0 =	vmul.f32 v16, v16;
	v16 =	vld [tilespmem:$0x12B0]  }
0x311: {  	v29 =	vld [tilespmem:$0x1FCD0];
	v7 =	vsub.f32 v62, v48  }
0x312: {  	[tilespmem:$0x1F330] =	vst v38;
	v9 =	vmov v38;
	v39 =	vsub.f32 v42, v38;
	v38 =	vld [tilespmem:$0x1FD40];
	v63 =	vsub.f32 v42, v36  }
0x313: {  	v37 =	vsub.f32 v62, v40;
	[tilespmem:$0x1F600] =	vst v2;
	v2 =	vmul.f32 v7, v7;
	v41 =	vsub.f32 v45, v44  }
0x314: {  	[tilespmem:$0x1FA20] =	vst v17;
	v62 =	vsub.f32 v42, v47;
	v60 =	vsub.f32 v42, v59;
	v44 =	vmul.f32 v63, v63;
	v63 =	vld [tilespmem:$0x1FA80]  }
0x315: {  	[tilespmem:$0x1F620] =	vst v2;
	v2 =	vmul.f32 v37, v37;
	v37 =	vld [tilespmem:$0x1FAC0];
	v61 =	vsub.f32 v42, v17;
	v17 =	vsub.f32 v16, v55  }
0x316: {  	v48 =	vsub.f32 v45, v52;
	v6 =	vmul.f32 v62, v62;
	v3 =	vsub.f32 v42, v29  }
0x317: {  	v34 =	vmul.f32 v60, v60;
	v60 =	vsub.f32 v16, v38;
	v17 =	vmul.f32 v17, v17  }
0x318: {  	[tilespmem:$0x1F320] =	vst v26;
	v52 =	vsub.f32 v42, v26;
	v19 =	vsub.f32 v42, v23;
	v62 =	vld [tilespmem:$0x1FA60];
	v5 =	vmul.f32 v3, v3  }
0x319: {  	[tilespmem:$0x1F9C0] =	vst v23;
	v23 =	vsub.f32 v16, v63;
	v60 =	vmul.f32 v60, v60;
	v17 =	vadd.f32 v17, v6;
	v6 =	vld [tilespmem:$0x1F0B0]  }
0x31a: {  	v20 =	vmovc v26;
	v53 =	vsub.f32 v45, v53;
	v45 =	vmul.f32 v52, v52;
	v52 =	vld [tilespmem:$0x1FA70];
	v26 =	vsub.f32 v16, v37  }
0x31b: {  	v19 =	vmul.f32 v19, v19;
	v23 =	vmul.f32 v23, v23;
	v5 =	vadd.f32 v60, v5  }
0x31c: {  	v15 =	vsub.f32 v42, v35;
	v26 =	vmul.f32 v26, v26  }
0x31d: {  	v30 =	vsub.f32 v42, v51;
	[tilespmem:$0x1F3B0] =	vst v5;
	v5 =	vadd.f32 v23, v19  }
0x31e: {  	v23 =	vadd.f32 v26, v44;
	v26 =	vmul.f32 v6, v6;
	v6 =	vmul.f32 v53, v53  }
0x31f: {  	v32 =	vmul.f32 v61, v61;
	v61 =	vsub.f32 v16, v62;
	v18 =	vsub.f32 v16, v52  }
0x320: {  	v15 =	vmul.f32 v15, v15;
	v7 =	vmul.f32 v30, v30;
	[tilespmem:$0x1F8D0] =	vst v6;
	v6 =	vld [tilespmem:$0x1F0C0]  }
0x321: {  	v18 =	vmul.f32 v18, v18;
	v61 =	vmul.f32 v61, v61;
	_ =	sdelay $0x1  }
0x322: {  	v15 =	vadd.f32 v18, v15;
	v18 =	vadd.f32 v61, v7;
	v7 =	vmul.f32 v41, v41;
	_ =	sdelay $0x1  }
0x323: {  	[tilespmem:$0x1F8B0] =	vst v7;
	v7 =	vadd.f32 v6, v18;
	v6 =	vld [tilespmem:$0x1F0D0];
	_ =	sdelay $0x2  }
0x324: {  	v40 =	vld [tilespmem:$0x1FA90];
	_ =	sdelay $0x1  }
0x325: {  	v6 =	vadd.f32 v6, v15;
	_ =	sdelay $0x1  }
0x326: {  	[tilespmem:$0x1F3C0] =	vst v6;
	v6 =	vmul.f32 v48, v48  }
0x327: {  	[tilespmem:$0x1F340] =	vst v21;
	v28 =	vmov v21;
	v56 =	vsub.f32 v42, v21;
	v21 =	vsub.f32 v16, v40  }
0x328: {  	[tilespmem:$0x1F8F0] =	vst v6;
	v6 =	vld [tilespmem:$0x1F0E0]  }
0x329: {  	v21 =	vmul.f32 v21, v21;
	_ =	sdelay $0x1  }
0x32a: {  	v19 =	vadd.f32 v21, v34;
	_ =	sdelay $0x1  }
0x32b: {  	v18 =	vadd.f32 v6, v19;
	v6 =	vld [tilespmem:$0x1F0F0];
	_ =	sdelay $0x4  }
0x32c: {  	v15 =	vadd.f32 v6, v5;
	v6 =	vld [tilespmem:$0x1F100];
	_ =	sdelay $0x4  }
0x32d: {  	v6 =	vmul.f32 v6, v6  }
0x32e: {  	v10 =	vld [tilespmem:$0x1FAA0]  }
0x32f: {  	[tilespmem:$0x1F910] =	vst v6;
	v6 =	vld [tilespmem:$0x1F110];
	_ =	sdelay $0x2  }
0x330: {  	v1 =	vsub.f32 v42, v49  }
0x331: {  	[tilespmem:$0x1FA40] =	vst v24;
	v33 =	vmov v24;
	v13 =	vsub.f32 v42, v24;
	v24 =	vsub.f32 v16, v10  }
0x332: {  	v44 =	vadd.f32 v6, v17;
	v6 =	vld [tilespmem:$0x1F120]  }
0x333: {  	v4 =	vmul.f32 v1, v1;
	v24 =	vmul.f32 v24, v24;
	_ =	sdelay $0x1  }
0x334: {  	v4 =	vadd.f32 v24, v4;
	_ =	sdelay $0x1  }
0x335: {  	v17 =	vadd.f32 v6, v4;
	v4 =	vld [tilespmem:$0x1F130]  }
0x336: {  	v12 =	vld [tilespmem:$0x1FAD0]  }
0x337: {  	[tilespmem:$0x1F360] =	vst v50;
	v22 =	vld [tilespmem:$0x1F390];
	v30 =	vmov v50;
	v50 =	vsub.f32 v42, v50  }
0x338: {  	[tilespmem:$0x1FA30] =	vst v47;
	v46 =	vmul.f32 v39, v39;
	v39 =	vld [tilespmem:$0x1F380]  }
0x339: {  	[tilespmem:$0x1F370] =	vst v43;
	v14 =	vld [tilespmem:$0x1FAF0]  }
0x33a: {  	[tilespmem:$0x1F220] =	vst v27;
	v31 =	vld [tilespmem:$0x1F090];
	v58 =	vmul.f32 v50, v50;
	v4 =	vmul.f32 v4, v4  }
0x33b: {  	v50 =	vmov v43;
	[tilespmem:$0x1F870] =	vst v0;
	v54 =	vsub.f32 v16, v12;
	v0 =	vsub.f32 v16, v43;
	v43 =	vld [tilespmem:$0x1F0A0]  }
0x33c: {  	v57 =	vsub.f32 v42, v25;
	[tilespmem:$0x1F930] =	vst v4;
	v4 =	vld [tilespmem:$0x1F140]  }
0x33d: {  	v11 =	vmovc v47;
	v42 =	vsub.f32 v42, v27;
	v27 =	vsub.f32 v16, v39;
	v47 =	vmul.f32 v54, v54;
	v54 =	vld [tilespmem:$0x1FBE0];
	_ =	sdelay $0x1  }
0x33e: {  	[tilespmem:$0x1FA10] =	vst v59;
	v8 =	vmov v59;
	v59 =	vsub.f32 v16, v31;
	v27 =	vmul.f32 v27, v27  }
0x33f: {  	[tilespmem:$0x1F640] =	vst v2;
	v2 =	vsub.f32 v16, v22;
	v3 =	vsub.f32 v16, v14  }
0x340: {  	v24 =	vadd.f32 v27, v46;
	v46 =	vadd.f32 v4, v23;
	v4 =	vld [tilespmem:$0x1F150]  }
0x341: {  	v1 =	vsub.f32 v16, v43;
	v16 =	vsub.f32 v16, v54;
	_ =	sdelay $0x1  }
0x342: {  	v42 =	vmul.f32 v42, v42;
	v21 =	vadd.f32 v47, v32;
	v16 =	vmul.f32 v16, v16;
	_ =	sdelay $0x1  }
0x343: {  	v16 =	vadd.f32 v16, v42;
	v42 =	vadd.f32 v4, v21;
	v4 =	vld [tilespmem:$0x1F160];
	_ =	sdelay $0x4  }
0x344: {  	v4 =	vmul.f32 v4, v4;
	_ =	sdelay $0x1  }
0x345: {  	[tilespmem:$0x1F950] =	vst v4;
	v4 =	vld [tilespmem:$0x1F170];
	_ =	sdelay $0x4  }
0x346: {  	v48 =	vadd.f32 v4, v24;
	v4 =	vld [tilespmem:$0x1F180]  }
0x347: {  	v13 =	vmul.f32 v13, v13;
	v59 =	vmul.f32 v59, v59;
	_ =	sdelay $0x1  }
0x348: {  	v0 =	vmul.f32 v0, v0;
	v13 =	vadd.f32 v59, v13;
	_ =	sdelay $0x1  }
0x349: {  	v0 =	vadd.f32 v0, v45;
	v45 =	vadd.f32 v4, v13;
	v4 =	vld [tilespmem:$0x1F190];
	_ =	sdelay $0x4  }
0x34a: {  	v4 =	vmul.f32 v4, v4;
	_ =	sdelay $0x1  }
0x34b: {  	[tilespmem:$0x1F970] =	vst v4;
	v4 =	vld [tilespmem:$0x1F1A0]  }
0x34c: {  	v56 =	vmul.f32 v56, v56;
	v1 =	vmul.f32 v1, v1;
	_ =	sdelay $0x1  }
0x34d: {  	v1 =	vadd.f32 v1, v56;
	_ =	sdelay $0x1  }
0x34e: {  	v54 =	vadd.f32 v4, v1;
	v1 =	vld [tilespmem:$0x1F1B0];
	_ =	sdelay $0x4  }
0x34f: {  	v47 =	vadd.f32 v1, v0;
	v0 =	vld [tilespmem:$0x1F1C0]  }
0x350: {  	v3 =	vmul.f32 v3, v3;
	_ =	sdelay $0x1  }
0x351: {  	v3 =	vadd.f32 v3, v58  }
0x352: {  	v5 =	vld [tilespmem:$0x1220]  }
0x353: {  	v61 =	vadd.f32 v0, v3;
	v0 =	vld [tilespmem:$0x1F1D0]  }
0x354: {  	v6 =	vld [tilespmem:$0x1FF50];
	_ =	sdelay $0x2  }
0x355: {  	v58 =	vld [tilespmem:$0x1FFB0]  }
0x356: {  	[tilespmem:$0x1FA00] =	vst v49;
	v0 =	vmul.f32 v0, v0  }
0x357: {  	[tilespmem:$0x1FB10] =	vst v7;
	v6 =	vperm.xlane v7, v6;
	v7 =	vsub.f32 v5, v49;
	v49 =	vld [tilespmem:$0x1FFC0]  }
0x358: {  	[tilespmem:$0x1F3A0] =	vst v0;
	v0 =	vld [tilespmem:$0x1F1E0]  }
0x359: {  	v57 =	vmul.f32 v57, v57;
	v2 =	vmul.f32 v2, v2  }
0x35a: {  	[tilespmem:$0x1FB20] =	vst v6;
	v6 =	vsub.f32 v5, v11;
	v11 =	vperm.xlane v18, v58  }
0x35b: {  	v2 =	vadd.f32 v2, v57;
	[tilespmem:$0x1FB90] =	vst v17  }
0x35c: {  	[tilespmem:$0x1FB70] =	vst v11;
	v11 =	vperm.xlane v17, v49;
	v17 =	vld [tilespmem:$0x12A0]  }
0x35d: {  	v53 =	vadd.f32 v0, v2;
	v0 =	vld [tilespmem:$0x1F1F0];
	_ =	sdelay $0x1  }
0x35e: {  	v19 =	vsub.f32 v5, v28  }
0x35f: {  	[tilespmem:$0x1FB60] =	vst v18;
	v18 =	vsub.f32 v5, v20;
	v20 =	vsub.f32 v5, v25;
	v1 =	vld [tilespmem:$0x1F210]  }
0x360: {  	[tilespmem:$0x1F350] =	vst v25;
	v59 =	vld [tilespmem:$0x1FFA0];
	v23 =	vsub.f32 v17, v52;
	v25 =	vsub.f32 v17, v63  }
0x361: {  	[tilespmem:$0x1F890] =	vst v26;
	v26 =	vsub.f32 v17, v62;
	v60 =	vadd.f32 v0, v16;
	v0 =	vld [tilespmem:$0x1F200]  }
0x362: {  	v27 =	vsub.f32 v17, v10;
	v32 =	vsub.f32 v17, v12  }
0x363: {  	[tilespmem:$0x1FA50] =	vst v36;
	v19 =	vmul.f32 v19, v19;
	v34 =	vsub.f32 v17, v31;
	v21 =	vsub.f32 v5, v30  }
0x364: {  	v56 =	vmovc v38;
	v26 =	vmul.f32 v26, v26;
	v24 =	vsub.f32 v17, v38;
	v1 =	vmul.f32 v1, v1  }
0x365: {  	[tilespmem:$0x1FB40] =	vst v15;
	v38 =	vsub.f32 v17, v39;
	v3 =	vsub.f32 v5, v8;
	v8 =	vperm.xlane v15, v59  }
0x366: {  	v39 =	vsub.f32 v17, v43;
	v15 =	vsub.f32 v5, v9;
	[tilespmem:$0x1F9F0] =	vst v1;
	v0 =	vmul.f32 v0, v0  }
0x367: {  	v34 =	vmul.f32 v34, v34;
	v1 =	vsub.f32 v5, v51;
	[tilespmem:$0x1FB50] =	vst v8;
	v8 =	vsub.f32 v5, v36  }
0x368: {  	v21 =	vmul.f32 v21, v21;
	v36 =	vsub.f32 v17, v50;
	[tilespmem:$0x1F9B0] =	vst v0;
	v0 =	vsub.f32 v5, v29  }
0x369: {  	[tilespmem:$0x1F990] =	vst v35;
	v24 =	vmul.f32 v24, v24;
	v2 =	vsub.f32 v5, v35;
	v35 =	vsub.f32 v17, v37  }
0x36a: {  	v1 =	vmul.f32 v1, v1;
	v37 =	vsub.f32 v17, v22;
	v22 =	vld [tilespmem:$0x1FBE0];
	v0 =	vmul.f32 v0, v0  }
0x36b: {  	v50 =	vsub.f32 v17, v14;
	v8 =	vmul.f32 v8, v8;
	v35 =	vmul.f32 v35, v35  }
0x36c: {  	v15 =	vmul.f32 v15, v15;
	v16 =	vsub.f32 v5, v33;
	v0 =	vadd.f32 v24, v0  }
0x36d: {  	v1 =	vadd.f32 v26, v1;
	v26 =	vadd.f32 v35, v8;
	v8 =	vmul.f32 v50, v50  }
0x36e: {  	v30 =	vsub.f32 v17, v40;
	v16 =	vmul.f32 v16, v16;
	[tilespmem:$0x1F440] =	vst v0;
	v0 =	vmul.f32 v38, v38  }
0x36f: {  	v33 =	vsub.f32 v17, v55;
	v17 =	vsub.f32 v17, v22;
	v24 =	vmul.f32 v39, v39  }
0x370: {  	v0 =	vadd.f32 v0, v15;
	v15 =	vadd.f32 v34, v16  }
0x371: {  	v16 =	vmul.f32 v17, v17;
	v17 =	vadd.f32 v24, v19;
	v19 =	vadd.f32 v8, v21;
	v8 =	vld [tilespmem:$0x1FFD0];
	_ =	sdelay $0x4  }
0x372: {  	v8 =	vperm.xlane v44, v8;
	_ =	sdelay $0x1  }
0x373: {  	[tilespmem:$0x1FBC0] =	vst v8;
	v8 =	vld [tilespmem:$0x1FF30];
	_ =	sdelay $0x4  }
0x374: {  	v8 =	vperm.xlane v42, v8;
	_ =	sdelay $0x1  }
0x375: {  	[tilespmem:$0x1FC00] =	vst v8;
	v8 =	vld [tilespmem:$0x1F230]  }
0x376: {  	v23 =	vmul.f32 v23, v23;
	v2 =	vmul.f32 v2, v2;
	_ =	sdelay $0x1  }
0x377: {  	v2 =	vadd.f32 v23, v2;
	_ =	sdelay $0x1  }
0x378: {  	v2 =	vadd.f32 v8, v2;
	_ =	sdelay $0x1  }
0x379: {  	[tilespmem:$0x1F560] =	vst v2;
	v2 =	vld [tilespmem:$0x1FF20]  }
0x37a: {  	[tilespmem:$0x1F9D0] =	vst v51;
	v51 =	vld [tilespmem:$0x1F9C0];
	_ =	sdelay $0x3  }
0x37b: {  	v2 =	vperm.xlane v46, v2  }
0x37c: {  	v4 =	vsub.f32 v5, v51  }
0x37d: {  	[tilespmem:$0x1FC20] =	vst v2;
	v2 =	vld [tilespmem:$0x1F240]  }
0x37e: {  	v25 =	vmul.f32 v25, v25;
	v4 =	vmul.f32 v4, v4;
	_ =	sdelay $0x1  }
0x37f: {  	v4 =	vadd.f32 v25, v4;
	_ =	sdelay $0x1  }
0x380: {  	v8 =	vadd.f32 v2, v4;
	v2 =	vld [tilespmem:$0x1F250];
	_ =	sdelay $0x4  }
0x381: {  	v4 =	vadd.f32 v2, v1;
	v2 =	vld [tilespmem:$0x1FF70]  }
0x382: {  	v29 =	vld [tilespmem:$0x1FA20];
	_ =	sdelay $0x3  }
0x383: {  	v2 =	vperm.xlane v48, v2  }
0x384: {  	v13 =	vsub.f32 v5, v29  }
0x385: {  	[tilespmem:$0x1FC70] =	vst v2;
	v2 =	vld [tilespmem:$0x1F280]  }
0x386: {  	v32 =	vmul.f32 v32, v32;
	v13 =	vmul.f32 v13, v13;
	_ =	sdelay $0x1  }
0x387: {  	v13 =	vadd.f32 v32, v13;
	_ =	sdelay $0x1  }
0x388: {  	v2 =	vadd.f32 v2, v13;
	_ =	sdelay $0x1  }
0x389: {  	[tilespmem:$0x1F690] =	vst v2;
	v2 =	vld [tilespmem:$0x1F290]  }
0x38a: {  	v6 =	vmul.f32 v6, v6;
	v33 =	vmul.f32 v33, v33;
	_ =	sdelay $0x1  }
0x38b: {  	v6 =	vadd.f32 v33, v6;
	_ =	sdelay $0x1  }
0x38c: {  	v2 =	vadd.f32 v2, v6;
	_ =	sdelay $0x1  }
0x38d: {  	[tilespmem:$0x1F6E0] =	vst v2;
	v2 =	vld [tilespmem:$0x1FF60];
	_ =	sdelay $0x4  }
0x38e: {  	v2 =	vperm.xlane v47, v2;
	_ =	sdelay $0x1  }
0x38f: {  	[tilespmem:$0x1FCA0] =	vst v2;
	v2 =	vld [tilespmem:$0x1F2A0];
	_ =	sdelay $0x4  }
0x390: {  	v2 =	vadd.f32 v2, v15;
	_ =	sdelay $0x1  }
0x391: {  	[tilespmem:$0x1F730] =	vst v2;
	v2 =	vld [tilespmem:$0x1F2B0];
	_ =	sdelay $0x4  }
0x392: {  	v2 =	vadd.f32 v2, v26;
	_ =	sdelay $0x1  }
0x393: {  	[tilespmem:$0x1F780] =	vst v2;
	v2 =	vld [tilespmem:$0x1FEE0];
	_ =	sdelay $0x4  }
0x394: {  	v2 =	vperm.xlane v54, v2;
	_ =	sdelay $0x1  }
0x395: {  	[tilespmem:$0x1FCC0] =	vst v2;
	v2 =	vld [tilespmem:$0x1F2C0]  }
0x396: {  	v18 =	vmul.f32 v18, v18;
	v23 =	vmul.f32 v36, v36;
	_ =	sdelay $0x1  }
0x397: {  	v18 =	vadd.f32 v23, v18;
	_ =	sdelay $0x1  }
0x398: {  	v2 =	vadd.f32 v2, v18;
	_ =	sdelay $0x1  }
0x399: {  	[tilespmem:$0x1F7D0] =	vst v2;
	v2 =	vld [tilespmem:$0x1F2D0];
	_ =	sdelay $0x1  }
0x39a: {  	v1 =	vld [tilespmem:$0x1FF80];
	_ =	sdelay $0x2  }
0x39b: {  	[tilespmem:$0x1FC60] =	vst v48;
	v48 =	vadd.f32 v2, v0;
	v0 =	vld [tilespmem:$0x1F2E0]  }
0x39c: {  	v20 =	vmul.f32 v20, v20;
	v25 =	vmul.f32 v37, v37  }
0x39d: {  	v1 =	vperm.xlane v45, v1  }
0x39e: {  	v20 =	vadd.f32 v25, v20  }
0x39f: {  	[tilespmem:$0x1FC50] =	vst v1;
	v1 =	vld [tilespmem:$0x1F260]  }
0x3a0: {  	v7 =	vmul.f32 v7, v7;
	v27 =	vmul.f32 v27, v27;
	v20 =	vadd.f32 v0, v20;
	v0 =	vld [tilespmem:$0x1FF90];
	_ =	sdelay $0x1  }
0x3a1: {  	v7 =	vadd.f32 v27, v7  }
0x3a2: {  	v28 =	vld [tilespmem:$0x1F220]  }
0x3a3: {  	[tilespmem:$0x1FBA0] =	vst v11;
	v11 =	vadd.f32 v1, v7;
	v1 =	vld [tilespmem:$0x1F270]  }
0x3a4: {  	v34 =	vperm.xlane v53, v0;
	v0 =	vld [tilespmem:$0x1F2F0]  }
0x3a5: {  	v30 =	vmul.f32 v30, v30;
	v3 =	vmul.f32 v3, v3;
	_ =	sdelay $0x1  }
0x3a6: {  	v3 =	vadd.f32 v30, v3  }
0x3a7: {  	v5 =	vsub.f32 v5, v28  }
0x3a8: {  	[tilespmem:$0x1FC40] =	vst v45;
	v9 =	vadd.f32 v1, v3;
	v45 =	vadd.f32 v0, v17;
	v0 =	vld [tilespmem:$0x1F300]  }
0x3a9: {  	v5 =	vmul.f32 v5, v5  }
0x3aa: {  	[tilespmem:$0x1FD90] =	vst v8;
	v6 =	vperm.xlane v8, v59;
	v8 =	vperm.xlane v9, v58  }
0x3ab: {  	v5 =	vadd.f32 v16, v5;
	v1 =	vld [tilespmem:$0x1210]  }
0x3ac: {  	[tilespmem:$0x1FDE0] =	vst v8;
	v8 =	vld [tilespmem:$0x1FA40]  }
0x3ad: {  	v35 =	vadd.f32 v0, v5;
	v0 =	vld [tilespmem:$0x1F310];
	_ =	sdelay $0x3  }
0x3ae: {  	v10 =	vsub.f32 v1, v8;
	v8 =	vld [tilespmem:$0x1FA50]  }
0x3af: {  	v25 =	vadd.f32 v0, v19;
	v0 =	vld [tilespmem:$0x1FF40];
	_ =	sdelay $0x3  }
0x3b0: {  	v13 =	vsub.f32 v1, v8  }
0x3b1: {  	[tilespmem:$0x1FD00] =	vst v53;
	v8 =	vperm.xlane v11, v49;
	v53 =	vperm.xlane v61, v0;
	v0 =	vlaneseq.u32  }
0x3b2: {  	v38 =	vperm.xlane v60, v0;
	v0 =	vld [tilespmem:$0x1F990]  }
0x3b3: {  	[tilespmem:$0x1FE00] =	vst v8;
	v8 =	vld [tilespmem:$0x1F320];
	_ =	sdelay $0x2  }
0x3b4: {  	v7 =	vld [tilespmem:$0x1FA30]  }
0x3b5: {  	[tilespmem:$0x1FBB0] =	vst v44;
	v3 =	vld [tilespmem:$0x1F9D0];
	v0 =	vsub.f32 v1, v0  }
0x3b6: {  	[tilespmem:$0x1FC10] =	vst v46;
	v46 =	vmov v8;
	v14 =	vsub.f32 v1, v8;
	v8 =	vld [tilespmem:$0x1F330]  }
0x3b7: {  	[tilespmem:$0x1FBF0] =	vst v42;
	v17 =	vmul.f32 v0, v0;
	v0 =	vld [tilespmem:$0x1F340]  }
0x3b8: {  	[tilespmem:$0x1FCB0] =	vst v54;
	v15 =	vld [tilespmem:$0x1290]  }
0x3b9: {  	[tilespmem:$0x1FC90] =	vst v47;
	v59 =	vld [tilespmem:$0x1F350]  }
0x3ba: {  	[tilespmem:$0x1FDA0] =	vst v6;
	v3 =	vsub.f32 v1, v3;
	v6 =	vsub.f32 v1, v29;
	v5 =	vld [tilespmem:$0x1FF50]  }
0x3bb: {  	v57 =	vmovc v40;
	[tilespmem:$0x1FD10] =	vst v61;
	v50 =	vmov v62;
	v7 =	vsub.f32 v1, v7;
	v16 =	vsub.f32 v1, v8;
	v2 =	vld [tilespmem:$0x1FCD0]  }
0x3bc: {  	v3 =	vmul.f32 v3, v3;
	v21 =	vmul.f32 v6, v6;
	v49 =	vld [tilespmem:$0x1F390];
	v37 =	vmovc v0;
	v0 =	vsub.f32 v1, v0  }
0x3bd: {  	v24 =	vmovc v52;
	v23 =	vmul.f32 v7, v7;
	v52 =	vmul.f32 v16, v16;
	v16 =	vsub.f32 v15, v12;
	v12 =	vld [tilespmem:$0x1F380]  }
0x3be: {  	[tilespmem:$0x1FD70] =	vst v4;
	v7 =	vsub.f32 v15, v56;
	v18 =	vsub.f32 v1, v59;
	v39 =	vmul.f32 v0, v0;
	v0 =	vld [tilespmem:$0x1FAA0]  }
0x3bf: {  	v36 =	vmul.f32 v13, v13;
	v6 =	vsub.f32 v15, v24;
	v62 =	vmovc v8;
	v8 =	vld [tilespmem:$0x1F360];
	v4 =	vperm.xlane v4, v5  }
0x3c0: {  	[tilespmem:$0x1FD50] =	vst v7;
	v29 =	vmul.f32 v18, v18;
	v18 =	vsub.f32 v15, v55;
	v2 =	vsub.f32 v1, v2;
	v5 =	vld [tilespmem:$0x1FA10]  }
0x3c1: {  	v30 =	vsub.f32 v15, v49;
	v7 =	vsub.f32 v15, v63;
	v6 =	vmul.f32 v6, v6;
	[tilespmem:$0x1FD80] =	vst v4;
	v4 =	vld [tilespmem:$0x1FA00]  }
0x3c2: {  	v27 =	vsub.f32 v15, v12;
	v18 =	vmul.f32 v18, v18;
	[tilespmem:$0x1FCE0] =	vst v2;
	v2 =	vsub.f32 v1, v51  }
0x3c3: {  	[tilespmem:$0x1FDF0] =	vst v11;
	v51 =	vmul.f32 v10, v10;
	v10 =	vsub.f32 v15, v50;
	v13 =	vsub.f32 v15, v0;
	v0 =	vld [tilespmem:$0x1FAC0]  }
0x3c4: {  	v11 =	vmovc v8;
	v2 =	vmul.f32 v2, v2;
	v19 =	vsub.f32 v1, v8;
	v8 =	vmovc v12;
	v12 =	vmov v22  }
0x3c5: {  	[tilespmem:$0x1FD30] =	vst v60;
	v10 =	vmul.f32 v10, v10;
	v42 =	vsub.f32 v15, v12;
	v5 =	vsub.f32 v1, v5  }
0x3c6: {  	[tilespmem:$0x1FDD0] =	vst v9;
	v63 =	vld [tilespmem:$0x1FAF0];
	v33 =	vmul.f32 v19, v19;
	v4 =	vsub.f32 v1, v4;
	v1 =	vsub.f32 v1, v28  }
0x3c7: {  	v9 =	vmovc v31;
	v19 =	vsub.f32 v15, v31;
	v31 =	vmul.f32 v7, v7;
	v60 =	vmul.f32 v14, v14  }
0x3c8: {  	v24 =	vmovc v43;
	v14 =	vsub.f32 v15, v57;
	v26 =	vsub.f32 v15, v0;
	v0 =	vmul.f32 v1, v1;
	v1 =	vld [tilespmem:$0x1F370]  }
0x3c9: {  	v54 =	vmovc v28;
	v32 =	vadd.f32 v31, v2;
	v2 =	vmul.f32 v30, v30;
	v5 =	vmul.f32 v5, v5  }
0x3ca: {  	p1 =	sne.s32 s28, $0xFC0;
	v31 =	vadd.f32 v10, v3;
	v3 =	vmovc v12;
	v61 =	vmul.f32 v14, v14;
	v13 =	vmul.f32 v13, v13  }
.Ltmp1:
0x3cb: {  	v57 =	vmul.f32 v27, v27;
	v27 =	vmovc v54;
	v54 =	vmul.f32 v19, v19;
	v14 =	vsub.f32 v15, v63;
	(pc) =	sbr.rel @p1 .LBB2_4-.Ltmp1, $4  }
0x3cc: {  	v19 =	vmovc v49;
	v4 =	vmul.f32 v4, v4;
	v56 =	vadd.f32 v61, v5;
	v28 =	vsub.f32 v15, v43  }
0x3cd: {  	v6 =	vadd.f32 v6, v17;
	v47 =	vmovc v1;
	v1 =	vsub.f32 v15, v1;
	v15 =	vmul.f32 v16, v16  }
0x3ce: {  	v10 =	vmul.f32 v28, v28;
	v40 =	vadd.f32 v13, v4;
	v13 =	vmovc v63;
	v63 =	vadd.f32 v18, v23  }
0x3cf: {  	s28 =	sadd.s32 $0x40, s28;
	v22 =	vld [tilespmem:$0x1F3A0];
	v41 =	vmul.f32 v26, v26;
	v16 =	vmovc v59;
	v7 =	vmul.f32 v1, v1;
	v4 =	vadd.f32 v15, v21  }
0x3d0: {  	v55 =	vld [tilespmem:$0x1200]  }
0x3d1: {  	v18 =	vld [tilespmem:$0x1280];
	_ =	sdelay $0x4  }
0x3d2: {  	v1 =	vsub.f32 v55, v27;
	v3 =	vsub.f32 v18, v3  }
0x3d3: {  	v5 =	vsub.f32 v55, v11;
	v11 =	vld [tilespmem:$0x1F9F0]  }
0x3d4: {  	v1 =	vmul.f32 v1, v1;
	v3 =	vmul.f32 v3, v3;
	_ =	sdelay $0x1  }
0x3d5: {  	v1 =	vadd.f32 v3, v1;
	_ =	sdelay $0x1  }
0x3d6: {  	v12 =	vadd.f32 v11, v1;
	v11 =	vld [tilespmem:$0x1F7C0]  }
0x3d7: {  	v3 =	vmul.f32 v42, v42;
	_ =	sdelay $0x1  }
0x3d8: {  	v0 =	vadd.f32 v3, v0;
	_ =	sdelay $0x1  }
0x3d9: {  	v11 =	vadd.f32 v11, v0  }
0x3da: {  	v15 =	vlaneseq.u32;
	v13 =	vsub.f32 v18, v13  }
0x3db: {  	v3 =	vmul.f32 v14, v14;
	[tilespmem:$0x1EFE0] =	vst v11;
	v14 =	vperm.xlane v11, v15;
	v11 =	vld [tilespmem:$0x1F9B0]  }
0x3dc: {  	v1 =	vmul.f32 v5, v5;
	v5 =	vmul.f32 v13, v13;
	_ =	sdelay $0x1  }
0x3dd: {  	v1 =	vadd.f32 v5, v1;
	_ =	sdelay $0x1  }
0x3de: {  	[tilespmem:$0x1F000] =	vst v12;
	v0 =	vadd.f32 v3, v33;
	v3 =	vperm.xlane v12, v15;
	v12 =	vadd.f32 v11, v1;
	v11 =	vld [tilespmem:$0x1F7A0]  }
0x3df: {  	v44 =	vld [tilespmem:$0x1FF40]  }
0x3e0: {  	v13 =	vsub.f32 v18, v19;
	v5 =	vsub.f32 v55, v16  }
0x3e1: {  	v1 =	vmin.f32 v3, $3.000000010e+38;
	v3 =	vperm.xlane v35, v15  }
0x3e2: {  	v13 =	vmul.f32 v13, v13;
	v5 =	vmul.f32 v5, v5;
	v1 =	vmin.f32 v1, v14  }
0x3e3: {  	v14 =	vsub.f32 v18, v24;
	v11 =	vadd.f32 v11, v0;
	v0 =	vmin.f32 v1, v3  }
0x3e4: {  	v1 =	vadd.f32 v13, v5;
	v3 =	vperm.xlane v12, v44;
	v5 =	vsub.f32 v55, v37  }
0x3e5: {  	v0 =	vmin.f32 v0, v38;
	v38 =	vmov v50;
	v50 =	vld [tilespmem:$0x1FF90]  }
0x3e6: {  	v0 =	vmin.f32 v0, v3;
	v3 =	vmul.f32 v5, v5;
	v5 =	vmul.f32 v14, v14;
	v14 =	vld [tilespmem:$0x1F770];
	_ =	sdelay $0x1  }
0x3e7: {  	v15 =	vperm.xlane v11, v44  }
0x3e8: {  	v2 =	vadd.f32 v2, v29;
	v13 =	vadd.f32 v22, v1;
	v1 =	vperm.xlane v25, v44  }
0x3e9: {  	v0 =	vmin.f32 v0, v15  }
0x3ea: {  	v0 =	vmin.f32 v0, v1;
	v15 =	vadd.f32 v14, v2;
	v2 =	vperm.xlane v13, v50  }
0x3eb: {  	v0 =	vmin.f32 v0, v53  }
0x3ec: {  	v0 =	vmin.f32 v0, v2;
	v2 =	vld [tilespmem:$0x1F970];
	_ =	sdelay $0x1  }
0x3ed: {  	v19 =	vld [tilespmem:$0x1FEE0];
	v1 =	vadd.f32 v5, v3;
	v5 =	vsub.f32 v18, v47;
	v14 =	vperm.xlane v15, v50  }
0x3ee: {  	v3 =	vsub.f32 v55, v46  }
0x3ef: {  	v5 =	vmul.f32 v5, v5;
	v0 =	vmin.f32 v0, v14  }
0x3f0: {  	[tilespmem:$0x1F010] =	vst v12;
	v14 =	vmul.f32 v3, v3;
	v12 =	vadd.f32 v2, v1;
	v2 =	vperm.xlane v20, v50  }
0x3f1: {  	v3 =	vld [tilespmem:$0x1F750]  }
0x3f2: {  	v0 =	vmin.f32 v0, v2;
	v2 =	vadd.f32 v5, v14;
	v5 =	vperm.xlane v12, v19  }
0x3f3: {  	v14 =	vsub.f32 v18, v8;
	v8 =	vld [tilespmem:$0x1F720];
	v0 =	vmin.f32 v0, v34  }
0x3f4: {  	v10 =	vadd.f32 v10, v39;
	v5 =	vmin.f32 v0, v5;
	v0 =	vld [tilespmem:$0x1F950];
	_ =	sdelay $0x1  }
0x3f5: {  	v3 =	vadd.f32 v3, v10  }
0x3f6: {  	v7 =	vadd.f32 v7, v60  }
0x3f7: {  	v53 =	vld [tilespmem:$0x1FF60];
	v17 =	vperm.xlane v3, v19  }
0x3f8: {  	v21 =	vadd.f32 v0, v2;
	v2 =	vperm.xlane v45, v19;
	v19 =	vadd.f32 v8, v7;
	v7 =	vld [tilespmem:$0x1FCC0]  }
0x3f9: {  	v8 =	vld [tilespmem:$0x1FA40]  }
0x3fa: {  	v10 =	vsub.f32 v55, v62  }
0x3fb: {  	v5 =	vmin.f32 v5, v17  }
0x3fc: {  	v10 =	vmul.f32 v10, v10;
	v14 =	vmul.f32 v14, v14;
	v2 =	vmin.f32 v5, v2  }
0x3fd: {  	v61 =	vld [tilespmem:$0x1F7D0];
	v2 =	vmin.f32 v2, v7;
	v7 =	vperm.xlane v21, v53  }
0x3fe: {  	v5 =	vadd.f32 v14, v10;
	v10 =	vsub.f32 v55, v8;
	v8 =	vld [tilespmem:$0x1F700]  }
0x3ff: {  	v2 =	vmin.f32 v2, v7;
	v7 =	vld [tilespmem:$0x1F930];
	_ =	sdelay $0x1  }
0x400: {  	v22 =	vadd.f32 v57, v52;
	_ =	sdelay $0x1  }
0x401: {  	v14 =	vsub.f32 v18, v9;
	v22 =	vadd.f32 v8, v22;
	v8 =	vld [tilespmem:$0x1FA50]  }
0x402: {  	v23 =	vperm.xlane v19, v53;
	v17 =	vadd.f32 v7, v5;
	v5 =	vperm.xlane v61, v53  }
0x403: {  	v7 =	vmul.f32 v10, v10;
	v10 =	vmul.f32 v14, v14  }
0x404: {  	v49 =	vld [tilespmem:$0x1FF70];
	v2 =	vmin.f32 v2, v23  }
0x405: {  	v2 =	vmin.f32 v2, v5;
	v5 =	vadd.f32 v10, v7;
	v7 =	vld [tilespmem:$0x1FCA0]  }
0x406: {  	v10 =	vsub.f32 v55, v8;
	v8 =	vld [tilespmem:$0x1FAC0];
	_ =	sdelay $0x3  }
0x407: {  	v2 =	vmin.f32 v2, v7;
	v7 =	vperm.xlane v17, v49  }
0x408: {  	v23 =	vsub.f32 v18, v8;
	v8 =	vperm.xlane v22, v49  }
0x409: {  	v2 =	vmin.f32 v2, v7  }
0x40a: {  	v2 =	vmin.f32 v2, v8;
	v8 =	vld [tilespmem:$0x1F6D0];
	_ =	sdelay $0x1  }
0x40b: {  	v7 =	vld [tilespmem:$0x1F910]  }
0x40c: {  	v14 =	vadd.f32 v54, v51;
	_ =	sdelay $0x1  }
0x40d: {  	v60 =	vadd.f32 v8, v14;
	v8 =	vld [tilespmem:$0x1FC70];
	_ =	sdelay $0x1  }
0x40e: {  	v7 =	vadd.f32 v7, v5;
	v5 =	vperm.xlane v48, v49;
	_ =	sdelay $0x1  }
0x40f: {  	v2 =	vmin.f32 v2, v5  }
0x410: {  	v2 =	vmin.f32 v2, v8;
	v8 =	vld [tilespmem:$0x1FA20];
	_ =	sdelay $0x4  }
0x411: {  	v14 =	vsub.f32 v55, v8;
	v8 =	vld [tilespmem:$0x1FAD0];
	_ =	sdelay $0x2  }
0x412: {  	v26 =	vadd.f32 v41, v36;
	v41 =	vld [tilespmem:$0x1FF80];
	v10 =	vmul.f32 v10, v10;
	v23 =	vmul.f32 v23, v23;
	_ =	sdelay $0x1  }
0x413: {  	v5 =	vadd.f32 v23, v10;
	v23 =	vsub.f32 v18, v8;
	v8 =	vld [tilespmem:$0x1F8F0];
	_ =	sdelay $0x2  }
0x414: {  	v10 =	vperm.xlane v7, v41;
	_ =	sdelay $0x1  }
0x415: {  	v2 =	vmin.f32 v2, v10;
	v10 =	vadd.f32 v8, v5;
	v8 =	vld [tilespmem:$0x1F6B0];
	_ =	sdelay $0x1  }
0x416: {  	v62 =	vld [tilespmem:$0x1F730]  }
0x417: {  	v27 =	vperm.xlane v60, v41;
	_ =	sdelay $0x1  }
0x418: {  	v2 =	vmin.f32 v2, v27;
	v27 =	vadd.f32 v8, v26;
	v8 =	vld [tilespmem:$0x1FC50];
	_ =	sdelay $0x1  }
0x419: {  	v5 =	vperm.xlane v62, v41;
	_ =	sdelay $0x1  }
0x41a: {  	v2 =	vmin.f32 v2, v5  }
0x41b: {  	v2 =	vmin.f32 v2, v8;
	v8 =	vld [tilespmem:$0x1FA30];
	_ =	sdelay $0x2  }
0x41c: {  	v14 =	vmul.f32 v14, v14;
	v23 =	vmul.f32 v23, v23;
	_ =	sdelay $0x1  }
0x41d: {  	v5 =	vadd.f32 v23, v14;
	v23 =	vsub.f32 v55, v8;
	v8 =	vld [tilespmem:$0x1FAB0];
	_ =	sdelay $0x4  }
0x41e: {  	v28 =	vsub.f32 v18, v8;
	v8 =	vld [tilespmem:$0x1F8D0];
	_ =	sdelay $0x1  }
0x41f: {  	v42 =	vld [tilespmem:$0x1FF20];
	_ =	sdelay $0x2  }
0x420: {  	v26 =	vadd.f32 v8, v5;
	v8 =	vld [tilespmem:$0x1F660];
	_ =	sdelay $0x1  }
0x421: {  	[tilespmem:$0x1EFF0] =	vst v11;
	v11 =	vmov v25;
	v25 =	vld [tilespmem:$0x1F780];
	v14 =	vperm.xlane v10, v42;
	_ =	sdelay $0x1  }
0x422: {  	v2 =	vmin.f32 v2, v14  }
0x423: {  	v14 =	vmul.f32 v23, v23;
	v23 =	vmul.f32 v28, v28;
	v28 =	vadd.f32 v8, v4;
	v8 =	vld [tilespmem:$0x1FA00]  }
0x424: {  	v29 =	vperm.xlane v27, v42  }
0x425: {  	v5 =	vperm.xlane v25, v42  }
0x426: {  	v43 =	vld [tilespmem:$0x1FF30];
	v2 =	vmin.f32 v2, v29  }
0x427: {  	v2 =	vmin.f32 v2, v5;
	v5 =	vld [tilespmem:$0x1FC20]  }
0x428: {  	v9 =	vsub.f32 v55, v8;
	v8 =	vld [tilespmem:$0x1FAA0];
	_ =	sdelay $0x3  }
0x429: {  	v4 =	vadd.f32 v23, v14  }
0x42a: {  	v2 =	vmin.f32 v2, v5;
	v5 =	vperm.xlane v26, v43;
	v14 =	vsub.f32 v18, v8;
	v8 =	vld [tilespmem:$0x1F680]  }
0x42b: {  	v57 =	vld [tilespmem:$0x1F690]  }
0x42c: {  	v2 =	vmin.f32 v2, v5;
	v5 =	vld [tilespmem:$0x1F8B0]  }
0x42d: {  	v23 =	vperm.xlane v28, v43  }
0x42e: {  	v51 =	vld [tilespmem:$0x1FFD0]  }
0x42f: {  	v2 =	vmin.f32 v2, v23;
	v23 =	vmul.f32 v9, v9;
	v9 =	vadd.f32 v8, v63;
	v8 =	vld [tilespmem:$0x1FC00];
	_ =	sdelay $0x1  }
0x430: {  	v4 =	vadd.f32 v5, v4;
	v5 =	vperm.xlane v57, v43  }
0x431: {  	v1 =	vmov v20;
	v20 =	vld [tilespmem:$0x1FA90];
	v14 =	vmul.f32 v14, v14  }
0x432: {  	[tilespmem:$0x1F020] =	vst v12;
	v12 =	vld [tilespmem:$0x1F620];
	v2 =	vmin.f32 v2, v5  }
0x433: {  	v5 =	vadd.f32 v14, v23;
	v14 =	vld [tilespmem:$0x1FA10];
	v2 =	vmin.f32 v2, v8;
	v8 =	vperm.xlane v4, v51  }
0x434: {  	v59 =	vld [tilespmem:$0x1F6E0]  }
0x435: {  	v2 =	vmin.f32 v2, v8;
	v8 =	vld [tilespmem:$0x1F890]  }
0x436: {  	v29 =	vperm.xlane v9, v51  }
0x437: {  	v47 =	vld [tilespmem:$0x1FFC0];
	v23 =	vsub.f32 v18, v20  }
0x438: {  	v14 =	vsub.f32 v55, v14;
	v2 =	vmin.f32 v2, v29;
	v29 =	vadd.f32 v12, v40;
	v12 =	vld [tilespmem:$0x1FBC0]  }
0x439: {  	v23 =	vmul.f32 v23, v23  }
0x43a: {  	v14 =	vmul.f32 v14, v14;
	v8 =	vadd.f32 v8, v5;
	v5 =	vperm.xlane v59, v51;
	_ =	sdelay $0x1  }
0x43b: {  	v24 =	vld [tilespmem:$0x1FA80];
	v2 =	vmin.f32 v2, v5;
	v5 =	vadd.f32 v23, v14;
	v14 =	vperm.xlane v8, v47  }
0x43c: {  	v23 =	vld [tilespmem:$0x1F9C0];
	v2 =	vmin.f32 v2, v12  }
0x43d: {  	v2 =	vmin.f32 v2, v14;
	v14 =	vld [tilespmem:$0x1F870]  }
0x43e: {  	v12 =	vld [tilespmem:$0x1F640];
	_ =	sdelay $0x2  }
0x43f: {  	v30 =	vsub.f32 v18, v24;
	v23 =	vsub.f32 v55, v23  }
0x440: {  	v5 =	vadd.f32 v14, v5  }
0x441: {  	v14 =	vmul.f32 v23, v23;
	v23 =	vmul.f32 v30, v30;
	v30 =	vadd.f32 v12, v56;
	v12 =	vld [tilespmem:$0x1FE00];
	_ =	sdelay $0x1  }
0x442: {  	v36 =	vperm.xlane v29, v47;
	_ =	sdelay $0x1  }
0x443: {  	v2 =	vmin.f32 v2, v36  }
0x444: {  	v2 =	vmin.f32 v2, v12;
	v12 =	vld [tilespmem:$0x1FBA0];
	_ =	sdelay $0x4  }
0x445: {  	v2 =	vmin.f32 v2, v12;
	v12 =	vld [tilespmem:$0x1F5E0]  }
0x446: {  	v0 =	vmov v45;
	v45 =	vld [tilespmem:$0x1FFB0];
	_ =	sdelay $0x3  }
0x447: {  	v32 =	vadd.f32 v12, v32;
	v12 =	vld [tilespmem:$0x1FDE0]  }
0x448: {  	v20 =	vperm.xlane v5, v45  }
0x449: {  	v37 =	vsub.f32 v18, v38;
	v38 =	vperm.xlane v30, v45  }
0x44a: {  	v2 =	vmin.f32 v2, v20  }
0x44b: {  	v2 =	vmin.f32 v2, v38  }
0x44c: {  	v2 =	vmin.f32 v2, v12;
	v12 =	vld [tilespmem:$0x1FB70];
	_ =	sdelay $0x2  }
0x44d: {  	v14 =	vadd.f32 v23, v14;
	v23 =	vld [tilespmem:$0x1F9D0]  }
0x44e: {  	v20 =	vld [tilespmem:$0x1F850]  }
0x44f: {  	v2 =	vmin.f32 v2, v12;
	v12 =	vld [tilespmem:$0x1FA70];
	_ =	sdelay $0x1  }
0x450: {  	v40 =	vld [tilespmem:$0x1FFA0]  }
0x451: {  	v23 =	vsub.f32 v55, v23  }
0x452: {  	v14 =	vadd.f32 v20, v14  }
0x453: {  	v20 =	vmul.f32 v23, v23;
	v23 =	vmul.f32 v37, v37;
	v39 =	vsub.f32 v18, v12;
	v12 =	vld [tilespmem:$0x1F600];
	_ =	sdelay $0x1  }
0x454: {  	v24 =	vld [tilespmem:$0x1F990];
	v20 =	vadd.f32 v23, v20;
	v23 =	vperm.xlane v14, v40;
	_ =	sdelay $0x1  }
0x455: {  	v2 =	vmin.f32 v2, v23;
	v23 =	vld [tilespmem:$0x1F830]  }
0x456: {  	v31 =	vadd.f32 v12, v31;
	v12 =	vld [tilespmem:$0x1FDA0]  }
0x457: {  	v46 =	vperm.xlane v32, v40  }
0x458: {  	v24 =	vsub.f32 v55, v24  }
0x459: {  	v2 =	vmin.f32 v2, v46  }
0x45a: {  	v20 =	vadd.f32 v23, v20;
	v23 =	vmul.f32 v24, v24;
	v24 =	vmul.f32 v39, v39;
	v39 =	vld [tilespmem:$0x1FF50]  }
0x45b: {  	v2 =	vmin.f32 v2, v12;
	v12 =	vld [tilespmem:$0x1FB50];
	_ =	sdelay $0x2  }
0x45c: {  	v54 =	vld [tilespmem:$0x1FCD0]  }
0x45d: {  	v52 =	vperm.xlane v20, v39  }
0x45e: {  	v23 =	vadd.f32 v24, v23;
	v24 =	vperm.xlane v31, v39;
	v2 =	vmin.f32 v2, v12  }
0x45f: {  	v2 =	vmin.f32 v2, v52  }
0x460: {  	v2 =	vmin.f32 v2, v24;
	v24 =	vld [tilespmem:$0x1F5A0]  }
0x461: {  	v58 =	vsub.f32 v55, v54;
	v54 =	vld [tilespmem:$0x1FD50]  }
0x462: {  	v37 =	vld [tilespmem:$0x1F810]  }
0x463: {  	v46 =	vld [tilespmem:$0x1FFE0]  }
0x464: {  	v52 =	vld [tilespmem:$0x1FD80]  }
0x465: {  	v6 =	vadd.f32 v24, v6;
	v24 =	vmul.f32 v58, v58;
	v58 =	vld [tilespmem:$0x1FB20]  }
0x466: {  	v56 =	vmov v62;
	v62 =	vld [tilespmem:$0x1FD40]  }
0x467: {  	v23 =	vadd.f32 v37, v23;
	_ =	sdelay $0x1  }
0x468: {  	v55 =	vperm.xlane v23, v46;
	v2 =	vmin.f32 v2, v52  }
0x469: {  	v34 =	vmul.f32 v54, v54;
	v54 =	vld [tilespmem:$0x1F440];
	v2 =	vmin.f32 v2, v58  }
0x46a: {  	v63 =	vsub.f32 v18, v62;
	v2 =	vmin.f32 v2, v55;
	v55 =	vld [tilespmem:$0x1F560]  }
0x46b: {  	v12 =	vld [tilespmem:$0x1FCE0]  }
0x46c: {  	v36 =	vld [tilespmem:$0x1F7F0];
	v38 =	vmul.f32 v63, v63  }
0x46d: {  	v52 =	vld [tilespmem:$0x1F490]  }
0x46e: {  	v24 =	vadd.f32 v38, v24;
	v62 =	vperm.xlane v6, v46;
	v38 =	vld [tilespmem:$0x1F5C0]  }
0x46f: {  	v58 =	vmov v48;
	v48 =	vld [tilespmem:$0x1F3C0];
	v63 =	vperm.xlane v55, v46  }
0x470: {  	v12 =	vmul.f32 v12, v12;
	v2 =	vmin.f32 v2, v62;
	v62 =	vld [tilespmem:$0x1F460]  }
0x471: {  	v2 =	vmin.f32 v2, v63;
	v63 =	vld [tilespmem:$0x1F3B0]  }
0x472: {  	v12 =	vadd.f32 v34, v12;
	v34 =	vadd.f32 v52, v54;
	v52 =	vld [tilespmem:$0x1FFF0];
	_ =	sdelay $0x2  }
0x473: {  	v24 =	vadd.f32 v36, v24;
	v54 =	vld [tilespmem:$0x1FDC0]  }
0x474: {  	v16 =	vmovc v35;
	v12 =	vadd.f32 v38, v12;
	v37 =	vperm.xlane v48, v46;
	v35 =	vadd.f32 v62, v63;
	v62 =	vld [tilespmem:$0x1FD30]  }
0x475: {  	v33 =	vperm.xlane v24, v52  }
0x476: {  	v2 =	vmin.f32 v2, v37;
	v63 =	vperm.xlane v12, v52  }
0x477: {  	v2 =	vmin.f32 v2, v33  }
0x478: {  	v2 =	vmin.f32 v2, v63;
	v63 =	vld [tilespmem:$0x1FD00]  }
0x479: {  	v36 =	vmin.f32 v54, v62;
	v54 =	vld [tilespmem:$0x1FD10]  }
0x47a: {  	v62 =	vld [tilespmem:$0x1FE20];
	_ =	sdelay $0x3  }
0x47b: {  	v33 =	vmin.f32 v36, v54;
	v54 =	vld [tilespmem:$0x1FE30]  }
0x47c: {  	v36 =	vperm.xlane v34, v52;
	v37 =	vmin.f32 v62, v16;
	v33 =	vmin.f32 v33, v63;
	v63 =	vld [tilespmem:$0x1FCB0]  }
0x47d: {  	v62 =	vmin.f32 v37, v11;
	v11 =	vld [tilespmem:$0x1EFE0]  }
0x47e: {  	v2 =	vmin.f32 v2, v36;
	v36 =	vmin.f32 v62, v1;
	v1 =	vld [tilespmem:$0x1EFF0];
	_ =	sdelay $0x3  }
0x47f: {  	v62 =	vld [tilespmem:$0x1FC90];
	v18 =	vmin.f32 v54, v11  }
0x480: {  	v33 =	vmin.f32 v33, v63;
	v63 =	vld [tilespmem:$0x1FC60];
	v16 =	vmin.f32 v18, v1;
	v18 =	vmin.f32 v36, v0  }
0x481: {  	v15 =	vmin.f32 v16, v15;
	v16 =	vmin.f32 v18, v61;
	v18 =	vld [tilespmem:$0x1FC40]  }
0x482: {  	v3 =	vmin.f32 v15, v3;
	v15 =	vmin.f32 v16, v58;
	v16 =	vld [tilespmem:$0x1FC10];
	_ =	sdelay $0x1  }
0x483: {  	v33 =	vmin.f32 v33, v62  }
0x484: {  	v33 =	vmin.f32 v33, v63  }
0x485: {  	v0 =	vld [tilespmem:$0x1F000];
	v18 =	vmin.f32 v33, v18  }
0x486: {  	v16 =	vmin.f32 v18, v16;
	v18 =	vld [tilespmem:$0x1FE40];
	_ =	sdelay $0x4  }
0x487: {  	v18 =	vmin.f32 v18, v0;
	v0 =	vld [tilespmem:$0x1F010];
	_ =	sdelay $0x4  }
0x488: {  	v11 =	vmin.f32 v18, v0;
	v0 =	vld [tilespmem:$0x1F020];
	_ =	sdelay $0x3  }
0x489: {  	v11 =	vmin.f32 v11, v13  }
0x48a: {  	v1 =	vmin.f32 v11, v0  }
0x48b: {  	v0 =	vmin.f32 v1, v21  }
0x48c: {  	v38 =	vperm.xlane v35, v52;
	v0 =	vmin.f32 v0, v17  }
0x48d: {  	v0 =	vmin.f32 v0, v7;
	v7 =	vld [tilespmem:$0x1FDF0]  }
0x48e: {  	v2 =	vmin.f32 v2, v38;
	v3 =	vmin.f32 v3, v19;
	v15 =	vmin.f32 v15, v56;
	v18 =	vld [tilespmem:$0x1FBF0]  }
0x48f: {  	s28 =	simm.s32 $0x1F80;
	[tilespmem:s0+$0x1F80] =	vst v2;
	v3 =	vmin.f32 v3, v22;
	v13 =	vmin.f32 v15, v25;
	v15 =	vld [tilespmem:$0x1FBB0]  }
0x490: {  	[spmem:s7] =	stream.strided.scatter [tilespmem:s28], [sflag:$0x1], $0x400, s31, s30, $0x38;
	v3 =	vmin.f32 v3, v60;
	v11 =	vmin.f32 v13, v57;
	v1 =	vld [tilespmem:$0x1FB90]  }
0x491: {  	v2 =	vmin.f32 v3, v27;
	v3 =	vmin.f32 v11, v59;
	v11 =	vld [tilespmem:$0x1FB60];
	_ =	swait.ge [sflag:s26], $0x400  }
0x492: {  	v3 =	vmin.f32 v3, v7;
	v7 =	vld [tilespmem:$0x1FB40]  }
0x493: {  	v16 =	vmin.f32 v16, v18  }
0x494: {  	v15 =	vmin.f32 v16, v15  }
0x495: {  	v1 =	vmin.f32 v15, v1  }
0x496: {  	v1 =	vmin.f32 v1, v11  }
0x497: {  	v0 =	vmin.f32 v0, v10;
	v1 =	vmin.f32 v1, v7;
	v7 =	vld [tilespmem:$0x1FDD0]  }
0x498: {  	v0 =	vmin.f32 v0, v26  }
0x499: {  	v0 =	vmin.f32 v0, v4;
	v4 =	vld [tilespmem:$0x1FD90];
	_ =	sdelay $0x1  }
0x49a: {  	[sflag:s26] =	ssyncset.done $0x0  }
0x49b: {  	[sflag:s26] =	ssyncadd.s32 $0xFFFFFC00;
	v3 =	vmin.f32 v3, v7;
	v7 =	vld [tilespmem:$0x1FB10]  }
0x49c: {  	v2 =	vmin.f32 v2, v28;
	[bflag:$0x0] =	sbarrier.arrive $0xFFFF  }
0x49d: {  	v2 =	vmin.f32 v2, v9;
	v3 =	vmin.f32 v3, v4;
	v4 =	vld [tilespmem:$0x1FD70]  }
0x49e: {  	v54 =	vmov v52;
	v2 =	vmin.f32 v2, v29  }
0x49f: {  	v22 =	vmovc v44;
	v33 =	vmovc v51;
	v9 =	vmov v45;
	v29 =	vmov v50;
	v2 =	vmin.f32 v2, v30  }
0x4a0: {  	v2 =	vmin.f32 v2, v32;
	v25 =	vmovc v43;
	v0 =	vmin.f32 v0, v8;
	v1 =	vmin.f32 v1, v7  }
0x4a1: {  	v18 =	vmovc v40;
	v17 =	vmov v42;
	v0 =	vmin.f32 v0, v5;
	[tilespmem:s1], [sflag:$0x1] =	stream.strided.gather [spmem:s8], $0x400, s31, s30, $0x38;
	v1 =	vmin.f32 v1, v48;
	[tilespmem:$0x2C00] =	vst v63  }
0x4a2: {  	v11 =	vmovc v47;
	_ =	swait.ge [sflag:s26], $0x400;
	v3 =	vmin.f32 v3, v4;
	v4 =	vmin.f32 v0, v14;
	v0 =	vmin.f32 v1, v35  }
0x4a3: {  	[sflag:s26] =	ssyncset.done $0x0;
	v14 =	vmovc v49;
	v1 =	vmin.f32 v2, v31;
	v2 =	vmin.f32 v4, v20;
	v3 =	vmin.f32 v3, v55  }
0x4a4: {  	s0 =	simm.s32 $0x0;
	[sflag:s26] =	ssyncadd.s32 $0xFFFFFC00;
	v31 =	vmovc v39;
	v4 =	vmin.f32 v1, v6;
	v5 =	vmin.f32 v2, v23;
	v1 =	vmin.f32 v3, v34  }
0x4a5: {  	s3 =	simm.s32 $0x40;
	v23 =	vmovc v41;
	v2 =	vmin.f32 v4, v12;
	v3 =	vmin.f32 v5, v24;
	v4 =	vld [tilespmem:s0+$0x2380];
	v24 =	vmovc v46;
	v12 =	vmov v53  }
.LBB2_6:
0x4a6: {  	p1 =	sne.s32 s3, $0xFC0;
	v5 =	vld [tilespmem:s0+$0x1F80];
	_ =	sdelay $0x1  }
.Ltmp2:
0x4a7: {  	(pc) =	sbr.rel @p1 .LBB2_6-.Ltmp2, $3  }
0x4a8: {  	_ =	sdelay $0x1  }
0x4a9: {  	s4 =	sshra.s32 s3, $0x2;
	v5 =	vmin.f32 v5, v4  }
0x4aa: {  	s3 =	sadd.s32 $0x40, s3;
	v4 =	vld [tilespmem:s4+$0x2380];
	[tilespmem:s0+$0x1F80] =	vst v5;
	s0 =	smov.u32 s4  }
0x4ab: {  	v5 =	vld [tilespmem:s0+$0x1F80];
	_ =	sdelay $0x4  }
0x4ac: {  	v4 =	vmin.f32 v5, v4  }
0x4ad: {  	[tilespmem:s0+$0x1F80] =	vst v4  }
0x4ae: {  	[tilespmem:s1], [sflag:$0x1] =	stream.strided.gather [spmem:s9], $0x400, s31, s30, $0x38;
	[tilespmem:$0x2C00] =	vst v63  }
0x4af: {  	_ =	swait.ge [sflag:s26], $0x400  }
0x4b0: {  	v19 =	vld [tilespmem:$0x1FEF0]  }
0x4b1: {  	[sflag:s26] =	ssyncset.done $0x0;
	v20 =	vld [tilespmem:$0x1FF00]  }
0x4b2: {  	s0 =	simm.s32 $0x0;
	v21 =	vld [tilespmem:$0x1FF10];
	[sflag:s26] =	ssyncadd.s32 $0xFFFFFC00  }
0x4b3: {  	s3 =	simm.s32 $0x40;
	v4 =	vld [tilespmem:s0+$0x2380]  }
.LBB2_8:
0x4b4: {  	p1 =	sne.s32 s3, $0xFC0;
	v5 =	vld [tilespmem:s0+$0x1F80];
	_ =	sdelay $0x1  }
.Ltmp3:
0x4b5: {  	(pc) =	sbr.rel @p1 .LBB2_8-.Ltmp3, $3  }
0x4b6: {  	_ =	sdelay $0x1  }
0x4b7: {  	s4 =	sshra.s32 s3, $0x2;
	v5 =	vmin.f32 v5, v4  }
0x4b8: {  	s3 =	sadd.s32 $0x40, s3;
	v4 =	vld [tilespmem:s4+$0x2380];
	[tilespmem:s0+$0x1F80] =	vst v5;
	s0 =	smov.u32 s4  }
0x4b9: {  	v5 =	vld [tilespmem:s0+$0x1F80];
	_ =	sdelay $0x4  }
0x4ba: {  	v4 =	vmin.f32 v5, v4  }
0x4bb: {  	[tilespmem:s0+$0x1F80] =	vst v4  }
0x4bc: {  	[tilespmem:s1], [sflag:$0x1] =	stream.strided.gather [spmem:s10], $0x400, s31, s30, $0x38;
	[tilespmem:$0x2C00] =	vst v63  }
0x4bd: {  	_ =	swait.ge [sflag:s26], $0x400  }
0x4be: {  	[sflag:s26] =	ssyncset.done $0x0  }
0x4bf: {  	s0 =	simm.s32 $0x0;
	[sflag:s26] =	ssyncadd.s32 $0xFFFFFC00  }
0x4c0: {  	s3 =	simm.s32 $0x40;
	v4 =	vld [tilespmem:s0+$0x2380]  }
.LBB2_10:
0x4c1: {  	p1 =	sne.s32 s3, $0xFC0;
	v5 =	vld [tilespmem:s0+$0x1F80];
	_ =	sdelay $0x1  }
.Ltmp4:
0x4c2: {  	(pc) =	sbr.rel @p1 .LBB2_10-.Ltmp4, $3  }
0x4c3: {  	_ =	sdelay $0x1  }
0x4c4: {  	s4 =	sshra.s32 s3, $0x2;
	v5 =	vmin.f32 v5, v4  }
0x4c5: {  	s3 =	sadd.s32 $0x40, s3;
	v4 =	vld [tilespmem:s4+$0x2380];
	[tilespmem:s0+$0x1F80] =	vst v5;
	s0 =	smov.u32 s4  }
0x4c6: {  	v5 =	vld [tilespmem:s0+$0x1F80];
	_ =	sdelay $0x4  }
0x4c7: {  	v4 =	vmin.f32 v5, v4  }
0x4c8: {  	[tilespmem:s0+$0x1F80] =	vst v4  }
0x4c9: {  	[tilespmem:s1], [sflag:$0x1] =	stream.strided.gather [spmem:s11], $0x400, s31, s30, $0x38;
	[tilespmem:$0x2C00] =	vst v63  }
0x4ca: {  	_ =	swait.ge [sflag:s26], $0x400  }
0x4cb: {  	[sflag:s26] =	ssyncset.done $0x0  }
0x4cc: {  	s0 =	simm.s32 $0x0;
	[sflag:s26] =	ssyncadd.s32 $0xFFFFFC00  }
0x4cd: {  	s3 =	simm.s32 $0x40;
	v4 =	vld [tilespmem:s0+$0x2380]  }
.LBB2_12:
0x4ce: {  	p1 =	sne.s32 s3, $0xFC0;
	v5 =	vld [tilespmem:s0+$0x1F80];
	_ =	sdelay $0x1  }
.Ltmp5:
0x4cf: {  	(pc) =	sbr.rel @p1 .LBB2_12-.Ltmp5, $3  }
0x4d0: {  	_ =	sdelay $0x1  }
0x4d1: {  	s4 =	sshra.s32 s3, $0x2;
	v5 =	vmin.f32 v5, v4  }
0x4d2: {  	s3 =	sadd.s32 $0x40, s3;
	v4 =	vld [tilespmem:s4+$0x2380];
	[tilespmem:s0+$0x1F80] =	vst v5;
	s0 =	smov.u32 s4  }
0x4d3: {  	v5 =	vld [tilespmem:s0+$0x1F80];
	_ =	sdelay $0x4  }
0x4d4: {  	v4 =	vmin.f32 v5, v4  }
0x4d5: {  	[tilespmem:s0+$0x1F80] =	vst v4  }
0x4d6: {  	[tilespmem:s1], [sflag:$0x1] =	stream.strided.gather [spmem:s12], $0x400, s31, s30, $0x38;
	[tilespmem:$0x2C00] =	vst v63  }
0x4d7: {  	_ =	swait.ge [sflag:s26], $0x400  }
0x4d8: {  	[sflag:s26] =	ssyncset.done $0x0  }
0x4d9: {  	s0 =	simm.s32 $0x0;
	[sflag:s26] =	ssyncadd.s32 $0xFFFFFC00  }
0x4da: {  	s3 =	simm.s32 $0x40;
	v4 =	vld [tilespmem:s0+$0x2380]  }
.LBB2_14:
0x4db: {  	p1 =	sne.s32 s3, $0xFC0;
	v5 =	vld [tilespmem:s0+$0x1F80];
	_ =	sdelay $0x1  }
.Ltmp6:
0x4dc: {  	(pc) =	sbr.rel @p1 .LBB2_14-.Ltmp6, $3  }
0x4dd: {  	_ =	sdelay $0x1  }
0x4de: {  	s4 =	sshra.s32 s3, $0x2;
	v5 =	vmin.f32 v5, v4  }
0x4df: {  	s3 =	sadd.s32 $0x40, s3;
	v4 =	vld [tilespmem:s4+$0x2380];
	[tilespmem:s0+$0x1F80] =	vst v5;
	s0 =	smov.u32 s4  }
0x4e0: {  	v5 =	vld [tilespmem:s0+$0x1F80];
	_ =	sdelay $0x4  }
0x4e1: {  	v4 =	vmin.f32 v5, v4  }
0x4e2: {  	[tilespmem:s0+$0x1F80] =	vst v4  }
0x4e3: {  	[tilespmem:s1], [sflag:$0x1] =	stream.strided.gather [spmem:s13], $0x400, s31, s30, $0x38;
	[tilespmem:$0x2C00] =	vst v63  }
0x4e4: {  	_ =	swait.ge [sflag:s26], $0x400  }
0x4e5: {  	[sflag:s26] =	ssyncset.done $0x0  }
0x4e6: {  	s0 =	simm.s32 $0x0;
	[sflag:s26] =	ssyncadd.s32 $0xFFFFFC00  }
0x4e7: {  	s3 =	simm.s32 $0x40;
	v4 =	vld [tilespmem:s0+$0x2380]  }
.LBB2_16:
0x4e8: {  	p1 =	sne.s32 s3, $0xFC0;
	v5 =	vld [tilespmem:s0+$0x1F80];
	_ =	sdelay $0x1  }
.Ltmp7:
0x4e9: {  	(pc) =	sbr.rel @p1 .LBB2_16-.Ltmp7, $3  }
0x4ea: {  	_ =	sdelay $0x1  }
0x4eb: {  	s4 =	sshra.s32 s3, $0x2;
	v5 =	vmin.f32 v5, v4  }
0x4ec: {  	s3 =	sadd.s32 $0x40, s3;
	v4 =	vld [tilespmem:s4+$0x2380];
	[tilespmem:s0+$0x1F80] =	vst v5;
	s0 =	smov.u32 s4  }
0x4ed: {  	v5 =	vld [tilespmem:s0+$0x1F80];
	_ =	sdelay $0x4  }
0x4ee: {  	v4 =	vmin.f32 v5, v4  }
0x4ef: {  	[tilespmem:s0+$0x1F80] =	vst v4  }
0x4f0: {  	[tilespmem:s1], [sflag:$0x1] =	stream.strided.gather [spmem:s14], $0x400, s31, s30, $0x38;
	[tilespmem:$0x2C00] =	vst v63  }
0x4f1: {  	_ =	swait.ge [sflag:s26], $0x400  }
0x4f2: {  	[sflag:s26] =	ssyncset.done $0x0  }
0x4f3: {  	s0 =	simm.s32 $0x0;
	[sflag:s26] =	ssyncadd.s32 $0xFFFFFC00  }
0x4f4: {  	s3 =	simm.s32 $0x40;
	v4 =	vld [tilespmem:s0+$0x2380]  }
.LBB2_18:
0x4f5: {  	p1 =	sne.s32 s3, $0xFC0;
	v5 =	vld [tilespmem:s0+$0x1F80];
	_ =	sdelay $0x1  }
.Ltmp8:
0x4f6: {  	(pc) =	sbr.rel @p1 .LBB2_18-.Ltmp8, $3  }
0x4f7: {  	_ =	sdelay $0x1  }
0x4f8: {  	s4 =	sshra.s32 s3, $0x2;
	v5 =	vmin.f32 v5, v4  }
0x4f9: {  	s3 =	sadd.s32 $0x40, s3;
	v4 =	vld [tilespmem:s4+$0x2380];
	[tilespmem:s0+$0x1F80] =	vst v5;
	s0 =	smov.u32 s4  }
0x4fa: {  	v5 =	vld [tilespmem:s0+$0x1F80];
	_ =	sdelay $0x4  }
0x4fb: {  	v4 =	vmin.f32 v5, v4  }
0x4fc: {  	[tilespmem:s0+$0x1F80] =	vst v4  }
0x4fd: {  	[tilespmem:s1], [sflag:$0x1] =	stream.strided.gather [spmem:s15], $0x400, s31, s30, $0x38;
	[tilespmem:$0x2C00] =	vst v63  }
0x4fe: {  	_ =	swait.ge [sflag:s26], $0x400  }
0x4ff: {  	[sflag:s26] =	ssyncset.done $0x0  }
0x500: {  	s0 =	simm.s32 $0x0;
	[sflag:s26] =	ssyncadd.s32 $0xFFFFFC00  }
0x501: {  	s3 =	simm.s32 $0x40;
	v4 =	vld [tilespmem:s0+$0x2380]  }
.LBB2_20:
0x502: {  	p1 =	sne.s32 s3, $0xFC0;
	v5 =	vld [tilespmem:s0+$0x1F80];
	_ =	sdelay $0x1  }
.Ltmp9:
0x503: {  	(pc) =	sbr.rel @p1 .LBB2_20-.Ltmp9, $3  }
0x504: {  	_ =	sdelay $0x1  }
0x505: {  	s4 =	sshra.s32 s3, $0x2;
	v5 =	vmin.f32 v5, v4  }
0x506: {  	s3 =	sadd.s32 $0x40, s3;
	v4 =	vld [tilespmem:s4+$0x2380];
	[tilespmem:s0+$0x1F80] =	vst v5;
	s0 =	smov.u32 s4  }
0x507: {  	v5 =	vld [tilespmem:s0+$0x1F80];
	_ =	sdelay $0x4  }
0x508: {  	v4 =	vmin.f32 v5, v4  }
0x509: {  	[tilespmem:s0+$0x1F80] =	vst v4  }
0x50a: {  	[tilespmem:s1], [sflag:$0x1] =	stream.strided.gather [spmem:s16], $0x400, s31, s30, $0x38;
	[tilespmem:$0x2C00] =	vst v63  }
0x50b: {  	_ =	swait.ge [sflag:s26], $0x400  }
0x50c: {  	[sflag:s26] =	ssyncset.done $0x0  }
0x50d: {  	s0 =	simm.s32 $0x0;
	[sflag:s26] =	ssyncadd.s32 $0xFFFFFC00  }
0x50e: {  	s3 =	simm.s32 $0x40;
	v4 =	vld [tilespmem:s0+$0x2380]  }
.LBB2_22:
0x50f: {  	p1 =	sne.s32 s3, $0xFC0;
	v5 =	vld [tilespmem:s0+$0x1F80];
	_ =	sdelay $0x1  }
.Ltmp10:
0x510: {  	(pc) =	sbr.rel @p1 .LBB2_22-.Ltmp10, $3  }
0x511: {  	_ =	sdelay $0x1  }
0x512: {  	s4 =	sshra.s32 s3, $0x2;
	v5 =	vmin.f32 v5, v4  }
0x513: {  	s3 =	sadd.s32 $0x40, s3;
	v4 =	vld [tilespmem:s4+$0x2380];
	[tilespmem:s0+$0x1F80] =	vst v5;
	s0 =	smov.u32 s4  }
0x514: {  	v5 =	vld [tilespmem:s0+$0x1F80];
	_ =	sdelay $0x4  }
0x515: {  	v4 =	vmin.f32 v5, v4  }
0x516: {  	[tilespmem:s0+$0x1F80] =	vst v4  }
0x517: {  	[tilespmem:s1], [sflag:$0x1] =	stream.strided.gather [spmem:s17], $0x400, s31, s30, $0x38;
	[tilespmem:$0x2C00] =	vst v63  }
0x518: {  	_ =	swait.ge [sflag:s26], $0x400  }
0x519: {  	[sflag:s26] =	ssyncset.done $0x0  }
0x51a: {  	s0 =	simm.s32 $0x0;
	[sflag:s26] =	ssyncadd.s32 $0xFFFFFC00  }
0x51b: {  	s3 =	simm.s32 $0x40;
	v4 =	vld [tilespmem:s0+$0x2380]  }
.LBB2_24:
0x51c: {  	p1 =	sne.s32 s3, $0xFC0;
	v5 =	vld [tilespmem:s0+$0x1F80];
	_ =	sdelay $0x1  }
.Ltmp11:
0x51d: {  	(pc) =	sbr.rel @p1 .LBB2_24-.Ltmp11, $3  }
0x51e: {  	_ =	sdelay $0x1  }
0x51f: {  	s4 =	sshra.s32 s3, $0x2;
	v5 =	vmin.f32 v5, v4  }
0x520: {  	s3 =	sadd.s32 $0x40, s3;
	v4 =	vld [tilespmem:s4+$0x2380];
	[tilespmem:s0+$0x1F80] =	vst v5;
	s0 =	smov.u32 s4  }
0x521: {  	v5 =	vld [tilespmem:s0+$0x1F80];
	_ =	sdelay $0x4  }
0x522: {  	v4 =	vmin.f32 v5, v4  }
0x523: {  	[tilespmem:s0+$0x1F80] =	vst v4  }
0x524: {  	[tilespmem:s1], [sflag:$0x1] =	stream.strided.gather [spmem:s18], $0x400, s31, s30, $0x38;
	[tilespmem:$0x2C00] =	vst v63  }
0x525: {  	_ =	swait.ge [sflag:s26], $0x400  }
0x526: {  	[sflag:s26] =	ssyncset.done $0x0  }
0x527: {  	s0 =	simm.s32 $0x0;
	[sflag:s26] =	ssyncadd.s32 $0xFFFFFC00  }
0x528: {  	s3 =	simm.s32 $0x40;
	v4 =	vld [tilespmem:s0+$0x2380]  }
.LBB2_26:
0x529: {  	p1 =	sne.s32 s3, $0xFC0;
	v5 =	vld [tilespmem:s0+$0x1F80];
	_ =	sdelay $0x1  }
.Ltmp12:
0x52a: {  	(pc) =	sbr.rel @p1 .LBB2_26-.Ltmp12, $3  }
0x52b: {  	_ =	sdelay $0x1  }
0x52c: {  	s4 =	sshra.s32 s3, $0x2;
	v5 =	vmin.f32 v5, v4  }
0x52d: {  	s3 =	sadd.s32 $0x40, s3;
	v4 =	vld [tilespmem:s4+$0x2380];
	[tilespmem:s0+$0x1F80] =	vst v5;
	s0 =	smov.u32 s4  }
0x52e: {  	v5 =	vld [tilespmem:s0+$0x1F80];
	_ =	sdelay $0x4  }
0x52f: {  	v4 =	vmin.f32 v5, v4  }
0x530: {  	[tilespmem:s0+$0x1F80] =	vst v4  }
0x531: {  	[tilespmem:s1], [sflag:$0x1] =	stream.strided.gather [spmem:s19], $0x400, s31, s30, $0x38;
	[tilespmem:$0x2C00] =	vst v63  }
0x532: {  	_ =	swait.ge [sflag:s26], $0x400  }
0x533: {  	[sflag:s26] =	ssyncset.done $0x0  }
0x534: {  	s0 =	simm.s32 $0x0;
	[sflag:s26] =	ssyncadd.s32 $0xFFFFFC00  }
0x535: {  	s3 =	simm.s32 $0x40;
	v4 =	vld [tilespmem:s0+$0x2380]  }
.LBB2_28:
0x536: {  	p1 =	sne.s32 s3, $0xFC0;
	v5 =	vld [tilespmem:s0+$0x1F80];
	_ =	sdelay $0x1  }
.Ltmp13:
0x537: {  	(pc) =	sbr.rel @p1 .LBB2_28-.Ltmp13, $3  }
0x538: {  	_ =	sdelay $0x1  }
0x539: {  	s4 =	sshra.s32 s3, $0x2;
	v5 =	vmin.f32 v5, v4  }
0x53a: {  	s3 =	sadd.s32 $0x40, s3;
	v4 =	vld [tilespmem:s4+$0x2380];
	[tilespmem:s0+$0x1F80] =	vst v5;
	s0 =	smov.u32 s4  }
0x53b: {  	v5 =	vld [tilespmem:s0+$0x1F80];
	_ =	sdelay $0x4  }
0x53c: {  	v4 =	vmin.f32 v5, v4  }
0x53d: {  	[tilespmem:s0+$0x1F80] =	vst v4  }
0x53e: {  	[tilespmem:s1], [sflag:$0x1] =	stream.strided.gather [spmem:s20], $0x400, s31, s30, $0x38;
	[tilespmem:$0x2C00] =	vst v63  }
0x53f: {  	_ =	swait.ge [sflag:s26], $0x400  }
0x540: {  	[sflag:s26] =	ssyncset.done $0x0  }
0x541: {  	s0 =	simm.s32 $0x0;
	[sflag:s26] =	ssyncadd.s32 $0xFFFFFC00  }
0x542: {  	s3 =	simm.s32 $0x40;
	v4 =	vld [tilespmem:s0+$0x2380]  }
.LBB2_30:
0x543: {  	p1 =	sne.s32 s3, $0xFC0;
	v5 =	vld [tilespmem:s0+$0x1F80];
	_ =	sdelay $0x1  }
.Ltmp14:
0x544: {  	(pc) =	sbr.rel @p1 .LBB2_30-.Ltmp14, $3  }
0x545: {  	_ =	sdelay $0x1  }
0x546: {  	s4 =	sshra.s32 s3, $0x2;
	v5 =	vmin.f32 v5, v4  }
0x547: {  	s3 =	sadd.s32 $0x40, s3;
	v4 =	vld [tilespmem:s4+$0x2380];
	[tilespmem:s0+$0x1F80] =	vst v5;
	s0 =	smov.u32 s4  }
0x548: {  	v5 =	vld [tilespmem:s0+$0x1F80];
	_ =	sdelay $0x4  }
0x549: {  	v4 =	vmin.f32 v5, v4  }
0x54a: {  	[tilespmem:s0+$0x1F80] =	vst v4  }
0x54b: {  	[tilespmem:s1], [sflag:$0x1] =	stream.strided.gather [spmem:s21], $0x400, s31, s30, $0x38;
	[tilespmem:$0x2C00] =	vst v63  }
0x54c: {  	_ =	swait.ge [sflag:s26], $0x400  }
0x54d: {  	[sflag:s26] =	ssyncset.done $0x0  }
0x54e: {  	s0 =	simm.s32 $0x0;
	[sflag:s26] =	ssyncadd.s32 $0xFFFFFC00  }
0x54f: {  	s3 =	simm.s32 $0x40;
	v4 =	vld [tilespmem:s0+$0x2380]  }
.LBB2_32:
0x550: {  	p1 =	sne.s32 s3, $0xFC0;
	v5 =	vld [tilespmem:s0+$0x1F80];
	_ =	sdelay $0x1  }
.Ltmp15:
0x551: {  	(pc) =	sbr.rel @p1 .LBB2_32-.Ltmp15, $3  }
0x552: {  	_ =	sdelay $0x1  }
0x553: {  	s4 =	sshra.s32 s3, $0x2;
	v5 =	vmin.f32 v5, v4  }
0x554: {  	s3 =	sadd.s32 $0x40, s3;
	v4 =	vld [tilespmem:s4+$0x2380];
	[tilespmem:s0+$0x1F80] =	vst v5;
	s0 =	smov.u32 s4  }
0x555: {  	v5 =	vld [tilespmem:s0+$0x1F80];
	_ =	sdelay $0x4  }
0x556: {  	v4 =	vmin.f32 v5, v4  }
0x557: {  	[tilespmem:s0+$0x1F80] =	vst v4  }
0x558: {  	[tilespmem:s1], [sflag:$0x1] =	stream.strided.gather [spmem:s22], $0x400, s31, s30, $0x38;
	[tilespmem:$0x2C00] =	vst v63  }
0x559: {  	_ =	swait.ge [sflag:s26], $0x400  }
0x55a: {  	[sflag:s26] =	ssyncset.done $0x0  }
0x55b: {  	s0 =	simm.s32 $0x0;
	[sflag:s26] =	ssyncadd.s32 $0xFFFFFC00  }
0x55c: {  	s4 =	simm.s32 $0x40;
	s3 =	simm.s32 $0x0;
	v4 =	vld [tilespmem:s0+$0x2380]  }
.LBB2_34:
0x55d: {  	p1 =	sne.s32 s4, $0xFC0;
	v5 =	vld [tilespmem:s3+$0x1F80];
	_ =	sdelay $0x1  }
.Ltmp16:
0x55e: {  	(pc) =	sbr.rel @p1 .LBB2_34-.Ltmp16, $3  }
0x55f: {  	_ =	sdelay $0x1  }
0x560: {  	s5 =	sshra.s32 s4, $0x2;
	v5 =	vmin.f32 v5, v4  }
0x561: {  	s4 =	sadd.s32 $0x40, s4;
	v4 =	vld [tilespmem:s5+$0x2380];
	[tilespmem:s3+$0x1F80] =	vst v5;
	s3 =	smov.u32 s5  }
0x562: {  	v5 =	vld [tilespmem:s3+$0x1F80];
	_ =	sdelay $0x4  }
0x563: {  	v4 =	vmin.f32 v5, v4  }
0x564: {  	[tilespmem:s3+$0x1F80] =	vst v4  }
0x565: {  	v5 =	vld [tilespmem:s0+$0xD00]  }
0x566: {  	v4 =	vimm.f32 $0.0e+00;
	s3 =	simm.s32 $0x40;
	v6 =	vld [tilespmem:s0+$0x1F80]  }
.LBB2_36:
0x567: {  	_ = 	snop  }
0x568: {  	p1 =	sne.s32 s3, $0xFC0  }
.Ltmp17:
0x569: {  	_ = 	snop;
	(pc) =	sbr.rel @p1 .LBB2_36-.Ltmp17, $4  }
0x56a: {  	_ = 	snop  }
0x56b: {  	s0 =	sshra.s32 s3, $0x2;
	v7 =	vmul.f32 v6, v5  }
0x56c: {  	v5 =	vld [tilespmem:s0+$0xD00]  }
0x56d: {  	s3 =	sadd.s32 $0x40, s3;
	v6 =	vld [tilespmem:s0+$0x1F80];
	v4 =	vadd.f32 v7, v4  }
0x56e: {  	v7 =	vld [tilespmem:$0x1FAE0]  }
0x56f: {  	v8 =	vld [tilespmem:$0x1FB00];
	_ =	sdelay $0x4  }
0x570: {  	v7 =	vmul.f32 v7, v7;
	v8 =	vmul.f32 v8, v8;
	_ =	sdelay $0x1  }
0x571: {  	v7 =	vadd.f32 v8, v7;
	v8 =	vld [tilespmem:$0x1FB30];
	_ =	sdelay $0x4  }
0x572: {  	v8 =	vmul.f32 v8, v8;
	_ =	sdelay $0x1  }
0x573: {  	v7 =	vadd.f32 v8, v7;
	v8 =	vld [tilespmem:$0x1FB80];
	_ =	sdelay $0x4  }
0x574: {  	v8 =	vmul.f32 v8, v8;
	_ =	sdelay $0x1  }
0x575: {  	v7 =	vadd.f32 v8, v7;
	v8 =	vld [tilespmem:$0x1FBD0];
	_ =	sdelay $0x4  }
0x576: {  	v8 =	vmul.f32 v8, v8;
	_ =	sdelay $0x1  }
0x577: {  	v7 =	vadd.f32 v8, v7;
	v8 =	vld [tilespmem:$0x1FC30];
	_ =	sdelay $0x4  }
0x578: {  	v8 =	vmul.f32 v8, v8;
	_ =	sdelay $0x1  }
0x579: {  	v7 =	vadd.f32 v8, v7;
	v8 =	vld [tilespmem:$0x1FC80];
	_ =	sdelay $0x4  }
0x57a: {  	v8 =	vmul.f32 v8, v8;
	_ =	sdelay $0x1  }
0x57b: {  	v7 =	vadd.f32 v8, v7;
	v8 =	vld [tilespmem:$0x1FCF0];
	_ =	sdelay $0x4  }
0x57c: {  	v8 =	vmul.f32 v8, v8;
	_ =	sdelay $0x1  }
0x57d: {  	v7 =	vadd.f32 v8, v7;
	v8 =	vld [tilespmem:$0x1FD20];
	_ =	sdelay $0x4  }
0x57e: {  	v8 =	vmul.f32 v8, v8;
	_ =	sdelay $0x1  }
0x57f: {  	v7 =	vadd.f32 v8, v7;
	v8 =	vld [tilespmem:$0x1FD60];
	_ =	sdelay $0x4  }
0x580: {  	v8 =	vmul.f32 v8, v8;
	_ =	sdelay $0x1  }
0x581: {  	v7 =	vadd.f32 v8, v7;
	v8 =	vld [tilespmem:$0x1FDB0];
	_ =	sdelay $0x1  }
0x582: {  	v60 =	vld [tilespmem:$0x1FE10]  }
0x583: {  	v3 =	vadd.f32 $0.0e+00, v3;
	_ =	sdelay $0x1  }
0x584: {  	v2 =	vadd.f32 v2, v3;
	v8 =	vmul.f32 v8, v8;
	_ =	sdelay $0x1  }
0x585: {  	v1 =	vadd.f32 v1, v2;
	v59 =	vadd.f32 v8, v7;
	v7 =	vmul.f32 v60, v60;
	_ =	sdelay $0x1  }
0x586: {  	v61 =	vmul.f32 v6, v5;
	v0 =	vadd.f32 v0, v1;
	v3 =	vadd.f32 v7, v59;
	_ =	sdelay $0x1  }
0x587: {  	v62 =	vadd.f32 v61, v4;
	v0 =	vmul.f32 $6.103515630e-05, v0;
	v63 =	vmul.f32 $2.034505270e-05, v3;
	_ =	sdelay $0x1  }
0x588: {  	v1 =	vmul.f32 $6.103515630e-05, v62;
	v0 =	vadd.f32 v0, v63;
	_ =	sdelay $0x1  }
0x589: {  	v1 =	vadd.f32 v1, v0  }
0x58a: {  	s29 =	sadd.s32 $0x1, s29  }
0x58b: {  	p1 =	sne.s32 s29, s24;
	v0 =	vpsel p0, v1, v0  }
.Ltmp18:
0x58c: {  	s0 =	simm.s32 $0x2780;
	[tilespmem:$0x2780] =	vst v0;
	(pc) =	sbr.rel @p1 .LBB2_1-.Ltmp18, $4  }
0x58d: {  	[hbm4b:s23+s2] =	stream.linear.scatter [tilespmem:s0], [sflag:$0x1], $0x10, $0x38;
	[tilespmem:$0x2C00] =	vst v63  }
0x58e: {  	_ =	swait.ge [sflag:s26], $0x10  }
0x58f: {  	[sflag:s26] =	ssyncset.done $0x0  }
0x590: {  	[sflag:s26] =	ssyncadd.s32 $0xFFFFFFF0  }
0x591: {  	_ =	sfence.sel $0x180000  }
0x592: {  	[bflag:$0x0] =	sbarrier.arrive $0xFFFF  }
0x593: {  	_ =	strace $0x90000047  }
0x594: {  	s0 =	stileid.u32;
	[bflag:$0x2] =	sbarrier.arrive $0xFFFF  }
0x595: {  	p0 =	sne.s32 s0, $0x0;
	s0 =	rddreg [dreg:$0x2]  }
0x596: {  	s0 =	sadd.s32 @!p0 $0x100000, s0  }
0x597: {  	[sflag:s0] =	ssyncadd.tile.s32 @!p0 $0x1;
	_ =	shalt  }
.Lfunc_end2:
_tile_overlayer_lowered:
.L_overlay_start_2:
0x598: {  	(tag) =	ssettag $0x2  }
0x599: {  	s0 =	rddreg [dreg:$0x0];
	s2 =	stileid.u32  }
0x59a: {  	s1 =	rddreg [dreg:$0x1];
	p0 =	sne.s32 s2, $0x0  }
0x59b: {  	s3 =	rddreg [dreg:$0x2];
	[bflag:$0x3] =	sbarrier.arrive $0xFFFF;
	s2 =	simm.s32 @!p0 $0x1C01  }
0x59c: {  	[timem:s3], [sflag:s2] =	dma.local @!p0 [hbm:s0], s1  }
0x59d: {  	s0 =	simm.s32 @!p0 $0x1  }
0x59e: {  	_ =	swait.ge @!p0 [sflag:s0], s1  }
0x59f: {  	s1 =	ssub.s32 @!p0 $0x0, s1;
	[sflag:s0] =	ssyncset.done @!p0 $0x0  }
0x5a0: {  	[sflag:s0] =	ssyncadd.s32 @!p0 s1  }
0x5a1: {  	[bflag:$0x3] =	sbarrier.arrive $0xFFFF  }
0x5a2: {  	_ =	shalt  }

</sc_bundles>
